<compile_context>
chip_gen: v7x
topology: tpu7x:2x2x1
jax: 0.10.2.dev20260603
libtpu: 0.0.44.dev20260713+nightly
codegen_flags: <defaults>
</compile_context>

<pallas_src>
import functools

import jax
import jax.numpy as jnp
from jax import lax
from jax.experimental import pallas as pl
from jax.experimental.pallas import tpu as pltpu
from jax.experimental.pallas import tpu_sc as plsc

D = 1024
N_ROWS = 16384
NW = 32
ROWS_PER_W = N_ROWS // NW
C = 16
N_CHUNKS = ROWS_PER_W // C
LANES = 16
CBLKS = D // LANES
NBUF = 6
PD = 4


def _sc_body(x_hbm, fs_hbm, tab_hbm, out_hbm,
             xbuf, sbuf, tbuf, semx, semi, semo):
    wid = lax.axis_index("s") * 2 + lax.axis_index("c")
    base = wid * ROWS_PER_W

    pltpu.sync_copy(tab_hbm, tbuf)

    def in_descs(g, b):
        row0 = base + g * C
        return (
            pltpu.make_async_copy(x_hbm.at[pl.ds(row0, C)], xbuf.at[b],
                                  semx.at[b]),
            pltpu.make_async_copy(fs_hbm.at[pl.ds(row0, C)], sbuf.at[b],
                                  semi.at[b]),
        )

    def out_desc(g, b):
        row0 = base + g * C
        return pltpu.make_async_copy(xbuf.at[b], out_hbm.at[pl.ds(row0, C)],
                                     semo.at[b])

    def start_in(g, b):
        for d in in_descs(g, b):
            d.start()

    def wait_in(g, b):
        for d in in_descs(g, b):
            d.wait()

    def compute(b):
        @plsc.parallel_loop(0, C, 2)
        def row_body(r):
            fa = sbuf[b, r]
            fb = sbuf[b, r + 1]

            @plsc.parallel_loop(0, CBLKS, 1, unroll=8)
            def blk_body(c):
                off = c * LANES
                ta = plsc.load_gather(tbuf, [fa + off])
                tb = plsc.load_gather(tbuf, [fb + off])
                plsc.addupdate(xbuf.at[b, r, pl.ds(off, LANES)], ta)
                plsc.addupdate(xbuf.at[b, r + 1, pl.ds(off, LANES)], tb)

    for g in range(PD):
        start_in(g, g % NBUF)
    for g in range(PD):
        b = g % NBUF
        wait_in(g, b)
        gp = g + PD
        bp = gp % NBUF
        if gp >= NBUF:
            out_desc(gp - NBUF, bp).wait()
        start_in(gp, bp)
        compute(b)
        out_desc(g, b).start()

    def main_body(kk, _):
        for off in range(NBUF):
            g = kk * NBUF + PD + off
            b = (PD + off) % NBUF
            bp = (PD + off + PD) % NBUF
            wait_in(g, b)
            out_desc(g + PD - NBUF, bp).wait()
            start_in(g + PD, bp)
            compute(b)
            out_desc(g, b).start()
        return 0

    lax.fori_loop(0, (N_CHUNKS - 2 * PD) // NBUF, main_body, 0)

    for g in range(N_CHUNKS - PD, N_CHUNKS):
        b = g % NBUF
        wait_in(g, b)
        compute(b)
        out_desc(g, b).start()

    for g in range(N_CHUNKS - NBUF, N_CHUNKS):
        out_desc(g, g % NBUF).wait()


def kernel(x, type_idx, type_embedding):
    B, S, d = x.shape
    x2 = x.reshape(N_ROWS, D)
    idx = type_idx.reshape(N_ROWS).astype(jnp.int32)
    fsplat = idx[:, None] * D + jnp.arange(LANES, dtype=jnp.int32)[None, :]
    tab = type_embedding.reshape(3 * D)

    mesh = plsc.VectorSubcoreMesh(core_axis_name="c", subcore_axis_name="s")
    f = functools.partial(
        pl.kernel,
        out_type=jax.ShapeDtypeStruct((N_ROWS, D), jnp.float32),
        mesh=mesh,
        compiler_params=pltpu.CompilerParams(
            needs_layout_passes=False, use_tc_tiling_on_sc=True),
        scratch_types=[
            pltpu.VMEM((NBUF, C, D), jnp.float32),
            pltpu.VMEM((NBUF, C, LANES), jnp.int32),
            pltpu.VMEM((3 * D,), jnp.float32),
            pltpu.SemaphoreType.DMA((NBUF,)),
            pltpu.SemaphoreType.DMA((NBUF,)),
            pltpu.SemaphoreType.DMA((NBUF,)),
        ],
    )(_sc_body)
    out = f(x2, fsplat, tab)
    return out.reshape(B, S, d)

# --- scband reference (transcript-rebuilt; emitter-appended) ---
"""Pipeline reference for scband-token-type-encoding-75342316306506 (READ-ONLY COPY).

The authoritative reference and input builder live on the scoring server;
editing this copy changes nothing except your own understanding.
"""

import jax, jax.numpy as jnp
import numpy as np

D_MODEL = 1024
TYPE_NUM = 3
B, S = 4, 4096


def setup_inputs(seed: int = 0) -> dict:
    key = jax.random.key(seed)
    k1, k2, k3 = jax.random.split(key, 3)
    x = jax.random.normal(k1, (B, S, D_MODEL), dtype=jnp.float32)
    type_idx = jax.random.randint(k2, (B, S), 0, TYPE_NUM)
    # learned embedding table, initialized like nn.Embedding (N(0,1))
    type_embedding = jax.random.normal(k3, (TYPE_NUM, D_MODEL), dtype=jnp.float32)
    return {"x": x, "type_idx": type_idx, "type_embedding": type_embedding}


def reference(x, type_idx, type_embedding):
    # emb = self.type_embedding(type_idx) -> gather rows of the table
    emb = jnp.take(type_embedding, type_idx, axis=0)  # [B, S, d_model]
    # faithful to the torch branch: slice along dim 1 if seq lengths mismatch
    if x.shape[1] != emb.shape[1]:
        out = x + emb[:, : x.shape[1], :]
    else:
        out = x + emb
    return out

if __name__ == "__main__":
    import jax
    _d = setup_inputs()
    print(jax.jit(kernel)(*tuple(_d.values())))

</pallas_src>

<mosaic_0001>
#map = affine_map<(d0, d1) -> (0, 0)>
#map1 = affine_map<(d0, d1) -> (0)>
module attributes {stable_mosaic.version = 14 : i64} {
  func.func @_sc_body(%arg0: i32, %arg1: i32, %arg2: memref<16384x1024xf32, #tpu.memory_space<hbm>>, %arg3: memref<16384x16xi32, #tpu.memory_space<hbm>>, %arg4: memref<3072xf32, #tpu.memory_space<hbm>>, %arg5: memref<16384x1024xf32, #tpu.memory_space<hbm>>, %arg6: memref<6x16x1024xf32, #tpu.memory_space<vmem>>, %arg7: memref<6x16x16xi32, #tpu.memory_space<vmem>>, %arg8: memref<3072xf32, #tpu.memory_space<vmem>>, %arg9: memref<6x!tpu.dma_semaphore, #tpu.memory_space<semaphore_mem>>, %arg10: memref<6x!tpu.dma_semaphore, #tpu.memory_space<semaphore_mem>>, %arg11: memref<6x!tpu.dma_semaphore, #tpu.memory_space<semaphore_mem>>) attributes {dimension_semantics = [#tpu.dimension_semantics<core_parallel>, #tpu.dimension_semantics<subcore_parallel>], iteration_bounds = array<i64: 2, 16>, scalar_prefetch = 0 : i64, scratch_operands = 6 : i64, tpu.core_type = #tpu.core_type<sc_vector_subcore>, window_params = [{transform_indices = #map}, {transform_indices = #map}, {transform_indices = #map1}, {transform_indices = #map}]} {
    %mul3A = arith.constant 2 : i32
    %mul3A_0 = arith.muli %arg1, %mul3A : i32
    %add3A = arith.addi %mul3A_0, %arg0 : i32
    %mul3A_1 = arith.constant 512 : i32
    %mul3A_2 = arith.muli %add3A, %mul3A_1 : i32
    "tpu.region"() ({
      %run_scoped3A = tpu.sem_alloc : memref<!tpu.dma_semaphore, #tpu.memory_space<semaphore_mem>>
      tpu.enqueue_dma source(%arg4 : memref<3072xf32, #tpu.memory_space<hbm>>) target(%arg8 : memref<3072xf32, #tpu.memory_space<vmem>>) target_semaphore(%run_scoped3A : memref<!tpu.dma_semaphore, #tpu.memory_space<semaphore_mem>>)
      tpu.wait_dma2 semaphore(%run_scoped3A : memref<!tpu.dma_semaphore, #tpu.memory_space<semaphore_mem>>) src(%arg4 : memref<3072xf32, #tpu.memory_space<hbm>>) dst(%arg8 : memref<3072xf32, #tpu.memory_space<vmem>>)
      tpu.yield
    }) : () -> ()
    %add3A_3 = arith.constant 0 : i32
    %add3A_4 = arith.addi %mul3A_2, %add3A_3 : i32
    %dma_start3A = arith.constant 0 : i32
    %dma_start3A_5 = arith.constant 0 : i32
    %dma_start3A_6 = arith.constant 0 : i32
    %dma_start3A_7 = arith.constant 0 : i32
    %dma_start3A_8 = tpu.memref_slice %arg6[%dma_start3A, %dma_start3A_6, %dma_start3A_7] : memref<6x16x1024xf32, #tpu.memory_space<vmem>> -> memref<1x16x1024xf32, #tpu.memory_space<vmem>>
    %dma_start3A_9 = tpu.memref_squeeze %dma_start3A_8 : memref<1x16x1024xf32, #tpu.memory_space<vmem>> -> memref<16x1024xf32, #tpu.memory_space<vmem>>
    %dma_start3A_10 = arith.constant 0 : i32
    %dma_start3A_11 = tpu.memref_slice %arg2[%add3A_4, %dma_start3A_10] : memref<16384x1024xf32, #tpu.memory_space<hbm>> -> memref<16x1024xf32, #tpu.memory_space<hbm>>
    %dma_start3A_12 = tpu.memref_slice %arg9[%dma_start3A_5] : memref<6x!tpu.dma_semaphore, #tpu.memory_space<semaphore_mem>> -> memref<1x!tpu.dma_semaphore, #tpu.memory_space<semaphore_mem>>
    %dma_start3A_13 = tpu.memref_squeeze %dma_start3A_12 : memref<1x!tpu.dma_semaphore, #tpu.memory_space<semaphore_mem>> -> memref<!tpu.dma_semaphore, #tpu.memory_space<semaphore_mem>>
    %dma_start3A_14 = arith.constant 0 : i32
    %dma_start3A_15 = arith.constant 0 : i32
    %dma_start3A_16 = tpu.memref_slice %arg6[%dma_start3A, %dma_start3A_14, %dma_start3A_15] : memref<6x16x1024xf32, #tpu.memory_space<vmem>> -> memref<1x16x1024xf32, #tpu.memory_space<vmem>>
    %dma_start3A_17 = tpu.memref_squeeze %dma_start3A_16 : memref<1x16x1024xf32, #tpu.memory_space<vmem>> -> memref<16x1024xf32, #tpu.memory_space<vmem>>
    %dma_start3A_18 = arith.constant 0 : i32
    %dma_start3A_19 = tpu.memref_slice %arg2[%add3A_4, %dma_start3A_18] : memref<16384x1024xf32, #tpu.memory_space<hbm>> -> memref<16x1024xf32, #tpu.memory_space<hbm>>
    tpu.enqueue_dma source(%dma_start3A_19 : memref<16x1024xf32, #tpu.memory_space<hbm>>) target(%dma_start3A_17 : memref<16x1024xf32, #tpu.memory_space<vmem>>) target_semaphore(%dma_start3A_13 : memref<!tpu.dma_semaphore, #tpu.memory_space<semaphore_mem>>)
    %dma_start3A_20 = arith.constant 0 : i32
    %dma_start3A_21 = arith.constant 0 : i32
    %dma_start3A_22 = arith.constant 0 : i32
    %dma_start3A_23 = arith.constant 0 : i32
    %dma_start3A_24 = tpu.memref_slice %arg7[%dma_start3A_20, %dma_start3A_22, %dma_start3A_23] : memref<6x16x16xi32, #tpu.memory_space<vmem>> -> memref<1x16x16xi32, #tpu.memory_space<vmem>>
    %dma_start3A_25 = tpu.memref_squeeze %dma_start3A_24 : memref<1x16x16xi32, #tpu.memory_space<vmem>> -> memref<16x16xi32, #tpu.memory_space<vmem>>
    %dma_start3A_26 = arith.constant 0 : i32
    %dma_start3A_27 = tpu.memref_slice %arg3[%add3A_4, %dma_start3A_26] : memref<16384x16xi32, #tpu.memory_space<hbm>> -> memref<16x16xi32, #tpu.memory_space<hbm>>
    %dma_start3A_28 = tpu.memref_slice %arg10[%dma_start3A_21] : memref<6x!tpu.dma_semaphore, #tpu.memory_space<semaphore_mem>> -> memref<1x!tpu.dma_semaphore, #tpu.memory_space<semaphore_mem>>
    %dma_start3A_29 = tpu.memref_squeeze %dma_start3A_28 : memref<1x!tpu.dma_semaphore, #tpu.memory_space<semaphore_mem>> -> memref<!tpu.dma_semaphore, #tpu.memory_space<semaphore_mem>>
    %dma_start3A_30 = arith.constant 0 : i32
    %dma_start3A_31 = arith.constant 0 : i32
    %dma_start3A_32 = tpu.memref_slice %arg7[%dma_start3A_20, %dma_start3A_30, %dma_start3A_31] : memref<6x16x16xi32, #tpu.memory_space<vmem>> -> memref<1x16x16xi32, #tpu.memory_space<vmem>>
    %dma_start3A_33 = tpu.memref_squeeze %dma_start3A_32 : memref<1x16x16xi32, #tpu.memory_space<vmem>> -> memref<16x16xi32, #tpu.memory_space<vmem>>
    %dma_start3A_34 = arith.constant 0 : i32
    %dma_start3A_35 = tpu.memref_slice %arg3[%add3A_4, %dma_start3A_34] : memref<16384x16xi32, #tpu.memory_space<hbm>> -> memref<16x16xi32, #tpu.memory_space<hbm>>
    tpu.enqueue_dma source(%dma_start3A_35 : memref<16x16xi32, #tpu.memory_space<hbm>>) target(%dma_start3A_33 : memref<16x16xi32, #tpu.memory_space<vmem>>) target_semaphore(%dma_start3A_29 : memref<!tpu.dma_semaphore, #tpu.memory_space<semaphore_mem>>)
    %add3A_36 = arith.constant 16 : i32
    %add3A_37 = arith.addi %mul3A_2, %add3A_36 : i32
    %dma_start3A_38 = arith.constant 1 : i32
    %dma_start3A_39 = arith.constant 1 : i32
    %dma_start3A_40 = arith.constant 0 : i32
    %dma_start3A_41 = arith.constant 0 : i32
    %dma_start3A_42 = tpu.memref_slice %arg6[%dma_start3A_38, %dma_start3A_40, %dma_start3A_41] : memref<6x16x1024xf32, #tpu.memory_space<vmem>> -> memref<1x16x1024xf32, #tpu.memory_space<vmem>>
    %dma_start3A_43 = tpu.memref_squeeze %dma_start3A_42 : memref<1x16x1024xf32, #tpu.memory_space<vmem>> -> memref<16x1024xf32, #tpu.memory_space<vmem>>
    %dma_start3A_44 = arith.constant 0 : i32
    %dma_start3A_45 = tpu.memref_slice %arg2[%add3A_37, %dma_start3A_44] : memref<16384x1024xf32, #tpu.memory_space<hbm>> -> memref<16x1024xf32, #tpu.memory_space<hbm>>
    %dma_start3A_46 = tpu.memref_slice %arg9[%dma_start3A_39] : memref<6x!tpu.dma_semaphore, #tpu.memory_space<semaphore_mem>> -> memref<1x!tpu.dma_semaphore, #tpu.memory_space<semaphore_mem>>
    %dma_start3A_47 = tpu.memref_squeeze %dma_start3A_46 : memref<1x!tpu.dma_semaphore, #tpu.memory_space<semaphore_mem>> -> memref<!tpu.dma_semaphore, #tpu.memory_space<semaphore_mem>>
    %dma_start3A_48 = arith.constant 0 : i32
    %dma_start3A_49 = arith.constant 0 : i32
    %dma_start3A_50 = tpu.memref_slice %arg6[%dma_start3A_38, %dma_start3A_48, %dma_start3A_49] : memref<6x16x1024xf32, #tpu.memory_space<vmem>> -> memref<1x16x1024xf32, #tpu.memory_space<vmem>>
    %dma_start3A_51 = tpu.memref_squeeze %dma_start3A_50 : memref<1x16x1024xf32, #tpu.memory_space<vmem>> -> memref<16x1024xf32, #tpu.memory_space<vmem>>
    %dma_start3A_52 = arith.constant 0 : i32
    %dma_start3A_53 = tpu.memref_slice %arg2[%add3A_37, %dma_start3A_52] : memref<16384x1024xf32, #tpu.memory_space<hbm>> -> memref<16x1024xf32, #tpu.memory_space<hbm>>
    tpu.enqueue_dma source(%dma_start3A_53 : memref<16x1024xf32, #tpu.memory_space<hbm>>) target(%dma_start3A_51 : memref<16x1024xf32, #tpu.memory_space<vmem>>) target_semaphore(%dma_start3A_47 : memref<!tpu.dma_semaphore, #tpu.memory_space<semaphore_mem>>)
    %dma_start3A_54 = arith.constant 1 : i32
    %dma_start3A_55 = arith.constant 1 : i32
    %dma_start3A_56 = arith.constant 0 : i32
    %dma_start3A_57 = arith.constant 0 : i32
    %dma_start3A_58 = tpu.memref_slice %arg7[%dma_start3A_54, %dma_start3A_56, %dma_start3A_57] : memref<6x16x16xi32, #tpu.memory_space<vmem>> -> memref<1x16x16xi32, #tpu.memory_space<vmem>>
    %dma_start3A_59 = tpu.memref_squeeze %dma_start3A_58 : memref<1x16x16xi32, #tpu.memory_space<vmem>> -> memref<16x16xi32, #tpu.memory_space<vmem>>
    %dma_start3A_60 = arith.constant 0 : i32
    %dma_start3A_61 = tpu.memref_slice %arg3[%add3A_37, %dma_start3A_60] : memref<16384x16xi32, #tpu.memory_space<hbm>> -> memref<16x16xi32, #tpu.memory_space<hbm>>
    %dma_start3A_62 = tpu.memref_slice %arg10[%dma_start3A_55] : memref<6x!tpu.dma_semaphore, #tpu.memory_space<semaphore_mem>> -> memref<1x!tpu.dma_semaphore, #tpu.memory_space<semaphore_mem>>
    %dma_start3A_63 = tpu.memref_squeeze %dma_start3A_62 : memref<1x!tpu.dma_semaphore, #tpu.memory_space<semaphore_mem>> -> memref<!tpu.dma_semaphore, #tpu.memory_space<semaphore_mem>>
    %dma_start3A_64 = arith.constant 0 : i32
    %dma_start3A_65 = arith.constant 0 : i32
    %dma_start3A_66 = tpu.memref_slice %arg7[%dma_start3A_54, %dma_start3A_64, %dma_start3A_65] : memref<6x16x16xi32, #tpu.memory_space<vmem>> -> memref<1x16x16xi32, #tpu.memory_space<vmem>>
    %dma_start3A_67 = tpu.memref_squeeze %dma_start3A_66 : memref<1x16x16xi32, #tpu.memory_space<vmem>> -> memref<16x16xi32, #tpu.memory_space<vmem>>
    %dma_start3A_68 = arith.constant 0 : i32
    %dma_start3A_69 = tpu.memref_slice %arg3[%add3A_37, %dma_start3A_68] : memref<16384x16xi32, #tpu.memory_space<hbm>> -> memref<16x16xi32, #tpu.memory_space<hbm>>
    tpu.enqueue_dma source(%dma_start3A_69 : memref<16x16xi32, #tpu.memory_space<hbm>>) target(%dma_start3A_67 : memref<16x16xi32, #tpu.memory_space<vmem>>) target_semaphore(%dma_start3A_63 : memref<!tpu.dma_semaphore, #tpu.memory_space<semaphore_mem>>)
    %add3A_70 = arith.constant 32 : i32
    %add3A_71 = arith.addi %mul3A_2, %add3A_70 : i32
    %dma_start3A_72 = arith.constant 2 : i32
    %dma_start3A_73 = arith.constant 2 : i32
    %dma_start3A_74 = arith.constant 0 : i32
    %dma_start3A_75 = arith.constant 0 : i32
    %dma_start3A_76 = tpu.memref_slice %arg6[%dma_start3A_72, %dma_start3A_74, %dma_start3A_75] : memref<6x16x1024xf32, #tpu.memory_space<vmem>> -> memref<1x16x1024xf32, #tpu.memory_space<vmem>>
    %dma_start3A_77 = tpu.memref_squeeze %dma_start3A_76 : memref<1x16x1024xf32, #tpu.memory_space<vmem>> -> memref<16x1024xf32, #tpu.memory_space<vmem>>
    %dma_start3A_78 = arith.constant 0 : i32
    %dma_start3A_79 = tpu.memref_slice %arg2[%add3A_71, %dma_start3A_78] : memref<16384x1024xf32, #tpu.memory_space<hbm>> -> memref<16x1024xf32, #tpu.memory_space<hbm>>
    %dma_start3A_80 = tpu.memref_slice %arg9[%dma_start3A_73] : memref<6x!tpu.dma_semaphore, #tpu.memory_space<semaphore_mem>> -> memref<1x!tpu.dma_semaphore, #tpu.memory_space<semaphore_mem>>
    %dma_start3A_81 = tpu.memref_squeeze %dma_start3A_80 : memref<1x!tpu.dma_semaphore, #tpu.memory_space<semaphore_mem>> -> memref<!tpu.dma_semaphore, #tpu.memory_space<semaphore_mem>>
    %dma_start3A_82 = arith.constant 0 : i32
    %dma_start3A_83 = arith.constant 0 : i32
    %dma_start3A_84 = tpu.memref_slice %arg6[%dma_start3A_72, %dma_start3A_82, %dma_start3A_83] : memref<6x16x1024xf32, #tpu.memory_space<vmem>> -> memref<1x16x1024xf32, #tpu.memory_space<vmem>>
    %dma_start3A_85 = tpu.memref_squeeze %dma_start3A_84 : memref<1x16x1024xf32, #tpu.memory_space<vmem>> -> memref<16x1024xf32, #tpu.memory_space<vmem>>
    %dma_start3A_86 = arith.constant 0 : i32
    %dma_start3A_87 = tpu.memref_slice %arg2[%add3A_71, %dma_start3A_86] : memref<16384x1024xf32, #tpu.memory_space<hbm>> -> memref<16x1024xf32, #tpu.memory_space<hbm>>
    tpu.enqueue_dma source(%dma_start3A_87 : memref<16x1024xf32, #tpu.memory_space<hbm>>) target(%dma_start3A_85 : memref<16x1024xf32, #tpu.memory_space<vmem>>) target_semaphore(%dma_start3A_81 : memref<!tpu.dma_semaphore, #tpu.memory_space<semaphore_mem>>)
    %dma_start3A_88 = arith.constant 2 : i32
    %dma_start3A_89 = arith.constant 2 : i32
    %dma_start3A_90 = arith.constant 0 : i32
    %dma_start3A_91 = arith.constant 0 : i32
    %dma_start3A_92 = tpu.memref_slice %arg7[%dma_start3A_88, %dma_start3A_90, %dma_start3A_91] : memref<6x16x16xi32, #tpu.memory_space<vmem>> -> memref<1x16x16xi32, #tpu.memory_space<vmem>>
    %dma_start3A_93 = tpu.memref_squeeze %dma_start3A_92 : memref<1x16x16xi32, #tpu.memory_space<vmem>> -> memref<16x16xi32, #tpu.memory_space<vmem>>
    %dma_start3A_94 = arith.constant 0 : i32
    %dma_start3A_95 = tpu.memref_slice %arg3[%add3A_71, %dma_start3A_94] : memref<16384x16xi32, #tpu.memory_space<hbm>> -> memref<16x16xi32, #tpu.memory_space<hbm>>
    %dma_start3A_96 = tpu.memref_slice %arg10[%dma_start3A_89] : memref<6x!tpu.dma_semaphore, #tpu.memory_space<semaphore_mem>> -> memref<1x!tpu.dma_semaphore, #tpu.memory_space<semaphore_mem>>
    %dma_start3A_97 = tpu.memref_squeeze %dma_start3A_96 : memref<1x!tpu.dma_semaphore, #tpu.memory_space<semaphore_mem>> -> memref<!tpu.dma_semaphore, #tpu.memory_space<semaphore_mem>>
    %dma_start3A_98 = arith.constant 0 : i32
    %dma_start3A_99 = arith.constant 0 : i32
    %dma_start3A_100 = tpu.memref_slice %arg7[%dma_start3A_88, %dma_start3A_98, %dma_start3A_99] : memref<6x16x16xi32, #tpu.memory_space<vmem>> -> memref<1x16x16xi32, #tpu.memory_space<vmem>>
    %dma_start3A_101 = tpu.memref_squeeze %dma_start3A_100 : memref<1x16x16xi32, #tpu.memory_space<vmem>> -> memref<16x16xi32, #tpu.memory_space<vmem>>
    %dma_start3A_102 = arith.constant 0 : i32
    %dma_start3A_103 = tpu.memref_slice %arg3[%add3A_71, %dma_start3A_102] : memref<16384x16xi32, #tpu.memory_space<hbm>> -> memref<16x16xi32, #tpu.memory_space<hbm>>
    tpu.enqueue_dma source(%dma_start3A_103 : memref<16x16xi32, #tpu.memory_space<hbm>>) target(%dma_start3A_101 : memref<16x16xi32, #tpu.memory_space<vmem>>) target_semaphore(%dma_start3A_97 : memref<!tpu.dma_semaphore, #tpu.memory_space<semaphore_mem>>)
    %add3A_104 = arith.constant 48 : i32
    %add3A_105 = arith.addi %mul3A_2, %add3A_104 : i32
    %dma_start3A_106 = arith.constant 3 : i32
    %dma_start3A_107 = arith.constant 3 : i32
    %dma_start3A_108 = arith.constant 0 : i32
    %dma_start3A_109 = arith.constant 0 : i32
    %dma_start3A_110 = tpu.memref_slice %arg6[%dma_start3A_106, %dma_start3A_108, %dma_start3A_109] : memref<6x16x1024xf32, #tpu.memory_space<vmem>> -> memref<1x16x1024xf32, #tpu.memory_space<vmem>>
    %dma_start3A_111 = tpu.memref_squeeze %dma_start3A_110 : memref<1x16x1024xf32, #tpu.memory_space<vmem>> -> memref<16x1024xf32, #tpu.memory_space<vmem>>
    %dma_start3A_112 = arith.constant 0 : i32
    %dma_start3A_113 = tpu.memref_slice %arg2[%add3A_105, %dma_start3A_112] : memref<16384x1024xf32, #tpu.memory_space<hbm>> -> memref<16x1024xf32, #tpu.memory_space<hbm>>
    %dma_start3A_114 = tpu.memref_slice %arg9[%dma_start3A_107] : memref<6x!tpu.dma_semaphore, #tpu.memory_space<semaphore_mem>> -> memref<1x!tpu.dma_semaphore, #tpu.memory_space<semaphore_mem>>
    %dma_start3A_115 = tpu.memref_squeeze %dma_start3A_114 : memref<1x!tpu.dma_semaphore, #tpu.memory_space<semaphore_mem>> -> memref<!tpu.dma_semaphore, #tpu.memory_space<semaphore_mem>>
    %dma_start3A_116 = arith.constant 0 : i32
    %dma_start3A_117 = arith.constant 0 : i32
    %dma_start3A_118 = tpu.memref_slice %arg6[%dma_start3A_106, %dma_start3A_116, %dma_start3A_117] : memref<6x16x1024xf32, #tpu.memory_space<vmem>> -> memref<1x16x1024xf32, #tpu.memory_space<vmem>>
    %dma_start3A_119 = tpu.memref_squeeze %dma_start3A_118 : memref<1x16x1024xf32, #tpu.memory_space<vmem>> -> memref<16x1024xf32, #tpu.memory_space<vmem>>
    %dma_start3A_120 = arith.constant 0 : i32
    %dma_start3A_121 = tpu.memref_slice %arg2[%add3A_105, %dma_start3A_120] : memref<16384x1024xf32, #tpu.memory_space<hbm>> -> memref<16x1024xf32, #tpu.memory_space<hbm>>
    tpu.enqueue_dma source(%dma_start3A_121 : memref<16x1024xf32, #tpu.memory_space<hbm>>) target(%dma_start3A_119 : memref<16x1024xf32, #tpu.memory_space<vmem>>) target_semaphore(%dma_start3A_115 : memref<!tpu.dma_semaphore, #tpu.memory_space<semaphore_mem>>)
    %dma_start3A_122 = arith.constant 3 : i32
    %dma_start3A_123 = arith.constant 3 : i32
    %dma_start3A_124 = arith.constant 0 : i32
    %dma_start3A_125 = arith.constant 0 : i32
    %dma_start3A_126 = tpu.memref_slice %arg7[%dma_start3A_122, %dma_start3A_124, %dma_start3A_125] : memref<6x16x16xi32, #tpu.memory_space<vmem>> -> memref<1x16x16xi32, #tpu.memory_space<vmem>>
    %dma_start3A_127 = tpu.memref_squeeze %dma_start3A_126 : memref<1x16x16xi32, #tpu.memory_space<vmem>> -> memref<16x16xi32, #tpu.memory_space<vmem>>
    %dma_start3A_128 = arith.constant 0 : i32
    %dma_start3A_129 = tpu.memref_slice %arg3[%add3A_105, %dma_start3A_128] : memref<16384x16xi32, #tpu.memory_space<hbm>> -> memref<16x16xi32, #tpu.memory_space<hbm>>
    %dma_start3A_130 = tpu.memref_slice %arg10[%dma_start3A_123] : memref<6x!tpu.dma_semaphore, #tpu.memory_space<semaphore_mem>> -> memref<1x!tpu.dma_semaphore, #tpu.memory_space<semaphore_mem>>
    %dma_start3A_131 = tpu.memref_squeeze %dma_start3A_130 : memref<1x!tpu.dma_semaphore, #tpu.memory_space<semaphore_mem>> -> memref<!tpu.dma_semaphore, #tpu.memory_space<semaphore_mem>>
    %dma_start3A_132 = arith.constant 0 : i32
    %dma_start3A_133 = arith.constant 0 : i32
    %dma_start3A_134 = tpu.memref_slice %arg7[%dma_start3A_122, %dma_start3A_132, %dma_start3A_133] : memref<6x16x16xi32, #tpu.memory_space<vmem>> -> memref<1x16x16xi32, #tpu.memory_space<vmem>>
    %dma_start3A_135 = tpu.memref_squeeze %dma_start3A_134 : memref<1x16x16xi32, #tpu.memory_space<vmem>> -> memref<16x16xi32, #tpu.memory_space<vmem>>
    %dma_start3A_136 = arith.constant 0 : i32
    %dma_start3A_137 = tpu.memref_slice %arg3[%add3A_105, %dma_start3A_136] : memref<16384x16xi32, #tpu.memory_space<hbm>> -> memref<16x16xi32, #tpu.memory_space<hbm>>
    tpu.enqueue_dma source(%dma_start3A_137 : memref<16x16xi32, #tpu.memory_space<hbm>>) target(%dma_start3A_135 : memref<16x16xi32, #tpu.memory_space<vmem>>) target_semaphore(%dma_start3A_131 : memref<!tpu.dma_semaphore, #tpu.memory_space<semaphore_mem>>)
    %add3A_138 = arith.constant 0 : i32
    %add3A_139 = arith.addi %mul3A_2, %add3A_138 : i32
    %dma_wait3A = arith.constant 0 : i32
    %dma_wait3A_140 = arith.constant 0 : i32
    %dma_wait3A_141 = arith.constant 0 : i32
    %dma_wait3A_142 = arith.constant 0 : i32
    %dma_wait3A_143 = tpu.memref_slice %arg6[%dma_wait3A, %dma_wait3A_141, %dma_wait3A_142] : memref<6x16x1024xf32, #tpu.memory_space<vmem>> -> memref<1x16x1024xf32, #tpu.memory_space<vmem>>
    %dma_wait3A_144 = tpu.memref_squeeze %dma_wait3A_143 : memref<1x16x1024xf32, #tpu.memory_space<vmem>> -> memref<16x1024xf32, #tpu.memory_space<vmem>>
    %dma_wait3A_145 = arith.constant 0 : i32
    %dma_wait3A_146 = tpu.memref_slice %arg2[%add3A_139, %dma_wait3A_145] : memref<16384x1024xf32, #tpu.memory_space<hbm>> -> memref<16x1024xf32, #tpu.memory_space<hbm>>
    %dma_wait3A_147 = tpu.memref_slice %arg9[%dma_wait3A_140] : memref<6x!tpu.dma_semaphore, #tpu.memory_space<semaphore_mem>> -> memref<1x!tpu.dma_semaphore, #tpu.memory_space<semaphore_mem>>
    %dma_wait3A_148 = tpu.memref_squeeze %dma_wait3A_147 : memref<1x!tpu.dma_semaphore, #tpu.memory_space<semaphore_mem>> -> memref<!tpu.dma_semaphore, #tpu.memory_space<semaphore_mem>>
    %dma_wait3A_149 = arith.constant 0 : i32
    %dma_wait3A_150 = arith.constant 0 : i32
    %dma_wait3A_151 = tpu.memref_slice %arg6[%dma_wait3A, %dma_wait3A_149, %dma_wait3A_150] : memref<6x16x1024xf32, #tpu.memory_space<vmem>> -> memref<1x16x1024xf32, #tpu.memory_space<vmem>>
    %dma_wait3A_152 = tpu.memref_squeeze %dma_wait3A_151 : memref<1x16x1024xf32, #tpu.memory_space<vmem>> -> memref<16x1024xf32, #tpu.memory_space<vmem>>
    %dma_wait3A_153 = arith.constant 0 : i32
    %dma_wait3A_154 = tpu.memref_slice %arg2[%add3A_139, %dma_wait3A_153] : memref<16384x1024xf32, #tpu.memory_space<hbm>> -> memref<16x1024xf32, #tpu.memory_space<hbm>>
    tpu.wait_dma2 semaphore(%dma_wait3A_148 : memref<!tpu.dma_semaphore, #tpu.memory_space<semaphore_mem>>) src(%dma_wait3A_154 : memref<16x1024xf32, #tpu.memory_space<hbm>>) dst(%dma_wait3A_152 : memref<16x1024xf32, #tpu.memory_space<vmem>>)
    %dma_wait3A_155 = arith.constant 0 : i32
    %dma_wait3A_156 = arith.constant 0 : i32
    %dma_wait3A_157 = arith.constant 0 : i32
    %dma_wait3A_158 = arith.constant 0 : i32
    %dma_wait3A_159 = tpu.memref_slice %arg7[%dma_wait3A_155, %dma_wait3A_157, %dma_wait3A_158] : memref<6x16x16xi32, #tpu.memory_space<vmem>> -> memref<1x16x16xi32, #tpu.memory_space<vmem>>
    %dma_wait3A_160 = tpu.memref_squeeze %dma_wait3A_159 : memref<1x16x16xi32, #tpu.memory_space<vmem>> -> memref<16x16xi32, #tpu.memory_space<vmem>>
    %dma_wait3A_161 = arith.constant 0 : i32
    %dma_wait3A_162 = tpu.memref_slice %arg3[%add3A_139, %dma_wait3A_161] : memref<16384x16xi32, #tpu.memory_space<hbm>> -> memref<16x16xi32, #tpu.memory_space<hbm>>
    %dma_wait3A_163 = tpu.memref_slice %arg10[%dma_wait3A_156] : memref<6x!tpu.dma_semaphore, #tpu.memory_space<semaphore_mem>> -> memref<1x!tpu.dma_semaphore, #tpu.memory_space<semaphore_mem>>
    %dma_wait3A_164 = tpu.memref_squeeze %dma_wait3A_163 : memref<1x!tpu.dma_semaphore, #tpu.memory_space<semaphore_mem>> -> memref<!tpu.dma_semaphore, #tpu.memory_space<semaphore_mem>>
    %dma_wait3A_165 = arith.constant 0 : i32
    %dma_wait3A_166 = arith.constant 0 : i32
    %dma_wait3A_167 = tpu.memref_slice %arg7[%dma_wait3A_155, %dma_wait3A_165, %dma_wait3A_166] : memref<6x16x16xi32, #tpu.memory_space<vmem>> -> memref<1x16x16xi32, #tpu.memory_space<vmem>>
    %dma_wait3A_168 = tpu.memref_squeeze %dma_wait3A_167 : memref<1x16x16xi32, #tpu.memory_space<vmem>> -> memref<16x16xi32, #tpu.memory_space<vmem>>
    %dma_wait3A_169 = arith.constant 0 : i32
    %dma_wait3A_170 = tpu.memref_slice %arg3[%add3A_139, %dma_wait3A_169] : memref<16384x16xi32, #tpu.memory_space<hbm>> -> memref<16x16xi32, #tpu.memory_space<hbm>>
    tpu.wait_dma2 semaphore(%dma_wait3A_164 : memref<!tpu.dma_semaphore, #tpu.memory_space<semaphore_mem>>) src(%dma_wait3A_170 : memref<16x16xi32, #tpu.memory_space<hbm>>) dst(%dma_wait3A_168 : memref<16x16xi32, #tpu.memory_space<vmem>>)
    %add3A_171 = arith.constant 64 : i32
    %add3A_172 = arith.addi %mul3A_2, %add3A_171 : i32
    %dma_start3A_173 = arith.constant 4 : i32
    %dma_start3A_174 = arith.constant 4 : i32
    %dma_start3A_175 = arith.constant 0 : i32
    %dma_start3A_176 = arith.constant 0 : i32
    %dma_start3A_177 = tpu.memref_slice %arg6[%dma_start3A_173, %dma_start3A_175, %dma_start3A_176] : memref<6x16x1024xf32, #tpu.memory_space<vmem>> -> memref<1x16x1024xf32, #tpu.memory_space<vmem>>
    %dma_start3A_178 = tpu.memref_squeeze %dma_start3A_177 : memref<1x16x1024xf32, #tpu.memory_space<vmem>> -> memref<16x1024xf32, #tpu.memory_space<vmem>>
    %dma_start3A_179 = arith.constant 0 : i32
    %dma_start3A_180 = tpu.memref_slice %arg2[%add3A_172, %dma_start3A_179] : memref<16384x1024xf32, #tpu.memory_space<hbm>> -> memref<16x1024xf32, #tpu.memory_space<hbm>>
    %dma_start3A_181 = tpu.memref_slice %arg9[%dma_start3A_174] : memref<6x!tpu.dma_semaphore, #tpu.memory_space<semaphore_mem>> -> memref<1x!tpu.dma_semaphore, #tpu.memory_space<semaphore_mem>>
    %dma_start3A_182 = tpu.memref_squeeze %dma_start3A_181 : memref<1x!tpu.dma_semaphore, #tpu.memory_space<semaphore_mem>> -> memref<!tpu.dma_semaphore, #tpu.memory_space<semaphore_mem>>
    %dma_start3A_183 = arith.constant 0 : i32
    %dma_start3A_184 = arith.constant 0 : i32
    %dma_start3A_185 = tpu.memref_slice %arg6[%dma_start3A_173, %dma_start3A_183, %dma_start3A_184] : memref<6x16x1024xf32, #tpu.memory_space<vmem>> -> memref<1x16x1024xf32, #tpu.memory_space<vmem>>
    %dma_start3A_186 = tpu.memref_squeeze %dma_start3A_185 : memref<1x16x1024xf32, #tpu.memory_space<vmem>> -> memref<16x1024xf32, #tpu.memory_space<vmem>>
    %dma_start3A_187 = arith.constant 0 : i32
    %dma_start3A_188 = tpu.memref_slice %arg2[%add3A_172, %dma_start3A_187] : memref<16384x1024xf32, #tpu.memory_space<hbm>> -> memref<16x1024xf32, #tpu.memory_space<hbm>>
    tpu.enqueue_dma source(%dma_start3A_188 : memref<16x1024xf32, #tpu.memory_space<hbm>>) target(%dma_start3A_186 : memref<16x1024xf32, #tpu.memory_space<vmem>>) target_semaphore(%dma_start3A_182 : memref<!tpu.dma_semaphore, #tpu.memory_space<semaphore_mem>>)
    %dma_start3A_189 = arith.constant 4 : i32
    %dma_start3A_190 = arith.constant 4 : i32
    %dma_start3A_191 = arith.constant 0 : i32
    %dma_start3A_192 = arith.constant 0 : i32
    %dma_start3A_193 = tpu.memref_slice %arg7[%dma_start3A_189, %dma_start3A_191, %dma_start3A_192] : memref<6x16x16xi32, #tpu.memory_space<vmem>> -> memref<1x16x16xi32, #tpu.memory_space<vmem>>
    %dma_start3A_194 = tpu.memref_squeeze %dma_start3A_193 : memref<1x16x16xi32, #tpu.memory_space<vmem>> -> memref<16x16xi32, #tpu.memory_space<vmem>>
    %dma_start3A_195 = arith.constant 0 : i32
    %dma_start3A_196 = tpu.memref_slice %arg3[%add3A_172, %dma_start3A_195] : memref<16384x16xi32, #tpu.memory_space<hbm>> -> memref<16x16xi32, #tpu.memory_space<hbm>>
    %dma_start3A_197 = tpu.memref_slice %arg10[%dma_start3A_190] : memref<6x!tpu.dma_semaphore, #tpu.memory_space<semaphore_mem>> -> memref<1x!tpu.dma_semaphore, #tpu.memory_space<semaphore_mem>>
    %dma_start3A_198 = tpu.memref_squeeze %dma_start3A_197 : memref<1x!tpu.dma_semaphore, #tpu.memory_space<semaphore_mem>> -> memref<!tpu.dma_semaphore, #tpu.memory_space<semaphore_mem>>
    %dma_start3A_199 = arith.constant 0 : i32
    %dma_start3A_200 = arith.constant 0 : i32
    %dma_start3A_201 = tpu.memref_slice %arg7[%dma_start3A_189, %dma_start3A_199, %dma_start3A_200] : memref<6x16x16xi32, #tpu.memory_space<vmem>> -> memref<1x16x16xi32, #tpu.memory_space<vmem>>
    %dma_start3A_202 = tpu.memref_squeeze %dma_start3A_201 : memref<1x16x16xi32, #tpu.memory_space<vmem>> -> memref<16x16xi32, #tpu.memory_space<vmem>>
    %dma_start3A_203 = arith.constant 0 : i32
    %dma_start3A_204 = tpu.memref_slice %arg3[%add3A_172, %dma_start3A_203] : memref<16384x16xi32, #tpu.memory_space<hbm>> -> memref<16x16xi32, #tpu.memory_space<hbm>>
    tpu.enqueue_dma source(%dma_start3A_204 : memref<16x16xi32, #tpu.memory_space<hbm>>) target(%dma_start3A_202 : memref<16x16xi32, #tpu.memory_space<vmem>>) target_semaphore(%dma_start3A_198 : memref<!tpu.dma_semaphore, #tpu.memory_space<semaphore_mem>>)
    %parallel_loop3A = arith.constant 0 : i32
    %parallel_loop3A_205 = arith.constant 16 : i32
    %parallel_loop3A_206 = arith.constant 2 : i32
    scf.for %parallel_loop3A_862 = %parallel_loop3A to %parallel_loop3A_205 step %parallel_loop3A_206  : i32 {
      %parallel_loop3A_863 = arith.constant 0 : i32
      %parallel_loop3A_864 = arith.index_cast %parallel_loop3A_863 : i32 to index
      %parallel_loop3A_865 = arith.index_cast %parallel_loop3A_862 : i32 to index
      %parallel_loop3A_866 = arith.constant 0 : index
      %parallel_loop3A_867 = tpu.vector_load %arg7[%parallel_loop3A_864, %parallel_loop3A_865, %parallel_loop3A_866] {strides = array<i32>} : memref<6x16x16xi32, #tpu.memory_space<vmem>>, vector<16xi32>,
      %parallel_loop3A_868 = arith.constant 1 : i32
      %parallel_loop3A_869 = arith.addi %parallel_loop3A_862, %parallel_loop3A_868 : i32
      %parallel_loop3A_870 = arith.constant 0 : i32
      %parallel_loop3A_871 = arith.index_cast %parallel_loop3A_870 : i32 to index
      %parallel_loop3A_872 = arith.index_cast %parallel_loop3A_869 : i32 to index
      %parallel_loop3A_873 = arith.constant 0 : index
      %parallel_loop3A_874 = tpu.vector_load %arg7[%parallel_loop3A_871, %parallel_loop3A_872, %parallel_loop3A_873] {strides = array<i32>} : memref<6x16x16xi32, #tpu.memory_space<vmem>>, vector<16xi32>,
      %parallel_loop3A_875 = arith.constant 0 : i32
      %parallel_loop3A_876 = arith.constant 64 : i32
      %parallel_loop3A_877 = arith.constant 1 : i32
      scf.for %parallel_loop3A_878 = %parallel_loop3A_875 to %parallel_loop3A_876 step %parallel_loop3A_877  : i32 {
        %parallel_loop3A_879 = arith.constant 16 : i32
        %parallel_loop3A_880 = arith.muli %parallel_loop3A_878, %parallel_loop3A_879 : i32
        %parallel_loop3A_881 = vector.broadcast %parallel_loop3A_880 : i32 to vector<16xi32>
        %parallel_loop3A_882 = arith.addi %parallel_loop3A_867, %parallel_loop3A_881 : vector<16xi32>
        %parallel_loop3A_883 = tpu.vector_load_idx %arg8[%parallel_loop3A_882] : memref<3072xf32, #tpu.memory_space<vmem>>[vector<16xi32>], vector<16xf32>,
        %parallel_loop3A_884 = vector.broadcast %parallel_loop3A_880 : i32 to vector<16xi32>
        %parallel_loop3A_885 = arith.addi %parallel_loop3A_874, %parallel_loop3A_884 : vector<16xi32>
        %parallel_loop3A_886 = tpu.vector_load_idx %arg8[%parallel_loop3A_885] : memref<3072xf32, #tpu.memory_space<vmem>>[vector<16xi32>], vector<16xf32>,
        %parallel_loop3A_887 = arith.constant 0 : i32
        %parallel_loop3A_888 = arith.index_cast %parallel_loop3A_887 : i32 to index
        %parallel_loop3A_889 = arith.index_cast %parallel_loop3A_862 : i32 to index
        %parallel_loop3A_890 = arith.index_cast %parallel_loop3A_880 : i32 to index
        %parallel_loop3A_891 = tpu.vector_load %arg6[%parallel_loop3A_888, %parallel_loop3A_889, %parallel_loop3A_890] {strides = array<i32>} : memref<6x16x1024xf32, #tpu.memory_space<vmem>>, vector<16xf32>,
        tpu.vector_store %arg6[%parallel_loop3A_888, %parallel_loop3A_889, %parallel_loop3A_890], %parallel_loop3A_883 {add = true, strides = array<i32>} : memref<6x16x1024xf32, #tpu.memory_space<vmem>>, vector<16xf32>,
        %parallel_loop3A_892 = arith.constant 1 : i32
        %parallel_loop3A_893 = arith.addi %parallel_loop3A_862, %parallel_loop3A_892 : i32
        %parallel_loop3A_894 = arith.constant 0 : i32
        %parallel_loop3A_895 = arith.index_cast %parallel_loop3A_894 : i32 to index
        %parallel_loop3A_896 = arith.index_cast %parallel_loop3A_893 : i32 to index
        %parallel_loop3A_897 = arith.index_cast %parallel_loop3A_880 : i32 to index
        %parallel_loop3A_898 = tpu.vector_load %arg6[%parallel_loop3A_895, %parallel_loop3A_896, %parallel_loop3A_897] {strides = array<i32>} : memref<6x16x1024xf32, #tpu.memory_space<vmem>>, vector<16xf32>,
        tpu.vector_store %arg6[%parallel_loop3A_895, %parallel_loop3A_896, %parallel_loop3A_897], %parallel_loop3A_886 {add = true, strides = array<i32>} : memref<6x16x1024xf32, #tpu.memory_space<vmem>>, vector<16xf32>,
      } {sc.loop_unroll_factor = 8 : i64, sc.parallel_access}
    } {sc.loop_unroll_factor = 1 : i64, sc.parallel_access}
    %add3A_207 = arith.constant 0 : i32
    %add3A_208 = arith.addi %mul3A_2, %add3A_207 : i32
    %dma_start3A_209 = arith.constant 0 : i32
    %dma_start3A_210 = arith.constant 0 : i32
    %dma_start3A_211 = arith.constant 0 : i32
    %dma_start3A_212 = arith.constant 0 : i32
    %dma_start3A_213 = tpu.memref_slice %arg6[%dma_start3A_209, %dma_start3A_211, %dma_start3A_212] : memref<6x16x1024xf32, #tpu.memory_space<vmem>> -> memref<1x16x1024xf32, #tpu.memory_space<vmem>>
    %dma_start3A_214 = tpu.memref_squeeze %dma_start3A_213 : memref<1x16x1024xf32, #tpu.memory_space<vmem>> -> memref<16x1024xf32, #tpu.memory_space<vmem>>
    %dma_start3A_215 = arith.constant 0 : i32
    %dma_start3A_216 = tpu.memref_slice %arg5[%add3A_208, %dma_start3A_215] : memref<16384x1024xf32, #tpu.memory_space<hbm>> -> memref<16x1024xf32, #tpu.memory_space<hbm>>
    %dma_start3A_217 = tpu.memref_slice %arg11[%dma_start3A_210] : memref<6x!tpu.dma_semaphore, #tpu.memory_space<semaphore_mem>> -> memref<1x!tpu.dma_semaphore, #tpu.memory_space<semaphore_mem>>
    %dma_start3A_218 = tpu.memref_squeeze %dma_start3A_217 : memref<1x!tpu.dma_semaphore, #tpu.memory_space<semaphore_mem>> -> memref<!tpu.dma_semaphore, #tpu.memory_space<semaphore_mem>>
    %dma_start3A_219 = arith.constant 0 : i32
    %dma_start3A_220 = tpu.memref_slice %arg5[%add3A_208, %dma_start3A_219] : memref<16384x1024xf32, #tpu.memory_space<hbm>> -> memref<16x1024xf32, #tpu.memory_space<hbm>>
    %dma_start3A_221 = arith.constant 0 : i32
    %dma_start3A_222 = arith.constant 0 : i32
    %dma_start3A_223 = tpu.memref_slice %arg6[%dma_start3A_209, %dma_start3A_221, %dma_start3A_222] : memref<6x16x1024xf32, #tpu.memory_space<vmem>> -> memref<1x16x1024xf32, #tpu.memory_space<vmem>>
    %dma_start3A_224 = tpu.memref_squeeze %dma_start3A_223 : memref<1x16x1024xf32, #tpu.memory_space<vmem>> -> memref<16x1024xf32, #tpu.memory_space<vmem>>
    tpu.enqueue_dma source(%dma_start3A_224 : memref<16x1024xf32, #tpu.memory_space<vmem>>) target(%dma_start3A_220 : memref<16x1024xf32, #tpu.memory_space<hbm>>) target_semaphore(%dma_start3A_218 : memref<!tpu.dma_semaphore, #tpu.memory_space<semaphore_mem>>)
    %add3A_225 = arith.constant 16 : i32
    %add3A_226 = arith.addi %mul3A_2, %add3A_225 : i32
    %dma_wait3A_227 = arith.constant 1 : i32
    %dma_wait3A_228 = arith.constant 1 : i32
    %dma_wait3A_229 = arith.constant 0 : i32
    %dma_wait3A_230 = arith.constant 0 : i32
    %dma_wait3A_231 = tpu.memref_slice %arg6[%dma_wait3A_227, %dma_wait3A_229, %dma_wait3A_230] : memref<6x16x1024xf32, #tpu.memory_space<vmem>> -> memref<1x16x1024xf32, #tpu.memory_space<vmem>>
    %dma_wait3A_232 = tpu.memref_squeeze %dma_wait3A_231 : memref<1x16x1024xf32, #tpu.memory_space<vmem>> -> memref<16x1024xf32, #tpu.memory_space<vmem>>
    %dma_wait3A_233 = arith.constant 0 : i32
    %dma_wait3A_234 = tpu.memref_slice %arg2[%add3A_226, %dma_wait3A_233] : memref<16384x1024xf32, #tpu.memory_space<hbm>> -> memref<16x1024xf32, #tpu.memory_space<hbm>>
    %dma_wait3A_235 = tpu.memref_slice %arg9[%dma_wait3A_228] : memref<6x!tpu.dma_semaphore, #tpu.memory_space<semaphore_mem>> -> memref<1x!tpu.dma_semaphore, #tpu.memory_space<semaphore_mem>>
    %dma_wait3A_236 = tpu.memref_squeeze %dma_wait3A_235 : memref<1x!tpu.dma_semaphore, #tpu.memory_space<semaphore_mem>> -> memref<!tpu.dma_semaphore, #tpu.memory_space<semaphore_mem>>
    %dma_wait3A_237 = arith.constant 0 : i32
    %dma_wait3A_238 = arith.constant 0 : i32
    %dma_wait3A_239 = tpu.memref_slice %arg6[%dma_wait3A_227, %dma_wait3A_237, %dma_wait3A_238] : memref<6x16x1024xf32, #tpu.memory_space<vmem>> -> memref<1x16x1024xf32, #tpu.memory_space<vmem>>
    %dma_wait3A_240 = tpu.memref_squeeze %dma_wait3A_239 : memref<1x16x1024xf32, #tpu.memory_space<vmem>> -> memref<16x1024xf32, #tpu.memory_space<vmem>>
    %dma_wait3A_241 = arith.constant 0 : i32
    %dma_wait3A_242 = tpu.memref_slice %arg2[%add3A_226, %dma_wait3A_241] : memref<16384x1024xf32, #tpu.memory_space<hbm>> -> memref<16x1024xf32, #tpu.memory_space<hbm>>
    tpu.wait_dma2 semaphore(%dma_wait3A_236 : memref<!tpu.dma_semaphore, #tpu.memory_space<semaphore_mem>>) src(%dma_wait3A_242 : memref<16x1024xf32, #tpu.memory_space<hbm>>) dst(%dma_wait3A_240 : memref<16x1024xf32, #tpu.memory_space<vmem>>)
    %dma_wait3A_243 = arith.constant 1 : i32
    %dma_wait3A_244 = arith.constant 1 : i32
    %dma_wait3A_245 = arith.constant 0 : i32
    %dma_wait3A_246 = arith.constant 0 : i32
    %dma_wait3A_247 = tpu.memref_slice %arg7[%dma_wait3A_243, %dma_wait3A_245, %dma_wait3A_246] : memref<6x16x16xi32, #tpu.memory_space<vmem>> -> memref<1x16x16xi32, #tpu.memory_space<vmem>>
    %dma_wait3A_248 = tpu.memref_squeeze %dma_wait3A_247 : memref<1x16x16xi32, #tpu.memory_space<vmem>> -> memref<16x16xi32, #tpu.memory_space<vmem>>
    %dma_wait3A_249 = arith.constant 0 : i32
    %dma_wait3A_250 = tpu.memref_slice %arg3[%add3A_226, %dma_wait3A_249] : memref<16384x16xi32, #tpu.memory_space<hbm>> -> memref<16x16xi32, #tpu.memory_space<hbm>>
    %dma_wait3A_251 = tpu.memref_slice %arg10[%dma_wait3A_244] : memref<6x!tpu.dma_semaphore, #tpu.memory_space<semaphore_mem>> -> memref<1x!tpu.dma_semaphore, #tpu.memory_space<semaphore_mem>>
    %dma_wait3A_252 = tpu.memref_squeeze %dma_wait3A_251 : memref<1x!tpu.dma_semaphore, #tpu.memory_space<semaphore_mem>> -> memref<!tpu.dma_semaphore, #tpu.memory_space<semaphore_mem>>
    %dma_wait3A_253 = arith.constant 0 : i32
    %dma_wait3A_254 = arith.constant 0 : i32
    %dma_wait3A_255 = tpu.memref_slice %arg7[%dma_wait3A_243, %dma_wait3A_253, %dma_wait3A_254] : memref<6x16x16xi32, #tpu.memory_space<vmem>> -> memref<1x16x16xi32, #tpu.memory_space<vmem>>
    %dma_wait3A_256 = tpu.memref_squeeze %dma_wait3A_255 : memref<1x16x16xi32, #tpu.memory_space<vmem>> -> memref<16x16xi32, #tpu.memory_space<vmem>>
    %dma_wait3A_257 = arith.constant 0 : i32
    %dma_wait3A_258 = tpu.memref_slice %arg3[%add3A_226, %dma_wait3A_257] : memref<16384x16xi32, #tpu.memory_space<hbm>> -> memref<16x16xi32, #tpu.memory_space<hbm>>
    tpu.wait_dma2 semaphore(%dma_wait3A_252 : memref<!tpu.dma_semaphore, #tpu.memory_space<semaphore_mem>>) src(%dma_wait3A_258 : memref<16x16xi32, #tpu.memory_space<hbm>>) dst(%dma_wait3A_256 : memref<16x16xi32, #tpu.memory_space<vmem>>)
    %add3A_259 = arith.constant 80 : i32
    %add3A_260 = arith.addi %mul3A_2, %add3A_259 : i32
    %dma_start3A_261 = arith.constant 5 : i32
    %dma_start3A_262 = arith.constant 5 : i32
    %dma_start3A_263 = arith.constant 0 : i32
    %dma_start3A_264 = arith.constant 0 : i32
    %dma_start3A_265 = tpu.memref_slice %arg6[%dma_start3A_261, %dma_start3A_263, %dma_start3A_264] : memref<6x16x1024xf32, #tpu.memory_space<vmem>> -> memref<1x16x1024xf32, #tpu.memory_space<vmem>>
    %dma_start3A_266 = tpu.memref_squeeze %dma_start3A_265 : memref<1x16x1024xf32, #tpu.memory_space<vmem>> -> memref<16x1024xf32, #tpu.memory_space<vmem>>
    %dma_start3A_267 = arith.constant 0 : i32
    %dma_start3A_268 = tpu.memref_slice %arg2[%add3A_260, %dma_start3A_267] : memref<16384x1024xf32, #tpu.memory_space<hbm>> -> memref<16x1024xf32, #tpu.memory_space<hbm>>
    %dma_start3A_269 = tpu.memref_slice %arg9[%dma_start3A_262] : memref<6x!tpu.dma_semaphore, #tpu.memory_space<semaphore_mem>> -> memref<1x!tpu.dma_semaphore, #tpu.memory_space<semaphore_mem>>
    %dma_start3A_270 = tpu.memref_squeeze %dma_start3A_269 : memref<1x!tpu.dma_semaphore, #tpu.memory_space<semaphore_mem>> -> memref<!tpu.dma_semaphore, #tpu.memory_space<semaphore_mem>>
    %dma_start3A_271 = arith.constant 0 : i32
    %dma_start3A_272 = arith.constant 0 : i32
    %dma_start3A_273 = tpu.memref_slice %arg6[%dma_start3A_261, %dma_start3A_271, %dma_start3A_272] : memref<6x16x1024xf32, #tpu.memory_space<vmem>> -> memref<1x16x1024xf32, #tpu.memory_space<vmem>>
    %dma_start3A_274 = tpu.memref_squeeze %dma_start3A_273 : memref<1x16x1024xf32, #tpu.memory_space<vmem>> -> memref<16x1024xf32, #tpu.memory_space<vmem>>
    %dma_start3A_275 = arith.constant 0 : i32
    %dma_start3A_276 = tpu.memref_slice %arg2[%add3A_260, %dma_start3A_275] : memref<16384x1024xf32, #tpu.memory_space<hbm>> -> memref<16x1024xf32, #tpu.memory_space<hbm>>
    tpu.enqueue_dma source(%dma_start3A_276 : memref<16x1024xf32, #tpu.memory_space<hbm>>) target(%dma_start3A_274 : memref<16x1024xf32, #tpu.memory_space<vmem>>) target_semaphore(%dma_start3A_270 : memref<!tpu.dma_semaphore, #tpu.memory_space<semaphore_mem>>)
    %dma_start3A_277 = arith.constant 5 : i32
    %dma_start3A_278 = arith.constant 5 : i32
    %dma_start3A_279 = arith.constant 0 : i32
    %dma_start3A_280 = arith.constant 0 : i32
    %dma_start3A_281 = tpu.memref_slice %arg7[%dma_start3A_277, %dma_start3A_279, %dma_start3A_280] : memref<6x16x16xi32, #tpu.memory_space<vmem>> -> memref<1x16x16xi32, #tpu.memory_space<vmem>>
    %dma_start3A_282 = tpu.memref_squeeze %dma_start3A_281 : memref<1x16x16xi32, #tpu.memory_space<vmem>> -> memref<16x16xi32, #tpu.memory_space<vmem>>
    %dma_start3A_283 = arith.constant 0 : i32
    %dma_start3A_284 = tpu.memref_slice %arg3[%add3A_260, %dma_start3A_283] : memref<16384x16xi32, #tpu.memory_space<hbm>> -> memref<16x16xi32, #tpu.memory_space<hbm>>
    %dma_start3A_285 = tpu.memref_slice %arg10[%dma_start3A_278] : memref<6x!tpu.dma_semaphore, #tpu.memory_space<semaphore_mem>> -> memref<1x!tpu.dma_semaphore, #tpu.memory_space<semaphore_mem>>
    %dma_start3A_286 = tpu.memref_squeeze %dma_start3A_285 : memref<1x!tpu.dma_semaphore, #tpu.memory_space<semaphore_mem>> -> memref<!tpu.dma_semaphore, #tpu.memory_space<semaphore_mem>>
    %dma_start3A_287 = arith.constant 0 : i32
    %dma_start3A_288 = arith.constant 0 : i32
    %dma_start3A_289 = tpu.memref_slice %arg7[%dma_start3A_277, %dma_start3A_287, %dma_start3A_288] : memref<6x16x16xi32, #tpu.memory_space<vmem>> -> memref<1x16x16xi32, #tpu.memory_space<vmem>>
    %dma_start3A_290 = tpu.memref_squeeze %dma_start3A_289 : memref<1x16x16xi32, #tpu.memory_space<vmem>> -> memref<16x16xi32, #tpu.memory_space<vmem>>
    %dma_start3A_291 = arith.constant 0 : i32
    %dma_start3A_292 = tpu.memref_slice %arg3[%add3A_260, %dma_start3A_291] : memref<16384x16xi32, #tpu.memory_space<hbm>> -> memref<16x16xi32, #tpu.memory_space<hbm>>
    tpu.enqueue_dma source(%dma_start3A_292 : memref<16x16xi32, #tpu.memory_space<hbm>>) target(%dma_start3A_290 : memref<16x16xi32, #tpu.memory_space<vmem>>) target_semaphore(%dma_start3A_286 : memref<!tpu.dma_semaphore, #tpu.memory_space<semaphore_mem>>)
    %parallel_loop3A_293 = arith.constant 0 : i32
    %parallel_loop3A_294 = arith.constant 16 : i32
    %parallel_loop3A_295 = arith.constant 2 : i32
    scf.for %parallel_loop3A_862 = %parallel_loop3A_293 to %parallel_loop3A_294 step %parallel_loop3A_295  : i32 {
      %parallel_loop3A_863 = arith.constant 1 : i32
      %parallel_loop3A_864 = arith.index_cast %parallel_loop3A_863 : i32 to index
      %parallel_loop3A_865 = arith.index_cast %parallel_loop3A_862 : i32 to index
      %parallel_loop3A_866 = arith.constant 0 : index
      %parallel_loop3A_867 = tpu.vector_load %arg7[%parallel_loop3A_864, %parallel_loop3A_865, %parallel_loop3A_866] {strides = array<i32>} : memref<6x16x16xi32, #tpu.memory_space<vmem>>, vector<16xi32>,
      %parallel_loop3A_868 = arith.constant 1 : i32
      %parallel_loop3A_869 = arith.addi %parallel_loop3A_862, %parallel_loop3A_868 : i32
      %parallel_loop3A_870 = arith.constant 1 : i32
      %parallel_loop3A_871 = arith.index_cast %parallel_loop3A_870 : i32 to index
      %parallel_loop3A_872 = arith.index_cast %parallel_loop3A_869 : i32 to index
      %parallel_loop3A_873 = arith.constant 0 : index
      %parallel_loop3A_874 = tpu.vector_load %arg7[%parallel_loop3A_871, %parallel_loop3A_872, %parallel_loop3A_873] {strides = array<i32>} : memref<6x16x16xi32, #tpu.memory_space<vmem>>, vector<16xi32>,
      %parallel_loop3A_875 = arith.constant 0 : i32
      %parallel_loop3A_876 = arith.constant 64 : i32
      %parallel_loop3A_877 = arith.constant 1 : i32
      scf.for %parallel_loop3A_878 = %parallel_loop3A_875 to %parallel_loop3A_876 step %parallel_loop3A_877  : i32 {
        %parallel_loop3A_879 = arith.constant 16 : i32
        %parallel_loop3A_880 = arith.muli %parallel_loop3A_878, %parallel_loop3A_879 : i32
        %parallel_loop3A_881 = vector.broadcast %parallel_loop3A_880 : i32 to vector<16xi32>
        %parallel_loop3A_882 = arith.addi %parallel_loop3A_867, %parallel_loop3A_881 : vector<16xi32>
        %parallel_loop3A_883 = tpu.vector_load_idx %arg8[%parallel_loop3A_882] : memref<3072xf32, #tpu.memory_space<vmem>>[vector<16xi32>], vector<16xf32>,
        %parallel_loop3A_884 = vector.broadcast %parallel_loop3A_880 : i32 to vector<16xi32>
        %parallel_loop3A_885 = arith.addi %parallel_loop3A_874, %parallel_loop3A_884 : vector<16xi32>
        %parallel_loop3A_886 = tpu.vector_load_idx %arg8[%parallel_loop3A_885] : memref<3072xf32, #tpu.memory_space<vmem>>[vector<16xi32>], vector<16xf32>,
        %parallel_loop3A_887 = arith.constant 1 : i32
        %parallel_loop3A_888 = arith.index_cast %parallel_loop3A_887 : i32 to index
        %parallel_loop3A_889 = arith.index_cast %parallel_loop3A_862 : i32 to index
        %parallel_loop3A_890 = arith.index_cast %parallel_loop3A_880 : i32 to index
        %parallel_loop3A_891 = tpu.vector_load %arg6[%parallel_loop3A_888, %parallel_loop3A_889, %parallel_loop3A_890] {strides = array<i32>} : memref<6x16x1024xf32, #tpu.memory_space<vmem>>, vector<16xf32>,
        tpu.vector_store %arg6[%parallel_loop3A_888, %parallel_loop3A_889, %parallel_loop3A_890], %parallel_loop3A_883 {add = true, strides = array<i32>} : memref<6x16x1024xf32, #tpu.memory_space<vmem>>, vector<16xf32>,
        %parallel_loop3A_892 = arith.constant 1 : i32
        %parallel_loop3A_893 = arith.addi %parallel_loop3A_862, %parallel_loop3A_892 : i32
        %parallel_loop3A_894 = arith.constant 1 : i32
        %parallel_loop3A_895 = arith.index_cast %parallel_loop3A_894 : i32 to index
        %parallel_loop3A_896 = arith.index_cast %parallel_loop3A_893 : i32 to index
        %parallel_loop3A_897 = arith.index_cast %parallel_loop3A_880 : i32 to index
        %parallel_loop3A_898 = tpu.vector_load %arg6[%parallel_loop3A_895, %parallel_loop3A_896, %parallel_loop3A_897] {strides = array<i32>} : memref<6x16x1024xf32, #tpu.memory_space<vmem>>, vector<16xf32>,
        tpu.vector_store %arg6[%parallel_loop3A_895, %parallel_loop3A_896, %parallel_loop3A_897], %parallel_loop3A_886 {add = true, strides = array<i32>} : memref<6x16x1024xf32, #tpu.memory_space<vmem>>, vector<16xf32>,
      } {sc.loop_unroll_factor = 8 : i64, sc.parallel_access}
    } {sc.loop_unroll_factor = 1 : i64, sc.parallel_access}
    %add3A_296 = arith.constant 16 : i32
    %add3A_297 = arith.addi %mul3A_2, %add3A_296 : i32
    %dma_start3A_298 = arith.constant 1 : i32
    %dma_start3A_299 = arith.constant 1 : i32
    %dma_start3A_300 = arith.constant 0 : i32
    %dma_start3A_301 = arith.constant 0 : i32
    %dma_start3A_302 = tpu.memref_slice %arg6[%dma_start3A_298, %dma_start3A_300, %dma_start3A_301] : memref<6x16x1024xf32, #tpu.memory_space<vmem>> -> memref<1x16x1024xf32, #tpu.memory_space<vmem>>
    %dma_start3A_303 = tpu.memref_squeeze %dma_start3A_302 : memref<1x16x1024xf32, #tpu.memory_space<vmem>> -> memref<16x1024xf32, #tpu.memory_space<vmem>>
    %dma_start3A_304 = arith.constant 0 : i32
    %dma_start3A_305 = tpu.memref_slice %arg5[%add3A_297, %dma_start3A_304] : memref<16384x1024xf32, #tpu.memory_space<hbm>> -> memref<16x1024xf32, #tpu.memory_space<hbm>>
    %dma_start3A_306 = tpu.memref_slice %arg11[%dma_start3A_299] : memref<6x!tpu.dma_semaphore, #tpu.memory_space<semaphore_mem>> -> memref<1x!tpu.dma_semaphore, #tpu.memory_space<semaphore_mem>>
    %dma_start3A_307 = tpu.memref_squeeze %dma_start3A_306 : memref<1x!tpu.dma_semaphore, #tpu.memory_space<semaphore_mem>> -> memref<!tpu.dma_semaphore, #tpu.memory_space<semaphore_mem>>
    %dma_start3A_308 = arith.constant 0 : i32
    %dma_start3A_309 = tpu.memref_slice %arg5[%add3A_297, %dma_start3A_308] : memref<16384x1024xf32, #tpu.memory_space<hbm>> -> memref<16x1024xf32, #tpu.memory_space<hbm>>
    %dma_start3A_310 = arith.constant 0 : i32
    %dma_start3A_311 = arith.constant 0 : i32
    %dma_start3A_312 = tpu.memref_slice %arg6[%dma_start3A_298, %dma_start3A_310, %dma_start3A_311] : memref<6x16x1024xf32, #tpu.memory_space<vmem>> -> memref<1x16x1024xf32, #tpu.memory_space<vmem>>
    %dma_start3A_313 = tpu.memref_squeeze %dma_start3A_312 : memref<1x16x1024xf32, #tpu.memory_space<vmem>> -> memref<16x1024xf32, #tpu.memory_space<vmem>>
    tpu.enqueue_dma source(%dma_start3A_313 : memref<16x1024xf32, #tpu.memory_space<vmem>>) target(%dma_start3A_309 : memref<16x1024xf32, #tpu.memory_space<hbm>>) target_semaphore(%dma_start3A_307 : memref<!tpu.dma_semaphore, #tpu.memory_space<semaphore_mem>>)
    %add3A_314 = arith.constant 32 : i32
    %add3A_315 = arith.addi %mul3A_2, %add3A_314 : i32
    %dma_wait3A_316 = arith.constant 2 : i32
    %dma_wait3A_317 = arith.constant 2 : i32
    %dma_wait3A_318 = arith.constant 0 : i32
    %dma_wait3A_319 = arith.constant 0 : i32
    %dma_wait3A_320 = tpu.memref_slice %arg6[%dma_wait3A_316, %dma_wait3A_318, %dma_wait3A_319] : memref<6x16x1024xf32, #tpu.memory_space<vmem>> -> memref<1x16x1024xf32, #tpu.memory_space<vmem>>
    %dma_wait3A_321 = tpu.memref_squeeze %dma_wait3A_320 : memref<1x16x1024xf32, #tpu.memory_space<vmem>> -> memref<16x1024xf32, #tpu.memory_space<vmem>>
    %dma_wait3A_322 = arith.constant 0 : i32
    %dma_wait3A_323 = tpu.memref_slice %arg2[%add3A_315, %dma_wait3A_322] : memref<16384x1024xf32, #tpu.memory_space<hbm>> -> memref<16x1024xf32, #tpu.memory_space<hbm>>
    %dma_wait3A_324 = tpu.memref_slice %arg9[%dma_wait3A_317] : memref<6x!tpu.dma_semaphore, #tpu.memory_space<semaphore_mem>> -> memref<1x!tpu.dma_semaphore, #tpu.memory_space<semaphore_mem>>
    %dma_wait3A_325 = tpu.memref_squeeze %dma_wait3A_324 : memref<1x!tpu.dma_semaphore, #tpu.memory_space<semaphore_mem>> -> memref<!tpu.dma_semaphore, #tpu.memory_space<semaphore_mem>>
    %dma_wait3A_326 = arith.constant 0 : i32
    %dma_wait3A_327 = arith.constant 0 : i32
    %dma_wait3A_328 = tpu.memref_slice %arg6[%dma_wait3A_316, %dma_wait3A_326, %dma_wait3A_327] : memref<6x16x1024xf32, #tpu.memory_space<vmem>> -> memref<1x16x1024xf32, #tpu.memory_space<vmem>>
    %dma_wait3A_329 = tpu.memref_squeeze %dma_wait3A_328 : memref<1x16x1024xf32, #tpu.memory_space<vmem>> -> memref<16x1024xf32, #tpu.memory_space<vmem>>
    %dma_wait3A_330 = arith.constant 0 : i32
    %dma_wait3A_331 = tpu.memref_slice %arg2[%add3A_315, %dma_wait3A_330] : memref<16384x1024xf32, #tpu.memory_space<hbm>> -> memref<16x1024xf32, #tpu.memory_space<hbm>>
    tpu.wait_dma2 semaphore(%dma_wait3A_325 : memref<!tpu.dma_semaphore, #tpu.memory_space<semaphore_mem>>) src(%dma_wait3A_331 : memref<16x1024xf32, #tpu.memory_space<hbm>>) dst(%dma_wait3A_329 : memref<16x1024xf32, #tpu.memory_space<vmem>>)
    %dma_wait3A_332 = arith.constant 2 : i32
    %dma_wait3A_333 = arith.constant 2 : i32
    %dma_wait3A_334 = arith.constant 0 : i32
    %dma_wait3A_335 = arith.constant 0 : i32
    %dma_wait3A_336 = tpu.memref_slice %arg7[%dma_wait3A_332, %dma_wait3A_334, %dma_wait3A_335] : memref<6x16x16xi32, #tpu.memory_space<vmem>> -> memref<1x16x16xi32, #tpu.memory_space<vmem>>
    %dma_wait3A_337 = tpu.memref_squeeze %dma_wait3A_336 : memref<1x16x16xi32, #tpu.memory_space<vmem>> -> memref<16x16xi32, #tpu.memory_space<vmem>>
    %dma_wait3A_338 = arith.constant 0 : i32
    %dma_wait3A_339 = tpu.memref_slice %arg3[%add3A_315, %dma_wait3A_338] : memref<16384x16xi32, #tpu.memory_space<hbm>> -> memref<16x16xi32, #tpu.memory_space<hbm>>
    %dma_wait3A_340 = tpu.memref_slice %arg10[%dma_wait3A_333] : memref<6x!tpu.dma_semaphore, #tpu.memory_space<semaphore_mem>> -> memref<1x!tpu.dma_semaphore, #tpu.memory_space<semaphore_mem>>
    %dma_wait3A_341 = tpu.memref_squeeze %dma_wait3A_340 : memref<1x!tpu.dma_semaphore, #tpu.memory_space<semaphore_mem>> -> memref<!tpu.dma_semaphore, #tpu.memory_space<semaphore_mem>>
    %dma_wait3A_342 = arith.constant 0 : i32
    %dma_wait3A_343 = arith.constant 0 : i32
    %dma_wait3A_344 = tpu.memref_slice %arg7[%dma_wait3A_332, %dma_wait3A_342, %dma_wait3A_343] : memref<6x16x16xi32, #tpu.memory_space<vmem>> -> memref<1x16x16xi32, #tpu.memory_space<vmem>>
    %dma_wait3A_345 = tpu.memref_squeeze %dma_wait3A_344 : memref<1x16x16xi32, #tpu.memory_space<vmem>> -> memref<16x16xi32, #tpu.memory_space<vmem>>
    %dma_wait3A_346 = arith.constant 0 : i32
    %dma_wait3A_347 = tpu.memref_slice %arg3[%add3A_315, %dma_wait3A_346] : memref<16384x16xi32, #tpu.memory_space<hbm>> -> memref<16x16xi32, #tpu.memory_space<hbm>>
    tpu.wait_dma2 semaphore(%dma_wait3A_341 : memref<!tpu.dma_semaphore, #tpu.memory_space<semaphore_mem>>) src(%dma_wait3A_347 : memref<16x16xi32, #tpu.memory_space<hbm>>) dst(%dma_wait3A_345 : memref<16x16xi32, #tpu.memory_space<vmem>>)
    %add3A_348 = arith.constant 0 : i32
    %add3A_349 = arith.addi %mul3A_2, %add3A_348 : i32
    %dma_wait3A_350 = arith.constant 0 : i32
    %dma_wait3A_351 = arith.constant 0 : i32
    %dma_wait3A_352 = arith.constant 0 : i32
    %dma_wait3A_353 = arith.constant 0 : i32
    %dma_wait3A_354 = tpu.memref_slice %arg6[%dma_wait3A_350, %dma_wait3A_352, %dma_wait3A_353] : memref<6x16x1024xf32, #tpu.memory_space<vmem>> -> memref<1x16x1024xf32, #tpu.memory_space<vmem>>
    %dma_wait3A_355 = tpu.memref_squeeze %dma_wait3A_354 : memref<1x16x1024xf32, #tpu.memory_space<vmem>> -> memref<16x1024xf32, #tpu.memory_space<vmem>>
    %dma_wait3A_356 = arith.constant 0 : i32
    %dma_wait3A_357 = tpu.memref_slice %arg5[%add3A_349, %dma_wait3A_356] : memref<16384x1024xf32, #tpu.memory_space<hbm>> -> memref<16x1024xf32, #tpu.memory_space<hbm>>
    %dma_wait3A_358 = tpu.memref_slice %arg11[%dma_wait3A_351] : memref<6x!tpu.dma_semaphore, #tpu.memory_space<semaphore_mem>> -> memref<1x!tpu.dma_semaphore, #tpu.memory_space<semaphore_mem>>
    %dma_wait3A_359 = tpu.memref_squeeze %dma_wait3A_358 : memref<1x!tpu.dma_semaphore, #tpu.memory_space<semaphore_mem>> -> memref<!tpu.dma_semaphore, #tpu.memory_space<semaphore_mem>>
    %dma_wait3A_360 = arith.constant 0 : i32
    %dma_wait3A_361 = tpu.memref_slice %arg5[%add3A_349, %dma_wait3A_360] : memref<16384x1024xf32, #tpu.memory_space<hbm>> -> memref<16x1024xf32, #tpu.memory_space<hbm>>
    %dma_wait3A_362 = arith.constant 0 : i32
    %dma_wait3A_363 = arith.constant 0 : i32
    %dma_wait3A_364 = tpu.memref_slice %arg6[%dma_wait3A_350, %dma_wait3A_362, %dma_wait3A_363] : memref<6x16x1024xf32, #tpu.memory_space<vmem>> -> memref<1x16x1024xf32, #tpu.memory_space<vmem>>
    %dma_wait3A_365 = tpu.memref_squeeze %dma_wait3A_364 : memref<1x16x1024xf32, #tpu.memory_space<vmem>> -> memref<16x1024xf32, #tpu.memory_space<vmem>>
    tpu.wait_dma2 semaphore(%dma_wait3A_359 : memref<!tpu.dma_semaphore, #tpu.memory_space<semaphore_mem>>) src(%dma_wait3A_365 : memref<16x1024xf32, #tpu.memory_space<vmem>>) dst(%dma_wait3A_361 : memref<16x1024xf32, #tpu.memory_space<hbm>>)
    %add3A_366 = arith.constant 96 : i32
    %add3A_367 = arith.addi %mul3A_2, %add3A_366 : i32
    %dma_start3A_368 = arith.constant 0 : i32
    %dma_start3A_369 = arith.constant 0 : i32
    %dma_start3A_370 = arith.constant 0 : i32
    %dma_start3A_371 = arith.constant 0 : i32
    %dma_start3A_372 = tpu.memref_slice %arg6[%dma_start3A_368, %dma_start3A_370, %dma_start3A_371] : memref<6x16x1024xf32, #tpu.memory_space<vmem>> -> memref<1x16x1024xf32, #tpu.memory_space<vmem>>
    %dma_start3A_373 = tpu.memref_squeeze %dma_start3A_372 : memref<1x16x1024xf32, #tpu.memory_space<vmem>> -> memref<16x1024xf32, #tpu.memory_space<vmem>>
    %dma_start3A_374 = arith.constant 0 : i32
    %dma_start3A_375 = tpu.memref_slice %arg2[%add3A_367, %dma_start3A_374] : memref<16384x1024xf32, #tpu.memory_space<hbm>> -> memref<16x1024xf32, #tpu.memory_space<hbm>>
    %dma_start3A_376 = tpu.memref_slice %arg9[%dma_start3A_369] : memref<6x!tpu.dma_semaphore, #tpu.memory_space<semaphore_mem>> -> memref<1x!tpu.dma_semaphore, #tpu.memory_space<semaphore_mem>>
    %dma_start3A_377 = tpu.memref_squeeze %dma_start3A_376 : memref<1x!tpu.dma_semaphore, #tpu.memory_space<semaphore_mem>> -> memref<!tpu.dma_semaphore, #tpu.memory_space<semaphore_mem>>
    %dma_start3A_378 = arith.constant 0 : i32
    %dma_start3A_379 = arith.constant 0 : i32
    %dma_start3A_380 = tpu.memref_slice %arg6[%dma_start3A_368, %dma_start3A_378, %dma_start3A_379] : memref<6x16x1024xf32, #tpu.memory_space<vmem>> -> memref<1x16x1024xf32, #tpu.memory_space<vmem>>
    %dma_start3A_381 = tpu.memref_squeeze %dma_start3A_380 : memref<1x16x1024xf32, #tpu.memory_space<vmem>> -> memref<16x1024xf32, #tpu.memory_space<vmem>>
    %dma_start3A_382 = arith.constant 0 : i32
    %dma_start3A_383 = tpu.memref_slice %arg2[%add3A_367, %dma_start3A_382] : memref<16384x1024xf32, #tpu.memory_space<hbm>> -> memref<16x1024xf32, #tpu.memory_space<hbm>>
    tpu.enqueue_dma source(%dma_start3A_383 : memref<16x1024xf32, #tpu.memory_space<hbm>>) target(%dma_start3A_381 : memref<16x1024xf32, #tpu.memory_space<vmem>>) target_semaphore(%dma_start3A_377 : memref<!tpu.dma_semaphore, #tpu.memory_space<semaphore_mem>>)
    %dma_start3A_384 = arith.constant 0 : i32
    %dma_start3A_385 = arith.constant 0 : i32
    %dma_start3A_386 = arith.constant 0 : i32
    %dma_start3A_387 = arith.constant 0 : i32
    %dma_start3A_388 = tpu.memref_slice %arg7[%dma_start3A_384, %dma_start3A_386, %dma_start3A_387] : memref<6x16x16xi32, #tpu.memory_space<vmem>> -> memref<1x16x16xi32, #tpu.memory_space<vmem>>
    %dma_start3A_389 = tpu.memref_squeeze %dma_start3A_388 : memref<1x16x16xi32, #tpu.memory_space<vmem>> -> memref<16x16xi32, #tpu.memory_space<vmem>>
    %dma_start3A_390 = arith.constant 0 : i32
    %dma_start3A_391 = tpu.memref_slice %arg3[%add3A_367, %dma_start3A_390] : memref<16384x16xi32, #tpu.memory_space<hbm>> -> memref<16x16xi32, #tpu.memory_space<hbm>>
    %dma_start3A_392 = tpu.memref_slice %arg10[%dma_start3A_385] : memref<6x!tpu.dma_semaphore, #tpu.memory_space<semaphore_mem>> -> memref<1x!tpu.dma_semaphore, #tpu.memory_space<semaphore_mem>>
    %dma_start3A_393 = tpu.memref_squeeze %dma_start3A_392 : memref<1x!tpu.dma_semaphore, #tpu.memory_space<semaphore_mem>> -> memref<!tpu.dma_semaphore, #tpu.memory_space<semaphore_mem>>
    %dma_start3A_394 = arith.constant 0 : i32
    %dma_start3A_395 = arith.constant 0 : i32
    %dma_start3A_396 = tpu.memref_slice %arg7[%dma_start3A_384, %dma_start3A_394, %dma_start3A_395] : memref<6x16x16xi32, #tpu.memory_space<vmem>> -> memref<1x16x16xi32, #tpu.memory_space<vmem>>
    %dma_start3A_397 = tpu.memref_squeeze %dma_start3A_396 : memref<1x16x16xi32, #tpu.memory_space<vmem>> -> memref<16x16xi32, #tpu.memory_space<vmem>>
    %dma_start3A_398 = arith.constant 0 : i32
    %dma_start3A_399 = tpu.memref_slice %arg3[%add3A_367, %dma_start3A_398] : memref<16384x16xi32, #tpu.memory_space<hbm>> -> memref<16x16xi32, #tpu.memory_space<hbm>>
    tpu.enqueue_dma source(%dma_start3A_399 : memref<16x16xi32, #tpu.memory_space<hbm>>) target(%dma_start3A_397 : memref<16x16xi32, #tpu.memory_space<vmem>>) target_semaphore(%dma_start3A_393 : memref<!tpu.dma_semaphore, #tpu.memory_space<semaphore_mem>>)
    %parallel_loop3A_400 = arith.constant 0 : i32
    %parallel_loop3A_401 = arith.constant 16 : i32
    %parallel_loop3A_402 = arith.constant 2 : i32
    scf.for %parallel_loop3A_862 = %parallel_loop3A_400 to %parallel_loop3A_401 step %parallel_loop3A_402  : i32 {
      %parallel_loop3A_863 = arith.constant 2 : i32
      %parallel_loop3A_864 = arith.index_cast %parallel_loop3A_863 : i32 to index
      %parallel_loop3A_865 = arith.index_cast %parallel_loop3A_862 : i32 to index
      %parallel_loop3A_866 = arith.constant 0 : index
      %parallel_loop3A_867 = tpu.vector_load %arg7[%parallel_loop3A_864, %parallel_loop3A_865, %parallel_loop3A_866] {strides = array<i32>} : memref<6x16x16xi32, #tpu.memory_space<vmem>>, vector<16xi32>,
      %parallel_loop3A_868 = arith.constant 1 : i32
      %parallel_loop3A_869 = arith.addi %parallel_loop3A_862, %parallel_loop3A_868 : i32
      %parallel_loop3A_870 = arith.constant 2 : i32
      %parallel_loop3A_871 = arith.index_cast %parallel_loop3A_870 : i32 to index
      %parallel_loop3A_872 = arith.index_cast %parallel_loop3A_869 : i32 to index
      %parallel_loop3A_873 = arith.constant 0 : index
      %parallel_loop3A_874 = tpu.vector_load %arg7[%parallel_loop3A_871, %parallel_loop3A_872, %parallel_loop3A_873] {strides = array<i32>} : memref<6x16x16xi32, #tpu.memory_space<vmem>>, vector<16xi32>,
      %parallel_loop3A_875 = arith.constant 0 : i32
      %parallel_loop3A_876 = arith.constant 64 : i32
      %parallel_loop3A_877 = arith.constant 1 : i32
      scf.for %parallel_loop3A_878 = %parallel_loop3A_875 to %parallel_loop3A_876 step %parallel_loop3A_877  : i32 {
        %parallel_loop3A_879 = arith.constant 16 : i32
        %parallel_loop3A_880 = arith.muli %parallel_loop3A_878, %parallel_loop3A_879 : i32
        %parallel_loop3A_881 = vector.broadcast %parallel_loop3A_880 : i32 to vector<16xi32>
        %parallel_loop3A_882 = arith.addi %parallel_loop3A_867, %parallel_loop3A_881 : vector<16xi32>
        %parallel_loop3A_883 = tpu.vector_load_idx %arg8[%parallel_loop3A_882] : memref<3072xf32, #tpu.memory_space<vmem>>[vector<16xi32>], vector<16xf32>,
        %parallel_loop3A_884 = vector.broadcast %parallel_loop3A_880 : i32 to vector<16xi32>
        %parallel_loop3A_885 = arith.addi %parallel_loop3A_874, %parallel_loop3A_884 : vector<16xi32>
        %parallel_loop3A_886 = tpu.vector_load_idx %arg8[%parallel_loop3A_885] : memref<3072xf32, #tpu.memory_space<vmem>>[vector<16xi32>], vector<16xf32>,
        %parallel_loop3A_887 = arith.constant 2 : i32
        %parallel_loop3A_888 = arith.index_cast %parallel_loop3A_887 : i32 to index
        %parallel_loop3A_889 = arith.index_cast %parallel_loop3A_862 : i32 to index
        %parallel_loop3A_890 = arith.index_cast %parallel_loop3A_880 : i32 to index
        %parallel_loop3A_891 = tpu.vector_load %arg6[%parallel_loop3A_888, %parallel_loop3A_889, %parallel_loop3A_890] {strides = array<i32>} : memref<6x16x1024xf32, #tpu.memory_space<vmem>>, vector<16xf32>,
        tpu.vector_store %arg6[%parallel_loop3A_888, %parallel_loop3A_889, %parallel_loop3A_890], %parallel_loop3A_883 {add = true, strides = array<i32>} : memref<6x16x1024xf32, #tpu.memory_space<vmem>>, vector<16xf32>,
        %parallel_loop3A_892 = arith.constant 1 : i32
        %parallel_loop3A_893 = arith.addi %parallel_loop3A_862, %parallel_loop3A_892 : i32
        %parallel_loop3A_894 = arith.constant 2 : i32
        %parallel_loop3A_895 = arith.index_cast %parallel_loop3A_894 : i32 to index
        %parallel_loop3A_896 = arith.index_cast %parallel_loop3A_893 : i32 to index
        %parallel_loop3A_897 = arith.index_cast %parallel_loop3A_880 : i32 to index
        %parallel_loop3A_898 = tpu.vector_load %arg6[%parallel_loop3A_895, %parallel_loop3A_896, %parallel_loop3A_897] {strides = array<i32>} : memref<6x16x1024xf32, #tpu.memory_space<vmem>>, vector<16xf32>,
        tpu.vector_store %arg6[%parallel_loop3A_895, %parallel_loop3A_896, %parallel_loop3A_897], %parallel_loop3A_886 {add = true, strides = array<i32>} : memref<6x16x1024xf32, #tpu.memory_space<vmem>>, vector<16xf32>,
      } {sc.loop_unroll_factor = 8 : i64, sc.parallel_access}
    } {sc.loop_unroll_factor = 1 : i64, sc.parallel_access}
    %add3A_403 = arith.constant 32 : i32
    %add3A_404 = arith.addi %mul3A_2, %add3A_403 : i32
    %dma_start3A_405 = arith.constant 2 : i32
    %dma_start3A_406 = arith.constant 2 : i32
    %dma_start3A_407 = arith.constant 0 : i32
    %dma_start3A_408 = arith.constant 0 : i32
    %dma_start3A_409 = tpu.memref_slice %arg6[%dma_start3A_405, %dma_start3A_407, %dma_start3A_408] : memref<6x16x1024xf32, #tpu.memory_space<vmem>> -> memref<1x16x1024xf32, #tpu.memory_space<vmem>>
    %dma_start3A_410 = tpu.memref_squeeze %dma_start3A_409 : memref<1x16x1024xf32, #tpu.memory_space<vmem>> -> memref<16x1024xf32, #tpu.memory_space<vmem>>
    %dma_start3A_411 = arith.constant 0 : i32
    %dma_start3A_412 = tpu.memref_slice %arg5[%add3A_404, %dma_start3A_411] : memref<16384x1024xf32, #tpu.memory_space<hbm>> -> memref<16x1024xf32, #tpu.memory_space<hbm>>
    %dma_start3A_413 = tpu.memref_slice %arg11[%dma_start3A_406] : memref<6x!tpu.dma_semaphore, #tpu.memory_space<semaphore_mem>> -> memref<1x!tpu.dma_semaphore, #tpu.memory_space<semaphore_mem>>
    %dma_start3A_414 = tpu.memref_squeeze %dma_start3A_413 : memref<1x!tpu.dma_semaphore, #tpu.memory_space<semaphore_mem>> -> memref<!tpu.dma_semaphore, #tpu.memory_space<semaphore_mem>>
    %dma_start3A_415 = arith.constant 0 : i32
    %dma_start3A_416 = tpu.memref_slice %arg5[%add3A_404, %dma_start3A_415] : memref<16384x1024xf32, #tpu.memory_space<hbm>> -> memref<16x1024xf32, #tpu.memory_space<hbm>>
    %dma_start3A_417 = arith.constant 0 : i32
    %dma_start3A_418 = arith.constant 0 : i32
    %dma_start3A_419 = tpu.memref_slice %arg6[%dma_start3A_405, %dma_start3A_417, %dma_start3A_418] : memref<6x16x1024xf32, #tpu.memory_space<vmem>> -> memref<1x16x1024xf32, #tpu.memory_space<vmem>>
    %dma_start3A_420 = tpu.memref_squeeze %dma_start3A_419 : memref<1x16x1024xf32, #tpu.memory_space<vmem>> -> memref<16x1024xf32, #tpu.memory_space<vmem>>
    tpu.enqueue_dma source(%dma_start3A_420 : memref<16x1024xf32, #tpu.memory_space<vmem>>) target(%dma_start3A_416 : memref<16x1024xf32, #tpu.memory_space<hbm>>) target_semaphore(%dma_start3A_414 : memref<!tpu.dma_semaphore, #tpu.memory_space<semaphore_mem>>)
    %add3A_421 = arith.constant 48 : i32
    %add3A_422 = arith.addi %mul3A_2, %add3A_421 : i32
    %dma_wait3A_423 = arith.constant 3 : i32
    %dma_wait3A_424 = arith.constant 3 : i32
    %dma_wait3A_425 = arith.constant 0 : i32
    %dma_wait3A_426 = arith.constant 0 : i32
    %dma_wait3A_427 = tpu.memref_slice %arg6[%dma_wait3A_423, %dma_wait3A_425, %dma_wait3A_426] : memref<6x16x1024xf32, #tpu.memory_space<vmem>> -> memref<1x16x1024xf32, #tpu.memory_space<vmem>>
    %dma_wait3A_428 = tpu.memref_squeeze %dma_wait3A_427 : memref<1x16x1024xf32, #tpu.memory_space<vmem>> -> memref<16x1024xf32, #tpu.memory_space<vmem>>
    %dma_wait3A_429 = arith.constant 0 : i32
    %dma_wait3A_430 = tpu.memref_slice %arg2[%add3A_422, %dma_wait3A_429] : memref<16384x1024xf32, #tpu.memory_space<hbm>> -> memref<16x1024xf32, #tpu.memory_space<hbm>>
    %dma_wait3A_431 = tpu.memref_slice %arg9[%dma_wait3A_424] : memref<6x!tpu.dma_semaphore, #tpu.memory_space<semaphore_mem>> -> memref<1x!tpu.dma_semaphore, #tpu.memory_space<semaphore_mem>>
    %dma_wait3A_432 = tpu.memref_squeeze %dma_wait3A_431 : memref<1x!tpu.dma_semaphore, #tpu.memory_space<semaphore_mem>> -> memref<!tpu.dma_semaphore, #tpu.memory_space<semaphore_mem>>
    %dma_wait3A_433 = arith.constant 0 : i32
    %dma_wait3A_434 = arith.constant 0 : i32
    %dma_wait3A_435 = tpu.memref_slice %arg6[%dma_wait3A_423, %dma_wait3A_433, %dma_wait3A_434] : memref<6x16x1024xf32, #tpu.memory_space<vmem>> -> memref<1x16x1024xf32, #tpu.memory_space<vmem>>
    %dma_wait3A_436 = tpu.memref_squeeze %dma_wait3A_435 : memref<1x16x1024xf32, #tpu.memory_space<vmem>> -> memref<16x1024xf32, #tpu.memory_space<vmem>>
    %dma_wait3A_437 = arith.constant 0 : i32
    %dma_wait3A_438 = tpu.memref_slice %arg2[%add3A_422, %dma_wait3A_437] : memref<16384x1024xf32, #tpu.memory_space<hbm>> -> memref<16x1024xf32, #tpu.memory_space<hbm>>
    tpu.wait_dma2 semaphore(%dma_wait3A_432 : memref<!tpu.dma_semaphore, #tpu.memory_space<semaphore_mem>>) src(%dma_wait3A_438 : memref<16x1024xf32, #tpu.memory_space<hbm>>) dst(%dma_wait3A_436 : memref<16x1024xf32, #tpu.memory_space<vmem>>)
    %dma_wait3A_439 = arith.constant 3 : i32
    %dma_wait3A_440 = arith.constant 3 : i32
    %dma_wait3A_441 = arith.constant 0 : i32
    %dma_wait3A_442 = arith.constant 0 : i32
    %dma_wait3A_443 = tpu.memref_slice %arg7[%dma_wait3A_439, %dma_wait3A_441, %dma_wait3A_442] : memref<6x16x16xi32, #tpu.memory_space<vmem>> -> memref<1x16x16xi32, #tpu.memory_space<vmem>>
    %dma_wait3A_444 = tpu.memref_squeeze %dma_wait3A_443 : memref<1x16x16xi32, #tpu.memory_space<vmem>> -> memref<16x16xi32, #tpu.memory_space<vmem>>
    %dma_wait3A_445 = arith.constant 0 : i32
    %dma_wait3A_446 = tpu.memref_slice %arg3[%add3A_422, %dma_wait3A_445] : memref<16384x16xi32, #tpu.memory_space<hbm>> -> memref<16x16xi32, #tpu.memory_space<hbm>>
    %dma_wait3A_447 = tpu.memref_slice %arg10[%dma_wait3A_440] : memref<6x!tpu.dma_semaphore, #tpu.memory_space<semaphore_mem>> -> memref<1x!tpu.dma_semaphore, #tpu.memory_space<semaphore_mem>>
    %dma_wait3A_448 = tpu.memref_squeeze %dma_wait3A_447 : memref<1x!tpu.dma_semaphore, #tpu.memory_space<semaphore_mem>> -> memref<!tpu.dma_semaphore, #tpu.memory_space<semaphore_mem>>
    %dma_wait3A_449 = arith.constant 0 : i32
    %dma_wait3A_450 = arith.constant 0 : i32
    %dma_wait3A_451 = tpu.memref_slice %arg7[%dma_wait3A_439, %dma_wait3A_449, %dma_wait3A_450] : memref<6x16x16xi32, #tpu.memory_space<vmem>> -> memref<1x16x16xi32, #tpu.memory_space<vmem>>
    %dma_wait3A_452 = tpu.memref_squeeze %dma_wait3A_451 : memref<1x16x16xi32, #tpu.memory_space<vmem>> -> memref<16x16xi32, #tpu.memory_space<vmem>>
    %dma_wait3A_453 = arith.constant 0 : i32
    %dma_wait3A_454 = tpu.memref_slice %arg3[%add3A_422, %dma_wait3A_453] : memref<16384x16xi32, #tpu.memory_space<hbm>> -> memref<16x16xi32, #tpu.memory_space<hbm>>
    tpu.wait_dma2 semaphore(%dma_wait3A_448 : memref<!tpu.dma_semaphore, #tpu.memory_space<semaphore_mem>>) src(%dma_wait3A_454 : memref<16x16xi32, #tpu.memory_space<hbm>>) dst(%dma_wait3A_452 : memref<16x16xi32, #tpu.memory_space<vmem>>)
    %add3A_455 = arith.constant 16 : i32
    %add3A_456 = arith.addi %mul3A_2, %add3A_455 : i32
    %dma_wait3A_457 = arith.constant 1 : i32
    %dma_wait3A_458 = arith.constant 1 : i32
    %dma_wait3A_459 = arith.constant 0 : i32
    %dma_wait3A_460 = arith.constant 0 : i32
    %dma_wait3A_461 = tpu.memref_slice %arg6[%dma_wait3A_457, %dma_wait3A_459, %dma_wait3A_460] : memref<6x16x1024xf32, #tpu.memory_space<vmem>> -> memref<1x16x1024xf32, #tpu.memory_space<vmem>>
    %dma_wait3A_462 = tpu.memref_squeeze %dma_wait3A_461 : memref<1x16x1024xf32, #tpu.memory_space<vmem>> -> memref<16x1024xf32, #tpu.memory_space<vmem>>
    %dma_wait3A_463 = arith.constant 0 : i32
    %dma_wait3A_464 = tpu.memref_slice %arg5[%add3A_456, %dma_wait3A_463] : memref<16384x1024xf32, #tpu.memory_space<hbm>> -> memref<16x1024xf32, #tpu.memory_space<hbm>>
    %dma_wait3A_465 = tpu.memref_slice %arg11[%dma_wait3A_458] : memref<6x!tpu.dma_semaphore, #tpu.memory_space<semaphore_mem>> -> memref<1x!tpu.dma_semaphore, #tpu.memory_space<semaphore_mem>>
    %dma_wait3A_466 = tpu.memref_squeeze %dma_wait3A_465 : memref<1x!tpu.dma_semaphore, #tpu.memory_space<semaphore_mem>> -> memref<!tpu.dma_semaphore, #tpu.memory_space<semaphore_mem>>
    %dma_wait3A_467 = arith.constant 0 : i32
    %dma_wait3A_468 = tpu.memref_slice %arg5[%add3A_456, %dma_wait3A_467] : memref<16384x1024xf32, #tpu.memory_space<hbm>> -> memref<16x1024xf32, #tpu.memory_space<hbm>>
    %dma_wait3A_469 = arith.constant 0 : i32
    %dma_wait3A_470 = arith.constant 0 : i32
    %dma_wait3A_471 = tpu.memref_slice %arg6[%dma_wait3A_457, %dma_wait3A_469, %dma_wait3A_470] : memref<6x16x1024xf32, #tpu.memory_space<vmem>> -> memref<1x16x1024xf32, #tpu.memory_space<vmem>>
    %dma_wait3A_472 = tpu.memref_squeeze %dma_wait3A_471 : memref<1x16x1024xf32, #tpu.memory_space<vmem>> -> memref<16x1024xf32, #tpu.memory_space<vmem>>
    tpu.wait_dma2 semaphore(%dma_wait3A_466 : memref<!tpu.dma_semaphore, #tpu.memory_space<semaphore_mem>>) src(%dma_wait3A_472 : memref<16x1024xf32, #tpu.memory_space<vmem>>) dst(%dma_wait3A_468 : memref<16x1024xf32, #tpu.memory_space<hbm>>)
    %add3A_473 = arith.constant 112 : i32
    %add3A_474 = arith.addi %mul3A_2, %add3A_473 : i32
    %dma_start3A_475 = arith.constant 1 : i32
    %dma_start3A_476 = arith.constant 1 : i32
    %dma_start3A_477 = arith.constant 0 : i32
    %dma_start3A_478 = arith.constant 0 : i32
    %dma_start3A_479 = tpu.memref_slice %arg6[%dma_start3A_475, %dma_start3A_477, %dma_start3A_478] : memref<6x16x1024xf32, #tpu.memory_space<vmem>> -> memref<1x16x1024xf32, #tpu.memory_space<vmem>>
    %dma_start3A_480 = tpu.memref_squeeze %dma_start3A_479 : memref<1x16x1024xf32, #tpu.memory_space<vmem>> -> memref<16x1024xf32, #tpu.memory_space<vmem>>
    %dma_start3A_481 = arith.constant 0 : i32
    %dma_start3A_482 = tpu.memref_slice %arg2[%add3A_474, %dma_start3A_481] : memref<16384x1024xf32, #tpu.memory_space<hbm>> -> memref<16x1024xf32, #tpu.memory_space<hbm>>
    %dma_start3A_483 = tpu.memref_slice %arg9[%dma_start3A_476] : memref<6x!tpu.dma_semaphore, #tpu.memory_space<semaphore_mem>> -> memref<1x!tpu.dma_semaphore, #tpu.memory_space<semaphore_mem>>
    %dma_start3A_484 = tpu.memref_squeeze %dma_start3A_483 : memref<1x!tpu.dma_semaphore, #tpu.memory_space<semaphore_mem>> -> memref<!tpu.dma_semaphore, #tpu.memory_space<semaphore_mem>>
    %dma_start3A_485 = arith.constant 0 : i32
    %dma_start3A_486 = arith.constant 0 : i32
    %dma_start3A_487 = tpu.memref_slice %arg6[%dma_start3A_475, %dma_start3A_485, %dma_start3A_486] : memref<6x16x1024xf32, #tpu.memory_space<vmem>> -> memref<1x16x1024xf32, #tpu.memory_space<vmem>>
    %dma_start3A_488 = tpu.memref_squeeze %dma_start3A_487 : memref<1x16x1024xf32, #tpu.memory_space<vmem>> -> memref<16x1024xf32, #tpu.memory_space<vmem>>
    %dma_start3A_489 = arith.constant 0 : i32
    %dma_start3A_490 = tpu.memref_slice %arg2[%add3A_474, %dma_start3A_489] : memref<16384x1024xf32, #tpu.memory_space<hbm>> -> memref<16x1024xf32, #tpu.memory_space<hbm>>
    tpu.enqueue_dma source(%dma_start3A_490 : memref<16x1024xf32, #tpu.memory_space<hbm>>) target(%dma_start3A_488 : memref<16x1024xf32, #tpu.memory_space<vmem>>) target_semaphore(%dma_start3A_484 : memref<!tpu.dma_semaphore, #tpu.memory_space<semaphore_mem>>)
    %dma_start3A_491 = arith.constant 1 : i32
    %dma_start3A_492 = arith.constant 1 : i32
    %dma_start3A_493 = arith.constant 0 : i32
    %dma_start3A_494 = arith.constant 0 : i32
    %dma_start3A_495 = tpu.memref_slice %arg7[%dma_start3A_491, %dma_start3A_493, %dma_start3A_494] : memref<6x16x16xi32, #tpu.memory_space<vmem>> -> memref<1x16x16xi32, #tpu.memory_space<vmem>>
    %dma_start3A_496 = tpu.memref_squeeze %dma_start3A_495 : memref<1x16x16xi32, #tpu.memory_space<vmem>> -> memref<16x16xi32, #tpu.memory_space<vmem>>
    %dma_start3A_497 = arith.constant 0 : i32
    %dma_start3A_498 = tpu.memref_slice %arg3[%add3A_474, %dma_start3A_497] : memref<16384x16xi32, #tpu.memory_space<hbm>> -> memref<16x16xi32, #tpu.memory_space<hbm>>
    %dma_start3A_499 = tpu.memref_slice %arg10[%dma_start3A_492] : memref<6x!tpu.dma_semaphore, #tpu.memory_space<semaphore_mem>> -> memref<1x!tpu.dma_semaphore, #tpu.memory_space<semaphore_mem>>
    %dma_start3A_500 = tpu.memref_squeeze %dma_start3A_499 : memref<1x!tpu.dma_semaphore, #tpu.memory_space<semaphore_mem>> -> memref<!tpu.dma_semaphore, #tpu.memory_space<semaphore_mem>>
    %dma_start3A_501 = arith.constant 0 : i32
    %dma_start3A_502 = arith.constant 0 : i32
    %dma_start3A_503 = tpu.memref_slice %arg7[%dma_start3A_491, %dma_start3A_501, %dma_start3A_502] : memref<6x16x16xi32, #tpu.memory_space<vmem>> -> memref<1x16x16xi32, #tpu.memory_space<vmem>>
    %dma_start3A_504 = tpu.memref_squeeze %dma_start3A_503 : memref<1x16x16xi32, #tpu.memory_space<vmem>> -> memref<16x16xi32, #tpu.memory_space<vmem>>
    %dma_start3A_505 = arith.constant 0 : i32
    %dma_start3A_506 = tpu.memref_slice %arg3[%add3A_474, %dma_start3A_505] : memref<16384x16xi32, #tpu.memory_space<hbm>> -> memref<16x16xi32, #tpu.memory_space<hbm>>
    tpu.enqueue_dma source(%dma_start3A_506 : memref<16x16xi32, #tpu.memory_space<hbm>>) target(%dma_start3A_504 : memref<16x16xi32, #tpu.memory_space<vmem>>) target_semaphore(%dma_start3A_500 : memref<!tpu.dma_semaphore, #tpu.memory_space<semaphore_mem>>)
    %parallel_loop3A_507 = arith.constant 0 : i32
    %parallel_loop3A_508 = arith.constant 16 : i32
    %parallel_loop3A_509 = arith.constant 2 : i32
    scf.for %parallel_loop3A_862 = %parallel_loop3A_507 to %parallel_loop3A_508 step %parallel_loop3A_509  : i32 {
      %parallel_loop3A_863 = arith.constant 3 : i32
      %parallel_loop3A_864 = arith.index_cast %parallel_loop3A_863 : i32 to index
      %parallel_loop3A_865 = arith.index_cast %parallel_loop3A_862 : i32 to index
      %parallel_loop3A_866 = arith.constant 0 : index
      %parallel_loop3A_867 = tpu.vector_load %arg7[%parallel_loop3A_864, %parallel_loop3A_865, %parallel_loop3A_866] {strides = array<i32>} : memref<6x16x16xi32, #tpu.memory_space<vmem>>, vector<16xi32>,
      %parallel_loop3A_868 = arith.constant 1 : i32
      %parallel_loop3A_869 = arith.addi %parallel_loop3A_862, %parallel_loop3A_868 : i32
      %parallel_loop3A_870 = arith.constant 3 : i32
      %parallel_loop3A_871 = arith.index_cast %parallel_loop3A_870 : i32 to index
      %parallel_loop3A_872 = arith.index_cast %parallel_loop3A_869 : i32 to index
      %parallel_loop3A_873 = arith.constant 0 : index
      %parallel_loop3A_874 = tpu.vector_load %arg7[%parallel_loop3A_871, %parallel_loop3A_872, %parallel_loop3A_873] {strides = array<i32>} : memref<6x16x16xi32, #tpu.memory_space<vmem>>, vector<16xi32>,
      %parallel_loop3A_875 = arith.constant 0 : i32
      %parallel_loop3A_876 = arith.constant 64 : i32
      %parallel_loop3A_877 = arith.constant 1 : i32
      scf.for %parallel_loop3A_878 = %parallel_loop3A_875 to %parallel_loop3A_876 step %parallel_loop3A_877  : i32 {
        %parallel_loop3A_879 = arith.constant 16 : i32
        %parallel_loop3A_880 = arith.muli %parallel_loop3A_878, %parallel_loop3A_879 : i32
        %parallel_loop3A_881 = vector.broadcast %parallel_loop3A_880 : i32 to vector<16xi32>
        %parallel_loop3A_882 = arith.addi %parallel_loop3A_867, %parallel_loop3A_881 : vector<16xi32>
        %parallel_loop3A_883 = tpu.vector_load_idx %arg8[%parallel_loop3A_882] : memref<3072xf32, #tpu.memory_space<vmem>>[vector<16xi32>], vector<16xf32>,
        %parallel_loop3A_884 = vector.broadcast %parallel_loop3A_880 : i32 to vector<16xi32>
        %parallel_loop3A_885 = arith.addi %parallel_loop3A_874, %parallel_loop3A_884 : vector<16xi32>
        %parallel_loop3A_886 = tpu.vector_load_idx %arg8[%parallel_loop3A_885] : memref<3072xf32, #tpu.memory_space<vmem>>[vector<16xi32>], vector<16xf32>,
        %parallel_loop3A_887 = arith.constant 3 : i32
        %parallel_loop3A_888 = arith.index_cast %parallel_loop3A_887 : i32 to index
        %parallel_loop3A_889 = arith.index_cast %parallel_loop3A_862 : i32 to index
        %parallel_loop3A_890 = arith.index_cast %parallel_loop3A_880 : i32 to index
        %parallel_loop3A_891 = tpu.vector_load %arg6[%parallel_loop3A_888, %parallel_loop3A_889, %parallel_loop3A_890] {strides = array<i32>} : memref<6x16x1024xf32, #tpu.memory_space<vmem>>, vector<16xf32>,
        tpu.vector_store %arg6[%parallel_loop3A_888, %parallel_loop3A_889, %parallel_loop3A_890], %parallel_loop3A_883 {add = true, strides = array<i32>} : memref<6x16x1024xf32, #tpu.memory_space<vmem>>, vector<16xf32>,
        %parallel_loop3A_892 = arith.constant 1 : i32
        %parallel_loop3A_893 = arith.addi %parallel_loop3A_862, %parallel_loop3A_892 : i32
        %parallel_loop3A_894 = arith.constant 3 : i32
        %parallel_loop3A_895 = arith.index_cast %parallel_loop3A_894 : i32 to index
        %parallel_loop3A_896 = arith.index_cast %parallel_loop3A_893 : i32 to index
        %parallel_loop3A_897 = arith.index_cast %parallel_loop3A_880 : i32 to index
        %parallel_loop3A_898 = tpu.vector_load %arg6[%parallel_loop3A_895, %parallel_loop3A_896, %parallel_loop3A_897] {strides = array<i32>} : memref<6x16x1024xf32, #tpu.memory_space<vmem>>, vector<16xf32>,
        tpu.vector_store %arg6[%parallel_loop3A_895, %parallel_loop3A_896, %parallel_loop3A_897], %parallel_loop3A_886 {add = true, strides = array<i32>} : memref<6x16x1024xf32, #tpu.memory_space<vmem>>, vector<16xf32>,
      } {sc.loop_unroll_factor = 8 : i64, sc.parallel_access}
    } {sc.loop_unroll_factor = 1 : i64, sc.parallel_access}
    %add3A_510 = arith.constant 48 : i32
    %add3A_511 = arith.addi %mul3A_2, %add3A_510 : i32
    %dma_start3A_512 = arith.constant 3 : i32
    %dma_start3A_513 = arith.constant 3 : i32
    %dma_start3A_514 = arith.constant 0 : i32
    %dma_start3A_515 = arith.constant 0 : i32
    %dma_start3A_516 = tpu.memref_slice %arg6[%dma_start3A_512, %dma_start3A_514, %dma_start3A_515] : memref<6x16x1024xf32, #tpu.memory_space<vmem>> -> memref<1x16x1024xf32, #tpu.memory_space<vmem>>
    %dma_start3A_517 = tpu.memref_squeeze %dma_start3A_516 : memref<1x16x1024xf32, #tpu.memory_space<vmem>> -> memref<16x1024xf32, #tpu.memory_space<vmem>>
    %dma_start3A_518 = arith.constant 0 : i32
    %dma_start3A_519 = tpu.memref_slice %arg5[%add3A_511, %dma_start3A_518] : memref<16384x1024xf32, #tpu.memory_space<hbm>> -> memref<16x1024xf32, #tpu.memory_space<hbm>>
    %dma_start3A_520 = tpu.memref_slice %arg11[%dma_start3A_513] : memref<6x!tpu.dma_semaphore, #tpu.memory_space<semaphore_mem>> -> memref<1x!tpu.dma_semaphore, #tpu.memory_space<semaphore_mem>>
    %dma_start3A_521 = tpu.memref_squeeze %dma_start3A_520 : memref<1x!tpu.dma_semaphore, #tpu.memory_space<semaphore_mem>> -> memref<!tpu.dma_semaphore, #tpu.memory_space<semaphore_mem>>
    %dma_start3A_522 = arith.constant 0 : i32
    %dma_start3A_523 = tpu.memref_slice %arg5[%add3A_511, %dma_start3A_522] : memref<16384x1024xf32, #tpu.memory_space<hbm>> -> memref<16x1024xf32, #tpu.memory_space<hbm>>
    %dma_start3A_524 = arith.constant 0 : i32
    %dma_start3A_525 = arith.constant 0 : i32
    %dma_start3A_526 = tpu.memref_slice %arg6[%dma_start3A_512, %dma_start3A_524, %dma_start3A_525] : memref<6x16x1024xf32, #tpu.memory_space<vmem>> -> memref<1x16x1024xf32, #tpu.memory_space<vmem>>
    %dma_start3A_527 = tpu.memref_squeeze %dma_start3A_526 : memref<1x16x1024xf32, #tpu.memory_space<vmem>> -> memref<16x1024xf32, #tpu.memory_space<vmem>>
    tpu.enqueue_dma source(%dma_start3A_527 : memref<16x1024xf32, #tpu.memory_space<vmem>>) target(%dma_start3A_523 : memref<16x1024xf32, #tpu.memory_space<hbm>>) target_semaphore(%dma_start3A_521 : memref<!tpu.dma_semaphore, #tpu.memory_space<semaphore_mem>>)
    %scan3A = arith.constant 0 : i32
    %scan3A_528 = arith.constant 0 : i32
    %scan3A_529 = arith.constant 4 : i32
    %scan3A_530 = arith.addi %scan3A_528, %scan3A_529 : i32
    %scan3A_531 = arith.constant 1 : i32
    %scan3A_532 = scf.for %scan3A_862 = %scan3A_528 to %scan3A_530 step %scan3A_531 iter_args(%scan3A_863 = %scan3A) -> (i32)  : i32 {
      %mul3A_864 = arith.constant 6 : i32
      %mul3A_865 = arith.muli %scan3A_862, %mul3A_864 : i32
      %add3A_866 = arith.constant 4 : i32
      %add3A_867 = arith.addi %mul3A_865, %add3A_866 : i32
      %add3A_868 = arith.constant 0 : i32
      %add3A_869 = arith.addi %add3A_867, %add3A_868 : i32
      %mul3A_870 = arith.constant 16 : i32
      %mul3A_871 = arith.muli %add3A_869, %mul3A_870 : i32
      %add3A_872 = arith.addi %mul3A_2, %mul3A_871 : i32
      %dma_wait3A_873 = arith.constant 4 : i32
      %dma_wait3A_874 = arith.constant 4 : i32
      %dma_wait3A_875 = arith.constant 0 : i32
      %dma_wait3A_876 = arith.constant 0 : i32
      %dma_wait3A_877 = tpu.memref_slice %arg6[%dma_wait3A_873, %dma_wait3A_875, %dma_wait3A_876] : memref<6x16x1024xf32, #tpu.memory_space<vmem>> -> memref<1x16x1024xf32, #tpu.memory_space<vmem>>
      %dma_wait3A_878 = tpu.memref_squeeze %dma_wait3A_877 : memref<1x16x1024xf32, #tpu.memory_space<vmem>> -> memref<16x1024xf32, #tpu.memory_space<vmem>>
      %dma_wait3A_879 = arith.constant 0 : i32
      %dma_wait3A_880 = tpu.memref_slice %arg2[%add3A_872, %dma_wait3A_879] : memref<16384x1024xf32, #tpu.memory_space<hbm>> -> memref<16x1024xf32, #tpu.memory_space<hbm>>
      %dma_wait3A_881 = tpu.memref_slice %arg9[%dma_wait3A_874] : memref<6x!tpu.dma_semaphore, #tpu.memory_space<semaphore_mem>> -> memref<1x!tpu.dma_semaphore, #tpu.memory_space<semaphore_mem>>
      %dma_wait3A_882 = tpu.memref_squeeze %dma_wait3A_881 : memref<1x!tpu.dma_semaphore, #tpu.memory_space<semaphore_mem>> -> memref<!tpu.dma_semaphore, #tpu.memory_space<semaphore_mem>>
      %dma_wait3A_883 = arith.constant 0 : i32
      %dma_wait3A_884 = arith.constant 0 : i32
      %dma_wait3A_885 = tpu.memref_slice %arg6[%dma_wait3A_873, %dma_wait3A_883, %dma_wait3A_884] : memref<6x16x1024xf32, #tpu.memory_space<vmem>> -> memref<1x16x1024xf32, #tpu.memory_space<vmem>>
      %dma_wait3A_886 = tpu.memref_squeeze %dma_wait3A_885 : memref<1x16x1024xf32, #tpu.memory_space<vmem>> -> memref<16x1024xf32, #tpu.memory_space<vmem>>
      %dma_wait3A_887 = arith.constant 0 : i32
      %dma_wait3A_888 = tpu.memref_slice %arg2[%add3A_872, %dma_wait3A_887] : memref<16384x1024xf32, #tpu.memory_space<hbm>> -> memref<16x1024xf32, #tpu.memory_space<hbm>>
      tpu.wait_dma2 semaphore(%dma_wait3A_882 : memref<!tpu.dma_semaphore, #tpu.memory_space<semaphore_mem>>) src(%dma_wait3A_888 : memref<16x1024xf32, #tpu.memory_space<hbm>>) dst(%dma_wait3A_886 : memref<16x1024xf32, #tpu.memory_space<vmem>>)
      %dma_wait3A_889 = arith.constant 4 : i32
      %dma_wait3A_890 = arith.constant 4 : i32
      %dma_wait3A_891 = arith.constant 0 : i32
      %dma_wait3A_892 = arith.constant 0 : i32
      %dma_wait3A_893 = tpu.memref_slice %arg7[%dma_wait3A_889, %dma_wait3A_891, %dma_wait3A_892] : memref<6x16x16xi32, #tpu.memory_space<vmem>> -> memref<1x16x16xi32, #tpu.memory_space<vmem>>
      %dma_wait3A_894 = tpu.memref_squeeze %dma_wait3A_893 : memref<1x16x16xi32, #tpu.memory_space<vmem>> -> memref<16x16xi32, #tpu.memory_space<vmem>>
      %dma_wait3A_895 = arith.constant 0 : i32
      %dma_wait3A_896 = tpu.memref_slice %arg3[%add3A_872, %dma_wait3A_895] : memref<16384x16xi32, #tpu.memory_space<hbm>> -> memref<16x16xi32, #tpu.memory_space<hbm>>
      %dma_wait3A_897 = tpu.memref_slice %arg10[%dma_wait3A_890] : memref<6x!tpu.dma_semaphore, #tpu.memory_space<semaphore_mem>> -> memref<1x!tpu.dma_semaphore, #tpu.memory_space<semaphore_mem>>
      %dma_wait3A_898 = tpu.memref_squeeze %dma_wait3A_897 : memref<1x!tpu.dma_semaphore, #tpu.memory_space<semaphore_mem>> -> memref<!tpu.dma_semaphore, #tpu.memory_space<semaphore_mem>>
      %dma_wait3A_899 = arith.constant 0 : i32
      %dma_wait3A_900 = arith.constant 0 : i32
      %dma_wait3A_901 = tpu.memref_slice %arg7[%dma_wait3A_889, %dma_wait3A_899, %dma_wait3A_900] : memref<6x16x16xi32, #tpu.memory_space<vmem>> -> memref<1x16x16xi32, #tpu.memory_space<vmem>>
      %dma_wait3A_902 = tpu.memref_squeeze %dma_wait3A_901 : memref<1x16x16xi32, #tpu.memory_space<vmem>> -> memref<16x16xi32, #tpu.memory_space<vmem>>
      %dma_wait3A_903 = arith.constant 0 : i32
      %dma_wait3A_904 = tpu.memref_slice %arg3[%add3A_872, %dma_wait3A_903] : memref<16384x16xi32, #tpu.memory_space<hbm>> -> memref<16x16xi32, #tpu.memory_space<hbm>>
      tpu.wait_dma2 semaphore(%dma_wait3A_898 : memref<!tpu.dma_semaphore, #tpu.memory_space<semaphore_mem>>) src(%dma_wait3A_904 : memref<16x16xi32, #tpu.memory_space<hbm>>) dst(%dma_wait3A_902 : memref<16x16xi32, #tpu.memory_space<vmem>>)
      %add3A_905 = arith.constant 4 : i32
      %add3A_906 = arith.addi %add3A_869, %add3A_905 : i32
      %sub3A = arith.constant 6 : i32
      %sub3A_907 = arith.subi %add3A_906, %sub3A : i32
      %mul3A_908 = arith.constant 16 : i32
      %mul3A_909 = arith.muli %sub3A_907, %mul3A_908 : i32
      %add3A_910 = arith.addi %mul3A_2, %mul3A_909 : i32
      %dma_wait3A_911 = arith.constant 2 : i32
      %dma_wait3A_912 = arith.constant 2 : i32
      %dma_wait3A_913 = arith.constant 0 : i32
      %dma_wait3A_914 = arith.constant 0 : i32
      %dma_wait3A_915 = tpu.memref_slice %arg6[%dma_wait3A_911, %dma_wait3A_913, %dma_wait3A_914] : memref<6x16x1024xf32, #tpu.memory_space<vmem>> -> memref<1x16x1024xf32, #tpu.memory_space<vmem>>
      %dma_wait3A_916 = tpu.memref_squeeze %dma_wait3A_915 : memref<1x16x1024xf32, #tpu.memory_space<vmem>> -> memref<16x1024xf32, #tpu.memory_space<vmem>>
      %dma_wait3A_917 = arith.constant 0 : i32
      %dma_wait3A_918 = tpu.memref_slice %arg5[%add3A_910, %dma_wait3A_917] : memref<16384x1024xf32, #tpu.memory_space<hbm>> -> memref<16x1024xf32, #tpu.memory_space<hbm>>
      %dma_wait3A_919 = tpu.memref_slice %arg11[%dma_wait3A_912] : memref<6x!tpu.dma_semaphore, #tpu.memory_space<semaphore_mem>> -> memref<1x!tpu.dma_semaphore, #tpu.memory_space<semaphore_mem>>
      %dma_wait3A_920 = tpu.memref_squeeze %dma_wait3A_919 : memref<1x!tpu.dma_semaphore, #tpu.memory_space<semaphore_mem>> -> memref<!tpu.dma_semaphore, #tpu.memory_space<semaphore_mem>>
      %dma_wait3A_921 = arith.constant 0 : i32
      %dma_wait3A_922 = tpu.memref_slice %arg5[%add3A_910, %dma_wait3A_921] : memref<16384x1024xf32, #tpu.memory_space<hbm>> -> memref<16x1024xf32, #tpu.memory_space<hbm>>
      %dma_wait3A_923 = arith.constant 0 : i32
      %dma_wait3A_924 = arith.constant 0 : i32
      %dma_wait3A_925 = tpu.memref_slice %arg6[%dma_wait3A_911, %dma_wait3A_923, %dma_wait3A_924] : memref<6x16x1024xf32, #tpu.memory_space<vmem>> -> memref<1x16x1024xf32, #tpu.memory_space<vmem>>
      %dma_wait3A_926 = tpu.memref_squeeze %dma_wait3A_925 : memref<1x16x1024xf32, #tpu.memory_space<vmem>> -> memref<16x1024xf32, #tpu.memory_space<vmem>>
      tpu.wait_dma2 semaphore(%dma_wait3A_920 : memref<!tpu.dma_semaphore, #tpu.memory_space<semaphore_mem>>) src(%dma_wait3A_926 : memref<16x1024xf32, #tpu.memory_space<vmem>>) dst(%dma_wait3A_922 : memref<16x1024xf32, #tpu.memory_space<hbm>>)
      %add3A_927 = arith.constant 4 : i32
      %add3A_928 = arith.addi %add3A_869, %add3A_927 : i32
      %mul3A_929 = arith.constant 16 : i32
      %mul3A_930 = arith.muli %add3A_928, %mul3A_929 : i32
      %add3A_931 = arith.addi %mul3A_2, %mul3A_930 : i32
      %dma_start3A_932 = arith.constant 2 : i32
      %dma_start3A_933 = arith.constant 2 : i32
      %dma_start3A_934 = arith.constant 0 : i32
      %dma_start3A_935 = arith.constant 0 : i32
      %dma_start3A_936 = tpu.memref_slice %arg6[%dma_start3A_932, %dma_start3A_934, %dma_start3A_935] : memref<6x16x1024xf32, #tpu.memory_space<vmem>> -> memref<1x16x1024xf32, #tpu.memory_space<vmem>>
      %dma_start3A_937 = tpu.memref_squeeze %dma_start3A_936 : memref<1x16x1024xf32, #tpu.memory_space<vmem>> -> memref<16x1024xf32, #tpu.memory_space<vmem>>
      %dma_start3A_938 = arith.constant 0 : i32
      %dma_start3A_939 = tpu.memref_slice %arg2[%add3A_931, %dma_start3A_938] : memref<16384x1024xf32, #tpu.memory_space<hbm>> -> memref<16x1024xf32, #tpu.memory_space<hbm>>
      %dma_start3A_940 = tpu.memref_slice %arg9[%dma_start3A_933] : memref<6x!tpu.dma_semaphore, #tpu.memory_space<semaphore_mem>> -> memref<1x!tpu.dma_semaphore, #tpu.memory_space<semaphore_mem>>
      %dma_start3A_941 = tpu.memref_squeeze %dma_start3A_940 : memref<1x!tpu.dma_semaphore, #tpu.memory_space<semaphore_mem>> -> memref<!tpu.dma_semaphore, #tpu.memory_space<semaphore_mem>>
      %dma_start3A_942 = arith.constant 0 : i32
      %dma_start3A_943 = arith.constant 0 : i32
      %dma_start3A_944 = tpu.memref_slice %arg6[%dma_start3A_932, %dma_start3A_942, %dma_start3A_943] : memref<6x16x1024xf32, #tpu.memory_space<vmem>> -> memref<1x16x1024xf32, #tpu.memory_space<vmem>>
      %dma_start3A_945 = tpu.memref_squeeze %dma_start3A_944 : memref<1x16x1024xf32, #tpu.memory_space<vmem>> -> memref<16x1024xf32, #tpu.memory_space<vmem>>
      %dma_start3A_946 = arith.constant 0 : i32
      %dma_start3A_947 = tpu.memref_slice %arg2[%add3A_931, %dma_start3A_946] : memref<16384x1024xf32, #tpu.memory_space<hbm>> -> memref<16x1024xf32, #tpu.memory_space<hbm>>
      tpu.enqueue_dma source(%dma_start3A_947 : memref<16x1024xf32, #tpu.memory_space<hbm>>) target(%dma_start3A_945 : memref<16x1024xf32, #tpu.memory_space<vmem>>) target_semaphore(%dma_start3A_941 : memref<!tpu.dma_semaphore, #tpu.memory_space<semaphore_mem>>)
      %dma_start3A_948 = arith.constant 2 : i32
      %dma_start3A_949 = arith.constant 2 : i32
      %dma_start3A_950 = arith.constant 0 : i32
      %dma_start3A_951 = arith.constant 0 : i32
      %dma_start3A_952 = tpu.memref_slice %arg7[%dma_start3A_948, %dma_start3A_950, %dma_start3A_951] : memref<6x16x16xi32, #tpu.memory_space<vmem>> -> memref<1x16x16xi32, #tpu.memory_space<vmem>>
      %dma_start3A_953 = tpu.memref_squeeze %dma_start3A_952 : memref<1x16x16xi32, #tpu.memory_space<vmem>> -> memref<16x16xi32, #tpu.memory_space<vmem>>
      %dma_start3A_954 = arith.constant 0 : i32
      %dma_start3A_955 = tpu.memref_slice %arg3[%add3A_931, %dma_start3A_954] : memref<16384x16xi32, #tpu.memory_space<hbm>> -> memref<16x16xi32, #tpu.memory_space<hbm>>
      %dma_start3A_956 = tpu.memref_slice %arg10[%dma_start3A_949] : memref<6x!tpu.dma_semaphore, #tpu.memory_space<semaphore_mem>> -> memref<1x!tpu.dma_semaphore, #tpu.memory_space<semaphore_mem>>
      %dma_start3A_957 = tpu.memref_squeeze %dma_start3A_956 : memref<1x!tpu.dma_semaphore, #tpu.memory_space<semaphore_mem>> -> memref<!tpu.dma_semaphore, #tpu.memory_space<semaphore_mem>>
      %dma_start3A_958 = arith.constant 0 : i32
      %dma_start3A_959 = arith.constant 0 : i32
      %dma_start3A_960 = tpu.memref_slice %arg7[%dma_start3A_948, %dma_start3A_958, %dma_start3A_959] : memref<6x16x16xi32, #tpu.memory_space<vmem>> -> memref<1x16x16xi32, #tpu.memory_space<vmem>>
      %dma_start3A_961 = tpu.memref_squeeze %dma_start3A_960 : memref<1x16x16xi32, #tpu.memory_space<vmem>> -> memref<16x16xi32, #tpu.memory_space<vmem>>
      %dma_start3A_962 = arith.constant 0 : i32
      %dma_start3A_963 = tpu.memref_slice %arg3[%add3A_931, %dma_start3A_962] : memref<16384x16xi32, #tpu.memory_space<hbm>> -> memref<16x16xi32, #tpu.memory_space<hbm>>
      tpu.enqueue_dma source(%dma_start3A_963 : memref<16x16xi32, #tpu.memory_space<hbm>>) target(%dma_start3A_961 : memref<16x16xi32, #tpu.memory_space<vmem>>) target_semaphore(%dma_start3A_957 : memref<!tpu.dma_semaphore, #tpu.memory_space<semaphore_mem>>)
      %parallel_loop3A_964 = arith.constant 0 : i32
      %parallel_loop3A_965 = arith.constant 16 : i32
      %parallel_loop3A_966 = arith.constant 2 : i32
      scf.for %parallel_loop3A_1602 = %parallel_loop3A_964 to %parallel_loop3A_965 step %parallel_loop3A_966  : i32 {
        %parallel_loop3A_1603 = arith.constant 4 : i32
        %parallel_loop3A_1604 = arith.index_cast %parallel_loop3A_1603 : i32 to index
        %parallel_loop3A_1605 = arith.index_cast %parallel_loop3A_1602 : i32 to index
        %parallel_loop3A_1606 = arith.constant 0 : index
        %parallel_loop3A_1607 = tpu.vector_load %arg7[%parallel_loop3A_1604, %parallel_loop3A_1605, %parallel_loop3A_1606] {strides = array<i32>} : memref<6x16x16xi32, #tpu.memory_space<vmem>>, vector<16xi32>,
        %parallel_loop3A_1608 = arith.constant 1 : i32
        %parallel_loop3A_1609 = arith.addi %parallel_loop3A_1602, %parallel_loop3A_1608 : i32
        %parallel_loop3A_1610 = arith.constant 4 : i32
        %parallel_loop3A_1611 = arith.index_cast %parallel_loop3A_1610 : i32 to index
        %parallel_loop3A_1612 = arith.index_cast %parallel_loop3A_1609 : i32 to index
        %parallel_loop3A_1613 = arith.constant 0 : index
        %parallel_loop3A_1614 = tpu.vector_load %arg7[%parallel_loop3A_1611, %parallel_loop3A_1612, %parallel_loop3A_1613] {strides = array<i32>} : memref<6x16x16xi32, #tpu.memory_space<vmem>>, vector<16xi32>,
        %parallel_loop3A_1615 = arith.constant 0 : i32
        %parallel_loop3A_1616 = arith.constant 64 : i32
        %parallel_loop3A_1617 = arith.constant 1 : i32
        scf.for %parallel_loop3A_1618 = %parallel_loop3A_1615 to %parallel_loop3A_1616 step %parallel_loop3A_1617  : i32 {
          %parallel_loop3A_1619 = arith.constant 16 : i32
          %parallel_loop3A_1620 = arith.muli %parallel_loop3A_1618, %parallel_loop3A_1619 : i32
          %parallel_loop3A_1621 = vector.broadcast %parallel_loop3A_1620 : i32 to vector<16xi32>
          %parallel_loop3A_1622 = arith.addi %parallel_loop3A_1607, %parallel_loop3A_1621 : vector<16xi32>
          %parallel_loop3A_1623 = tpu.vector_load_idx %arg8[%parallel_loop3A_1622] : memref<3072xf32, #tpu.memory_space<vmem>>[vector<16xi32>], vector<16xf32>,
          %parallel_loop3A_1624 = vector.broadcast %parallel_loop3A_1620 : i32 to vector<16xi32>
          %parallel_loop3A_1625 = arith.addi %parallel_loop3A_1614, %parallel_loop3A_1624 : vector<16xi32>
          %parallel_loop3A_1626 = tpu.vector_load_idx %arg8[%parallel_loop3A_1625] : memref<3072xf32, #tpu.memory_space<vmem>>[vector<16xi32>], vector<16xf32>,
          %parallel_loop3A_1627 = arith.constant 4 : i32
          %parallel_loop3A_1628 = arith.index_cast %parallel_loop3A_1627 : i32 to index
          %parallel_loop3A_1629 = arith.index_cast %parallel_loop3A_1602 : i32 to index
          %parallel_loop3A_1630 = arith.index_cast %parallel_loop3A_1620 : i32 to index
          %parallel_loop3A_1631 = tpu.vector_load %arg6[%parallel_loop3A_1628, %parallel_loop3A_1629, %parallel_loop3A_1630] {strides = array<i32>} : memref<6x16x1024xf32, #tpu.memory_space<vmem>>, vector<16xf32>,
          tpu.vector_store %arg6[%parallel_loop3A_1628, %parallel_loop3A_1629, %parallel_loop3A_1630], %parallel_loop3A_1623 {add = true, strides = array<i32>} : memref<6x16x1024xf32, #tpu.memory_space<vmem>>, vector<16xf32>,
          %parallel_loop3A_1632 = arith.constant 1 : i32
          %parallel_loop3A_1633 = arith.addi %parallel_loop3A_1602, %parallel_loop3A_1632 : i32
          %parallel_loop3A_1634 = arith.constant 4 : i32
          %parallel_loop3A_1635 = arith.index_cast %parallel_loop3A_1634 : i32 to index
          %parallel_loop3A_1636 = arith.index_cast %parallel_loop3A_1633 : i32 to index
          %parallel_loop3A_1637 = arith.index_cast %parallel_loop3A_1620 : i32 to index
          %parallel_loop3A_1638 = tpu.vector_load %arg6[%parallel_loop3A_1635, %parallel_loop3A_1636, %parallel_loop3A_1637] {strides = array<i32>} : memref<6x16x1024xf32, #tpu.memory_space<vmem>>, vector<16xf32>,
          tpu.vector_store %arg6[%parallel_loop3A_1635, %parallel_loop3A_1636, %parallel_loop3A_1637], %parallel_loop3A_1626 {add = true, strides = array<i32>} : memref<6x16x1024xf32, #tpu.memory_space<vmem>>, vector<16xf32>,
        } {sc.loop_unroll_factor = 8 : i64, sc.parallel_access}
      } {sc.loop_unroll_factor = 1 : i64, sc.parallel_access}
      %mul3A_967 = arith.constant 16 : i32
      %mul3A_968 = arith.muli %add3A_869, %mul3A_967 : i32
      %add3A_969 = arith.addi %mul3A_2, %mul3A_968 : i32
      %dma_start3A_970 = arith.constant 4 : i32
      %dma_start3A_971 = arith.constant 4 : i32
      %dma_start3A_972 = arith.constant 0 : i32
      %dma_start3A_973 = arith.constant 0 : i32
      %dma_start3A_974 = tpu.memref_slice %arg6[%dma_start3A_970, %dma_start3A_972, %dma_start3A_973] : memref<6x16x1024xf32, #tpu.memory_space<vmem>> -> memref<1x16x1024xf32, #tpu.memory_space<vmem>>
      %dma_start3A_975 = tpu.memref_squeeze %dma_start3A_974 : memref<1x16x1024xf32, #tpu.memory_space<vmem>> -> memref<16x1024xf32, #tpu.memory_space<vmem>>
      %dma_start3A_976 = arith.constant 0 : i32
      %dma_start3A_977 = tpu.memref_slice %arg5[%add3A_969, %dma_start3A_976] : memref<16384x1024xf32, #tpu.memory_space<hbm>> -> memref<16x1024xf32, #tpu.memory_space<hbm>>
      %dma_start3A_978 = tpu.memref_slice %arg11[%dma_start3A_971] : memref<6x!tpu.dma_semaphore, #tpu.memory_space<semaphore_mem>> -> memref<1x!tpu.dma_semaphore, #tpu.memory_space<semaphore_mem>>
      %dma_start3A_979 = tpu.memref_squeeze %dma_start3A_978 : memref<1x!tpu.dma_semaphore, #tpu.memory_space<semaphore_mem>> -> memref<!tpu.dma_semaphore, #tpu.memory_space<semaphore_mem>>
      %dma_start3A_980 = arith.constant 0 : i32
      %dma_start3A_981 = tpu.memref_slice %arg5[%add3A_969, %dma_start3A_980] : memref<16384x1024xf32, #tpu.memory_space<hbm>> -> memref<16x1024xf32, #tpu.memory_space<hbm>>
      %dma_start3A_982 = arith.constant 0 : i32
      %dma_start3A_983 = arith.constant 0 : i32
      %dma_start3A_984 = tpu.memref_slice %arg6[%dma_start3A_970, %dma_start3A_982, %dma_start3A_983] : memref<6x16x1024xf32, #tpu.memory_space<vmem>> -> memref<1x16x1024xf32, #tpu.memory_space<vmem>>
      %dma_start3A_985 = tpu.memref_squeeze %dma_start3A_984 : memref<1x16x1024xf32, #tpu.memory_space<vmem>> -> memref<16x1024xf32, #tpu.memory_space<vmem>>
      tpu.enqueue_dma source(%dma_start3A_985 : memref<16x1024xf32, #tpu.memory_space<vmem>>) target(%dma_start3A_981 : memref<16x1024xf32, #tpu.memory_space<hbm>>) target_semaphore(%dma_start3A_979 : memref<!tpu.dma_semaphore, #tpu.memory_space<semaphore_mem>>)
      %mul3A_986 = arith.constant 6 : i32
      %mul3A_987 = arith.muli %scan3A_862, %mul3A_986 : i32
      %add3A_988 = arith.constant 4 : i32
      %add3A_989 = arith.addi %mul3A_987, %add3A_988 : i32
      %add3A_990 = arith.constant 1 : i32
      %add3A_991 = arith.addi %add3A_989, %add3A_990 : i32
      %mul3A_992 = arith.constant 16 : i32
      %mul3A_993 = arith.muli %add3A_991, %mul3A_992 : i32
      %add3A_994 = arith.addi %mul3A_2, %mul3A_993 : i32
      %dma_wait3A_995 = arith.constant 5 : i32
      %dma_wait3A_996 = arith.constant 5 : i32
      %dma_wait3A_997 = arith.constant 0 : i32
      %dma_wait3A_998 = arith.constant 0 : i32
      %dma_wait3A_999 = tpu.memref_slice %arg6[%dma_wait3A_995, %dma_wait3A_997, %dma_wait3A_998] : memref<6x16x1024xf32, #tpu.memory_space<vmem>> -> memref<1x16x1024xf32, #tpu.memory_space<vmem>>
      %dma_wait3A_1000 = tpu.memref_squeeze %dma_wait3A_999 : memref<1x16x1024xf32, #tpu.memory_space<vmem>> -> memref<16x1024xf32, #tpu.memory_space<vmem>>
      %dma_wait3A_1001 = arith.constant 0 : i32
      %dma_wait3A_1002 = tpu.memref_slice %arg2[%add3A_994, %dma_wait3A_1001] : memref<16384x1024xf32, #tpu.memory_space<hbm>> -> memref<16x1024xf32, #tpu.memory_space<hbm>>
      %dma_wait3A_1003 = tpu.memref_slice %arg9[%dma_wait3A_996] : memref<6x!tpu.dma_semaphore, #tpu.memory_space<semaphore_mem>> -> memref<1x!tpu.dma_semaphore, #tpu.memory_space<semaphore_mem>>
      %dma_wait3A_1004 = tpu.memref_squeeze %dma_wait3A_1003 : memref<1x!tpu.dma_semaphore, #tpu.memory_space<semaphore_mem>> -> memref<!tpu.dma_semaphore, #tpu.memory_space<semaphore_mem>>
      %dma_wait3A_1005 = arith.constant 0 : i32
      %dma_wait3A_1006 = arith.constant 0 : i32
      %dma_wait3A_1007 = tpu.memref_slice %arg6[%dma_wait3A_995, %dma_wait3A_1005, %dma_wait3A_1006] : memref<6x16x1024xf32, #tpu.memory_space<vmem>> -> memref<1x16x1024xf32, #tpu.memory_space<vmem>>
      %dma_wait3A_1008 = tpu.memref_squeeze %dma_wait3A_1007 : memref<1x16x1024xf32, #tpu.memory_space<vmem>> -> memref<16x1024xf32, #tpu.memory_space<vmem>>
      %dma_wait3A_1009 = arith.constant 0 : i32
      %dma_wait3A_1010 = tpu.memref_slice %arg2[%add3A_994, %dma_wait3A_1009] : memref<16384x1024xf32, #tpu.memory_space<hbm>> -> memref<16x1024xf32, #tpu.memory_space<hbm>>
      tpu.wait_dma2 semaphore(%dma_wait3A_1004 : memref<!tpu.dma_semaphore, #tpu.memory_space<semaphore_mem>>) src(%dma_wait3A_1010 : memref<16x1024xf32, #tpu.memory_space<hbm>>) dst(%dma_wait3A_1008 : memref<16x1024xf32, #tpu.memory_space<vmem>>)
      %dma_wait3A_1011 = arith.constant 5 : i32
      %dma_wait3A_1012 = arith.constant 5 : i32
      %dma_wait3A_1013 = arith.constant 0 : i32
      %dma_wait3A_1014 = arith.constant 0 : i32
      %dma_wait3A_1015 = tpu.memref_slice %arg7[%dma_wait3A_1011, %dma_wait3A_1013, %dma_wait3A_1014] : memref<6x16x16xi32, #tpu.memory_space<vmem>> -> memref<1x16x16xi32, #tpu.memory_space<vmem>>
      %dma_wait3A_1016 = tpu.memref_squeeze %dma_wait3A_1015 : memref<1x16x16xi32, #tpu.memory_space<vmem>> -> memref<16x16xi32, #tpu.memory_space<vmem>>
      %dma_wait3A_1017 = arith.constant 0 : i32
      %dma_wait3A_1018 = tpu.memref_slice %arg3[%add3A_994, %dma_wait3A_1017] : memref<16384x16xi32, #tpu.memory_space<hbm>> -> memref<16x16xi32, #tpu.memory_space<hbm>>
      %dma_wait3A_1019 = tpu.memref_slice %arg10[%dma_wait3A_1012] : memref<6x!tpu.dma_semaphore, #tpu.memory_space<semaphore_mem>> -> memref<1x!tpu.dma_semaphore, #tpu.memory_space<semaphore_mem>>
      %dma_wait3A_1020 = tpu.memref_squeeze %dma_wait3A_1019 : memref<1x!tpu.dma_semaphore, #tpu.memory_space<semaphore_mem>> -> memref<!tpu.dma_semaphore, #tpu.memory_space<semaphore_mem>>
      %dma_wait3A_1021 = arith.constant 0 : i32
      %dma_wait3A_1022 = arith.constant 0 : i32
      %dma_wait3A_1023 = tpu.memref_slice %arg7[%dma_wait3A_1011, %dma_wait3A_1021, %dma_wait3A_1022] : memref<6x16x16xi32, #tpu.memory_space<vmem>> -> memref<1x16x16xi32, #tpu.memory_space<vmem>>
      %dma_wait3A_1024 = tpu.memref_squeeze %dma_wait3A_1023 : memref<1x16x16xi32, #tpu.memory_space<vmem>> -> memref<16x16xi32, #tpu.memory_space<vmem>>
      %dma_wait3A_1025 = arith.constant 0 : i32
      %dma_wait3A_1026 = tpu.memref_slice %arg3[%add3A_994, %dma_wait3A_1025] : memref<16384x16xi32, #tpu.memory_space<hbm>> -> memref<16x16xi32, #tpu.memory_space<hbm>>
      tpu.wait_dma2 semaphore(%dma_wait3A_1020 : memref<!tpu.dma_semaphore, #tpu.memory_space<semaphore_mem>>) src(%dma_wait3A_1026 : memref<16x16xi32, #tpu.memory_space<hbm>>) dst(%dma_wait3A_1024 : memref<16x16xi32, #tpu.memory_space<vmem>>)
      %add3A_1027 = arith.constant 4 : i32
      %add3A_1028 = arith.addi %add3A_991, %add3A_1027 : i32
      %sub3A_1029 = arith.constant 6 : i32
      %sub3A_1030 = arith.subi %add3A_1028, %sub3A_1029 : i32
      %mul3A_1031 = arith.constant 16 : i32
      %mul3A_1032 = arith.muli %sub3A_1030, %mul3A_1031 : i32
      %add3A_1033 = arith.addi %mul3A_2, %mul3A_1032 : i32
      %dma_wait3A_1034 = arith.constant 3 : i32
      %dma_wait3A_1035 = arith.constant 3 : i32
      %dma_wait3A_1036 = arith.constant 0 : i32
      %dma_wait3A_1037 = arith.constant 0 : i32
      %dma_wait3A_1038 = tpu.memref_slice %arg6[%dma_wait3A_1034, %dma_wait3A_1036, %dma_wait3A_1037] : memref<6x16x1024xf32, #tpu.memory_space<vmem>> -> memref<1x16x1024xf32, #tpu.memory_space<vmem>>
      %dma_wait3A_1039 = tpu.memref_squeeze %dma_wait3A_1038 : memref<1x16x1024xf32, #tpu.memory_space<vmem>> -> memref<16x1024xf32, #tpu.memory_space<vmem>>
      %dma_wait3A_1040 = arith.constant 0 : i32
      %dma_wait3A_1041 = tpu.memref_slice %arg5[%add3A_1033, %dma_wait3A_1040] : memref<16384x1024xf32, #tpu.memory_space<hbm>> -> memref<16x1024xf32, #tpu.memory_space<hbm>>
      %dma_wait3A_1042 = tpu.memref_slice %arg11[%dma_wait3A_1035] : memref<6x!tpu.dma_semaphore, #tpu.memory_space<semaphore_mem>> -> memref<1x!tpu.dma_semaphore, #tpu.memory_space<semaphore_mem>>
      %dma_wait3A_1043 = tpu.memref_squeeze %dma_wait3A_1042 : memref<1x!tpu.dma_semaphore, #tpu.memory_space<semaphore_mem>> -> memref<!tpu.dma_semaphore, #tpu.memory_space<semaphore_mem>>
      %dma_wait3A_1044 = arith.constant 0 : i32
      %dma_wait3A_1045 = tpu.memref_slice %arg5[%add3A_1033, %dma_wait3A_1044] : memref<16384x1024xf32, #tpu.memory_space<hbm>> -> memref<16x1024xf32, #tpu.memory_space<hbm>>
      %dma_wait3A_1046 = arith.constant 0 : i32
      %dma_wait3A_1047 = arith.constant 0 : i32
      %dma_wait3A_1048 = tpu.memref_slice %arg6[%dma_wait3A_1034, %dma_wait3A_1046, %dma_wait3A_1047] : memref<6x16x1024xf32, #tpu.memory_space<vmem>> -> memref<1x16x1024xf32, #tpu.memory_space<vmem>>
      %dma_wait3A_1049 = tpu.memref_squeeze %dma_wait3A_1048 : memref<1x16x1024xf32, #tpu.memory_space<vmem>> -> memref<16x1024xf32, #tpu.memory_space<vmem>>
      tpu.wait_dma2 semaphore(%dma_wait3A_1043 : memref<!tpu.dma_semaphore, #tpu.memory_space<semaphore_mem>>) src(%dma_wait3A_1049 : memref<16x1024xf32, #tpu.memory_space<vmem>>) dst(%dma_wait3A_1045 : memref<16x1024xf32, #tpu.memory_space<hbm>>)
      %add3A_1050 = arith.constant 4 : i32
      %add3A_1051 = arith.addi %add3A_991, %add3A_1050 : i32
      %mul3A_1052 = arith.constant 16 : i32
      %mul3A_1053 = arith.muli %add3A_1051, %mul3A_1052 : i32
      %add3A_1054 = arith.addi %mul3A_2, %mul3A_1053 : i32
      %dma_start3A_1055 = arith.constant 3 : i32
      %dma_start3A_1056 = arith.constant 3 : i32
      %dma_start3A_1057 = arith.constant 0 : i32
      %dma_start3A_1058 = arith.constant 0 : i32
      %dma_start3A_1059 = tpu.memref_slice %arg6[%dma_start3A_1055, %dma_start3A_1057, %dma_start3A_1058] : memref<6x16x1024xf32, #tpu.memory_space<vmem>> -> memref<1x16x1024xf32, #tpu.memory_space<vmem>>
      %dma_start3A_1060 = tpu.memref_squeeze %dma_start3A_1059 : memref<1x16x1024xf32, #tpu.memory_space<vmem>> -> memref<16x1024xf32, #tpu.memory_space<vmem>>
      %dma_start3A_1061 = arith.constant 0 : i32
      %dma_start3A_1062 = tpu.memref_slice %arg2[%add3A_1054, %dma_start3A_1061] : memref<16384x1024xf32, #tpu.memory_space<hbm>> -> memref<16x1024xf32, #tpu.memory_space<hbm>>
      %dma_start3A_1063 = tpu.memref_slice %arg9[%dma_start3A_1056] : memref<6x!tpu.dma_semaphore, #tpu.memory_space<semaphore_mem>> -> memref<1x!tpu.dma_semaphore, #tpu.memory_space<semaphore_mem>>
      %dma_start3A_1064 = tpu.memref_squeeze %dma_start3A_1063 : memref<1x!tpu.dma_semaphore, #tpu.memory_space<semaphore_mem>> -> memref<!tpu.dma_semaphore, #tpu.memory_space<semaphore_mem>>
      %dma_start3A_1065 = arith.constant 0 : i32
      %dma_start3A_1066 = arith.constant 0 : i32
      %dma_start3A_1067 = tpu.memref_slice %arg6[%dma_start3A_1055, %dma_start3A_1065, %dma_start3A_1066] : memref<6x16x1024xf32, #tpu.memory_space<vmem>> -> memref<1x16x1024xf32, #tpu.memory_space<vmem>>
      %dma_start3A_1068 = tpu.memref_squeeze %dma_start3A_1067 : memref<1x16x1024xf32, #tpu.memory_space<vmem>> -> memref<16x1024xf32, #tpu.memory_space<vmem>>
      %dma_start3A_1069 = arith.constant 0 : i32
      %dma_start3A_1070 = tpu.memref_slice %arg2[%add3A_1054, %dma_start3A_1069] : memref<16384x1024xf32, #tpu.memory_space<hbm>> -> memref<16x1024xf32, #tpu.memory_space<hbm>>
      tpu.enqueue_dma source(%dma_start3A_1070 : memref<16x1024xf32, #tpu.memory_space<hbm>>) target(%dma_start3A_1068 : memref<16x1024xf32, #tpu.memory_space<vmem>>) target_semaphore(%dma_start3A_1064 : memref<!tpu.dma_semaphore, #tpu.memory_space<semaphore_mem>>)
      %dma_start3A_1071 = arith.constant 3 : i32
      %dma_start3A_1072 = arith.constant 3 : i32
      %dma_start3A_1073 = arith.constant 0 : i32
      %dma_start3A_1074 = arith.constant 0 : i32
      %dma_start3A_1075 = tpu.memref_slice %arg7[%dma_start3A_1071, %dma_start3A_1073, %dma_start3A_1074] : memref<6x16x16xi32, #tpu.memory_space<vmem>> -> memref<1x16x16xi32, #tpu.memory_space<vmem>>
      %dma_start3A_1076 = tpu.memref_squeeze %dma_start3A_1075 : memref<1x16x16xi32, #tpu.memory_space<vmem>> -> memref<16x16xi32, #tpu.memory_space<vmem>>
      %dma_start3A_1077 = arith.constant 0 : i32
      %dma_start3A_1078 = tpu.memref_slice %arg3[%add3A_1054, %dma_start3A_1077] : memref<16384x16xi32, #tpu.memory_space<hbm>> -> memref<16x16xi32, #tpu.memory_space<hbm>>
      %dma_start3A_1079 = tpu.memref_slice %arg10[%dma_start3A_1072] : memref<6x!tpu.dma_semaphore, #tpu.memory_space<semaphore_mem>> -> memref<1x!tpu.dma_semaphore, #tpu.memory_space<semaphore_mem>>
      %dma_start3A_1080 = tpu.memref_squeeze %dma_start3A_1079 : memref<1x!tpu.dma_semaphore, #tpu.memory_space<semaphore_mem>> -> memref<!tpu.dma_semaphore, #tpu.memory_space<semaphore_mem>>
      %dma_start3A_1081 = arith.constant 0 : i32
      %dma_start3A_1082 = arith.constant 0 : i32
      %dma_start3A_1083 = tpu.memref_slice %arg7[%dma_start3A_1071, %dma_start3A_1081, %dma_start3A_1082] : memref<6x16x16xi32, #tpu.memory_space<vmem>> -> memref<1x16x16xi32, #tpu.memory_space<vmem>>
      %dma_start3A_1084 = tpu.memref_squeeze %dma_start3A_1083 : memref<1x16x16xi32, #tpu.memory_space<vmem>> -> memref<16x16xi32, #tpu.memory_space<vmem>>
      %dma_start3A_1085 = arith.constant 0 : i32
      %dma_start3A_1086 = tpu.memref_slice %arg3[%add3A_1054, %dma_start3A_1085] : memref<16384x16xi32, #tpu.memory_space<hbm>> -> memref<16x16xi32, #tpu.memory_space<hbm>>
      tpu.enqueue_dma source(%dma_start3A_1086 : memref<16x16xi32, #tpu.memory_space<hbm>>) target(%dma_start3A_1084 : memref<16x16xi32, #tpu.memory_space<vmem>>) target_semaphore(%dma_start3A_1080 : memref<!tpu.dma_semaphore, #tpu.memory_space<semaphore_mem>>)
      %parallel_loop3A_1087 = arith.constant 0 : i32
      %parallel_loop3A_1088 = arith.constant 16 : i32
      %parallel_loop3A_1089 = arith.constant 2 : i32
      scf.for %parallel_loop3A_1602 = %parallel_loop3A_1087 to %parallel_loop3A_1088 step %parallel_loop3A_1089  : i32 {
        %parallel_loop3A_1603 = arith.constant 5 : i32
        %parallel_loop3A_1604 = arith.index_cast %parallel_loop3A_1603 : i32 to index
        %parallel_loop3A_1605 = arith.index_cast %parallel_loop3A_1602 : i32 to index
        %parallel_loop3A_1606 = arith.constant 0 : index
        %parallel_loop3A_1607 = tpu.vector_load %arg7[%parallel_loop3A_1604, %parallel_loop3A_1605, %parallel_loop3A_1606] {strides = array<i32>} : memref<6x16x16xi32, #tpu.memory_space<vmem>>, vector<16xi32>,
        %parallel_loop3A_1608 = arith.constant 1 : i32
        %parallel_loop3A_1609 = arith.addi %parallel_loop3A_1602, %parallel_loop3A_1608 : i32
        %parallel_loop3A_1610 = arith.constant 5 : i32
        %parallel_loop3A_1611 = arith.index_cast %parallel_loop3A_1610 : i32 to index
        %parallel_loop3A_1612 = arith.index_cast %parallel_loop3A_1609 : i32 to index
        %parallel_loop3A_1613 = arith.constant 0 : index
        %parallel_loop3A_1614 = tpu.vector_load %arg7[%parallel_loop3A_1611, %parallel_loop3A_1612, %parallel_loop3A_1613] {strides = array<i32>} : memref<6x16x16xi32, #tpu.memory_space<vmem>>, vector<16xi32>,
        %parallel_loop3A_1615 = arith.constant 0 : i32
        %parallel_loop3A_1616 = arith.constant 64 : i32
        %parallel_loop3A_1617 = arith.constant 1 : i32
        scf.for %parallel_loop3A_1618 = %parallel_loop3A_1615 to %parallel_loop3A_1616 step %parallel_loop3A_1617  : i32 {
          %parallel_loop3A_1619 = arith.constant 16 : i32
          %parallel_loop3A_1620 = arith.muli %parallel_loop3A_1618, %parallel_loop3A_1619 : i32
          %parallel_loop3A_1621 = vector.broadcast %parallel_loop3A_1620 : i32 to vector<16xi32>
          %parallel_loop3A_1622 = arith.addi %parallel_loop3A_1607, %parallel_loop3A_1621 : vector<16xi32>
          %parallel_loop3A_1623 = tpu.vector_load_idx %arg8[%parallel_loop3A_1622] : memref<3072xf32, #tpu.memory_space<vmem>>[vector<16xi32>], vector<16xf32>,
          %parallel_loop3A_1624 = vector.broadcast %parallel_loop3A_1620 : i32 to vector<16xi32>
          %parallel_loop3A_1625 = arith.addi %parallel_loop3A_1614, %parallel_loop3A_1624 : vector<16xi32>
          %parallel_loop3A_1626 = tpu.vector_load_idx %arg8[%parallel_loop3A_1625] : memref<3072xf32, #tpu.memory_space<vmem>>[vector<16xi32>], vector<16xf32>,
          %parallel_loop3A_1627 = arith.constant 5 : i32
          %parallel_loop3A_1628 = arith.index_cast %parallel_loop3A_1627 : i32 to index
          %parallel_loop3A_1629 = arith.index_cast %parallel_loop3A_1602 : i32 to index
          %parallel_loop3A_1630 = arith.index_cast %parallel_loop3A_1620 : i32 to index
          %parallel_loop3A_1631 = tpu.vector_load %arg6[%parallel_loop3A_1628, %parallel_loop3A_1629, %parallel_loop3A_1630] {strides = array<i32>} : memref<6x16x1024xf32, #tpu.memory_space<vmem>>, vector<16xf32>,
          tpu.vector_store %arg6[%parallel_loop3A_1628, %parallel_loop3A_1629, %parallel_loop3A_1630], %parallel_loop3A_1623 {add = true, strides = array<i32>} : memref<6x16x1024xf32, #tpu.memory_space<vmem>>, vector<16xf32>,
          %parallel_loop3A_1632 = arith.constant 1 : i32
          %parallel_loop3A_1633 = arith.addi %parallel_loop3A_1602, %parallel_loop3A_1632 : i32
          %parallel_loop3A_1634 = arith.constant 5 : i32
          %parallel_loop3A_1635 = arith.index_cast %parallel_loop3A_1634 : i32 to index
          %parallel_loop3A_1636 = arith.index_cast %parallel_loop3A_1633 : i32 to index
          %parallel_loop3A_1637 = arith.index_cast %parallel_loop3A_1620 : i32 to index
          %parallel_loop3A_1638 = tpu.vector_load %arg6[%parallel_loop3A_1635, %parallel_loop3A_1636, %parallel_loop3A_1637] {strides = array<i32>} : memref<6x16x1024xf32, #tpu.memory_space<vmem>>, vector<16xf32>,
          tpu.vector_store %arg6[%parallel_loop3A_1635, %parallel_loop3A_1636, %parallel_loop3A_1637], %parallel_loop3A_1626 {add = true, strides = array<i32>} : memref<6x16x1024xf32, #tpu.memory_space<vmem>>, vector<16xf32>,
        } {sc.loop_unroll_factor = 8 : i64, sc.parallel_access}
      } {sc.loop_unroll_factor = 1 : i64, sc.parallel_access}
      %mul3A_1090 = arith.constant 16 : i32
      %mul3A_1091 = arith.muli %add3A_991, %mul3A_1090 : i32
      %add3A_1092 = arith.addi %mul3A_2, %mul3A_1091 : i32
      %dma_start3A_1093 = arith.constant 5 : i32
      %dma_start3A_1094 = arith.constant 5 : i32
      %dma_start3A_1095 = arith.constant 0 : i32
      %dma_start3A_1096 = arith.constant 0 : i32
      %dma_start3A_1097 = tpu.memref_slice %arg6[%dma_start3A_1093, %dma_start3A_1095, %dma_start3A_1096] : memref<6x16x1024xf32, #tpu.memory_space<vmem>> -> memref<1x16x1024xf32, #tpu.memory_space<vmem>>
      %dma_start3A_1098 = tpu.memref_squeeze %dma_start3A_1097 : memref<1x16x1024xf32, #tpu.memory_space<vmem>> -> memref<16x1024xf32, #tpu.memory_space<vmem>>
      %dma_start3A_1099 = arith.constant 0 : i32
      %dma_start3A_1100 = tpu.memref_slice %arg5[%add3A_1092, %dma_start3A_1099] : memref<16384x1024xf32, #tpu.memory_space<hbm>> -> memref<16x1024xf32, #tpu.memory_space<hbm>>
      %dma_start3A_1101 = tpu.memref_slice %arg11[%dma_start3A_1094] : memref<6x!tpu.dma_semaphore, #tpu.memory_space<semaphore_mem>> -> memref<1x!tpu.dma_semaphore, #tpu.memory_space<semaphore_mem>>
      %dma_start3A_1102 = tpu.memref_squeeze %dma_start3A_1101 : memref<1x!tpu.dma_semaphore, #tpu.memory_space<semaphore_mem>> -> memref<!tpu.dma_semaphore, #tpu.memory_space<semaphore_mem>>
      %dma_start3A_1103 = arith.constant 0 : i32
      %dma_start3A_1104 = tpu.memref_slice %arg5[%add3A_1092, %dma_start3A_1103] : memref<16384x1024xf32, #tpu.memory_space<hbm>> -> memref<16x1024xf32, #tpu.memory_space<hbm>>
      %dma_start3A_1105 = arith.constant 0 : i32
      %dma_start3A_1106 = arith.constant 0 : i32
      %dma_start3A_1107 = tpu.memref_slice %arg6[%dma_start3A_1093, %dma_start3A_1105, %dma_start3A_1106] : memref<6x16x1024xf32, #tpu.memory_space<vmem>> -> memref<1x16x1024xf32, #tpu.memory_space<vmem>>
      %dma_start3A_1108 = tpu.memref_squeeze %dma_start3A_1107 : memref<1x16x1024xf32, #tpu.memory_space<vmem>> -> memref<16x1024xf32, #tpu.memory_space<vmem>>
      tpu.enqueue_dma source(%dma_start3A_1108 : memref<16x1024xf32, #tpu.memory_space<vmem>>) target(%dma_start3A_1104 : memref<16x1024xf32, #tpu.memory_space<hbm>>) target_semaphore(%dma_start3A_1102 : memref<!tpu.dma_semaphore, #tpu.memory_space<semaphore_mem>>)
      %mul3A_1109 = arith.constant 6 : i32
      %mul3A_1110 = arith.muli %scan3A_862, %mul3A_1109 : i32
      %add3A_1111 = arith.constant 4 : i32
      %add3A_1112 = arith.addi %mul3A_1110, %add3A_1111 : i32
      %add3A_1113 = arith.constant 2 : i32
      %add3A_1114 = arith.addi %add3A_1112, %add3A_1113 : i32
      %mul3A_1115 = arith.constant 16 : i32
      %mul3A_1116 = arith.muli %add3A_1114, %mul3A_1115 : i32
      %add3A_1117 = arith.addi %mul3A_2, %mul3A_1116 : i32
      %dma_wait3A_1118 = arith.constant 0 : i32
      %dma_wait3A_1119 = arith.constant 0 : i32
      %dma_wait3A_1120 = arith.constant 0 : i32
      %dma_wait3A_1121 = arith.constant 0 : i32
      %dma_wait3A_1122 = tpu.memref_slice %arg6[%dma_wait3A_1118, %dma_wait3A_1120, %dma_wait3A_1121] : memref<6x16x1024xf32, #tpu.memory_space<vmem>> -> memref<1x16x1024xf32, #tpu.memory_space<vmem>>
      %dma_wait3A_1123 = tpu.memref_squeeze %dma_wait3A_1122 : memref<1x16x1024xf32, #tpu.memory_space<vmem>> -> memref<16x1024xf32, #tpu.memory_space<vmem>>
      %dma_wait3A_1124 = arith.constant 0 : i32
      %dma_wait3A_1125 = tpu.memref_slice %arg2[%add3A_1117, %dma_wait3A_1124] : memref<16384x1024xf32, #tpu.memory_space<hbm>> -> memref<16x1024xf32, #tpu.memory_space<hbm>>
      %dma_wait3A_1126 = tpu.memref_slice %arg9[%dma_wait3A_1119] : memref<6x!tpu.dma_semaphore, #tpu.memory_space<semaphore_mem>> -> memref<1x!tpu.dma_semaphore, #tpu.memory_space<semaphore_mem>>
      %dma_wait3A_1127 = tpu.memref_squeeze %dma_wait3A_1126 : memref<1x!tpu.dma_semaphore, #tpu.memory_space<semaphore_mem>> -> memref<!tpu.dma_semaphore, #tpu.memory_space<semaphore_mem>>
      %dma_wait3A_1128 = arith.constant 0 : i32
      %dma_wait3A_1129 = arith.constant 0 : i32
      %dma_wait3A_1130 = tpu.memref_slice %arg6[%dma_wait3A_1118, %dma_wait3A_1128, %dma_wait3A_1129] : memref<6x16x1024xf32, #tpu.memory_space<vmem>> -> memref<1x16x1024xf32, #tpu.memory_space<vmem>>
      %dma_wait3A_1131 = tpu.memref_squeeze %dma_wait3A_1130 : memref<1x16x1024xf32, #tpu.memory_space<vmem>> -> memref<16x1024xf32, #tpu.memory_space<vmem>>
      %dma_wait3A_1132 = arith.constant 0 : i32
      %dma_wait3A_1133 = tpu.memref_slice %arg2[%add3A_1117, %dma_wait3A_1132] : memref<16384x1024xf32, #tpu.memory_space<hbm>> -> memref<16x1024xf32, #tpu.memory_space<hbm>>
      tpu.wait_dma2 semaphore(%dma_wait3A_1127 : memref<!tpu.dma_semaphore, #tpu.memory_space<semaphore_mem>>) src(%dma_wait3A_1133 : memref<16x1024xf32, #tpu.memory_space<hbm>>) dst(%dma_wait3A_1131 : memref<16x1024xf32, #tpu.memory_space<vmem>>)
      %dma_wait3A_1134 = arith.constant 0 : i32
      %dma_wait3A_1135 = arith.constant 0 : i32
      %dma_wait3A_1136 = arith.constant 0 : i32
      %dma_wait3A_1137 = arith.constant 0 : i32
      %dma_wait3A_1138 = tpu.memref_slice %arg7[%dma_wait3A_1134, %dma_wait3A_1136, %dma_wait3A_1137] : memref<6x16x16xi32, #tpu.memory_space<vmem>> -> memref<1x16x16xi32, #tpu.memory_space<vmem>>
      %dma_wait3A_1139 = tpu.memref_squeeze %dma_wait3A_1138 : memref<1x16x16xi32, #tpu.memory_space<vmem>> -> memref<16x16xi32, #tpu.memory_space<vmem>>
      %dma_wait3A_1140 = arith.constant 0 : i32
      %dma_wait3A_1141 = tpu.memref_slice %arg3[%add3A_1117, %dma_wait3A_1140] : memref<16384x16xi32, #tpu.memory_space<hbm>> -> memref<16x16xi32, #tpu.memory_space<hbm>>
      %dma_wait3A_1142 = tpu.memref_slice %arg10[%dma_wait3A_1135] : memref<6x!tpu.dma_semaphore, #tpu.memory_space<semaphore_mem>> -> memref<1x!tpu.dma_semaphore, #tpu.memory_space<semaphore_mem>>
      %dma_wait3A_1143 = tpu.memref_squeeze %dma_wait3A_1142 : memref<1x!tpu.dma_semaphore, #tpu.memory_space<semaphore_mem>> -> memref<!tpu.dma_semaphore, #tpu.memory_space<semaphore_mem>>
      %dma_wait3A_1144 = arith.constant 0 : i32
      %dma_wait3A_1145 = arith.constant 0 : i32
      %dma_wait3A_1146 = tpu.memref_slice %arg7[%dma_wait3A_1134, %dma_wait3A_1144, %dma_wait3A_1145] : memref<6x16x16xi32, #tpu.memory_space<vmem>> -> memref<1x16x16xi32, #tpu.memory_space<vmem>>
      %dma_wait3A_1147 = tpu.memref_squeeze %dma_wait3A_1146 : memref<1x16x16xi32, #tpu.memory_space<vmem>> -> memref<16x16xi32, #tpu.memory_space<vmem>>
      %dma_wait3A_1148 = arith.constant 0 : i32
      %dma_wait3A_1149 = tpu.memref_slice %arg3[%add3A_1117, %dma_wait3A_1148] : memref<16384x16xi32, #tpu.memory_space<hbm>> -> memref<16x16xi32, #tpu.memory_space<hbm>>
      tpu.wait_dma2 semaphore(%dma_wait3A_1143 : memref<!tpu.dma_semaphore, #tpu.memory_space<semaphore_mem>>) src(%dma_wait3A_1149 : memref<16x16xi32, #tpu.memory_space<hbm>>) dst(%dma_wait3A_1147 : memref<16x16xi32, #tpu.memory_space<vmem>>)
      %add3A_1150 = arith.constant 4 : i32
      %add3A_1151 = arith.addi %add3A_1114, %add3A_1150 : i32
      %sub3A_1152 = arith.constant 6 : i32
      %sub3A_1153 = arith.subi %add3A_1151, %sub3A_1152 : i32
      %mul3A_1154 = arith.constant 16 : i32
      %mul3A_1155 = arith.muli %sub3A_1153, %mul3A_1154 : i32
      %add3A_1156 = arith.addi %mul3A_2, %mul3A_1155 : i32
      %dma_wait3A_1157 = arith.constant 4 : i32
      %dma_wait3A_1158 = arith.constant 4 : i32
      %dma_wait3A_1159 = arith.constant 0 : i32
      %dma_wait3A_1160 = arith.constant 0 : i32
      %dma_wait3A_1161 = tpu.memref_slice %arg6[%dma_wait3A_1157, %dma_wait3A_1159, %dma_wait3A_1160] : memref<6x16x1024xf32, #tpu.memory_space<vmem>> -> memref<1x16x1024xf32, #tpu.memory_space<vmem>>
      %dma_wait3A_1162 = tpu.memref_squeeze %dma_wait3A_1161 : memref<1x16x1024xf32, #tpu.memory_space<vmem>> -> memref<16x1024xf32, #tpu.memory_space<vmem>>
      %dma_wait3A_1163 = arith.constant 0 : i32
      %dma_wait3A_1164 = tpu.memref_slice %arg5[%add3A_1156, %dma_wait3A_1163] : memref<16384x1024xf32, #tpu.memory_space<hbm>> -> memref<16x1024xf32, #tpu.memory_space<hbm>>
      %dma_wait3A_1165 = tpu.memref_slice %arg11[%dma_wait3A_1158] : memref<6x!tpu.dma_semaphore, #tpu.memory_space<semaphore_mem>> -> memref<1x!tpu.dma_semaphore, #tpu.memory_space<semaphore_mem>>
      %dma_wait3A_1166 = tpu.memref_squeeze %dma_wait3A_1165 : memref<1x!tpu.dma_semaphore, #tpu.memory_space<semaphore_mem>> -> memref<!tpu.dma_semaphore, #tpu.memory_space<semaphore_mem>>
      %dma_wait3A_1167 = arith.constant 0 : i32
      %dma_wait3A_1168 = tpu.memref_slice %arg5[%add3A_1156, %dma_wait3A_1167] : memref<16384x1024xf32, #tpu.memory_space<hbm>> -> memref<16x1024xf32, #tpu.memory_space<hbm>>
      %dma_wait3A_1169 = arith.constant 0 : i32
      %dma_wait3A_1170 = arith.constant 0 : i32
      %dma_wait3A_1171 = tpu.memref_slice %arg6[%dma_wait3A_1157, %dma_wait3A_1169, %dma_wait3A_1170] : memref<6x16x1024xf32, #tpu.memory_space<vmem>> -> memref<1x16x1024xf32, #tpu.memory_space<vmem>>
      %dma_wait3A_1172 = tpu.memref_squeeze %dma_wait3A_1171 : memref<1x16x1024xf32, #tpu.memory_space<vmem>> -> memref<16x1024xf32, #tpu.memory_space<vmem>>
      tpu.wait_dma2 semaphore(%dma_wait3A_1166 : memref<!tpu.dma_semaphore, #tpu.memory_space<semaphore_mem>>) src(%dma_wait3A_1172 : memref<16x1024xf32, #tpu.memory_space<vmem>>) dst(%dma_wait3A_1168 : memref<16x1024xf32, #tpu.memory_space<hbm>>)
      %add3A_1173 = arith.constant 4 : i32
      %add3A_1174 = arith.addi %add3A_1114, %add3A_1173 : i32
      %mul3A_1175 = arith.constant 16 : i32
      %mul3A_1176 = arith.muli %add3A_1174, %mul3A_1175 : i32
      %add3A_1177 = arith.addi %mul3A_2, %mul3A_1176 : i32
      %dma_start3A_1178 = arith.constant 4 : i32
      %dma_start3A_1179 = arith.constant 4 : i32
      %dma_start3A_1180 = arith.constant 0 : i32
      %dma_start3A_1181 = arith.constant 0 : i32
      %dma_start3A_1182 = tpu.memref_slice %arg6[%dma_start3A_1178, %dma_start3A_1180, %dma_start3A_1181] : memref<6x16x1024xf32, #tpu.memory_space<vmem>> -> memref<1x16x1024xf32, #tpu.memory_space<vmem>>
      %dma_start3A_1183 = tpu.memref_squeeze %dma_start3A_1182 : memref<1x16x1024xf32, #tpu.memory_space<vmem>> -> memref<16x1024xf32, #tpu.memory_space<vmem>>
      %dma_start3A_1184 = arith.constant 0 : i32
      %dma_start3A_1185 = tpu.memref_slice %arg2[%add3A_1177, %dma_start3A_1184] : memref<16384x1024xf32, #tpu.memory_space<hbm>> -> memref<16x1024xf32, #tpu.memory_space<hbm>>
      %dma_start3A_1186 = tpu.memref_slice %arg9[%dma_start3A_1179] : memref<6x!tpu.dma_semaphore, #tpu.memory_space<semaphore_mem>> -> memref<1x!tpu.dma_semaphore, #tpu.memory_space<semaphore_mem>>
      %dma_start3A_1187 = tpu.memref_squeeze %dma_start3A_1186 : memref<1x!tpu.dma_semaphore, #tpu.memory_space<semaphore_mem>> -> memref<!tpu.dma_semaphore, #tpu.memory_space<semaphore_mem>>
      %dma_start3A_1188 = arith.constant 0 : i32
      %dma_start3A_1189 = arith.constant 0 : i32
      %dma_start3A_1190 = tpu.memref_slice %arg6[%dma_start3A_1178, %dma_start3A_1188, %dma_start3A_1189] : memref<6x16x1024xf32, #tpu.memory_space<vmem>> -> memref<1x16x1024xf32, #tpu.memory_space<vmem>>
      %dma_start3A_1191 = tpu.memref_squeeze %dma_start3A_1190 : memref<1x16x1024xf32, #tpu.memory_space<vmem>> -> memref<16x1024xf32, #tpu.memory_space<vmem>>
      %dma_start3A_1192 = arith.constant 0 : i32
      %dma_start3A_1193 = tpu.memref_slice %arg2[%add3A_1177, %dma_start3A_1192] : memref<16384x1024xf32, #tpu.memory_space<hbm>> -> memref<16x1024xf32, #tpu.memory_space<hbm>>
      tpu.enqueue_dma source(%dma_start3A_1193 : memref<16x1024xf32, #tpu.memory_space<hbm>>) target(%dma_start3A_1191 : memref<16x1024xf32, #tpu.memory_space<vmem>>) target_semaphore(%dma_start3A_1187 : memref<!tpu.dma_semaphore, #tpu.memory_space<semaphore_mem>>)
      %dma_start3A_1194 = arith.constant 4 : i32
      %dma_start3A_1195 = arith.constant 4 : i32
      %dma_start3A_1196 = arith.constant 0 : i32
      %dma_start3A_1197 = arith.constant 0 : i32
      %dma_start3A_1198 = tpu.memref_slice %arg7[%dma_start3A_1194, %dma_start3A_1196, %dma_start3A_1197] : memref<6x16x16xi32, #tpu.memory_space<vmem>> -> memref<1x16x16xi32, #tpu.memory_space<vmem>>
      %dma_start3A_1199 = tpu.memref_squeeze %dma_start3A_1198 : memref<1x16x16xi32, #tpu.memory_space<vmem>> -> memref<16x16xi32, #tpu.memory_space<vmem>>
      %dma_start3A_1200 = arith.constant 0 : i32
      %dma_start3A_1201 = tpu.memref_slice %arg3[%add3A_1177, %dma_start3A_1200] : memref<16384x16xi32, #tpu.memory_space<hbm>> -> memref<16x16xi32, #tpu.memory_space<hbm>>
      %dma_start3A_1202 = tpu.memref_slice %arg10[%dma_start3A_1195] : memref<6x!tpu.dma_semaphore, #tpu.memory_space<semaphore_mem>> -> memref<1x!tpu.dma_semaphore, #tpu.memory_space<semaphore_mem>>
      %dma_start3A_1203 = tpu.memref_squeeze %dma_start3A_1202 : memref<1x!tpu.dma_semaphore, #tpu.memory_space<semaphore_mem>> -> memref<!tpu.dma_semaphore, #tpu.memory_space<semaphore_mem>>
      %dma_start3A_1204 = arith.constant 0 : i32
      %dma_start3A_1205 = arith.constant 0 : i32
      %dma_start3A_1206 = tpu.memref_slice %arg7[%dma_start3A_1194, %dma_start3A_1204, %dma_start3A_1205] : memref<6x16x16xi32, #tpu.memory_space<vmem>> -> memref<1x16x16xi32, #tpu.memory_space<vmem>>
      %dma_start3A_1207 = tpu.memref_squeeze %dma_start3A_1206 : memref<1x16x16xi32, #tpu.memory_space<vmem>> -> memref<16x16xi32, #tpu.memory_space<vmem>>
      %dma_start3A_1208 = arith.constant 0 : i32
      %dma_start3A_1209 = tpu.memref_slice %arg3[%add3A_1177, %dma_start3A_1208] : memref<16384x16xi32, #tpu.memory_space<hbm>> -> memref<16x16xi32, #tpu.memory_space<hbm>>
      tpu.enqueue_dma source(%dma_start3A_1209 : memref<16x16xi32, #tpu.memory_space<hbm>>) target(%dma_start3A_1207 : memref<16x16xi32, #tpu.memory_space<vmem>>) target_semaphore(%dma_start3A_1203 : memref<!tpu.dma_semaphore, #tpu.memory_space<semaphore_mem>>)
      %parallel_loop3A_1210 = arith.constant 0 : i32
      %parallel_loop3A_1211 = arith.constant 16 : i32
      %parallel_loop3A_1212 = arith.constant 2 : i32
      scf.for %parallel_loop3A_1602 = %parallel_loop3A_1210 to %parallel_loop3A_1211 step %parallel_loop3A_1212  : i32 {
        %parallel_loop3A_1603 = arith.constant 0 : i32
        %parallel_loop3A_1604 = arith.index_cast %parallel_loop3A_1603 : i32 to index
        %parallel_loop3A_1605 = arith.index_cast %parallel_loop3A_1602 : i32 to index
        %parallel_loop3A_1606 = arith.constant 0 : index
        %parallel_loop3A_1607 = tpu.vector_load %arg7[%parallel_loop3A_1604, %parallel_loop3A_1605, %parallel_loop3A_1606] {strides = array<i32>} : memref<6x16x16xi32, #tpu.memory_space<vmem>>, vector<16xi32>,
        %parallel_loop3A_1608 = arith.constant 1 : i32
        %parallel_loop3A_1609 = arith.addi %parallel_loop3A_1602, %parallel_loop3A_1608 : i32
        %parallel_loop3A_1610 = arith.constant 0 : i32
        %parallel_loop3A_1611 = arith.index_cast %parallel_loop3A_1610 : i32 to index
        %parallel_loop3A_1612 = arith.index_cast %parallel_loop3A_1609 : i32 to index
        %parallel_loop3A_1613 = arith.constant 0 : index
        %parallel_loop3A_1614 = tpu.vector_load %arg7[%parallel_loop3A_1611, %parallel_loop3A_1612, %parallel_loop3A_1613] {strides = array<i32>} : memref<6x16x16xi32, #tpu.memory_space<vmem>>, vector<16xi32>,
        %parallel_loop3A_1615 = arith.constant 0 : i32
        %parallel_loop3A_1616 = arith.constant 64 : i32
        %parallel_loop3A_1617 = arith.constant 1 : i32
        scf.for %parallel_loop3A_1618 = %parallel_loop3A_1615 to %parallel_loop3A_1616 step %parallel_loop3A_1617  : i32 {
          %parallel_loop3A_1619 = arith.constant 16 : i32
          %parallel_loop3A_1620 = arith.muli %parallel_loop3A_1618, %parallel_loop3A_1619 : i32
          %parallel_loop3A_1621 = vector.broadcast %parallel_loop3A_1620 : i32 to vector<16xi32>
          %parallel_loop3A_1622 = arith.addi %parallel_loop3A_1607, %parallel_loop3A_1621 : vector<16xi32>
          %parallel_loop3A_1623 = tpu.vector_load_idx %arg8[%parallel_loop3A_1622] : memref<3072xf32, #tpu.memory_space<vmem>>[vector<16xi32>], vector<16xf32>,
          %parallel_loop3A_1624 = vector.broadcast %parallel_loop3A_1620 : i32 to vector<16xi32>
          %parallel_loop3A_1625 = arith.addi %parallel_loop3A_1614, %parallel_loop3A_1624 : vector<16xi32>
          %parallel_loop3A_1626 = tpu.vector_load_idx %arg8[%parallel_loop3A_1625] : memref<3072xf32, #tpu.memory_space<vmem>>[vector<16xi32>], vector<16xf32>,
          %parallel_loop3A_1627 = arith.constant 0 : i32
          %parallel_loop3A_1628 = arith.index_cast %parallel_loop3A_1627 : i32 to index
          %parallel_loop3A_1629 = arith.index_cast %parallel_loop3A_1602 : i32 to index
          %parallel_loop3A_1630 = arith.index_cast %parallel_loop3A_1620 : i32 to index
          %parallel_loop3A_1631 = tpu.vector_load %arg6[%parallel_loop3A_1628, %parallel_loop3A_1629, %parallel_loop3A_1630] {strides = array<i32>} : memref<6x16x1024xf32, #tpu.memory_space<vmem>>, vector<16xf32>,
          tpu.vector_store %arg6[%parallel_loop3A_1628, %parallel_loop3A_1629, %parallel_loop3A_1630], %parallel_loop3A_1623 {add = true, strides = array<i32>} : memref<6x16x1024xf32, #tpu.memory_space<vmem>>, vector<16xf32>,
          %parallel_loop3A_1632 = arith.constant 1 : i32
          %parallel_loop3A_1633 = arith.addi %parallel_loop3A_1602, %parallel_loop3A_1632 : i32
          %parallel_loop3A_1634 = arith.constant 0 : i32
          %parallel_loop3A_1635 = arith.index_cast %parallel_loop3A_1634 : i32 to index
          %parallel_loop3A_1636 = arith.index_cast %parallel_loop3A_1633 : i32 to index
          %parallel_loop3A_1637 = arith.index_cast %parallel_loop3A_1620 : i32 to index
          %parallel_loop3A_1638 = tpu.vector_load %arg6[%parallel_loop3A_1635, %parallel_loop3A_1636, %parallel_loop3A_1637] {strides = array<i32>} : memref<6x16x1024xf32, #tpu.memory_space<vmem>>, vector<16xf32>,
          tpu.vector_store %arg6[%parallel_loop3A_1635, %parallel_loop3A_1636, %parallel_loop3A_1637], %parallel_loop3A_1626 {add = true, strides = array<i32>} : memref<6x16x1024xf32, #tpu.memory_space<vmem>>, vector<16xf32>,
        } {sc.loop_unroll_factor = 8 : i64, sc.parallel_access}
      } {sc.loop_unroll_factor = 1 : i64, sc.parallel_access}
      %mul3A_1213 = arith.constant 16 : i32
      %mul3A_1214 = arith.muli %add3A_1114, %mul3A_1213 : i32
      %add3A_1215 = arith.addi %mul3A_2, %mul3A_1214 : i32
      %dma_start3A_1216 = arith.constant 0 : i32
      %dma_start3A_1217 = arith.constant 0 : i32
      %dma_start3A_1218 = arith.constant 0 : i32
      %dma_start3A_1219 = arith.constant 0 : i32
      %dma_start3A_1220 = tpu.memref_slice %arg6[%dma_start3A_1216, %dma_start3A_1218, %dma_start3A_1219] : memref<6x16x1024xf32, #tpu.memory_space<vmem>> -> memref<1x16x1024xf32, #tpu.memory_space<vmem>>
      %dma_start3A_1221 = tpu.memref_squeeze %dma_start3A_1220 : memref<1x16x1024xf32, #tpu.memory_space<vmem>> -> memref<16x1024xf32, #tpu.memory_space<vmem>>
      %dma_start3A_1222 = arith.constant 0 : i32
      %dma_start3A_1223 = tpu.memref_slice %arg5[%add3A_1215, %dma_start3A_1222] : memref<16384x1024xf32, #tpu.memory_space<hbm>> -> memref<16x1024xf32, #tpu.memory_space<hbm>>
      %dma_start3A_1224 = tpu.memref_slice %arg11[%dma_start3A_1217] : memref<6x!tpu.dma_semaphore, #tpu.memory_space<semaphore_mem>> -> memref<1x!tpu.dma_semaphore, #tpu.memory_space<semaphore_mem>>
      %dma_start3A_1225 = tpu.memref_squeeze %dma_start3A_1224 : memref<1x!tpu.dma_semaphore, #tpu.memory_space<semaphore_mem>> -> memref<!tpu.dma_semaphore, #tpu.memory_space<semaphore_mem>>
      %dma_start3A_1226 = arith.constant 0 : i32
      %dma_start3A_1227 = tpu.memref_slice %arg5[%add3A_1215, %dma_start3A_1226] : memref<16384x1024xf32, #tpu.memory_space<hbm>> -> memref<16x1024xf32, #tpu.memory_space<hbm>>
      %dma_start3A_1228 = arith.constant 0 : i32
      %dma_start3A_1229 = arith.constant 0 : i32
      %dma_start3A_1230 = tpu.memref_slice %arg6[%dma_start3A_1216, %dma_start3A_1228, %dma_start3A_1229] : memref<6x16x1024xf32, #tpu.memory_space<vmem>> -> memref<1x16x1024xf32, #tpu.memory_space<vmem>>
      %dma_start3A_1231 = tpu.memref_squeeze %dma_start3A_1230 : memref<1x16x1024xf32, #tpu.memory_space<vmem>> -> memref<16x1024xf32, #tpu.memory_space<vmem>>
      tpu.enqueue_dma source(%dma_start3A_1231 : memref<16x1024xf32, #tpu.memory_space<vmem>>) target(%dma_start3A_1227 : memref<16x1024xf32, #tpu.memory_space<hbm>>) target_semaphore(%dma_start3A_1225 : memref<!tpu.dma_semaphore, #tpu.memory_space<semaphore_mem>>)
      %mul3A_1232 = arith.constant 6 : i32
      %mul3A_1233 = arith.muli %scan3A_862, %mul3A_1232 : i32
      %add3A_1234 = arith.constant 4 : i32
      %add3A_1235 = arith.addi %mul3A_1233, %add3A_1234 : i32
      %add3A_1236 = arith.constant 3 : i32
      %add3A_1237 = arith.addi %add3A_1235, %add3A_1236 : i32
      %mul3A_1238 = arith.constant 16 : i32
      %mul3A_1239 = arith.muli %add3A_1237, %mul3A_1238 : i32
      %add3A_1240 = arith.addi %mul3A_2, %mul3A_1239 : i32
      %dma_wait3A_1241 = arith.constant 1 : i32
      %dma_wait3A_1242 = arith.constant 1 : i32
      %dma_wait3A_1243 = arith.constant 0 : i32
      %dma_wait3A_1244 = arith.constant 0 : i32
      %dma_wait3A_1245 = tpu.memref_slice %arg6[%dma_wait3A_1241, %dma_wait3A_1243, %dma_wait3A_1244] : memref<6x16x1024xf32, #tpu.memory_space<vmem>> -> memref<1x16x1024xf32, #tpu.memory_space<vmem>>
      %dma_wait3A_1246 = tpu.memref_squeeze %dma_wait3A_1245 : memref<1x16x1024xf32, #tpu.memory_space<vmem>> -> memref<16x1024xf32, #tpu.memory_space<vmem>>
      %dma_wait3A_1247 = arith.constant 0 : i32
      %dma_wait3A_1248 = tpu.memref_slice %arg2[%add3A_1240, %dma_wait3A_1247] : memref<16384x1024xf32, #tpu.memory_space<hbm>> -> memref<16x1024xf32, #tpu.memory_space<hbm>>
      %dma_wait3A_1249 = tpu.memref_slice %arg9[%dma_wait3A_1242] : memref<6x!tpu.dma_semaphore, #tpu.memory_space<semaphore_mem>> -> memref<1x!tpu.dma_semaphore, #tpu.memory_space<semaphore_mem>>
      %dma_wait3A_1250 = tpu.memref_squeeze %dma_wait3A_1249 : memref<1x!tpu.dma_semaphore, #tpu.memory_space<semaphore_mem>> -> memref<!tpu.dma_semaphore, #tpu.memory_space<semaphore_mem>>
      %dma_wait3A_1251 = arith.constant 0 : i32
      %dma_wait3A_1252 = arith.constant 0 : i32
      %dma_wait3A_1253 = tpu.memref_slice %arg6[%dma_wait3A_1241, %dma_wait3A_1251, %dma_wait3A_1252] : memref<6x16x1024xf32, #tpu.memory_space<vmem>> -> memref<1x16x1024xf32, #tpu.memory_space<vmem>>
      %dma_wait3A_1254 = tpu.memref_squeeze %dma_wait3A_1253 : memref<1x16x1024xf32, #tpu.memory_space<vmem>> -> memref<16x1024xf32, #tpu.memory_space<vmem>>
      %dma_wait3A_1255 = arith.constant 0 : i32
      %dma_wait3A_1256 = tpu.memref_slice %arg2[%add3A_1240, %dma_wait3A_1255] : memref<16384x1024xf32, #tpu.memory_space<hbm>> -> memref<16x1024xf32, #tpu.memory_space<hbm>>
      tpu.wait_dma2 semaphore(%dma_wait3A_1250 : memref<!tpu.dma_semaphore, #tpu.memory_space<semaphore_mem>>) src(%dma_wait3A_1256 : memref<16x1024xf32, #tpu.memory_space<hbm>>) dst(%dma_wait3A_1254 : memref<16x1024xf32, #tpu.memory_space<vmem>>)
      %dma_wait3A_1257 = arith.constant 1 : i32
      %dma_wait3A_1258 = arith.constant 1 : i32
      %dma_wait3A_1259 = arith.constant 0 : i32
      %dma_wait3A_1260 = arith.constant 0 : i32
      %dma_wait3A_1261 = tpu.memref_slice %arg7[%dma_wait3A_1257, %dma_wait3A_1259, %dma_wait3A_1260] : memref<6x16x16xi32, #tpu.memory_space<vmem>> -> memref<1x16x16xi32, #tpu.memory_space<vmem>>
      %dma_wait3A_1262 = tpu.memref_squeeze %dma_wait3A_1261 : memref<1x16x16xi32, #tpu.memory_space<vmem>> -> memref<16x16xi32, #tpu.memory_space<vmem>>
      %dma_wait3A_1263 = arith.constant 0 : i32
      %dma_wait3A_1264 = tpu.memref_slice %arg3[%add3A_1240, %dma_wait3A_1263] : memref<16384x16xi32, #tpu.memory_space<hbm>> -> memref<16x16xi32, #tpu.memory_space<hbm>>
      %dma_wait3A_1265 = tpu.memref_slice %arg10[%dma_wait3A_1258] : memref<6x!tpu.dma_semaphore, #tpu.memory_space<semaphore_mem>> -> memref<1x!tpu.dma_semaphore, #tpu.memory_space<semaphore_mem>>
      %dma_wait3A_1266 = tpu.memref_squeeze %dma_wait3A_1265 : memref<1x!tpu.dma_semaphore, #tpu.memory_space<semaphore_mem>> -> memref<!tpu.dma_semaphore, #tpu.memory_space<semaphore_mem>>
      %dma_wait3A_1267 = arith.constant 0 : i32
      %dma_wait3A_1268 = arith.constant 0 : i32
      %dma_wait3A_1269 = tpu.memref_slice %arg7[%dma_wait3A_1257, %dma_wait3A_1267, %dma_wait3A_1268] : memref<6x16x16xi32, #tpu.memory_space<vmem>> -> memref<1x16x16xi32, #tpu.memory_space<vmem>>
      %dma_wait3A_1270 = tpu.memref_squeeze %dma_wait3A_1269 : memref<1x16x16xi32, #tpu.memory_space<vmem>> -> memref<16x16xi32, #tpu.memory_space<vmem>>
      %dma_wait3A_1271 = arith.constant 0 : i32
      %dma_wait3A_1272 = tpu.memref_slice %arg3[%add3A_1240, %dma_wait3A_1271] : memref<16384x16xi32, #tpu.memory_space<hbm>> -> memref<16x16xi32, #tpu.memory_space<hbm>>
      tpu.wait_dma2 semaphore(%dma_wait3A_1266 : memref<!tpu.dma_semaphore, #tpu.memory_space<semaphore_mem>>) src(%dma_wait3A_1272 : memref<16x16xi32, #tpu.memory_space<hbm>>) dst(%dma_wait3A_1270 : memref<16x16xi32, #tpu.memory_space<vmem>>)
      %add3A_1273 = arith.constant 4 : i32
      %add3A_1274 = arith.addi %add3A_1237, %add3A_1273 : i32
      %sub3A_1275 = arith.constant 6 : i32
      %sub3A_1276 = arith.subi %add3A_1274, %sub3A_1275 : i32
      %mul3A_1277 = arith.constant 16 : i32
      %mul3A_1278 = arith.muli %sub3A_1276, %mul3A_1277 : i32
      %add3A_1279 = arith.addi %mul3A_2, %mul3A_1278 : i32
      %dma_wait3A_1280 = arith.constant 5 : i32
      %dma_wait3A_1281 = arith.constant 5 : i32
      %dma_wait3A_1282 = arith.constant 0 : i32
      %dma_wait3A_1283 = arith.constant 0 : i32
      %dma_wait3A_1284 = tpu.memref_slice %arg6[%dma_wait3A_1280, %dma_wait3A_1282, %dma_wait3A_1283] : memref<6x16x1024xf32, #tpu.memory_space<vmem>> -> memref<1x16x1024xf32, #tpu.memory_space<vmem>>
      %dma_wait3A_1285 = tpu.memref_squeeze %dma_wait3A_1284 : memref<1x16x1024xf32, #tpu.memory_space<vmem>> -> memref<16x1024xf32, #tpu.memory_space<vmem>>
      %dma_wait3A_1286 = arith.constant 0 : i32
      %dma_wait3A_1287 = tpu.memref_slice %arg5[%add3A_1279, %dma_wait3A_1286] : memref<16384x1024xf32, #tpu.memory_space<hbm>> -> memref<16x1024xf32, #tpu.memory_space<hbm>>
      %dma_wait3A_1288 = tpu.memref_slice %arg11[%dma_wait3A_1281] : memref<6x!tpu.dma_semaphore, #tpu.memory_space<semaphore_mem>> -> memref<1x!tpu.dma_semaphore, #tpu.memory_space<semaphore_mem>>
      %dma_wait3A_1289 = tpu.memref_squeeze %dma_wait3A_1288 : memref<1x!tpu.dma_semaphore, #tpu.memory_space<semaphore_mem>> -> memref<!tpu.dma_semaphore, #tpu.memory_space<semaphore_mem>>
      %dma_wait3A_1290 = arith.constant 0 : i32
      %dma_wait3A_1291 = tpu.memref_slice %arg5[%add3A_1279, %dma_wait3A_1290] : memref<16384x1024xf32, #tpu.memory_space<hbm>> -> memref<16x1024xf32, #tpu.memory_space<hbm>>
      %dma_wait3A_1292 = arith.constant 0 : i32
      %dma_wait3A_1293 = arith.constant 0 : i32
      %dma_wait3A_1294 = tpu.memref_slice %arg6[%dma_wait3A_1280, %dma_wait3A_1292, %dma_wait3A_1293] : memref<6x16x1024xf32, #tpu.memory_space<vmem>> -> memref<1x16x1024xf32, #tpu.memory_space<vmem>>
      %dma_wait3A_1295 = tpu.memref_squeeze %dma_wait3A_1294 : memref<1x16x1024xf32, #tpu.memory_space<vmem>> -> memref<16x1024xf32, #tpu.memory_space<vmem>>
      tpu.wait_dma2 semaphore(%dma_wait3A_1289 : memref<!tpu.dma_semaphore, #tpu.memory_space<semaphore_mem>>) src(%dma_wait3A_1295 : memref<16x1024xf32, #tpu.memory_space<vmem>>) dst(%dma_wait3A_1291 : memref<16x1024xf32, #tpu.memory_space<hbm>>)
      %add3A_1296 = arith.constant 4 : i32
      %add3A_1297 = arith.addi %add3A_1237, %add3A_1296 : i32
      %mul3A_1298 = arith.constant 16 : i32
      %mul3A_1299 = arith.muli %add3A_1297, %mul3A_1298 : i32
      %add3A_1300 = arith.addi %mul3A_2, %mul3A_1299 : i32
      %dma_start3A_1301 = arith.constant 5 : i32
      %dma_start3A_1302 = arith.constant 5 : i32
      %dma_start3A_1303 = arith.constant 0 : i32
      %dma_start3A_1304 = arith.constant 0 : i32
      %dma_start3A_1305 = tpu.memref_slice %arg6[%dma_start3A_1301, %dma_start3A_1303, %dma_start3A_1304] : memref<6x16x1024xf32, #tpu.memory_space<vmem>> -> memref<1x16x1024xf32, #tpu.memory_space<vmem>>
      %dma_start3A_1306 = tpu.memref_squeeze %dma_start3A_1305 : memref<1x16x1024xf32, #tpu.memory_space<vmem>> -> memref<16x1024xf32, #tpu.memory_space<vmem>>
      %dma_start3A_1307 = arith.constant 0 : i32
      %dma_start3A_1308 = tpu.memref_slice %arg2[%add3A_1300, %dma_start3A_1307] : memref<16384x1024xf32, #tpu.memory_space<hbm>> -> memref<16x1024xf32, #tpu.memory_space<hbm>>
      %dma_start3A_1309 = tpu.memref_slice %arg9[%dma_start3A_1302] : memref<6x!tpu.dma_semaphore, #tpu.memory_space<semaphore_mem>> -> memref<1x!tpu.dma_semaphore, #tpu.memory_space<semaphore_mem>>
      %dma_start3A_1310 = tpu.memref_squeeze %dma_start3A_1309 : memref<1x!tpu.dma_semaphore, #tpu.memory_space<semaphore_mem>> -> memref<!tpu.dma_semaphore, #tpu.memory_space<semaphore_mem>>
      %dma_start3A_1311 = arith.constant 0 : i32
      %dma_start3A_1312 = arith.constant 0 : i32
      %dma_start3A_1313 = tpu.memref_slice %arg6[%dma_start3A_1301, %dma_start3A_1311, %dma_start3A_1312] : memref<6x16x1024xf32, #tpu.memory_space<vmem>> -> memref<1x16x1024xf32, #tpu.memory_space<vmem>>
      %dma_start3A_1314 = tpu.memref_squeeze %dma_start3A_1313 : memref<1x16x1024xf32, #tpu.memory_space<vmem>> -> memref<16x1024xf32, #tpu.memory_space<vmem>>
      %dma_start3A_1315 = arith.constant 0 : i32
      %dma_start3A_1316 = tpu.memref_slice %arg2[%add3A_1300, %dma_start3A_1315] : memref<16384x1024xf32, #tpu.memory_space<hbm>> -> memref<16x1024xf32, #tpu.memory_space<hbm>>
      tpu.enqueue_dma source(%dma_start3A_1316 : memref<16x1024xf32, #tpu.memory_space<hbm>>) target(%dma_start3A_1314 : memref<16x1024xf32, #tpu.memory_space<vmem>>) target_semaphore(%dma_start3A_1310 : memref<!tpu.dma_semaphore, #tpu.memory_space<semaphore_mem>>)
      %dma_start3A_1317 = arith.constant 5 : i32
      %dma_start3A_1318 = arith.constant 5 : i32
      %dma_start3A_1319 = arith.constant 0 : i32
      %dma_start3A_1320 = arith.constant 0 : i32
      %dma_start3A_1321 = tpu.memref_slice %arg7[%dma_start3A_1317, %dma_start3A_1319, %dma_start3A_1320] : memref<6x16x16xi32, #tpu.memory_space<vmem>> -> memref<1x16x16xi32, #tpu.memory_space<vmem>>
      %dma_start3A_1322 = tpu.memref_squeeze %dma_start3A_1321 : memref<1x16x16xi32, #tpu.memory_space<vmem>> -> memref<16x16xi32, #tpu.memory_space<vmem>>
      %dma_start3A_1323 = arith.constant 0 : i32
      %dma_start3A_1324 = tpu.memref_slice %arg3[%add3A_1300, %dma_start3A_1323] : memref<16384x16xi32, #tpu.memory_space<hbm>> -> memref<16x16xi32, #tpu.memory_space<hbm>>
      %dma_start3A_1325 = tpu.memref_slice %arg10[%dma_start3A_1318] : memref<6x!tpu.dma_semaphore, #tpu.memory_space<semaphore_mem>> -> memref<1x!tpu.dma_semaphore, #tpu.memory_space<semaphore_mem>>
      %dma_start3A_1326 = tpu.memref_squeeze %dma_start3A_1325 : memref<1x!tpu.dma_semaphore, #tpu.memory_space<semaphore_mem>> -> memref<!tpu.dma_semaphore, #tpu.memory_space<semaphore_mem>>
      %dma_start3A_1327 = arith.constant 0 : i32
      %dma_start3A_1328 = arith.constant 0 : i32
      %dma_start3A_1329 = tpu.memref_slice %arg7[%dma_start3A_1317, %dma_start3A_1327, %dma_start3A_1328] : memref<6x16x16xi32, #tpu.memory_space<vmem>> -> memref<1x16x16xi32, #tpu.memory_space<vmem>>
      %dma_start3A_1330 = tpu.memref_squeeze %dma_start3A_1329 : memref<1x16x16xi32, #tpu.memory_space<vmem>> -> memref<16x16xi32, #tpu.memory_space<vmem>>
      %dma_start3A_1331 = arith.constant 0 : i32
      %dma_start3A_1332 = tpu.memref_slice %arg3[%add3A_1300, %dma_start3A_1331] : memref<16384x16xi32, #tpu.memory_space<hbm>> -> memref<16x16xi32, #tpu.memory_space<hbm>>
      tpu.enqueue_dma source(%dma_start3A_1332 : memref<16x16xi32, #tpu.memory_space<hbm>>) target(%dma_start3A_1330 : memref<16x16xi32, #tpu.memory_space<vmem>>) target_semaphore(%dma_start3A_1326 : memref<!tpu.dma_semaphore, #tpu.memory_space<semaphore_mem>>)
      %parallel_loop3A_1333 = arith.constant 0 : i32
      %parallel_loop3A_1334 = arith.constant 16 : i32
      %parallel_loop3A_1335 = arith.constant 2 : i32
      scf.for %parallel_loop3A_1602 = %parallel_loop3A_1333 to %parallel_loop3A_1334 step %parallel_loop3A_1335  : i32 {
        %parallel_loop3A_1603 = arith.constant 1 : i32
        %parallel_loop3A_1604 = arith.index_cast %parallel_loop3A_1603 : i32 to index
        %parallel_loop3A_1605 = arith.index_cast %parallel_loop3A_1602 : i32 to index
        %parallel_loop3A_1606 = arith.constant 0 : index
        %parallel_loop3A_1607 = tpu.vector_load %arg7[%parallel_loop3A_1604, %parallel_loop3A_1605, %parallel_loop3A_1606] {strides = array<i32>} : memref<6x16x16xi32, #tpu.memory_space<vmem>>, vector<16xi32>,
        %parallel_loop3A_1608 = arith.constant 1 : i32
        %parallel_loop3A_1609 = arith.addi %parallel_loop3A_1602, %parallel_loop3A_1608 : i32
        %parallel_loop3A_1610 = arith.constant 1 : i32
        %parallel_loop3A_1611 = arith.index_cast %parallel_loop3A_1610 : i32 to index
        %parallel_loop3A_1612 = arith.index_cast %parallel_loop3A_1609 : i32 to index
        %parallel_loop3A_1613 = arith.constant 0 : index
        %parallel_loop3A_1614 = tpu.vector_load %arg7[%parallel_loop3A_1611, %parallel_loop3A_1612, %parallel_loop3A_1613] {strides = array<i32>} : memref<6x16x16xi32, #tpu.memory_space<vmem>>, vector<16xi32>,
        %parallel_loop3A_1615 = arith.constant 0 : i32
        %parallel_loop3A_1616 = arith.constant 64 : i32
        %parallel_loop3A_1617 = arith.constant 1 : i32
        scf.for %parallel_loop3A_1618 = %parallel_loop3A_1615 to %parallel_loop3A_1616 step %parallel_loop3A_1617  : i32 {
          %parallel_loop3A_1619 = arith.constant 16 : i32
          %parallel_loop3A_1620 = arith.muli %parallel_loop3A_1618, %parallel_loop3A_1619 : i32
          %parallel_loop3A_1621 = vector.broadcast %parallel_loop3A_1620 : i32 to vector<16xi32>
          %parallel_loop3A_1622 = arith.addi %parallel_loop3A_1607, %parallel_loop3A_1621 : vector<16xi32>
          %parallel_loop3A_1623 = tpu.vector_load_idx %arg8[%parallel_loop3A_1622] : memref<3072xf32, #tpu.memory_space<vmem>>[vector<16xi32>], vector<16xf32>,
          %parallel_loop3A_1624 = vector.broadcast %parallel_loop3A_1620 : i32 to vector<16xi32>
          %parallel_loop3A_1625 = arith.addi %parallel_loop3A_1614, %parallel_loop3A_1624 : vector<16xi32>
          %parallel_loop3A_1626 = tpu.vector_load_idx %arg8[%parallel_loop3A_1625] : memref<3072xf32, #tpu.memory_space<vmem>>[vector<16xi32>], vector<16xf32>,
          %parallel_loop3A_1627 = arith.constant 1 : i32
          %parallel_loop3A_1628 = arith.index_cast %parallel_loop3A_1627 : i32 to index
          %parallel_loop3A_1629 = arith.index_cast %parallel_loop3A_1602 : i32 to index
          %parallel_loop3A_1630 = arith.index_cast %parallel_loop3A_1620 : i32 to index
          %parallel_loop3A_1631 = tpu.vector_load %arg6[%parallel_loop3A_1628, %parallel_loop3A_1629, %parallel_loop3A_1630] {strides = array<i32>} : memref<6x16x1024xf32, #tpu.memory_space<vmem>>, vector<16xf32>,
          tpu.vector_store %arg6[%parallel_loop3A_1628, %parallel_loop3A_1629, %parallel_loop3A_1630], %parallel_loop3A_1623 {add = true, strides = array<i32>} : memref<6x16x1024xf32, #tpu.memory_space<vmem>>, vector<16xf32>,
          %parallel_loop3A_1632 = arith.constant 1 : i32
          %parallel_loop3A_1633 = arith.addi %parallel_loop3A_1602, %parallel_loop3A_1632 : i32
          %parallel_loop3A_1634 = arith.constant 1 : i32
          %parallel_loop3A_1635 = arith.index_cast %parallel_loop3A_1634 : i32 to index
          %parallel_loop3A_1636 = arith.index_cast %parallel_loop3A_1633 : i32 to index
          %parallel_loop3A_1637 = arith.index_cast %parallel_loop3A_1620 : i32 to index
          %parallel_loop3A_1638 = tpu.vector_load %arg6[%parallel_loop3A_1635, %parallel_loop3A_1636, %parallel_loop3A_1637] {strides = array<i32>} : memref<6x16x1024xf32, #tpu.memory_space<vmem>>, vector<16xf32>,
          tpu.vector_store %arg6[%parallel_loop3A_1635, %parallel_loop3A_1636, %parallel_loop3A_1637], %parallel_loop3A_1626 {add = true, strides = array<i32>} : memref<6x16x1024xf32, #tpu.memory_space<vmem>>, vector<16xf32>,
        } {sc.loop_unroll_factor = 8 : i64, sc.parallel_access}
      } {sc.loop_unroll_factor = 1 : i64, sc.parallel_access}
      %mul3A_1336 = arith.constant 16 : i32
      %mul3A_1337 = arith.muli %add3A_1237, %mul3A_1336 : i32
      %add3A_1338 = arith.addi %mul3A_2, %mul3A_1337 : i32
      %dma_start3A_1339 = arith.constant 1 : i32
      %dma_start3A_1340 = arith.constant 1 : i32
      %dma_start3A_1341 = arith.constant 0 : i32
      %dma_start3A_1342 = arith.constant 0 : i32
      %dma_start3A_1343 = tpu.memref_slice %arg6[%dma_start3A_1339, %dma_start3A_1341, %dma_start3A_1342] : memref<6x16x1024xf32, #tpu.memory_space<vmem>> -> memref<1x16x1024xf32, #tpu.memory_space<vmem>>
      %dma_start3A_1344 = tpu.memref_squeeze %dma_start3A_1343 : memref<1x16x1024xf32, #tpu.memory_space<vmem>> -> memref<16x1024xf32, #tpu.memory_space<vmem>>
      %dma_start3A_1345 = arith.constant 0 : i32
      %dma_start3A_1346 = tpu.memref_slice %arg5[%add3A_1338, %dma_start3A_1345] : memref<16384x1024xf32, #tpu.memory_space<hbm>> -> memref<16x1024xf32, #tpu.memory_space<hbm>>
      %dma_start3A_1347 = tpu.memref_slice %arg11[%dma_start3A_1340] : memref<6x!tpu.dma_semaphore, #tpu.memory_space<semaphore_mem>> -> memref<1x!tpu.dma_semaphore, #tpu.memory_space<semaphore_mem>>
      %dma_start3A_1348 = tpu.memref_squeeze %dma_start3A_1347 : memref<1x!tpu.dma_semaphore, #tpu.memory_space<semaphore_mem>> -> memref<!tpu.dma_semaphore, #tpu.memory_space<semaphore_mem>>
      %dma_start3A_1349 = arith.constant 0 : i32
      %dma_start3A_1350 = tpu.memref_slice %arg5[%add3A_1338, %dma_start3A_1349] : memref<16384x1024xf32, #tpu.memory_space<hbm>> -> memref<16x1024xf32, #tpu.memory_space<hbm>>
      %dma_start3A_1351 = arith.constant 0 : i32
      %dma_start3A_1352 = arith.constant 0 : i32
      %dma_start3A_1353 = tpu.memref_slice %arg6[%dma_start3A_1339, %dma_start3A_1351, %dma_start3A_1352] : memref<6x16x1024xf32, #tpu.memory_space<vmem>> -> memref<1x16x1024xf32, #tpu.memory_space<vmem>>
      %dma_start3A_1354 = tpu.memref_squeeze %dma_start3A_1353 : memref<1x16x1024xf32, #tpu.memory_space<vmem>> -> memref<16x1024xf32, #tpu.memory_space<vmem>>
      tpu.enqueue_dma source(%dma_start3A_1354 : memref<16x1024xf32, #tpu.memory_space<vmem>>) target(%dma_start3A_1350 : memref<16x1024xf32, #tpu.memory_space<hbm>>) target_semaphore(%dma_start3A_1348 : memref<!tpu.dma_semaphore, #tpu.memory_space<semaphore_mem>>)
      %mul3A_1355 = arith.constant 6 : i32
      %mul3A_1356 = arith.muli %scan3A_862, %mul3A_1355 : i32
      %add3A_1357 = arith.constant 4 : i32
      %add3A_1358 = arith.addi %mul3A_1356, %add3A_1357 : i32
      %add3A_1359 = arith.constant 4 : i32
      %add3A_1360 = arith.addi %add3A_1358, %add3A_1359 : i32
      %mul3A_1361 = arith.constant 16 : i32
      %mul3A_1362 = arith.muli %add3A_1360, %mul3A_1361 : i32
      %add3A_1363 = arith.addi %mul3A_2, %mul3A_1362 : i32
      %dma_wait3A_1364 = arith.constant 2 : i32
      %dma_wait3A_1365 = arith.constant 2 : i32
      %dma_wait3A_1366 = arith.constant 0 : i32
      %dma_wait3A_1367 = arith.constant 0 : i32
      %dma_wait3A_1368 = tpu.memref_slice %arg6[%dma_wait3A_1364, %dma_wait3A_1366, %dma_wait3A_1367] : memref<6x16x1024xf32, #tpu.memory_space<vmem>> -> memref<1x16x1024xf32, #tpu.memory_space<vmem>>
      %dma_wait3A_1369 = tpu.memref_squeeze %dma_wait3A_1368 : memref<1x16x1024xf32, #tpu.memory_space<vmem>> -> memref<16x1024xf32, #tpu.memory_space<vmem>>
      %dma_wait3A_1370 = arith.constant 0 : i32
      %dma_wait3A_1371 = tpu.memref_slice %arg2[%add3A_1363, %dma_wait3A_1370] : memref<16384x1024xf32, #tpu.memory_space<hbm>> -> memref<16x1024xf32, #tpu.memory_space<hbm>>
      %dma_wait3A_1372 = tpu.memref_slice %arg9[%dma_wait3A_1365] : memref<6x!tpu.dma_semaphore, #tpu.memory_space<semaphore_mem>> -> memref<1x!tpu.dma_semaphore, #tpu.memory_space<semaphore_mem>>
      %dma_wait3A_1373 = tpu.memref_squeeze %dma_wait3A_1372 : memref<1x!tpu.dma_semaphore, #tpu.memory_space<semaphore_mem>> -> memref<!tpu.dma_semaphore, #tpu.memory_space<semaphore_mem>>
      %dma_wait3A_1374 = arith.constant 0 : i32
      %dma_wait3A_1375 = arith.constant 0 : i32
      %dma_wait3A_1376 = tpu.memref_slice %arg6[%dma_wait3A_1364, %dma_wait3A_1374, %dma_wait3A_1375] : memref<6x16x1024xf32, #tpu.memory_space<vmem>> -> memref<1x16x1024xf32, #tpu.memory_space<vmem>>
      %dma_wait3A_1377 = tpu.memref_squeeze %dma_wait3A_1376 : memref<1x16x1024xf32, #tpu.memory_space<vmem>> -> memref<16x1024xf32, #tpu.memory_space<vmem>>
      %dma_wait3A_1378 = arith.constant 0 : i32
      %dma_wait3A_1379 = tpu.memref_slice %arg2[%add3A_1363, %dma_wait3A_1378] : memref<16384x1024xf32, #tpu.memory_space<hbm>> -> memref<16x1024xf32, #tpu.memory_space<hbm>>
      tpu.wait_dma2 semaphore(%dma_wait3A_1373 : memref<!tpu.dma_semaphore, #tpu.memory_space<semaphore_mem>>) src(%dma_wait3A_1379 : memref<16x1024xf32, #tpu.memory_space<hbm>>) dst(%dma_wait3A_1377 : memref<16x1024xf32, #tpu.memory_space<vmem>>)
      %dma_wait3A_1380 = arith.constant 2 : i32
      %dma_wait3A_1381 = arith.constant 2 : i32
      %dma_wait3A_1382 = arith.constant 0 : i32
      %dma_wait3A_1383 = arith.constant 0 : i32
      %dma_wait3A_1384 = tpu.memref_slice %arg7[%dma_wait3A_1380, %dma_wait3A_1382, %dma_wait3A_1383] : memref<6x16x16xi32, #tpu.memory_space<vmem>> -> memref<1x16x16xi32, #tpu.memory_space<vmem>>
      %dma_wait3A_1385 = tpu.memref_squeeze %dma_wait3A_1384 : memref<1x16x16xi32, #tpu.memory_space<vmem>> -> memref<16x16xi32, #tpu.memory_space<vmem>>
      %dma_wait3A_1386 = arith.constant 0 : i32
      %dma_wait3A_1387 = tpu.memref_slice %arg3[%add3A_1363, %dma_wait3A_1386] : memref<16384x16xi32, #tpu.memory_space<hbm>> -> memref<16x16xi32, #tpu.memory_space<hbm>>
      %dma_wait3A_1388 = tpu.memref_slice %arg10[%dma_wait3A_1381] : memref<6x!tpu.dma_semaphore, #tpu.memory_space<semaphore_mem>> -> memref<1x!tpu.dma_semaphore, #tpu.memory_space<semaphore_mem>>
      %dma_wait3A_1389 = tpu.memref_squeeze %dma_wait3A_1388 : memref<1x!tpu.dma_semaphore, #tpu.memory_space<semaphore_mem>> -> memref<!tpu.dma_semaphore, #tpu.memory_space<semaphore_mem>>
      %dma_wait3A_1390 = arith.constant 0 : i32
      %dma_wait3A_1391 = arith.constant 0 : i32
      %dma_wait3A_1392 = tpu.memref_slice %arg7[%dma_wait3A_1380, %dma_wait3A_1390, %dma_wait3A_1391] : memref<6x16x16xi32, #tpu.memory_space<vmem>> -> memref<1x16x16xi32, #tpu.memory_space<vmem>>
      %dma_wait3A_1393 = tpu.memref_squeeze %dma_wait3A_1392 : memref<1x16x16xi32, #tpu.memory_space<vmem>> -> memref<16x16xi32, #tpu.memory_space<vmem>>
      %dma_wait3A_1394 = arith.constant 0 : i32
      %dma_wait3A_1395 = tpu.memref_slice %arg3[%add3A_1363, %dma_wait3A_1394] : memref<16384x16xi32, #tpu.memory_space<hbm>> -> memref<16x16xi32, #tpu.memory_space<hbm>>
      tpu.wait_dma2 semaphore(%dma_wait3A_1389 : memref<!tpu.dma_semaphore, #tpu.memory_space<semaphore_mem>>) src(%dma_wait3A_1395 : memref<16x16xi32, #tpu.memory_space<hbm>>) dst(%dma_wait3A_1393 : memref<16x16xi32, #tpu.memory_space<vmem>>)
      %add3A_1396 = arith.constant 4 : i32
      %add3A_1397 = arith.addi %add3A_1360, %add3A_1396 : i32
      %sub3A_1398 = arith.constant 6 : i32
      %sub3A_1399 = arith.subi %add3A_1397, %sub3A_1398 : i32
      %mul3A_1400 = arith.constant 16 : i32
      %mul3A_1401 = arith.muli %sub3A_1399, %mul3A_1400 : i32
      %add3A_1402 = arith.addi %mul3A_2, %mul3A_1401 : i32
      %dma_wait3A_1403 = arith.constant 0 : i32
      %dma_wait3A_1404 = arith.constant 0 : i32
      %dma_wait3A_1405 = arith.constant 0 : i32
      %dma_wait3A_1406 = arith.constant 0 : i32
      %dma_wait3A_1407 = tpu.memref_slice %arg6[%dma_wait3A_1403, %dma_wait3A_1405, %dma_wait3A_1406] : memref<6x16x1024xf32, #tpu.memory_space<vmem>> -> memref<1x16x1024xf32, #tpu.memory_space<vmem>>
      %dma_wait3A_1408 = tpu.memref_squeeze %dma_wait3A_1407 : memref<1x16x1024xf32, #tpu.memory_space<vmem>> -> memref<16x1024xf32, #tpu.memory_space<vmem>>
      %dma_wait3A_1409 = arith.constant 0 : i32
      %dma_wait3A_1410 = tpu.memref_slice %arg5[%add3A_1402, %dma_wait3A_1409] : memref<16384x1024xf32, #tpu.memory_space<hbm>> -> memref<16x1024xf32, #tpu.memory_space<hbm>>
      %dma_wait3A_1411 = tpu.memref_slice %arg11[%dma_wait3A_1404] : memref<6x!tpu.dma_semaphore, #tpu.memory_space<semaphore_mem>> -> memref<1x!tpu.dma_semaphore, #tpu.memory_space<semaphore_mem>>
      %dma_wait3A_1412 = tpu.memref_squeeze %dma_wait3A_1411 : memref<1x!tpu.dma_semaphore, #tpu.memory_space<semaphore_mem>> -> memref<!tpu.dma_semaphore, #tpu.memory_space<semaphore_mem>>
      %dma_wait3A_1413 = arith.constant 0 : i32
      %dma_wait3A_1414 = tpu.memref_slice %arg5[%add3A_1402, %dma_wait3A_1413] : memref<16384x1024xf32, #tpu.memory_space<hbm>> -> memref<16x1024xf32, #tpu.memory_space<hbm>>
      %dma_wait3A_1415 = arith.constant 0 : i32
      %dma_wait3A_1416 = arith.constant 0 : i32
      %dma_wait3A_1417 = tpu.memref_slice %arg6[%dma_wait3A_1403, %dma_wait3A_1415, %dma_wait3A_1416] : memref<6x16x1024xf32, #tpu.memory_space<vmem>> -> memref<1x16x1024xf32, #tpu.memory_space<vmem>>
      %dma_wait3A_1418 = tpu.memref_squeeze %dma_wait3A_1417 : memref<1x16x1024xf32, #tpu.memory_space<vmem>> -> memref<16x1024xf32, #tpu.memory_space<vmem>>
      tpu.wait_dma2 semaphore(%dma_wait3A_1412 : memref<!tpu.dma_semaphore, #tpu.memory_space<semaphore_mem>>) src(%dma_wait3A_1418 : memref<16x1024xf32, #tpu.memory_space<vmem>>) dst(%dma_wait3A_1414 : memref<16x1024xf32, #tpu.memory_space<hbm>>)
      %add3A_1419 = arith.constant 4 : i32
      %add3A_1420 = arith.addi %add3A_1360, %add3A_1419 : i32
      %mul3A_1421 = arith.constant 16 : i32
      %mul3A_1422 = arith.muli %add3A_1420, %mul3A_1421 : i32
      %add3A_1423 = arith.addi %mul3A_2, %mul3A_1422 : i32
      %dma_start3A_1424 = arith.constant 0 : i32
      %dma_start3A_1425 = arith.constant 0 : i32
      %dma_start3A_1426 = arith.constant 0 : i32
      %dma_start3A_1427 = arith.constant 0 : i32
      %dma_start3A_1428 = tpu.memref_slice %arg6[%dma_start3A_1424, %dma_start3A_1426, %dma_start3A_1427] : memref<6x16x1024xf32, #tpu.memory_space<vmem>> -> memref<1x16x1024xf32, #tpu.memory_space<vmem>>
      %dma_start3A_1429 = tpu.memref_squeeze %dma_start3A_1428 : memref<1x16x1024xf32, #tpu.memory_space<vmem>> -> memref<16x1024xf32, #tpu.memory_space<vmem>>
      %dma_start3A_1430 = arith.constant 0 : i32
      %dma_start3A_1431 = tpu.memref_slice %arg2[%add3A_1423, %dma_start3A_1430] : memref<16384x1024xf32, #tpu.memory_space<hbm>> -> memref<16x1024xf32, #tpu.memory_space<hbm>>
      %dma_start3A_1432 = tpu.memref_slice %arg9[%dma_start3A_1425] : memref<6x!tpu.dma_semaphore, #tpu.memory_space<semaphore_mem>> -> memref<1x!tpu.dma_semaphore, #tpu.memory_space<semaphore_mem>>
      %dma_start3A_1433 = tpu.memref_squeeze %dma_start3A_1432 : memref<1x!tpu.dma_semaphore, #tpu.memory_space<semaphore_mem>> -> memref<!tpu.dma_semaphore, #tpu.memory_space<semaphore_mem>>
      %dma_start3A_1434 = arith.constant 0 : i32
      %dma_start3A_1435 = arith.constant 0 : i32
      %dma_start3A_1436 = tpu.memref_slice %arg6[%dma_start3A_1424, %dma_start3A_1434, %dma_start3A_1435] : memref<6x16x1024xf32, #tpu.memory_space<vmem>> -> memref<1x16x1024xf32, #tpu.memory_space<vmem>>
      %dma_start3A_1437 = tpu.memref_squeeze %dma_start3A_1436 : memref<1x16x1024xf32, #tpu.memory_space<vmem>> -> memref<16x1024xf32, #tpu.memory_space<vmem>>
      %dma_start3A_1438 = arith.constant 0 : i32
      %dma_start3A_1439 = tpu.memref_slice %arg2[%add3A_1423, %dma_start3A_1438] : memref<16384x1024xf32, #tpu.memory_space<hbm>> -> memref<16x1024xf32, #tpu.memory_space<hbm>>
      tpu.enqueue_dma source(%dma_start3A_1439 : memref<16x1024xf32, #tpu.memory_space<hbm>>) target(%dma_start3A_1437 : memref<16x1024xf32, #tpu.memory_space<vmem>>) target_semaphore(%dma_start3A_1433 : memref<!tpu.dma_semaphore, #tpu.memory_space<semaphore_mem>>)
      %dma_start3A_1440 = arith.constant 0 : i32
      %dma_start3A_1441 = arith.constant 0 : i32
      %dma_start3A_1442 = arith.constant 0 : i32
      %dma_start3A_1443 = arith.constant 0 : i32
      %dma_start3A_1444 = tpu.memref_slice %arg7[%dma_start3A_1440, %dma_start3A_1442, %dma_start3A_1443] : memref<6x16x16xi32, #tpu.memory_space<vmem>> -> memref<1x16x16xi32, #tpu.memory_space<vmem>>
      %dma_start3A_1445 = tpu.memref_squeeze %dma_start3A_1444 : memref<1x16x16xi32, #tpu.memory_space<vmem>> -> memref<16x16xi32, #tpu.memory_space<vmem>>
      %dma_start3A_1446 = arith.constant 0 : i32
      %dma_start3A_1447 = tpu.memref_slice %arg3[%add3A_1423, %dma_start3A_1446] : memref<16384x16xi32, #tpu.memory_space<hbm>> -> memref<16x16xi32, #tpu.memory_space<hbm>>
      %dma_start3A_1448 = tpu.memref_slice %arg10[%dma_start3A_1441] : memref<6x!tpu.dma_semaphore, #tpu.memory_space<semaphore_mem>> -> memref<1x!tpu.dma_semaphore, #tpu.memory_space<semaphore_mem>>
      %dma_start3A_1449 = tpu.memref_squeeze %dma_start3A_1448 : memref<1x!tpu.dma_semaphore, #tpu.memory_space<semaphore_mem>> -> memref<!tpu.dma_semaphore, #tpu.memory_space<semaphore_mem>>
      %dma_start3A_1450 = arith.constant 0 : i32
      %dma_start3A_1451 = arith.constant 0 : i32
      %dma_start3A_1452 = tpu.memref_slice %arg7[%dma_start3A_1440, %dma_start3A_1450, %dma_start3A_1451] : memref<6x16x16xi32, #tpu.memory_space<vmem>> -> memref<1x16x16xi32, #tpu.memory_space<vmem>>
      %dma_start3A_1453 = tpu.memref_squeeze %dma_start3A_1452 : memref<1x16x16xi32, #tpu.memory_space<vmem>> -> memref<16x16xi32, #tpu.memory_space<vmem>>
      %dma_start3A_1454 = arith.constant 0 : i32
      %dma_start3A_1455 = tpu.memref_slice %arg3[%add3A_1423, %dma_start3A_1454] : memref<16384x16xi32, #tpu.memory_space<hbm>> -> memref<16x16xi32, #tpu.memory_space<hbm>>
      tpu.enqueue_dma source(%dma_start3A_1455 : memref<16x16xi32, #tpu.memory_space<hbm>>) target(%dma_start3A_1453 : memref<16x16xi32, #tpu.memory_space<vmem>>) target_semaphore(%dma_start3A_1449 : memref<!tpu.dma_semaphore, #tpu.memory_space<semaphore_mem>>)
      %parallel_loop3A_1456 = arith.constant 0 : i32
      %parallel_loop3A_1457 = arith.constant 16 : i32
      %parallel_loop3A_1458 = arith.constant 2 : i32
      scf.for %parallel_loop3A_1602 = %parallel_loop3A_1456 to %parallel_loop3A_1457 step %parallel_loop3A_1458  : i32 {
        %parallel_loop3A_1603 = arith.constant 2 : i32
        %parallel_loop3A_1604 = arith.index_cast %parallel_loop3A_1603 : i32 to index
        %parallel_loop3A_1605 = arith.index_cast %parallel_loop3A_1602 : i32 to index
        %parallel_loop3A_1606 = arith.constant 0 : index
        %parallel_loop3A_1607 = tpu.vector_load %arg7[%parallel_loop3A_1604, %parallel_loop3A_1605, %parallel_loop3A_1606] {strides = array<i32>} : memref<6x16x16xi32, #tpu.memory_space<vmem>>, vector<16xi32>,
        %parallel_loop3A_1608 = arith.constant 1 : i32
        %parallel_loop3A_1609 = arith.addi %parallel_loop3A_1602, %parallel_loop3A_1608 : i32
        %parallel_loop3A_1610 = arith.constant 2 : i32
        %parallel_loop3A_1611 = arith.index_cast %parallel_loop3A_1610 : i32 to index
        %parallel_loop3A_1612 = arith.index_cast %parallel_loop3A_1609 : i32 to index
        %parallel_loop3A_1613 = arith.constant 0 : index
        %parallel_loop3A_1614 = tpu.vector_load %arg7[%parallel_loop3A_1611, %parallel_loop3A_1612, %parallel_loop3A_1613] {strides = array<i32>} : memref<6x16x16xi32, #tpu.memory_space<vmem>>, vector<16xi32>,
        %parallel_loop3A_1615 = arith.constant 0 : i32
        %parallel_loop3A_1616 = arith.constant 64 : i32
        %parallel_loop3A_1617 = arith.constant 1 : i32
        scf.for %parallel_loop3A_1618 = %parallel_loop3A_1615 to %parallel_loop3A_1616 step %parallel_loop3A_1617  : i32 {
          %parallel_loop3A_1619 = arith.constant 16 : i32
          %parallel_loop3A_1620 = arith.muli %parallel_loop3A_1618, %parallel_loop3A_1619 : i32
          %parallel_loop3A_1621 = vector.broadcast %parallel_loop3A_1620 : i32 to vector<16xi32>
          %parallel_loop3A_1622 = arith.addi %parallel_loop3A_1607, %parallel_loop3A_1621 : vector<16xi32>
          %parallel_loop3A_1623 = tpu.vector_load_idx %arg8[%parallel_loop3A_1622] : memref<3072xf32, #tpu.memory_space<vmem>>[vector<16xi32>], vector<16xf32>,
          %parallel_loop3A_1624 = vector.broadcast %parallel_loop3A_1620 : i32 to vector<16xi32>
          %parallel_loop3A_1625 = arith.addi %parallel_loop3A_1614, %parallel_loop3A_1624 : vector<16xi32>
          %parallel_loop3A_1626 = tpu.vector_load_idx %arg8[%parallel_loop3A_1625] : memref<3072xf32, #tpu.memory_space<vmem>>[vector<16xi32>], vector<16xf32>,
          %parallel_loop3A_1627 = arith.constant 2 : i32
          %parallel_loop3A_1628 = arith.index_cast %parallel_loop3A_1627 : i32 to index
          %parallel_loop3A_1629 = arith.index_cast %parallel_loop3A_1602 : i32 to index
          %parallel_loop3A_1630 = arith.index_cast %parallel_loop3A_1620 : i32 to index
          %parallel_loop3A_1631 = tpu.vector_load %arg6[%parallel_loop3A_1628, %parallel_loop3A_1629, %parallel_loop3A_1630] {strides = array<i32>} : memref<6x16x1024xf32, #tpu.memory_space<vmem>>, vector<16xf32>,
          tpu.vector_store %arg6[%parallel_loop3A_1628, %parallel_loop3A_1629, %parallel_loop3A_1630], %parallel_loop3A_1623 {add = true, strides = array<i32>} : memref<6x16x1024xf32, #tpu.memory_space<vmem>>, vector<16xf32>,
          %parallel_loop3A_1632 = arith.constant 1 : i32
          %parallel_loop3A_1633 = arith.addi %parallel_loop3A_1602, %parallel_loop3A_1632 : i32
          %parallel_loop3A_1634 = arith.constant 2 : i32
          %parallel_loop3A_1635 = arith.index_cast %parallel_loop3A_1634 : i32 to index
          %parallel_loop3A_1636 = arith.index_cast %parallel_loop3A_1633 : i32 to index
          %parallel_loop3A_1637 = arith.index_cast %parallel_loop3A_1620 : i32 to index
          %parallel_loop3A_1638 = tpu.vector_load %arg6[%parallel_loop3A_1635, %parallel_loop3A_1636, %parallel_loop3A_1637] {strides = array<i32>} : memref<6x16x1024xf32, #tpu.memory_space<vmem>>, vector<16xf32>,
          tpu.vector_store %arg6[%parallel_loop3A_1635, %parallel_loop3A_1636, %parallel_loop3A_1637], %parallel_loop3A_1626 {add = true, strides = array<i32>} : memref<6x16x1024xf32, #tpu.memory_space<vmem>>, vector<16xf32>,
        } {sc.loop_unroll_factor = 8 : i64, sc.parallel_access}
      } {sc.loop_unroll_factor = 1 : i64, sc.parallel_access}
      %mul3A_1459 = arith.constant 16 : i32
      %mul3A_1460 = arith.muli %add3A_1360, %mul3A_1459 : i32
      %add3A_1461 = arith.addi %mul3A_2, %mul3A_1460 : i32
      %dma_start3A_1462 = arith.constant 2 : i32
      %dma_start3A_1463 = arith.constant 2 : i32
      %dma_start3A_1464 = arith.constant 0 : i32
      %dma_start3A_1465 = arith.constant 0 : i32
      %dma_start3A_1466 = tpu.memref_slice %arg6[%dma_start3A_1462, %dma_start3A_1464, %dma_start3A_1465] : memref<6x16x1024xf32, #tpu.memory_space<vmem>> -> memref<1x16x1024xf32, #tpu.memory_space<vmem>>
      %dma_start3A_1467 = tpu.memref_squeeze %dma_start3A_1466 : memref<1x16x1024xf32, #tpu.memory_space<vmem>> -> memref<16x1024xf32, #tpu.memory_space<vmem>>
      %dma_start3A_1468 = arith.constant 0 : i32
      %dma_start3A_1469 = tpu.memref_slice %arg5[%add3A_1461, %dma_start3A_1468] : memref<16384x1024xf32, #tpu.memory_space<hbm>> -> memref<16x1024xf32, #tpu.memory_space<hbm>>
      %dma_start3A_1470 = tpu.memref_slice %arg11[%dma_start3A_1463] : memref<6x!tpu.dma_semaphore, #tpu.memory_space<semaphore_mem>> -> memref<1x!tpu.dma_semaphore, #tpu.memory_space<semaphore_mem>>
      %dma_start3A_1471 = tpu.memref_squeeze %dma_start3A_1470 : memref<1x!tpu.dma_semaphore, #tpu.memory_space<semaphore_mem>> -> memref<!tpu.dma_semaphore, #tpu.memory_space<semaphore_mem>>
      %dma_start3A_1472 = arith.constant 0 : i32
      %dma_start3A_1473 = tpu.memref_slice %arg5[%add3A_1461, %dma_start3A_1472] : memref<16384x1024xf32, #tpu.memory_space<hbm>> -> memref<16x1024xf32, #tpu.memory_space<hbm>>
      %dma_start3A_1474 = arith.constant 0 : i32
      %dma_start3A_1475 = arith.constant 0 : i32
      %dma_start3A_1476 = tpu.memref_slice %arg6[%dma_start3A_1462, %dma_start3A_1474, %dma_start3A_1475] : memref<6x16x1024xf32, #tpu.memory_space<vmem>> -> memref<1x16x1024xf32, #tpu.memory_space<vmem>>
      %dma_start3A_1477 = tpu.memref_squeeze %dma_start3A_1476 : memref<1x16x1024xf32, #tpu.memory_space<vmem>> -> memref<16x1024xf32, #tpu.memory_space<vmem>>
      tpu.enqueue_dma source(%dma_start3A_1477 : memref<16x1024xf32, #tpu.memory_space<vmem>>) target(%dma_start3A_1473 : memref<16x1024xf32, #tpu.memory_space<hbm>>) target_semaphore(%dma_start3A_1471 : memref<!tpu.dma_semaphore, #tpu.memory_space<semaphore_mem>>)
      %mul3A_1478 = arith.constant 6 : i32
      %mul3A_1479 = arith.muli %scan3A_862, %mul3A_1478 : i32
      %add3A_1480 = arith.constant 4 : i32
      %add3A_1481 = arith.addi %mul3A_1479, %add3A_1480 : i32
      %add3A_1482 = arith.constant 5 : i32
      %add3A_1483 = arith.addi %add3A_1481, %add3A_1482 : i32
      %mul3A_1484 = arith.constant 16 : i32
      %mul3A_1485 = arith.muli %add3A_1483, %mul3A_1484 : i32
      %add3A_1486 = arith.addi %mul3A_2, %mul3A_1485 : i32
      %dma_wait3A_1487 = arith.constant 3 : i32
      %dma_wait3A_1488 = arith.constant 3 : i32
      %dma_wait3A_1489 = arith.constant 0 : i32
      %dma_wait3A_1490 = arith.constant 0 : i32
      %dma_wait3A_1491 = tpu.memref_slice %arg6[%dma_wait3A_1487, %dma_wait3A_1489, %dma_wait3A_1490] : memref<6x16x1024xf32, #tpu.memory_space<vmem>> -> memref<1x16x1024xf32, #tpu.memory_space<vmem>>
      %dma_wait3A_1492 = tpu.memref_squeeze %dma_wait3A_1491 : memref<1x16x1024xf32, #tpu.memory_space<vmem>> -> memref<16x1024xf32, #tpu.memory_space<vmem>>
      %dma_wait3A_1493 = arith.constant 0 : i32
      %dma_wait3A_1494 = tpu.memref_slice %arg2[%add3A_1486, %dma_wait3A_1493] : memref<16384x1024xf32, #tpu.memory_space<hbm>> -> memref<16x1024xf32, #tpu.memory_space<hbm>>
      %dma_wait3A_1495 = tpu.memref_slice %arg9[%dma_wait3A_1488] : memref<6x!tpu.dma_semaphore, #tpu.memory_space<semaphore_mem>> -> memref<1x!tpu.dma_semaphore, #tpu.memory_space<semaphore_mem>>
      %dma_wait3A_1496 = tpu.memref_squeeze %dma_wait3A_1495 : memref<1x!tpu.dma_semaphore, #tpu.memory_space<semaphore_mem>> -> memref<!tpu.dma_semaphore, #tpu.memory_space<semaphore_mem>>
      %dma_wait3A_1497 = arith.constant 0 : i32
      %dma_wait3A_1498 = arith.constant 0 : i32
      %dma_wait3A_1499 = tpu.memref_slice %arg6[%dma_wait3A_1487, %dma_wait3A_1497, %dma_wait3A_1498] : memref<6x16x1024xf32, #tpu.memory_space<vmem>> -> memref<1x16x1024xf32, #tpu.memory_space<vmem>>
      %dma_wait3A_1500 = tpu.memref_squeeze %dma_wait3A_1499 : memref<1x16x1024xf32, #tpu.memory_space<vmem>> -> memref<16x1024xf32, #tpu.memory_space<vmem>>
      %dma_wait3A_1501 = arith.constant 0 : i32
      %dma_wait3A_1502 = tpu.memref_slice %arg2[%add3A_1486, %dma_wait3A_1501] : memref<16384x1024xf32, #tpu.memory_space<hbm>> -> memref<16x1024xf32, #tpu.memory_space<hbm>>
      tpu.wait_dma2 semaphore(%dma_wait3A_1496 : memref<!tpu.dma_semaphore, #tpu.memory_space<semaphore_mem>>) src(%dma_wait3A_1502 : memref<16x1024xf32, #tpu.memory_space<hbm>>) dst(%dma_wait3A_1500 : memref<16x1024xf32, #tpu.memory_space<vmem>>)
      %dma_wait3A_1503 = arith.constant 3 : i32
      %dma_wait3A_1504 = arith.constant 3 : i32
      %dma_wait3A_1505 = arith.constant 0 : i32
      %dma_wait3A_1506 = arith.constant 0 : i32
      %dma_wait3A_1507 = tpu.memref_slice %arg7[%dma_wait3A_1503, %dma_wait3A_1505, %dma_wait3A_1506] : memref<6x16x16xi32, #tpu.memory_space<vmem>> -> memref<1x16x16xi32, #tpu.memory_space<vmem>>
      %dma_wait3A_1508 = tpu.memref_squeeze %dma_wait3A_1507 : memref<1x16x16xi32, #tpu.memory_space<vmem>> -> memref<16x16xi32, #tpu.memory_space<vmem>>
      %dma_wait3A_1509 = arith.constant 0 : i32
      %dma_wait3A_1510 = tpu.memref_slice %arg3[%add3A_1486, %dma_wait3A_1509] : memref<16384x16xi32, #tpu.memory_space<hbm>> -> memref<16x16xi32, #tpu.memory_space<hbm>>
      %dma_wait3A_1511 = tpu.memref_slice %arg10[%dma_wait3A_1504] : memref<6x!tpu.dma_semaphore, #tpu.memory_space<semaphore_mem>> -> memref<1x!tpu.dma_semaphore, #tpu.memory_space<semaphore_mem>>
      %dma_wait3A_1512 = tpu.memref_squeeze %dma_wait3A_1511 : memref<1x!tpu.dma_semaphore, #tpu.memory_space<semaphore_mem>> -> memref<!tpu.dma_semaphore, #tpu.memory_space<semaphore_mem>>
      %dma_wait3A_1513 = arith.constant 0 : i32
      %dma_wait3A_1514 = arith.constant 0 : i32
      %dma_wait3A_1515 = tpu.memref_slice %arg7[%dma_wait3A_1503, %dma_wait3A_1513, %dma_wait3A_1514] : memref<6x16x16xi32, #tpu.memory_space<vmem>> -> memref<1x16x16xi32, #tpu.memory_space<vmem>>
      %dma_wait3A_1516 = tpu.memref_squeeze %dma_wait3A_1515 : memref<1x16x16xi32, #tpu.memory_space<vmem>> -> memref<16x16xi32, #tpu.memory_space<vmem>>
      %dma_wait3A_1517 = arith.constant 0 : i32
      %dma_wait3A_1518 = tpu.memref_slice %arg3[%add3A_1486, %dma_wait3A_1517] : memref<16384x16xi32, #tpu.memory_space<hbm>> -> memref<16x16xi32, #tpu.memory_space<hbm>>
      tpu.wait_dma2 semaphore(%dma_wait3A_1512 : memref<!tpu.dma_semaphore, #tpu.memory_space<semaphore_mem>>) src(%dma_wait3A_1518 : memref<16x16xi32, #tpu.memory_space<hbm>>) dst(%dma_wait3A_1516 : memref<16x16xi32, #tpu.memory_space<vmem>>)
      %add3A_1519 = arith.constant 4 : i32
      %add3A_1520 = arith.addi %add3A_1483, %add3A_1519 : i32
      %sub3A_1521 = arith.constant 6 : i32
      %sub3A_1522 = arith.subi %add3A_1520, %sub3A_1521 : i32
      %mul3A_1523 = arith.constant 16 : i32
      %mul3A_1524 = arith.muli %sub3A_1522, %mul3A_1523 : i32
      %add3A_1525 = arith.addi %mul3A_2, %mul3A_1524 : i32
      %dma_wait3A_1526 = arith.constant 1 : i32
      %dma_wait3A_1527 = arith.constant 1 : i32
      %dma_wait3A_1528 = arith.constant 0 : i32
      %dma_wait3A_1529 = arith.constant 0 : i32
      %dma_wait3A_1530 = tpu.memref_slice %arg6[%dma_wait3A_1526, %dma_wait3A_1528, %dma_wait3A_1529] : memref<6x16x1024xf32, #tpu.memory_space<vmem>> -> memref<1x16x1024xf32, #tpu.memory_space<vmem>>
      %dma_wait3A_1531 = tpu.memref_squeeze %dma_wait3A_1530 : memref<1x16x1024xf32, #tpu.memory_space<vmem>> -> memref<16x1024xf32, #tpu.memory_space<vmem>>
      %dma_wait3A_1532 = arith.constant 0 : i32
      %dma_wait3A_1533 = tpu.memref_slice %arg5[%add3A_1525, %dma_wait3A_1532] : memref<16384x1024xf32, #tpu.memory_space<hbm>> -> memref<16x1024xf32, #tpu.memory_space<hbm>>
      %dma_wait3A_1534 = tpu.memref_slice %arg11[%dma_wait3A_1527] : memref<6x!tpu.dma_semaphore, #tpu.memory_space<semaphore_mem>> -> memref<1x!tpu.dma_semaphore, #tpu.memory_space<semaphore_mem>>
      %dma_wait3A_1535 = tpu.memref_squeeze %dma_wait3A_1534 : memref<1x!tpu.dma_semaphore, #tpu.memory_space<semaphore_mem>> -> memref<!tpu.dma_semaphore, #tpu.memory_space<semaphore_mem>>
      %dma_wait3A_1536 = arith.constant 0 : i32
      %dma_wait3A_1537 = tpu.memref_slice %arg5[%add3A_1525, %dma_wait3A_1536] : memref<16384x1024xf32, #tpu.memory_space<hbm>> -> memref<16x1024xf32, #tpu.memory_space<hbm>>
      %dma_wait3A_1538 = arith.constant 0 : i32
      %dma_wait3A_1539 = arith.constant 0 : i32
      %dma_wait3A_1540 = tpu.memref_slice %arg6[%dma_wait3A_1526, %dma_wait3A_1538, %dma_wait3A_1539] : memref<6x16x1024xf32, #tpu.memory_space<vmem>> -> memref<1x16x1024xf32, #tpu.memory_space<vmem>>
      %dma_wait3A_1541 = tpu.memref_squeeze %dma_wait3A_1540 : memref<1x16x1024xf32, #tpu.memory_space<vmem>> -> memref<16x1024xf32, #tpu.memory_space<vmem>>
      tpu.wait_dma2 semaphore(%dma_wait3A_1535 : memref<!tpu.dma_semaphore, #tpu.memory_space<semaphore_mem>>) src(%dma_wait3A_1541 : memref<16x1024xf32, #tpu.memory_space<vmem>>) dst(%dma_wait3A_1537 : memref<16x1024xf32, #tpu.memory_space<hbm>>)
      %add3A_1542 = arith.constant 4 : i32
      %add3A_1543 = arith.addi %add3A_1483, %add3A_1542 : i32
      %mul3A_1544 = arith.constant 16 : i32
      %mul3A_1545 = arith.muli %add3A_1543, %mul3A_1544 : i32
      %add3A_1546 = arith.addi %mul3A_2, %mul3A_1545 : i32
      %dma_start3A_1547 = arith.constant 1 : i32
      %dma_start3A_1548 = arith.constant 1 : i32
      %dma_start3A_1549 = arith.constant 0 : i32
      %dma_start3A_1550 = arith.constant 0 : i32
      %dma_start3A_1551 = tpu.memref_slice %arg6[%dma_start3A_1547, %dma_start3A_1549, %dma_start3A_1550] : memref<6x16x1024xf32, #tpu.memory_space<vmem>> -> memref<1x16x1024xf32, #tpu.memory_space<vmem>>
      %dma_start3A_1552 = tpu.memref_squeeze %dma_start3A_1551 : memref<1x16x1024xf32, #tpu.memory_space<vmem>> -> memref<16x1024xf32, #tpu.memory_space<vmem>>
      %dma_start3A_1553 = arith.constant 0 : i32
      %dma_start3A_1554 = tpu.memref_slice %arg2[%add3A_1546, %dma_start3A_1553] : memref<16384x1024xf32, #tpu.memory_space<hbm>> -> memref<16x1024xf32, #tpu.memory_space<hbm>>
      %dma_start3A_1555 = tpu.memref_slice %arg9[%dma_start3A_1548] : memref<6x!tpu.dma_semaphore, #tpu.memory_space<semaphore_mem>> -> memref<1x!tpu.dma_semaphore, #tpu.memory_space<semaphore_mem>>
      %dma_start3A_1556 = tpu.memref_squeeze %dma_start3A_1555 : memref<1x!tpu.dma_semaphore, #tpu.memory_space<semaphore_mem>> -> memref<!tpu.dma_semaphore, #tpu.memory_space<semaphore_mem>>
      %dma_start3A_1557 = arith.constant 0 : i32
      %dma_start3A_1558 = arith.constant 0 : i32
      %dma_start3A_1559 = tpu.memref_slice %arg6[%dma_start3A_1547, %dma_start3A_1557, %dma_start3A_1558] : memref<6x16x1024xf32, #tpu.memory_space<vmem>> -> memref<1x16x1024xf32, #tpu.memory_space<vmem>>
      %dma_start3A_1560 = tpu.memref_squeeze %dma_start3A_1559 : memref<1x16x1024xf32, #tpu.memory_space<vmem>> -> memref<16x1024xf32, #tpu.memory_space<vmem>>
      %dma_start3A_1561 = arith.constant 0 : i32
      %dma_start3A_1562 = tpu.memref_slice %arg2[%add3A_1546, %dma_start3A_1561] : memref<16384x1024xf32, #tpu.memory_space<hbm>> -> memref<16x1024xf32, #tpu.memory_space<hbm>>
      tpu.enqueue_dma source(%dma_start3A_1562 : memref<16x1024xf32, #tpu.memory_space<hbm>>) target(%dma_start3A_1560 : memref<16x1024xf32, #tpu.memory_space<vmem>>) target_semaphore(%dma_start3A_1556 : memref<!tpu.dma_semaphore, #tpu.memory_space<semaphore_mem>>)
      %dma_start3A_1563 = arith.constant 1 : i32
      %dma_start3A_1564 = arith.constant 1 : i32
      %dma_start3A_1565 = arith.constant 0 : i32
      %dma_start3A_1566 = arith.constant 0 : i32
      %dma_start3A_1567 = tpu.memref_slice %arg7[%dma_start3A_1563, %dma_start3A_1565, %dma_start3A_1566] : memref<6x16x16xi32, #tpu.memory_space<vmem>> -> memref<1x16x16xi32, #tpu.memory_space<vmem>>
      %dma_start3A_1568 = tpu.memref_squeeze %dma_start3A_1567 : memref<1x16x16xi32, #tpu.memory_space<vmem>> -> memref<16x16xi32, #tpu.memory_space<vmem>>
      %dma_start3A_1569 = arith.constant 0 : i32
      %dma_start3A_1570 = tpu.memref_slice %arg3[%add3A_1546, %dma_start3A_1569] : memref<16384x16xi32, #tpu.memory_space<hbm>> -> memref<16x16xi32, #tpu.memory_space<hbm>>
      %dma_start3A_1571 = tpu.memref_slice %arg10[%dma_start3A_1564] : memref<6x!tpu.dma_semaphore, #tpu.memory_space<semaphore_mem>> -> memref<1x!tpu.dma_semaphore, #tpu.memory_space<semaphore_mem>>
      %dma_start3A_1572 = tpu.memref_squeeze %dma_start3A_1571 : memref<1x!tpu.dma_semaphore, #tpu.memory_space<semaphore_mem>> -> memref<!tpu.dma_semaphore, #tpu.memory_space<semaphore_mem>>
      %dma_start3A_1573 = arith.constant 0 : i32
      %dma_start3A_1574 = arith.constant 0 : i32
      %dma_start3A_1575 = tpu.memref_slice %arg7[%dma_start3A_1563, %dma_start3A_1573, %dma_start3A_1574] : memref<6x16x16xi32, #tpu.memory_space<vmem>> -> memref<1x16x16xi32, #tpu.memory_space<vmem>>
      %dma_start3A_1576 = tpu.memref_squeeze %dma_start3A_1575 : memref<1x16x16xi32, #tpu.memory_space<vmem>> -> memref<16x16xi32, #tpu.memory_space<vmem>>
      %dma_start3A_1577 = arith.constant 0 : i32
      %dma_start3A_1578 = tpu.memref_slice %arg3[%add3A_1546, %dma_start3A_1577] : memref<16384x16xi32, #tpu.memory_space<hbm>> -> memref<16x16xi32, #tpu.memory_space<hbm>>
      tpu.enqueue_dma source(%dma_start3A_1578 : memref<16x16xi32, #tpu.memory_space<hbm>>) target(%dma_start3A_1576 : memref<16x16xi32, #tpu.memory_space<vmem>>) target_semaphore(%dma_start3A_1572 : memref<!tpu.dma_semaphore, #tpu.memory_space<semaphore_mem>>)
      %parallel_loop3A_1579 = arith.constant 0 : i32
      %parallel_loop3A_1580 = arith.constant 16 : i32
      %parallel_loop3A_1581 = arith.constant 2 : i32
      scf.for %parallel_loop3A_1602 = %parallel_loop3A_1579 to %parallel_loop3A_1580 step %parallel_loop3A_1581  : i32 {
        %parallel_loop3A_1603 = arith.constant 3 : i32
        %parallel_loop3A_1604 = arith.index_cast %parallel_loop3A_1603 : i32 to index
        %parallel_loop3A_1605 = arith.index_cast %parallel_loop3A_1602 : i32 to index
        %parallel_loop3A_1606 = arith.constant 0 : index
        %parallel_loop3A_1607 = tpu.vector_load %arg7[%parallel_loop3A_1604, %parallel_loop3A_1605, %parallel_loop3A_1606] {strides = array<i32>} : memref<6x16x16xi32, #tpu.memory_space<vmem>>, vector<16xi32>,
        %parallel_loop3A_1608 = arith.constant 1 : i32
        %parallel_loop3A_1609 = arith.addi %parallel_loop3A_1602, %parallel_loop3A_1608 : i32
        %parallel_loop3A_1610 = arith.constant 3 : i32
        %parallel_loop3A_1611 = arith.index_cast %parallel_loop3A_1610 : i32 to index
        %parallel_loop3A_1612 = arith.index_cast %parallel_loop3A_1609 : i32 to index
        %parallel_loop3A_1613 = arith.constant 0 : index
        %parallel_loop3A_1614 = tpu.vector_load %arg7[%parallel_loop3A_1611, %parallel_loop3A_1612, %parallel_loop3A_1613] {strides = array<i32>} : memref<6x16x16xi32, #tpu.memory_space<vmem>>, vector<16xi32>,
        %parallel_loop3A_1615 = arith.constant 0 : i32
        %parallel_loop3A_1616 = arith.constant 64 : i32
        %parallel_loop3A_1617 = arith.constant 1 : i32
        scf.for %parallel_loop3A_1618 = %parallel_loop3A_1615 to %parallel_loop3A_1616 step %parallel_loop3A_1617  : i32 {
          %parallel_loop3A_1619 = arith.constant 16 : i32
          %parallel_loop3A_1620 = arith.muli %parallel_loop3A_1618, %parallel_loop3A_1619 : i32
          %parallel_loop3A_1621 = vector.broadcast %parallel_loop3A_1620 : i32 to vector<16xi32>
          %parallel_loop3A_1622 = arith.addi %parallel_loop3A_1607, %parallel_loop3A_1621 : vector<16xi32>
          %parallel_loop3A_1623 = tpu.vector_load_idx %arg8[%parallel_loop3A_1622] : memref<3072xf32, #tpu.memory_space<vmem>>[vector<16xi32>], vector<16xf32>,
          %parallel_loop3A_1624 = vector.broadcast %parallel_loop3A_1620 : i32 to vector<16xi32>
          %parallel_loop3A_1625 = arith.addi %parallel_loop3A_1614, %parallel_loop3A_1624 : vector<16xi32>
          %parallel_loop3A_1626 = tpu.vector_load_idx %arg8[%parallel_loop3A_1625] : memref<3072xf32, #tpu.memory_space<vmem>>[vector<16xi32>], vector<16xf32>,
          %parallel_loop3A_1627 = arith.constant 3 : i32
          %parallel_loop3A_1628 = arith.index_cast %parallel_loop3A_1627 : i32 to index
          %parallel_loop3A_1629 = arith.index_cast %parallel_loop3A_1602 : i32 to index
          %parallel_loop3A_1630 = arith.index_cast %parallel_loop3A_1620 : i32 to index
          %parallel_loop3A_1631 = tpu.vector_load %arg6[%parallel_loop3A_1628, %parallel_loop3A_1629, %parallel_loop3A_1630] {strides = array<i32>} : memref<6x16x1024xf32, #tpu.memory_space<vmem>>, vector<16xf32>,
          tpu.vector_store %arg6[%parallel_loop3A_1628, %parallel_loop3A_1629, %parallel_loop3A_1630], %parallel_loop3A_1623 {add = true, strides = array<i32>} : memref<6x16x1024xf32, #tpu.memory_space<vmem>>, vector<16xf32>,
          %parallel_loop3A_1632 = arith.constant 1 : i32
          %parallel_loop3A_1633 = arith.addi %parallel_loop3A_1602, %parallel_loop3A_1632 : i32
          %parallel_loop3A_1634 = arith.constant 3 : i32
          %parallel_loop3A_1635 = arith.index_cast %parallel_loop3A_1634 : i32 to index
          %parallel_loop3A_1636 = arith.index_cast %parallel_loop3A_1633 : i32 to index
          %parallel_loop3A_1637 = arith.index_cast %parallel_loop3A_1620 : i32 to index
          %parallel_loop3A_1638 = tpu.vector_load %arg6[%parallel_loop3A_1635, %parallel_loop3A_1636, %parallel_loop3A_1637] {strides = array<i32>} : memref<6x16x1024xf32, #tpu.memory_space<vmem>>, vector<16xf32>,
          tpu.vector_store %arg6[%parallel_loop3A_1635, %parallel_loop3A_1636, %parallel_loop3A_1637], %parallel_loop3A_1626 {add = true, strides = array<i32>} : memref<6x16x1024xf32, #tpu.memory_space<vmem>>, vector<16xf32>,
        } {sc.loop_unroll_factor = 8 : i64, sc.parallel_access}
      } {sc.loop_unroll_factor = 1 : i64, sc.parallel_access}
      %mul3A_1582 = arith.constant 16 : i32
      %mul3A_1583 = arith.muli %add3A_1483, %mul3A_1582 : i32
      %add3A_1584 = arith.addi %mul3A_2, %mul3A_1583 : i32
      %dma_start3A_1585 = arith.constant 3 : i32
      %dma_start3A_1586 = arith.constant 3 : i32
      %dma_start3A_1587 = arith.constant 0 : i32
      %dma_start3A_1588 = arith.constant 0 : i32
      %dma_start3A_1589 = tpu.memref_slice %arg6[%dma_start3A_1585, %dma_start3A_1587, %dma_start3A_1588] : memref<6x16x1024xf32, #tpu.memory_space<vmem>> -> memref<1x16x1024xf32, #tpu.memory_space<vmem>>
      %dma_start3A_1590 = tpu.memref_squeeze %dma_start3A_1589 : memref<1x16x1024xf32, #tpu.memory_space<vmem>> -> memref<16x1024xf32, #tpu.memory_space<vmem>>
      %dma_start3A_1591 = arith.constant 0 : i32
      %dma_start3A_1592 = tpu.memref_slice %arg5[%add3A_1584, %dma_start3A_1591] : memref<16384x1024xf32, #tpu.memory_space<hbm>> -> memref<16x1024xf32, #tpu.memory_space<hbm>>
      %dma_start3A_1593 = tpu.memref_slice %arg11[%dma_start3A_1586] : memref<6x!tpu.dma_semaphore, #tpu.memory_space<semaphore_mem>> -> memref<1x!tpu.dma_semaphore, #tpu.memory_space<semaphore_mem>>
      %dma_start3A_1594 = tpu.memref_squeeze %dma_start3A_1593 : memref<1x!tpu.dma_semaphore, #tpu.memory_space<semaphore_mem>> -> memref<!tpu.dma_semaphore, #tpu.memory_space<semaphore_mem>>
      %dma_start3A_1595 = arith.constant 0 : i32
      %dma_start3A_1596 = tpu.memref_slice %arg5[%add3A_1584, %dma_start3A_1595] : memref<16384x1024xf32, #tpu.memory_space<hbm>> -> memref<16x1024xf32, #tpu.memory_space<hbm>>
      %dma_start3A_1597 = arith.constant 0 : i32
      %dma_start3A_1598 = arith.constant 0 : i32
      %dma_start3A_1599 = tpu.memref_slice %arg6[%dma_start3A_1585, %dma_start3A_1597, %dma_start3A_1598] : memref<6x16x1024xf32, #tpu.memory_space<vmem>> -> memref<1x16x1024xf32, #tpu.memory_space<vmem>>
      %dma_start3A_1600 = tpu.memref_squeeze %dma_start3A_1599 : memref<1x16x1024xf32, #tpu.memory_space<vmem>> -> memref<16x1024xf32, #tpu.memory_space<vmem>>
      tpu.enqueue_dma source(%dma_start3A_1600 : memref<16x1024xf32, #tpu.memory_space<vmem>>) target(%dma_start3A_1596 : memref<16x1024xf32, #tpu.memory_space<hbm>>) target_semaphore(%dma_start3A_1594 : memref<!tpu.dma_semaphore, #tpu.memory_space<semaphore_mem>>)
      %scan3A_1601 = arith.constant 0 : i32
      scf.yield %scan3A_1601 : i32
    }
    %scan3A_533 = arith.constant 4 : i32
    %add3A_534 = arith.constant 448 : i32
    %add3A_535 = arith.addi %mul3A_2, %add3A_534 : i32
    %dma_wait3A_536 = arith.constant 4 : i32
    %dma_wait3A_537 = arith.constant 4 : i32
    %dma_wait3A_538 = arith.constant 0 : i32
    %dma_wait3A_539 = arith.constant 0 : i32
    %dma_wait3A_540 = tpu.memref_slice %arg6[%dma_wait3A_536, %dma_wait3A_538, %dma_wait3A_539] : memref<6x16x1024xf32, #tpu.memory_space<vmem>> -> memref<1x16x1024xf32, #tpu.memory_space<vmem>>
    %dma_wait3A_541 = tpu.memref_squeeze %dma_wait3A_540 : memref<1x16x1024xf32, #tpu.memory_space<vmem>> -> memref<16x1024xf32, #tpu.memory_space<vmem>>
    %dma_wait3A_542 = arith.constant 0 : i32
    %dma_wait3A_543 = tpu.memref_slice %arg2[%add3A_535, %dma_wait3A_542] : memref<16384x1024xf32, #tpu.memory_space<hbm>> -> memref<16x1024xf32, #tpu.memory_space<hbm>>
    %dma_wait3A_544 = tpu.memref_slice %arg9[%dma_wait3A_537] : memref<6x!tpu.dma_semaphore, #tpu.memory_space<semaphore_mem>> -> memref<1x!tpu.dma_semaphore, #tpu.memory_space<semaphore_mem>>
    %dma_wait3A_545 = tpu.memref_squeeze %dma_wait3A_544 : memref<1x!tpu.dma_semaphore, #tpu.memory_space<semaphore_mem>> -> memref<!tpu.dma_semaphore, #tpu.memory_space<semaphore_mem>>
    %dma_wait3A_546 = arith.constant 0 : i32
    %dma_wait3A_547 = arith.constant 0 : i32
    %dma_wait3A_548 = tpu.memref_slice %arg6[%dma_wait3A_536, %dma_wait3A_546, %dma_wait3A_547] : memref<6x16x1024xf32, #tpu.memory_space<vmem>> -> memref<1x16x1024xf32, #tpu.memory_space<vmem>>
    %dma_wait3A_549 = tpu.memref_squeeze %dma_wait3A_548 : memref<1x16x1024xf32, #tpu.memory_space<vmem>> -> memref<16x1024xf32, #tpu.memory_space<vmem>>
    %dma_wait3A_550 = arith.constant 0 : i32
    %dma_wait3A_551 = tpu.memref_slice %arg2[%add3A_535, %dma_wait3A_550] : memref<16384x1024xf32, #tpu.memory_space<hbm>> -> memref<16x1024xf32, #tpu.memory_space<hbm>>
    tpu.wait_dma2 semaphore(%dma_wait3A_545 : memref<!tpu.dma_semaphore, #tpu.memory_space<semaphore_mem>>) src(%dma_wait3A_551 : memref<16x1024xf32, #tpu.memory_space<hbm>>) dst(%dma_wait3A_549 : memref<16x1024xf32, #tpu.memory_space<vmem>>)
    %dma_wait3A_552 = arith.constant 4 : i32
    %dma_wait3A_553 = arith.constant 4 : i32
    %dma_wait3A_554 = arith.constant 0 : i32
    %dma_wait3A_555 = arith.constant 0 : i32
    %dma_wait3A_556 = tpu.memref_slice %arg7[%dma_wait3A_552, %dma_wait3A_554, %dma_wait3A_555] : memref<6x16x16xi32, #tpu.memory_space<vmem>> -> memref<1x16x16xi32, #tpu.memory_space<vmem>>
    %dma_wait3A_557 = tpu.memref_squeeze %dma_wait3A_556 : memref<1x16x16xi32, #tpu.memory_space<vmem>> -> memref<16x16xi32, #tpu.memory_space<vmem>>
    %dma_wait3A_558 = arith.constant 0 : i32
    %dma_wait3A_559 = tpu.memref_slice %arg3[%add3A_535, %dma_wait3A_558] : memref<16384x16xi32, #tpu.memory_space<hbm>> -> memref<16x16xi32, #tpu.memory_space<hbm>>
    %dma_wait3A_560 = tpu.memref_slice %arg10[%dma_wait3A_553] : memref<6x!tpu.dma_semaphore, #tpu.memory_space<semaphore_mem>> -> memref<1x!tpu.dma_semaphore, #tpu.memory_space<semaphore_mem>>
    %dma_wait3A_561 = tpu.memref_squeeze %dma_wait3A_560 : memref<1x!tpu.dma_semaphore, #tpu.memory_space<semaphore_mem>> -> memref<!tpu.dma_semaphore, #tpu.memory_space<semaphore_mem>>
    %dma_wait3A_562 = arith.constant 0 : i32
    %dma_wait3A_563 = arith.constant 0 : i32
    %dma_wait3A_564 = tpu.memref_slice %arg7[%dma_wait3A_552, %dma_wait3A_562, %dma_wait3A_563] : memref<6x16x16xi32, #tpu.memory_space<vmem>> -> memref<1x16x16xi32, #tpu.memory_space<vmem>>
    %dma_wait3A_565 = tpu.memref_squeeze %dma_wait3A_564 : memref<1x16x16xi32, #tpu.memory_space<vmem>> -> memref<16x16xi32, #tpu.memory_space<vmem>>
    %dma_wait3A_566 = arith.constant 0 : i32
    %dma_wait3A_567 = tpu.memref_slice %arg3[%add3A_535, %dma_wait3A_566] : memref<16384x16xi32, #tpu.memory_space<hbm>> -> memref<16x16xi32, #tpu.memory_space<hbm>>
    tpu.wait_dma2 semaphore(%dma_wait3A_561 : memref<!tpu.dma_semaphore, #tpu.memory_space<semaphore_mem>>) src(%dma_wait3A_567 : memref<16x16xi32, #tpu.memory_space<hbm>>) dst(%dma_wait3A_565 : memref<16x16xi32, #tpu.memory_space<vmem>>)
    %parallel_loop3A_568 = arith.constant 0 : i32
    %parallel_loop3A_569 = arith.constant 16 : i32
    %parallel_loop3A_570 = arith.constant 2 : i32
    scf.for %parallel_loop3A_862 = %parallel_loop3A_568 to %parallel_loop3A_569 step %parallel_loop3A_570  : i32 {
      %parallel_loop3A_863 = arith.constant 4 : i32
      %parallel_loop3A_864 = arith.index_cast %parallel_loop3A_863 : i32 to index
      %parallel_loop3A_865 = arith.index_cast %parallel_loop3A_862 : i32 to index
      %parallel_loop3A_866 = arith.constant 0 : index
      %parallel_loop3A_867 = tpu.vector_load %arg7[%parallel_loop3A_864, %parallel_loop3A_865, %parallel_loop3A_866] {strides = array<i32>} : memref<6x16x16xi32, #tpu.memory_space<vmem>>, vector<16xi32>,
      %parallel_loop3A_868 = arith.constant 1 : i32
      %parallel_loop3A_869 = arith.addi %parallel_loop3A_862, %parallel_loop3A_868 : i32
      %parallel_loop3A_870 = arith.constant 4 : i32
      %parallel_loop3A_871 = arith.index_cast %parallel_loop3A_870 : i32 to index
      %parallel_loop3A_872 = arith.index_cast %parallel_loop3A_869 : i32 to index
      %parallel_loop3A_873 = arith.constant 0 : index
      %parallel_loop3A_874 = tpu.vector_load %arg7[%parallel_loop3A_871, %parallel_loop3A_872, %parallel_loop3A_873] {strides = array<i32>} : memref<6x16x16xi32, #tpu.memory_space<vmem>>, vector<16xi32>,
      %parallel_loop3A_875 = arith.constant 0 : i32
      %parallel_loop3A_876 = arith.constant 64 : i32
      %parallel_loop3A_877 = arith.constant 1 : i32
      scf.for %parallel_loop3A_878 = %parallel_loop3A_875 to %parallel_loop3A_876 step %parallel_loop3A_877  : i32 {
        %parallel_loop3A_879 = arith.constant 16 : i32
        %parallel_loop3A_880 = arith.muli %parallel_loop3A_878, %parallel_loop3A_879 : i32
        %parallel_loop3A_881 = vector.broadcast %parallel_loop3A_880 : i32 to vector<16xi32>
        %parallel_loop3A_882 = arith.addi %parallel_loop3A_867, %parallel_loop3A_881 : vector<16xi32>
        %parallel_loop3A_883 = tpu.vector_load_idx %arg8[%parallel_loop3A_882] : memref<3072xf32, #tpu.memory_space<vmem>>[vector<16xi32>], vector<16xf32>,
        %parallel_loop3A_884 = vector.broadcast %parallel_loop3A_880 : i32 to vector<16xi32>
        %parallel_loop3A_885 = arith.addi %parallel_loop3A_874, %parallel_loop3A_884 : vector<16xi32>
        %parallel_loop3A_886 = tpu.vector_load_idx %arg8[%parallel_loop3A_885] : memref<3072xf32, #tpu.memory_space<vmem>>[vector<16xi32>], vector<16xf32>,
        %parallel_loop3A_887 = arith.constant 4 : i32
        %parallel_loop3A_888 = arith.index_cast %parallel_loop3A_887 : i32 to index
        %parallel_loop3A_889 = arith.index_cast %parallel_loop3A_862 : i32 to index
        %parallel_loop3A_890 = arith.index_cast %parallel_loop3A_880 : i32 to index
        %parallel_loop3A_891 = tpu.vector_load %arg6[%parallel_loop3A_888, %parallel_loop3A_889, %parallel_loop3A_890] {strides = array<i32>} : memref<6x16x1024xf32, #tpu.memory_space<vmem>>, vector<16xf32>,
        tpu.vector_store %arg6[%parallel_loop3A_888, %parallel_loop3A_889, %parallel_loop3A_890], %parallel_loop3A_883 {add = true, strides = array<i32>} : memref<6x16x1024xf32, #tpu.memory_space<vmem>>, vector<16xf32>,
        %parallel_loop3A_892 = arith.constant 1 : i32
        %parallel_loop3A_893 = arith.addi %parallel_loop3A_862, %parallel_loop3A_892 : i32
        %parallel_loop3A_894 = arith.constant 4 : i32
        %parallel_loop3A_895 = arith.index_cast %parallel_loop3A_894 : i32 to index
        %parallel_loop3A_896 = arith.index_cast %parallel_loop3A_893 : i32 to index
        %parallel_loop3A_897 = arith.index_cast %parallel_loop3A_880 : i32 to index
        %parallel_loop3A_898 = tpu.vector_load %arg6[%parallel_loop3A_895, %parallel_loop3A_896, %parallel_loop3A_897] {strides = array<i32>} : memref<6x16x1024xf32, #tpu.memory_space<vmem>>, vector<16xf32>,
        tpu.vector_store %arg6[%parallel_loop3A_895, %parallel_loop3A_896, %parallel_loop3A_897], %parallel_loop3A_886 {add = true, strides = array<i32>} : memref<6x16x1024xf32, #tpu.memory_space<vmem>>, vector<16xf32>,
      } {sc.loop_unroll_factor = 8 : i64, sc.parallel_access}
    } {sc.loop_unroll_factor = 1 : i64, sc.parallel_access}
    %add3A_571 = arith.constant 448 : i32
    %add3A_572 = arith.addi %mul3A_2, %add3A_571 : i32
    %dma_start3A_573 = arith.constant 4 : i32
    %dma_start3A_574 = arith.constant 4 : i32
    %dma_start3A_575 = arith.constant 0 : i32
    %dma_start3A_576 = arith.constant 0 : i32
    %dma_start3A_577 = tpu.memref_slice %arg6[%dma_start3A_573, %dma_start3A_575, %dma_start3A_576] : memref<6x16x1024xf32, #tpu.memory_space<vmem>> -> memref<1x16x1024xf32, #tpu.memory_space<vmem>>
    %dma_start3A_578 = tpu.memref_squeeze %dma_start3A_577 : memref<1x16x1024xf32, #tpu.memory_space<vmem>> -> memref<16x1024xf32, #tpu.memory_space<vmem>>
    %dma_start3A_579 = arith.constant 0 : i32
    %dma_start3A_580 = tpu.memref_slice %arg5[%add3A_572, %dma_start3A_579] : memref<16384x1024xf32, #tpu.memory_space<hbm>> -> memref<16x1024xf32, #tpu.memory_space<hbm>>
    %dma_start3A_581 = tpu.memref_slice %arg11[%dma_start3A_574] : memref<6x!tpu.dma_semaphore, #tpu.memory_space<semaphore_mem>> -> memref<1x!tpu.dma_semaphore, #tpu.memory_space<semaphore_mem>>
    %dma_start3A_582 = tpu.memref_squeeze %dma_start3A_581 : memref<1x!tpu.dma_semaphore, #tpu.memory_space<semaphore_mem>> -> memref<!tpu.dma_semaphore, #tpu.memory_space<semaphore_mem>>
    %dma_start3A_583 = arith.constant 0 : i32
    %dma_start3A_584 = tpu.memref_slice %arg5[%add3A_572, %dma_start3A_583] : memref<16384x1024xf32, #tpu.memory_space<hbm>> -> memref<16x1024xf32, #tpu.memory_space<hbm>>
    %dma_start3A_585 = arith.constant 0 : i32
    %dma_start3A_586 = arith.constant 0 : i32
    %dma_start3A_587 = tpu.memref_slice %arg6[%dma_start3A_573, %dma_start3A_585, %dma_start3A_586] : memref<6x16x1024xf32, #tpu.memory_space<vmem>> -> memref<1x16x1024xf32, #tpu.memory_space<vmem>>
    %dma_start3A_588 = tpu.memref_squeeze %dma_start3A_587 : memref<1x16x1024xf32, #tpu.memory_space<vmem>> -> memref<16x1024xf32, #tpu.memory_space<vmem>>
    tpu.enqueue_dma source(%dma_start3A_588 : memref<16x1024xf32, #tpu.memory_space<vmem>>) target(%dma_start3A_584 : memref<16x1024xf32, #tpu.memory_space<hbm>>) target_semaphore(%dma_start3A_582 : memref<!tpu.dma_semaphore, #tpu.memory_space<semaphore_mem>>)
    %add3A_589 = arith.constant 464 : i32
    %add3A_590 = arith.addi %mul3A_2, %add3A_589 : i32
    %dma_wait3A_591 = arith.constant 5 : i32
    %dma_wait3A_592 = arith.constant 5 : i32
    %dma_wait3A_593 = arith.constant 0 : i32
    %dma_wait3A_594 = arith.constant 0 : i32
    %dma_wait3A_595 = tpu.memref_slice %arg6[%dma_wait3A_591, %dma_wait3A_593, %dma_wait3A_594] : memref<6x16x1024xf32, #tpu.memory_space<vmem>> -> memref<1x16x1024xf32, #tpu.memory_space<vmem>>
    %dma_wait3A_596 = tpu.memref_squeeze %dma_wait3A_595 : memref<1x16x1024xf32, #tpu.memory_space<vmem>> -> memref<16x1024xf32, #tpu.memory_space<vmem>>
    %dma_wait3A_597 = arith.constant 0 : i32
    %dma_wait3A_598 = tpu.memref_slice %arg2[%add3A_590, %dma_wait3A_597] : memref<16384x1024xf32, #tpu.memory_space<hbm>> -> memref<16x1024xf32, #tpu.memory_space<hbm>>
    %dma_wait3A_599 = tpu.memref_slice %arg9[%dma_wait3A_592] : memref<6x!tpu.dma_semaphore, #tpu.memory_space<semaphore_mem>> -> memref<1x!tpu.dma_semaphore, #tpu.memory_space<semaphore_mem>>
    %dma_wait3A_600 = tpu.memref_squeeze %dma_wait3A_599 : memref<1x!tpu.dma_semaphore, #tpu.memory_space<semaphore_mem>> -> memref<!tpu.dma_semaphore, #tpu.memory_space<semaphore_mem>>
    %dma_wait3A_601 = arith.constant 0 : i32
    %dma_wait3A_602 = arith.constant 0 : i32
    %dma_wait3A_603 = tpu.memref_slice %arg6[%dma_wait3A_591, %dma_wait3A_601, %dma_wait3A_602] : memref<6x16x1024xf32, #tpu.memory_space<vmem>> -> memref<1x16x1024xf32, #tpu.memory_space<vmem>>
    %dma_wait3A_604 = tpu.memref_squeeze %dma_wait3A_603 : memref<1x16x1024xf32, #tpu.memory_space<vmem>> -> memref<16x1024xf32, #tpu.memory_space<vmem>>
    %dma_wait3A_605 = arith.constant 0 : i32
    %dma_wait3A_606 = tpu.memref_slice %arg2[%add3A_590, %dma_wait3A_605] : memref<16384x1024xf32, #tpu.memory_space<hbm>> -> memref<16x1024xf32, #tpu.memory_space<hbm>>
    tpu.wait_dma2 semaphore(%dma_wait3A_600 : memref<!tpu.dma_semaphore, #tpu.memory_space<semaphore_mem>>) src(%dma_wait3A_606 : memref<16x1024xf32, #tpu.memory_space<hbm>>) dst(%dma_wait3A_604 : memref<16x1024xf32, #tpu.memory_space<vmem>>)
    %dma_wait3A_607 = arith.constant 5 : i32
    %dma_wait3A_608 = arith.constant 5 : i32
    %dma_wait3A_609 = arith.constant 0 : i32
    %dma_wait3A_610 = arith.constant 0 : i32
    %dma_wait3A_611 = tpu.memref_slice %arg7[%dma_wait3A_607, %dma_wait3A_609, %dma_wait3A_610] : memref<6x16x16xi32, #tpu.memory_space<vmem>> -> memref<1x16x16xi32, #tpu.memory_space<vmem>>
    %dma_wait3A_612 = tpu.memref_squeeze %dma_wait3A_611 : memref<1x16x16xi32, #tpu.memory_space<vmem>> -> memref<16x16xi32, #tpu.memory_space<vmem>>
    %dma_wait3A_613 = arith.constant 0 : i32
    %dma_wait3A_614 = tpu.memref_slice %arg3[%add3A_590, %dma_wait3A_613] : memref<16384x16xi32, #tpu.memory_space<hbm>> -> memref<16x16xi32, #tpu.memory_space<hbm>>
    %dma_wait3A_615 = tpu.memref_slice %arg10[%dma_wait3A_608] : memref<6x!tpu.dma_semaphore, #tpu.memory_space<semaphore_mem>> -> memref<1x!tpu.dma_semaphore, #tpu.memory_space<semaphore_mem>>
    %dma_wait3A_616 = tpu.memref_squeeze %dma_wait3A_615 : memref<1x!tpu.dma_semaphore, #tpu.memory_space<semaphore_mem>> -> memref<!tpu.dma_semaphore, #tpu.memory_space<semaphore_mem>>
    %dma_wait3A_617 = arith.constant 0 : i32
    %dma_wait3A_618 = arith.constant 0 : i32
    %dma_wait3A_619 = tpu.memref_slice %arg7[%dma_wait3A_607, %dma_wait3A_617, %dma_wait3A_618] : memref<6x16x16xi32, #tpu.memory_space<vmem>> -> memref<1x16x16xi32, #tpu.memory_space<vmem>>
    %dma_wait3A_620 = tpu.memref_squeeze %dma_wait3A_619 : memref<1x16x16xi32, #tpu.memory_space<vmem>> -> memref<16x16xi32, #tpu.memory_space<vmem>>
    %dma_wait3A_621 = arith.constant 0 : i32
    %dma_wait3A_622 = tpu.memref_slice %arg3[%add3A_590, %dma_wait3A_621] : memref<16384x16xi32, #tpu.memory_space<hbm>> -> memref<16x16xi32, #tpu.memory_space<hbm>>
    tpu.wait_dma2 semaphore(%dma_wait3A_616 : memref<!tpu.dma_semaphore, #tpu.memory_space<semaphore_mem>>) src(%dma_wait3A_622 : memref<16x16xi32, #tpu.memory_space<hbm>>) dst(%dma_wait3A_620 : memref<16x16xi32, #tpu.memory_space<vmem>>)
    %parallel_loop3A_623 = arith.constant 0 : i32
    %parallel_loop3A_624 = arith.constant 16 : i32
    %parallel_loop3A_625 = arith.constant 2 : i32
    scf.for %parallel_loop3A_862 = %parallel_loop3A_623 to %parallel_loop3A_624 step %parallel_loop3A_625  : i32 {
      %parallel_loop3A_863 = arith.constant 5 : i32
      %parallel_loop3A_864 = arith.index_cast %parallel_loop3A_863 : i32 to index
      %parallel_loop3A_865 = arith.index_cast %parallel_loop3A_862 : i32 to index
      %parallel_loop3A_866 = arith.constant 0 : index
      %parallel_loop3A_867 = tpu.vector_load %arg7[%parallel_loop3A_864, %parallel_loop3A_865, %parallel_loop3A_866] {strides = array<i32>} : memref<6x16x16xi32, #tpu.memory_space<vmem>>, vector<16xi32>,
      %parallel_loop3A_868 = arith.constant 1 : i32
      %parallel_loop3A_869 = arith.addi %parallel_loop3A_862, %parallel_loop3A_868 : i32
      %parallel_loop3A_870 = arith.constant 5 : i32
      %parallel_loop3A_871 = arith.index_cast %parallel_loop3A_870 : i32 to index
      %parallel_loop3A_872 = arith.index_cast %parallel_loop3A_869 : i32 to index
      %parallel_loop3A_873 = arith.constant 0 : index
      %parallel_loop3A_874 = tpu.vector_load %arg7[%parallel_loop3A_871, %parallel_loop3A_872, %parallel_loop3A_873] {strides = array<i32>} : memref<6x16x16xi32, #tpu.memory_space<vmem>>, vector<16xi32>,
      %parallel_loop3A_875 = arith.constant 0 : i32
      %parallel_loop3A_876 = arith.constant 64 : i32
      %parallel_loop3A_877 = arith.constant 1 : i32
      scf.for %parallel_loop3A_878 = %parallel_loop3A_875 to %parallel_loop3A_876 step %parallel_loop3A_877  : i32 {
        %parallel_loop3A_879 = arith.constant 16 : i32
        %parallel_loop3A_880 = arith.muli %parallel_loop3A_878, %parallel_loop3A_879 : i32
        %parallel_loop3A_881 = vector.broadcast %parallel_loop3A_880 : i32 to vector<16xi32>
        %parallel_loop3A_882 = arith.addi %parallel_loop3A_867, %parallel_loop3A_881 : vector<16xi32>
        %parallel_loop3A_883 = tpu.vector_load_idx %arg8[%parallel_loop3A_882] : memref<3072xf32, #tpu.memory_space<vmem>>[vector<16xi32>], vector<16xf32>,
        %parallel_loop3A_884 = vector.broadcast %parallel_loop3A_880 : i32 to vector<16xi32>
        %parallel_loop3A_885 = arith.addi %parallel_loop3A_874, %parallel_loop3A_884 : vector<16xi32>
        %parallel_loop3A_886 = tpu.vector_load_idx %arg8[%parallel_loop3A_885] : memref<3072xf32, #tpu.memory_space<vmem>>[vector<16xi32>], vector<16xf32>,
        %parallel_loop3A_887 = arith.constant 5 : i32
        %parallel_loop3A_888 = arith.index_cast %parallel_loop3A_887 : i32 to index
        %parallel_loop3A_889 = arith.index_cast %parallel_loop3A_862 : i32 to index
        %parallel_loop3A_890 = arith.index_cast %parallel_loop3A_880 : i32 to index
        %parallel_loop3A_891 = tpu.vector_load %arg6[%parallel_loop3A_888, %parallel_loop3A_889, %parallel_loop3A_890] {strides = array<i32>} : memref<6x16x1024xf32, #tpu.memory_space<vmem>>, vector<16xf32>,
        tpu.vector_store %arg6[%parallel_loop3A_888, %parallel_loop3A_889, %parallel_loop3A_890], %parallel_loop3A_883 {add = true, strides = array<i32>} : memref<6x16x1024xf32, #tpu.memory_space<vmem>>, vector<16xf32>,
        %parallel_loop3A_892 = arith.constant 1 : i32
        %parallel_loop3A_893 = arith.addi %parallel_loop3A_862, %parallel_loop3A_892 : i32
        %parallel_loop3A_894 = arith.constant 5 : i32
        %parallel_loop3A_895 = arith.index_cast %parallel_loop3A_894 : i32 to index
        %parallel_loop3A_896 = arith.index_cast %parallel_loop3A_893 : i32 to index
        %parallel_loop3A_897 = arith.index_cast %parallel_loop3A_880 : i32 to index
        %parallel_loop3A_898 = tpu.vector_load %arg6[%parallel_loop3A_895, %parallel_loop3A_896, %parallel_loop3A_897] {strides = array<i32>} : memref<6x16x1024xf32, #tpu.memory_space<vmem>>, vector<16xf32>,
        tpu.vector_store %arg6[%parallel_loop3A_895, %parallel_loop3A_896, %parallel_loop3A_897], %parallel_loop3A_886 {add = true, strides = array<i32>} : memref<6x16x1024xf32, #tpu.memory_space<vmem>>, vector<16xf32>,
      } {sc.loop_unroll_factor = 8 : i64, sc.parallel_access}
    } {sc.loop_unroll_factor = 1 : i64, sc.parallel_access}
    %add3A_626 = arith.constant 464 : i32
    %add3A_627 = arith.addi %mul3A_2, %add3A_626 : i32
    %dma_start3A_628 = arith.constant 5 : i32
    %dma_start3A_629 = arith.constant 5 : i32
    %dma_start3A_630 = arith.constant 0 : i32
    %dma_start3A_631 = arith.constant 0 : i32
    %dma_start3A_632 = tpu.memref_slice %arg6[%dma_start3A_628, %dma_start3A_630, %dma_start3A_631] : memref<6x16x1024xf32, #tpu.memory_space<vmem>> -> memref<1x16x1024xf32, #tpu.memory_space<vmem>>
    %dma_start3A_633 = tpu.memref_squeeze %dma_start3A_632 : memref<1x16x1024xf32, #tpu.memory_space<vmem>> -> memref<16x1024xf32, #tpu.memory_space<vmem>>
    %dma_start3A_634 = arith.constant 0 : i32
    %dma_start3A_635 = tpu.memref_slice %arg5[%add3A_627, %dma_start3A_634] : memref<16384x1024xf32, #tpu.memory_space<hbm>> -> memref<16x1024xf32, #tpu.memory_space<hbm>>
    %dma_start3A_636 = tpu.memref_slice %arg11[%dma_start3A_629] : memref<6x!tpu.dma_semaphore, #tpu.memory_space<semaphore_mem>> -> memref<1x!tpu.dma_semaphore, #tpu.memory_space<semaphore_mem>>
    %dma_start3A_637 = tpu.memref_squeeze %dma_start3A_636 : memref<1x!tpu.dma_semaphore, #tpu.memory_space<semaphore_mem>> -> memref<!tpu.dma_semaphore, #tpu.memory_space<semaphore_mem>>
    %dma_start3A_638 = arith.constant 0 : i32
    %dma_start3A_639 = tpu.memref_slice %arg5[%add3A_627, %dma_start3A_638] : memref<16384x1024xf32, #tpu.memory_space<hbm>> -> memref<16x1024xf32, #tpu.memory_space<hbm>>
    %dma_start3A_640 = arith.constant 0 : i32
    %dma_start3A_641 = arith.constant 0 : i32
    %dma_start3A_642 = tpu.memref_slice %arg6[%dma_start3A_628, %dma_start3A_640, %dma_start3A_641] : memref<6x16x1024xf32, #tpu.memory_space<vmem>> -> memref<1x16x1024xf32, #tpu.memory_space<vmem>>
    %dma_start3A_643 = tpu.memref_squeeze %dma_start3A_642 : memref<1x16x1024xf32, #tpu.memory_space<vmem>> -> memref<16x1024xf32, #tpu.memory_space<vmem>>
    tpu.enqueue_dma source(%dma_start3A_643 : memref<16x1024xf32, #tpu.memory_space<vmem>>) target(%dma_start3A_639 : memref<16x1024xf32, #tpu.memory_space<hbm>>) target_semaphore(%dma_start3A_637 : memref<!tpu.dma_semaphore, #tpu.memory_space<semaphore_mem>>)
    %add3A_644 = arith.constant 480 : i32
    %add3A_645 = arith.addi %mul3A_2, %add3A_644 : i32
    %dma_wait3A_646 = arith.constant 0 : i32
    %dma_wait3A_647 = arith.constant 0 : i32
    %dma_wait3A_648 = arith.constant 0 : i32
    %dma_wait3A_649 = arith.constant 0 : i32
    %dma_wait3A_650 = tpu.memref_slice %arg6[%dma_wait3A_646, %dma_wait3A_648, %dma_wait3A_649] : memref<6x16x1024xf32, #tpu.memory_space<vmem>> -> memref<1x16x1024xf32, #tpu.memory_space<vmem>>
    %dma_wait3A_651 = tpu.memref_squeeze %dma_wait3A_650 : memref<1x16x1024xf32, #tpu.memory_space<vmem>> -> memref<16x1024xf32, #tpu.memory_space<vmem>>
    %dma_wait3A_652 = arith.constant 0 : i32
    %dma_wait3A_653 = tpu.memref_slice %arg2[%add3A_645, %dma_wait3A_652] : memref<16384x1024xf32, #tpu.memory_space<hbm>> -> memref<16x1024xf32, #tpu.memory_space<hbm>>
    %dma_wait3A_654 = tpu.memref_slice %arg9[%dma_wait3A_647] : memref<6x!tpu.dma_semaphore, #tpu.memory_space<semaphore_mem>> -> memref<1x!tpu.dma_semaphore, #tpu.memory_space<semaphore_mem>>
    %dma_wait3A_655 = tpu.memref_squeeze %dma_wait3A_654 : memref<1x!tpu.dma_semaphore, #tpu.memory_space<semaphore_mem>> -> memref<!tpu.dma_semaphore, #tpu.memory_space<semaphore_mem>>
    %dma_wait3A_656 = arith.constant 0 : i32
    %dma_wait3A_657 = arith.constant 0 : i32
    %dma_wait3A_658 = tpu.memref_slice %arg6[%dma_wait3A_646, %dma_wait3A_656, %dma_wait3A_657] : memref<6x16x1024xf32, #tpu.memory_space<vmem>> -> memref<1x16x1024xf32, #tpu.memory_space<vmem>>
    %dma_wait3A_659 = tpu.memref_squeeze %dma_wait3A_658 : memref<1x16x1024xf32, #tpu.memory_space<vmem>> -> memref<16x1024xf32, #tpu.memory_space<vmem>>
    %dma_wait3A_660 = arith.constant 0 : i32
    %dma_wait3A_661 = tpu.memref_slice %arg2[%add3A_645, %dma_wait3A_660] : memref<16384x1024xf32, #tpu.memory_space<hbm>> -> memref<16x1024xf32, #tpu.memory_space<hbm>>
    tpu.wait_dma2 semaphore(%dma_wait3A_655 : memref<!tpu.dma_semaphore, #tpu.memory_space<semaphore_mem>>) src(%dma_wait3A_661 : memref<16x1024xf32, #tpu.memory_space<hbm>>) dst(%dma_wait3A_659 : memref<16x1024xf32, #tpu.memory_space<vmem>>)
    %dma_wait3A_662 = arith.constant 0 : i32
    %dma_wait3A_663 = arith.constant 0 : i32
    %dma_wait3A_664 = arith.constant 0 : i32
    %dma_wait3A_665 = arith.constant 0 : i32
    %dma_wait3A_666 = tpu.memref_slice %arg7[%dma_wait3A_662, %dma_wait3A_664, %dma_wait3A_665] : memref<6x16x16xi32, #tpu.memory_space<vmem>> -> memref<1x16x16xi32, #tpu.memory_space<vmem>>
    %dma_wait3A_667 = tpu.memref_squeeze %dma_wait3A_666 : memref<1x16x16xi32, #tpu.memory_space<vmem>> -> memref<16x16xi32, #tpu.memory_space<vmem>>
    %dma_wait3A_668 = arith.constant 0 : i32
    %dma_wait3A_669 = tpu.memref_slice %arg3[%add3A_645, %dma_wait3A_668] : memref<16384x16xi32, #tpu.memory_space<hbm>> -> memref<16x16xi32, #tpu.memory_space<hbm>>
    %dma_wait3A_670 = tpu.memref_slice %arg10[%dma_wait3A_663] : memref<6x!tpu.dma_semaphore, #tpu.memory_space<semaphore_mem>> -> memref<1x!tpu.dma_semaphore, #tpu.memory_space<semaphore_mem>>
    %dma_wait3A_671 = tpu.memref_squeeze %dma_wait3A_670 : memref<1x!tpu.dma_semaphore, #tpu.memory_space<semaphore_mem>> -> memref<!tpu.dma_semaphore, #tpu.memory_space<semaphore_mem>>
    %dma_wait3A_672 = arith.constant 0 : i32
    %dma_wait3A_673 = arith.constant 0 : i32
    %dma_wait3A_674 = tpu.memref_slice %arg7[%dma_wait3A_662, %dma_wait3A_672, %dma_wait3A_673] : memref<6x16x16xi32, #tpu.memory_space<vmem>> -> memref<1x16x16xi32, #tpu.memory_space<vmem>>
    %dma_wait3A_675 = tpu.memref_squeeze %dma_wait3A_674 : memref<1x16x16xi32, #tpu.memory_space<vmem>> -> memref<16x16xi32, #tpu.memory_space<vmem>>
    %dma_wait3A_676 = arith.constant 0 : i32
    %dma_wait3A_677 = tpu.memref_slice %arg3[%add3A_645, %dma_wait3A_676] : memref<16384x16xi32, #tpu.memory_space<hbm>> -> memref<16x16xi32, #tpu.memory_space<hbm>>
    tpu.wait_dma2 semaphore(%dma_wait3A_671 : memref<!tpu.dma_semaphore, #tpu.memory_space<semaphore_mem>>) src(%dma_wait3A_677 : memref<16x16xi32, #tpu.memory_space<hbm>>) dst(%dma_wait3A_675 : memref<16x16xi32, #tpu.memory_space<vmem>>)
    %parallel_loop3A_678 = arith.constant 0 : i32
    %parallel_loop3A_679 = arith.constant 16 : i32
    %parallel_loop3A_680 = arith.constant 2 : i32
    scf.for %parallel_loop3A_862 = %parallel_loop3A_678 to %parallel_loop3A_679 step %parallel_loop3A_680  : i32 {
      %parallel_loop3A_863 = arith.constant 0 : i32
      %parallel_loop3A_864 = arith.index_cast %parallel_loop3A_863 : i32 to index
      %parallel_loop3A_865 = arith.index_cast %parallel_loop3A_862 : i32 to index
      %parallel_loop3A_866 = arith.constant 0 : index
      %parallel_loop3A_867 = tpu.vector_load %arg7[%parallel_loop3A_864, %parallel_loop3A_865, %parallel_loop3A_866] {strides = array<i32>} : memref<6x16x16xi32, #tpu.memory_space<vmem>>, vector<16xi32>,
      %parallel_loop3A_868 = arith.constant 1 : i32
      %parallel_loop3A_869 = arith.addi %parallel_loop3A_862, %parallel_loop3A_868 : i32
      %parallel_loop3A_870 = arith.constant 0 : i32
      %parallel_loop3A_871 = arith.index_cast %parallel_loop3A_870 : i32 to index
      %parallel_loop3A_872 = arith.index_cast %parallel_loop3A_869 : i32 to index
      %parallel_loop3A_873 = arith.constant 0 : index
      %parallel_loop3A_874 = tpu.vector_load %arg7[%parallel_loop3A_871, %parallel_loop3A_872, %parallel_loop3A_873] {strides = array<i32>} : memref<6x16x16xi32, #tpu.memory_space<vmem>>, vector<16xi32>,
      %parallel_loop3A_875 = arith.constant 0 : i32
      %parallel_loop3A_876 = arith.constant 64 : i32
      %parallel_loop3A_877 = arith.constant 1 : i32
      scf.for %parallel_loop3A_878 = %parallel_loop3A_875 to %parallel_loop3A_876 step %parallel_loop3A_877  : i32 {
        %parallel_loop3A_879 = arith.constant 16 : i32
        %parallel_loop3A_880 = arith.muli %parallel_loop3A_878, %parallel_loop3A_879 : i32
        %parallel_loop3A_881 = vector.broadcast %parallel_loop3A_880 : i32 to vector<16xi32>
        %parallel_loop3A_882 = arith.addi %parallel_loop3A_867, %parallel_loop3A_881 : vector<16xi32>
        %parallel_loop3A_883 = tpu.vector_load_idx %arg8[%parallel_loop3A_882] : memref<3072xf32, #tpu.memory_space<vmem>>[vector<16xi32>], vector<16xf32>,
        %parallel_loop3A_884 = vector.broadcast %parallel_loop3A_880 : i32 to vector<16xi32>
        %parallel_loop3A_885 = arith.addi %parallel_loop3A_874, %parallel_loop3A_884 : vector<16xi32>
        %parallel_loop3A_886 = tpu.vector_load_idx %arg8[%parallel_loop3A_885] : memref<3072xf32, #tpu.memory_space<vmem>>[vector<16xi32>], vector<16xf32>,
        %parallel_loop3A_887 = arith.constant 0 : i32
        %parallel_loop3A_888 = arith.index_cast %parallel_loop3A_887 : i32 to index
        %parallel_loop3A_889 = arith.index_cast %parallel_loop3A_862 : i32 to index
        %parallel_loop3A_890 = arith.index_cast %parallel_loop3A_880 : i32 to index
        %parallel_loop3A_891 = tpu.vector_load %arg6[%parallel_loop3A_888, %parallel_loop3A_889, %parallel_loop3A_890] {strides = array<i32>} : memref<6x16x1024xf32, #tpu.memory_space<vmem>>, vector<16xf32>,
        tpu.vector_store %arg6[%parallel_loop3A_888, %parallel_loop3A_889, %parallel_loop3A_890], %parallel_loop3A_883 {add = true, strides = array<i32>} : memref<6x16x1024xf32, #tpu.memory_space<vmem>>, vector<16xf32>,
        %parallel_loop3A_892 = arith.constant 1 : i32
        %parallel_loop3A_893 = arith.addi %parallel_loop3A_862, %parallel_loop3A_892 : i32
        %parallel_loop3A_894 = arith.constant 0 : i32
        %parallel_loop3A_895 = arith.index_cast %parallel_loop3A_894 : i32 to index
        %parallel_loop3A_896 = arith.index_cast %parallel_loop3A_893 : i32 to index
        %parallel_loop3A_897 = arith.index_cast %parallel_loop3A_880 : i32 to index
        %parallel_loop3A_898 = tpu.vector_load %arg6[%parallel_loop3A_895, %parallel_loop3A_896, %parallel_loop3A_897] {strides = array<i32>} : memref<6x16x1024xf32, #tpu.memory_space<vmem>>, vector<16xf32>,
        tpu.vector_store %arg6[%parallel_loop3A_895, %parallel_loop3A_896, %parallel_loop3A_897], %parallel_loop3A_886 {add = true, strides = array<i32>} : memref<6x16x1024xf32, #tpu.memory_space<vmem>>, vector<16xf32>,
      } {sc.loop_unroll_factor = 8 : i64, sc.parallel_access}
    } {sc.loop_unroll_factor = 1 : i64, sc.parallel_access}
    %add3A_681 = arith.constant 480 : i32
    %add3A_682 = arith.addi %mul3A_2, %add3A_681 : i32
    %dma_start3A_683 = arith.constant 0 : i32
    %dma_start3A_684 = arith.constant 0 : i32
    %dma_start3A_685 = arith.constant 0 : i32
    %dma_start3A_686 = arith.constant 0 : i32
    %dma_start3A_687 = tpu.memref_slice %arg6[%dma_start3A_683, %dma_start3A_685, %dma_start3A_686] : memref<6x16x1024xf32, #tpu.memory_space<vmem>> -> memref<1x16x1024xf32, #tpu.memory_space<vmem>>
    %dma_start3A_688 = tpu.memref_squeeze %dma_start3A_687 : memref<1x16x1024xf32, #tpu.memory_space<vmem>> -> memref<16x1024xf32, #tpu.memory_space<vmem>>
    %dma_start3A_689 = arith.constant 0 : i32
    %dma_start3A_690 = tpu.memref_slice %arg5[%add3A_682, %dma_start3A_689] : memref<16384x1024xf32, #tpu.memory_space<hbm>> -> memref<16x1024xf32, #tpu.memory_space<hbm>>
    %dma_start3A_691 = tpu.memref_slice %arg11[%dma_start3A_684] : memref<6x!tpu.dma_semaphore, #tpu.memory_space<semaphore_mem>> -> memref<1x!tpu.dma_semaphore, #tpu.memory_space<semaphore_mem>>
    %dma_start3A_692 = tpu.memref_squeeze %dma_start3A_691 : memref<1x!tpu.dma_semaphore, #tpu.memory_space<semaphore_mem>> -> memref<!tpu.dma_semaphore, #tpu.memory_space<semaphore_mem>>
    %dma_start3A_693 = arith.constant 0 : i32
    %dma_start3A_694 = tpu.memref_slice %arg5[%add3A_682, %dma_start3A_693] : memref<16384x1024xf32, #tpu.memory_space<hbm>> -> memref<16x1024xf32, #tpu.memory_space<hbm>>
    %dma_start3A_695 = arith.constant 0 : i32
    %dma_start3A_696 = arith.constant 0 : i32
    %dma_start3A_697 = tpu.memref_slice %arg6[%dma_start3A_683, %dma_start3A_695, %dma_start3A_696] : memref<6x16x1024xf32, #tpu.memory_space<vmem>> -> memref<1x16x1024xf32, #tpu.memory_space<vmem>>
    %dma_start3A_698 = tpu.memref_squeeze %dma_start3A_697 : memref<1x16x1024xf32, #tpu.memory_space<vmem>> -> memref<16x1024xf32, #tpu.memory_space<vmem>>
    tpu.enqueue_dma source(%dma_start3A_698 : memref<16x1024xf32, #tpu.memory_space<vmem>>) target(%dma_start3A_694 : memref<16x1024xf32, #tpu.memory_space<hbm>>) target_semaphore(%dma_start3A_692 : memref<!tpu.dma_semaphore, #tpu.memory_space<semaphore_mem>>)
    %add3A_699 = arith.constant 496 : i32
    %add3A_700 = arith.addi %mul3A_2, %add3A_699 : i32
    %dma_wait3A_701 = arith.constant 1 : i32
    %dma_wait3A_702 = arith.constant 1 : i32
    %dma_wait3A_703 = arith.constant 0 : i32
    %dma_wait3A_704 = arith.constant 0 : i32
    %dma_wait3A_705 = tpu.memref_slice %arg6[%dma_wait3A_701, %dma_wait3A_703, %dma_wait3A_704] : memref<6x16x1024xf32, #tpu.memory_space<vmem>> -> memref<1x16x1024xf32, #tpu.memory_space<vmem>>
    %dma_wait3A_706 = tpu.memref_squeeze %dma_wait3A_705 : memref<1x16x1024xf32, #tpu.memory_space<vmem>> -> memref<16x1024xf32, #tpu.memory_space<vmem>>
    %dma_wait3A_707 = arith.constant 0 : i32
    %dma_wait3A_708 = tpu.memref_slice %arg2[%add3A_700, %dma_wait3A_707] : memref<16384x1024xf32, #tpu.memory_space<hbm>> -> memref<16x1024xf32, #tpu.memory_space<hbm>>
    %dma_wait3A_709 = tpu.memref_slice %arg9[%dma_wait3A_702] : memref<6x!tpu.dma_semaphore, #tpu.memory_space<semaphore_mem>> -> memref<1x!tpu.dma_semaphore, #tpu.memory_space<semaphore_mem>>
    %dma_wait3A_710 = tpu.memref_squeeze %dma_wait3A_709 : memref<1x!tpu.dma_semaphore, #tpu.memory_space<semaphore_mem>> -> memref<!tpu.dma_semaphore, #tpu.memory_space<semaphore_mem>>
    %dma_wait3A_711 = arith.constant 0 : i32
    %dma_wait3A_712 = arith.constant 0 : i32
    %dma_wait3A_713 = tpu.memref_slice %arg6[%dma_wait3A_701, %dma_wait3A_711, %dma_wait3A_712] : memref<6x16x1024xf32, #tpu.memory_space<vmem>> -> memref<1x16x1024xf32, #tpu.memory_space<vmem>>
    %dma_wait3A_714 = tpu.memref_squeeze %dma_wait3A_713 : memref<1x16x1024xf32, #tpu.memory_space<vmem>> -> memref<16x1024xf32, #tpu.memory_space<vmem>>
    %dma_wait3A_715 = arith.constant 0 : i32
    %dma_wait3A_716 = tpu.memref_slice %arg2[%add3A_700, %dma_wait3A_715] : memref<16384x1024xf32, #tpu.memory_space<hbm>> -> memref<16x1024xf32, #tpu.memory_space<hbm>>
    tpu.wait_dma2 semaphore(%dma_wait3A_710 : memref<!tpu.dma_semaphore, #tpu.memory_space<semaphore_mem>>) src(%dma_wait3A_716 : memref<16x1024xf32, #tpu.memory_space<hbm>>) dst(%dma_wait3A_714 : memref<16x1024xf32, #tpu.memory_space<vmem>>)
    %dma_wait3A_717 = arith.constant 1 : i32
    %dma_wait3A_718 = arith.constant 1 : i32
    %dma_wait3A_719 = arith.constant 0 : i32
    %dma_wait3A_720 = arith.constant 0 : i32
    %dma_wait3A_721 = tpu.memref_slice %arg7[%dma_wait3A_717, %dma_wait3A_719, %dma_wait3A_720] : memref<6x16x16xi32, #tpu.memory_space<vmem>> -> memref<1x16x16xi32, #tpu.memory_space<vmem>>
    %dma_wait3A_722 = tpu.memref_squeeze %dma_wait3A_721 : memref<1x16x16xi32, #tpu.memory_space<vmem>> -> memref<16x16xi32, #tpu.memory_space<vmem>>
    %dma_wait3A_723 = arith.constant 0 : i32
    %dma_wait3A_724 = tpu.memref_slice %arg3[%add3A_700, %dma_wait3A_723] : memref<16384x16xi32, #tpu.memory_space<hbm>> -> memref<16x16xi32, #tpu.memory_space<hbm>>
    %dma_wait3A_725 = tpu.memref_slice %arg10[%dma_wait3A_718] : memref<6x!tpu.dma_semaphore, #tpu.memory_space<semaphore_mem>> -> memref<1x!tpu.dma_semaphore, #tpu.memory_space<semaphore_mem>>
    %dma_wait3A_726 = tpu.memref_squeeze %dma_wait3A_725 : memref<1x!tpu.dma_semaphore, #tpu.memory_space<semaphore_mem>> -> memref<!tpu.dma_semaphore, #tpu.memory_space<semaphore_mem>>
    %dma_wait3A_727 = arith.constant 0 : i32
    %dma_wait3A_728 = arith.constant 0 : i32
    %dma_wait3A_729 = tpu.memref_slice %arg7[%dma_wait3A_717, %dma_wait3A_727, %dma_wait3A_728] : memref<6x16x16xi32, #tpu.memory_space<vmem>> -> memref<1x16x16xi32, #tpu.memory_space<vmem>>
    %dma_wait3A_730 = tpu.memref_squeeze %dma_wait3A_729 : memref<1x16x16xi32, #tpu.memory_space<vmem>> -> memref<16x16xi32, #tpu.memory_space<vmem>>
    %dma_wait3A_731 = arith.constant 0 : i32
    %dma_wait3A_732 = tpu.memref_slice %arg3[%add3A_700, %dma_wait3A_731] : memref<16384x16xi32, #tpu.memory_space<hbm>> -> memref<16x16xi32, #tpu.memory_space<hbm>>
    tpu.wait_dma2 semaphore(%dma_wait3A_726 : memref<!tpu.dma_semaphore, #tpu.memory_space<semaphore_mem>>) src(%dma_wait3A_732 : memref<16x16xi32, #tpu.memory_space<hbm>>) dst(%dma_wait3A_730 : memref<16x16xi32, #tpu.memory_space<vmem>>)
    %parallel_loop3A_733 = arith.constant 0 : i32
    %parallel_loop3A_734 = arith.constant 16 : i32
    %parallel_loop3A_735 = arith.constant 2 : i32
    scf.for %parallel_loop3A_862 = %parallel_loop3A_733 to %parallel_loop3A_734 step %parallel_loop3A_735  : i32 {
      %parallel_loop3A_863 = arith.constant 1 : i32
      %parallel_loop3A_864 = arith.index_cast %parallel_loop3A_863 : i32 to index
      %parallel_loop3A_865 = arith.index_cast %parallel_loop3A_862 : i32 to index
      %parallel_loop3A_866 = arith.constant 0 : index
      %parallel_loop3A_867 = tpu.vector_load %arg7[%parallel_loop3A_864, %parallel_loop3A_865, %parallel_loop3A_866] {strides = array<i32>} : memref<6x16x16xi32, #tpu.memory_space<vmem>>, vector<16xi32>,
      %parallel_loop3A_868 = arith.constant 1 : i32
      %parallel_loop3A_869 = arith.addi %parallel_loop3A_862, %parallel_loop3A_868 : i32
      %parallel_loop3A_870 = arith.constant 1 : i32
      %parallel_loop3A_871 = arith.index_cast %parallel_loop3A_870 : i32 to index
      %parallel_loop3A_872 = arith.index_cast %parallel_loop3A_869 : i32 to index
      %parallel_loop3A_873 = arith.constant 0 : index
      %parallel_loop3A_874 = tpu.vector_load %arg7[%parallel_loop3A_871, %parallel_loop3A_872, %parallel_loop3A_873] {strides = array<i32>} : memref<6x16x16xi32, #tpu.memory_space<vmem>>, vector<16xi32>,
      %parallel_loop3A_875 = arith.constant 0 : i32
      %parallel_loop3A_876 = arith.constant 64 : i32
      %parallel_loop3A_877 = arith.constant 1 : i32
      scf.for %parallel_loop3A_878 = %parallel_loop3A_875 to %parallel_loop3A_876 step %parallel_loop3A_877  : i32 {
        %parallel_loop3A_879 = arith.constant 16 : i32
        %parallel_loop3A_880 = arith.muli %parallel_loop3A_878, %parallel_loop3A_879 : i32
        %parallel_loop3A_881 = vector.broadcast %parallel_loop3A_880 : i32 to vector<16xi32>
        %parallel_loop3A_882 = arith.addi %parallel_loop3A_867, %parallel_loop3A_881 : vector<16xi32>
        %parallel_loop3A_883 = tpu.vector_load_idx %arg8[%parallel_loop3A_882] : memref<3072xf32, #tpu.memory_space<vmem>>[vector<16xi32>], vector<16xf32>,
        %parallel_loop3A_884 = vector.broadcast %parallel_loop3A_880 : i32 to vector<16xi32>
        %parallel_loop3A_885 = arith.addi %parallel_loop3A_874, %parallel_loop3A_884 : vector<16xi32>
        %parallel_loop3A_886 = tpu.vector_load_idx %arg8[%parallel_loop3A_885] : memref<3072xf32, #tpu.memory_space<vmem>>[vector<16xi32>], vector<16xf32>,
        %parallel_loop3A_887 = arith.constant 1 : i32
        %parallel_loop3A_888 = arith.index_cast %parallel_loop3A_887 : i32 to index
        %parallel_loop3A_889 = arith.index_cast %parallel_loop3A_862 : i32 to index
        %parallel_loop3A_890 = arith.index_cast %parallel_loop3A_880 : i32 to index
        %parallel_loop3A_891 = tpu.vector_load %arg6[%parallel_loop3A_888, %parallel_loop3A_889, %parallel_loop3A_890] {strides = array<i32>} : memref<6x16x1024xf32, #tpu.memory_space<vmem>>, vector<16xf32>,
        tpu.vector_store %arg6[%parallel_loop3A_888, %parallel_loop3A_889, %parallel_loop3A_890], %parallel_loop3A_883 {add = true, strides = array<i32>} : memref<6x16x1024xf32, #tpu.memory_space<vmem>>, vector<16xf32>,
        %parallel_loop3A_892 = arith.constant 1 : i32
        %parallel_loop3A_893 = arith.addi %parallel_loop3A_862, %parallel_loop3A_892 : i32
        %parallel_loop3A_894 = arith.constant 1 : i32
        %parallel_loop3A_895 = arith.index_cast %parallel_loop3A_894 : i32 to index
        %parallel_loop3A_896 = arith.index_cast %parallel_loop3A_893 : i32 to index
        %parallel_loop3A_897 = arith.index_cast %parallel_loop3A_880 : i32 to index
        %parallel_loop3A_898 = tpu.vector_load %arg6[%parallel_loop3A_895, %parallel_loop3A_896, %parallel_loop3A_897] {strides = array<i32>} : memref<6x16x1024xf32, #tpu.memory_space<vmem>>, vector<16xf32>,
        tpu.vector_store %arg6[%parallel_loop3A_895, %parallel_loop3A_896, %parallel_loop3A_897], %parallel_loop3A_886 {add = true, strides = array<i32>} : memref<6x16x1024xf32, #tpu.memory_space<vmem>>, vector<16xf32>,
      } {sc.loop_unroll_factor = 8 : i64, sc.parallel_access}
    } {sc.loop_unroll_factor = 1 : i64, sc.parallel_access}
    %add3A_736 = arith.constant 496 : i32
    %add3A_737 = arith.addi %mul3A_2, %add3A_736 : i32
    %dma_start3A_738 = arith.constant 1 : i32
    %dma_start3A_739 = arith.constant 1 : i32
    %dma_start3A_740 = arith.constant 0 : i32
    %dma_start3A_741 = arith.constant 0 : i32
    %dma_start3A_742 = tpu.memref_slice %arg6[%dma_start3A_738, %dma_start3A_740, %dma_start3A_741] : memref<6x16x1024xf32, #tpu.memory_space<vmem>> -> memref<1x16x1024xf32, #tpu.memory_space<vmem>>
    %dma_start3A_743 = tpu.memref_squeeze %dma_start3A_742 : memref<1x16x1024xf32, #tpu.memory_space<vmem>> -> memref<16x1024xf32, #tpu.memory_space<vmem>>
    %dma_start3A_744 = arith.constant 0 : i32
    %dma_start3A_745 = tpu.memref_slice %arg5[%add3A_737, %dma_start3A_744] : memref<16384x1024xf32, #tpu.memory_space<hbm>> -> memref<16x1024xf32, #tpu.memory_space<hbm>>
    %dma_start3A_746 = tpu.memref_slice %arg11[%dma_start3A_739] : memref<6x!tpu.dma_semaphore, #tpu.memory_space<semaphore_mem>> -> memref<1x!tpu.dma_semaphore, #tpu.memory_space<semaphore_mem>>
    %dma_start3A_747 = tpu.memref_squeeze %dma_start3A_746 : memref<1x!tpu.dma_semaphore, #tpu.memory_space<semaphore_mem>> -> memref<!tpu.dma_semaphore, #tpu.memory_space<semaphore_mem>>
    %dma_start3A_748 = arith.constant 0 : i32
    %dma_start3A_749 = tpu.memref_slice %arg5[%add3A_737, %dma_start3A_748] : memref<16384x1024xf32, #tpu.memory_space<hbm>> -> memref<16x1024xf32, #tpu.memory_space<hbm>>
    %dma_start3A_750 = arith.constant 0 : i32
    %dma_start3A_751 = arith.constant 0 : i32
    %dma_start3A_752 = tpu.memref_slice %arg6[%dma_start3A_738, %dma_start3A_750, %dma_start3A_751] : memref<6x16x1024xf32, #tpu.memory_space<vmem>> -> memref<1x16x1024xf32, #tpu.memory_space<vmem>>
    %dma_start3A_753 = tpu.memref_squeeze %dma_start3A_752 : memref<1x16x1024xf32, #tpu.memory_space<vmem>> -> memref<16x1024xf32, #tpu.memory_space<vmem>>
    tpu.enqueue_dma source(%dma_start3A_753 : memref<16x1024xf32, #tpu.memory_space<vmem>>) target(%dma_start3A_749 : memref<16x1024xf32, #tpu.memory_space<hbm>>) target_semaphore(%dma_start3A_747 : memref<!tpu.dma_semaphore, #tpu.memory_space<semaphore_mem>>)
    %add3A_754 = arith.constant 416 : i32
    %add3A_755 = arith.addi %mul3A_2, %add3A_754 : i32
    %dma_wait3A_756 = arith.constant 2 : i32
    %dma_wait3A_757 = arith.constant 2 : i32
    %dma_wait3A_758 = arith.constant 0 : i32
    %dma_wait3A_759 = arith.constant 0 : i32
    %dma_wait3A_760 = tpu.memref_slice %arg6[%dma_wait3A_756, %dma_wait3A_758, %dma_wait3A_759] : memref<6x16x1024xf32, #tpu.memory_space<vmem>> -> memref<1x16x1024xf32, #tpu.memory_space<vmem>>
    %dma_wait3A_761 = tpu.memref_squeeze %dma_wait3A_760 : memref<1x16x1024xf32, #tpu.memory_space<vmem>> -> memref<16x1024xf32, #tpu.memory_space<vmem>>
    %dma_wait3A_762 = arith.constant 0 : i32
    %dma_wait3A_763 = tpu.memref_slice %arg5[%add3A_755, %dma_wait3A_762] : memref<16384x1024xf32, #tpu.memory_space<hbm>> -> memref<16x1024xf32, #tpu.memory_space<hbm>>
    %dma_wait3A_764 = tpu.memref_slice %arg11[%dma_wait3A_757] : memref<6x!tpu.dma_semaphore, #tpu.memory_space<semaphore_mem>> -> memref<1x!tpu.dma_semaphore, #tpu.memory_space<semaphore_mem>>
    %dma_wait3A_765 = tpu.memref_squeeze %dma_wait3A_764 : memref<1x!tpu.dma_semaphore, #tpu.memory_space<semaphore_mem>> -> memref<!tpu.dma_semaphore, #tpu.memory_space<semaphore_mem>>
    %dma_wait3A_766 = arith.constant 0 : i32
    %dma_wait3A_767 = tpu.memref_slice %arg5[%add3A_755, %dma_wait3A_766] : memref<16384x1024xf32, #tpu.memory_space<hbm>> -> memref<16x1024xf32, #tpu.memory_space<hbm>>
    %dma_wait3A_768 = arith.constant 0 : i32
    %dma_wait3A_769 = arith.constant 0 : i32
    %dma_wait3A_770 = tpu.memref_slice %arg6[%dma_wait3A_756, %dma_wait3A_768, %dma_wait3A_769] : memref<6x16x1024xf32, #tpu.memory_space<vmem>> -> memref<1x16x1024xf32, #tpu.memory_space<vmem>>
    %dma_wait3A_771 = tpu.memref_squeeze %dma_wait3A_770 : memref<1x16x1024xf32, #tpu.memory_space<vmem>> -> memref<16x1024xf32, #tpu.memory_space<vmem>>
    tpu.wait_dma2 semaphore(%dma_wait3A_765 : memref<!tpu.dma_semaphore, #tpu.memory_space<semaphore_mem>>) src(%dma_wait3A_771 : memref<16x1024xf32, #tpu.memory_space<vmem>>) dst(%dma_wait3A_767 : memref<16x1024xf32, #tpu.memory_space<hbm>>)
    %add3A_772 = arith.constant 432 : i32
    %add3A_773 = arith.addi %mul3A_2, %add3A_772 : i32
    %dma_wait3A_774 = arith.constant 3 : i32
    %dma_wait3A_775 = arith.constant 3 : i32
    %dma_wait3A_776 = arith.constant 0 : i32
    %dma_wait3A_777 = arith.constant 0 : i32
    %dma_wait3A_778 = tpu.memref_slice %arg6[%dma_wait3A_774, %dma_wait3A_776, %dma_wait3A_777] : memref<6x16x1024xf32, #tpu.memory_space<vmem>> -> memref<1x16x1024xf32, #tpu.memory_space<vmem>>
    %dma_wait3A_779 = tpu.memref_squeeze %dma_wait3A_778 : memref<1x16x1024xf32, #tpu.memory_space<vmem>> -> memref<16x1024xf32, #tpu.memory_space<vmem>>
    %dma_wait3A_780 = arith.constant 0 : i32
    %dma_wait3A_781 = tpu.memref_slice %arg5[%add3A_773, %dma_wait3A_780] : memref<16384x1024xf32, #tpu.memory_space<hbm>> -> memref<16x1024xf32, #tpu.memory_space<hbm>>
    %dma_wait3A_782 = tpu.memref_slice %arg11[%dma_wait3A_775] : memref<6x!tpu.dma_semaphore, #tpu.memory_space<semaphore_mem>> -> memref<1x!tpu.dma_semaphore, #tpu.memory_space<semaphore_mem>>
    %dma_wait3A_783 = tpu.memref_squeeze %dma_wait3A_782 : memref<1x!tpu.dma_semaphore, #tpu.memory_space<semaphore_mem>> -> memref<!tpu.dma_semaphore, #tpu.memory_space<semaphore_mem>>
    %dma_wait3A_784 = arith.constant 0 : i32
    %dma_wait3A_785 = tpu.memref_slice %arg5[%add3A_773, %dma_wait3A_784] : memref<16384x1024xf32, #tpu.memory_space<hbm>> -> memref<16x1024xf32, #tpu.memory_space<hbm>>
    %dma_wait3A_786 = arith.constant 0 : i32
    %dma_wait3A_787 = arith.constant 0 : i32
    %dma_wait3A_788 = tpu.memref_slice %arg6[%dma_wait3A_774, %dma_wait3A_786, %dma_wait3A_787] : memref<6x16x1024xf32, #tpu.memory_space<vmem>> -> memref<1x16x1024xf32, #tpu.memory_space<vmem>>
    %dma_wait3A_789 = tpu.memref_squeeze %dma_wait3A_788 : memref<1x16x1024xf32, #tpu.memory_space<vmem>> -> memref<16x1024xf32, #tpu.memory_space<vmem>>
    tpu.wait_dma2 semaphore(%dma_wait3A_783 : memref<!tpu.dma_semaphore, #tpu.memory_space<semaphore_mem>>) src(%dma_wait3A_789 : memref<16x1024xf32, #tpu.memory_space<vmem>>) dst(%dma_wait3A_785 : memref<16x1024xf32, #tpu.memory_space<hbm>>)
    %add3A_790 = arith.constant 448 : i32
    %add3A_791 = arith.addi %mul3A_2, %add3A_790 : i32
    %dma_wait3A_792 = arith.constant 4 : i32
    %dma_wait3A_793 = arith.constant 4 : i32
    %dma_wait3A_794 = arith.constant 0 : i32
    %dma_wait3A_795 = arith.constant 0 : i32
    %dma_wait3A_796 = tpu.memref_slice %arg6[%dma_wait3A_792, %dma_wait3A_794, %dma_wait3A_795] : memref<6x16x1024xf32, #tpu.memory_space<vmem>> -> memref<1x16x1024xf32, #tpu.memory_space<vmem>>
    %dma_wait3A_797 = tpu.memref_squeeze %dma_wait3A_796 : memref<1x16x1024xf32, #tpu.memory_space<vmem>> -> memref<16x1024xf32, #tpu.memory_space<vmem>>
    %dma_wait3A_798 = arith.constant 0 : i32
    %dma_wait3A_799 = tpu.memref_slice %arg5[%add3A_791, %dma_wait3A_798] : memref<16384x1024xf32, #tpu.memory_space<hbm>> -> memref<16x1024xf32, #tpu.memory_space<hbm>>
    %dma_wait3A_800 = tpu.memref_slice %arg11[%dma_wait3A_793] : memref<6x!tpu.dma_semaphore, #tpu.memory_space<semaphore_mem>> -> memref<1x!tpu.dma_semaphore, #tpu.memory_space<semaphore_mem>>
    %dma_wait3A_801 = tpu.memref_squeeze %dma_wait3A_800 : memref<1x!tpu.dma_semaphore, #tpu.memory_space<semaphore_mem>> -> memref<!tpu.dma_semaphore, #tpu.memory_space<semaphore_mem>>
    %dma_wait3A_802 = arith.constant 0 : i32
    %dma_wait3A_803 = tpu.memref_slice %arg5[%add3A_791, %dma_wait3A_802] : memref<16384x1024xf32, #tpu.memory_space<hbm>> -> memref<16x1024xf32, #tpu.memory_space<hbm>>
    %dma_wait3A_804 = arith.constant 0 : i32
    %dma_wait3A_805 = arith.constant 0 : i32
    %dma_wait3A_806 = tpu.memref_slice %arg6[%dma_wait3A_792, %dma_wait3A_804, %dma_wait3A_805] : memref<6x16x1024xf32, #tpu.memory_space<vmem>> -> memref<1x16x1024xf32, #tpu.memory_space<vmem>>
    %dma_wait3A_807 = tpu.memref_squeeze %dma_wait3A_806 : memref<1x16x1024xf32, #tpu.memory_space<vmem>> -> memref<16x1024xf32, #tpu.memory_space<vmem>>
    tpu.wait_dma2 semaphore(%dma_wait3A_801 : memref<!tpu.dma_semaphore, #tpu.memory_space<semaphore_mem>>) src(%dma_wait3A_807 : memref<16x1024xf32, #tpu.memory_space<vmem>>) dst(%dma_wait3A_803 : memref<16x1024xf32, #tpu.memory_space<hbm>>)
    %add3A_808 = arith.constant 464 : i32
    %add3A_809 = arith.addi %mul3A_2, %add3A_808 : i32
    %dma_wait3A_810 = arith.constant 5 : i32
    %dma_wait3A_811 = arith.constant 5 : i32
    %dma_wait3A_812 = arith.constant 0 : i32
    %dma_wait3A_813 = arith.constant 0 : i32
    %dma_wait3A_814 = tpu.memref_slice %arg6[%dma_wait3A_810, %dma_wait3A_812, %dma_wait3A_813] : memref<6x16x1024xf32, #tpu.memory_space<vmem>> -> memref<1x16x1024xf32, #tpu.memory_space<vmem>>
    %dma_wait3A_815 = tpu.memref_squeeze %dma_wait3A_814 : memref<1x16x1024xf32, #tpu.memory_space<vmem>> -> memref<16x1024xf32, #tpu.memory_space<vmem>>
    %dma_wait3A_816 = arith.constant 0 : i32
    %dma_wait3A_817 = tpu.memref_slice %arg5[%add3A_809, %dma_wait3A_816] : memref<16384x1024xf32, #tpu.memory_space<hbm>> -> memref<16x1024xf32, #tpu.memory_space<hbm>>
    %dma_wait3A_818 = tpu.memref_slice %arg11[%dma_wait3A_811] : memref<6x!tpu.dma_semaphore, #tpu.memory_space<semaphore_mem>> -> memref<1x!tpu.dma_semaphore, #tpu.memory_space<semaphore_mem>>
    %dma_wait3A_819 = tpu.memref_squeeze %dma_wait3A_818 : memref<1x!tpu.dma_semaphore, #tpu.memory_space<semaphore_mem>> -> memref<!tpu.dma_semaphore, #tpu.memory_space<semaphore_mem>>
    %dma_wait3A_820 = arith.constant 0 : i32
    %dma_wait3A_821 = tpu.memref_slice %arg5[%add3A_809, %dma_wait3A_820] : memref<16384x1024xf32, #tpu.memory_space<hbm>> -> memref<16x1024xf32, #tpu.memory_space<hbm>>
    %dma_wait3A_822 = arith.constant 0 : i32
    %dma_wait3A_823 = arith.constant 0 : i32
    %dma_wait3A_824 = tpu.memref_slice %arg6[%dma_wait3A_810, %dma_wait3A_822, %dma_wait3A_823] : memref<6x16x1024xf32, #tpu.memory_space<vmem>> -> memref<1x16x1024xf32, #tpu.memory_space<vmem>>
    %dma_wait3A_825 = tpu.memref_squeeze %dma_wait3A_824 : memref<1x16x1024xf32, #tpu.memory_space<vmem>> -> memref<16x1024xf32, #tpu.memory_space<vmem>>
    tpu.wait_dma2 semaphore(%dma_wait3A_819 : memref<!tpu.dma_semaphore, #tpu.memory_space<semaphore_mem>>) src(%dma_wait3A_825 : memref<16x1024xf32, #tpu.memory_space<vmem>>) dst(%dma_wait3A_821 : memref<16x1024xf32, #tpu.memory_space<hbm>>)
    %add3A_826 = arith.constant 480 : i32
    %add3A_827 = arith.addi %mul3A_2, %add3A_826 : i32
    %dma_wait3A_828 = arith.constant 0 : i32
    %dma_wait3A_829 = arith.constant 0 : i32
    %dma_wait3A_830 = arith.constant 0 : i32
    %dma_wait3A_831 = arith.constant 0 : i32
    %dma_wait3A_832 = tpu.memref_slice %arg6[%dma_wait3A_828, %dma_wait3A_830, %dma_wait3A_831] : memref<6x16x1024xf32, #tpu.memory_space<vmem>> -> memref<1x16x1024xf32, #tpu.memory_space<vmem>>
    %dma_wait3A_833 = tpu.memref_squeeze %dma_wait3A_832 : memref<1x16x1024xf32, #tpu.memory_space<vmem>> -> memref<16x1024xf32, #tpu.memory_space<vmem>>
    %dma_wait3A_834 = arith.constant 0 : i32
    %dma_wait3A_835 = tpu.memref_slice %arg5[%add3A_827, %dma_wait3A_834] : memref<16384x1024xf32, #tpu.memory_space<hbm>> -> memref<16x1024xf32, #tpu.memory_space<hbm>>
    %dma_wait3A_836 = tpu.memref_slice %arg11[%dma_wait3A_829] : memref<6x!tpu.dma_semaphore, #tpu.memory_space<semaphore_mem>> -> memref<1x!tpu.dma_semaphore, #tpu.memory_space<semaphore_mem>>
    %dma_wait3A_837 = tpu.memref_squeeze %dma_wait3A_836 : memref<1x!tpu.dma_semaphore, #tpu.memory_space<semaphore_mem>> -> memref<!tpu.dma_semaphore, #tpu.memory_space<semaphore_mem>>
    %dma_wait3A_838 = arith.constant 0 : i32
    %dma_wait3A_839 = tpu.memref_slice %arg5[%add3A_827, %dma_wait3A_838] : memref<16384x1024xf32, #tpu.memory_space<hbm>> -> memref<16x1024xf32, #tpu.memory_space<hbm>>
    %dma_wait3A_840 = arith.constant 0 : i32
    %dma_wait3A_841 = arith.constant 0 : i32
    %dma_wait3A_842 = tpu.memref_slice %arg6[%dma_wait3A_828, %dma_wait3A_840, %dma_wait3A_841] : memref<6x16x1024xf32, #tpu.memory_space<vmem>> -> memref<1x16x1024xf32, #tpu.memory_space<vmem>>
    %dma_wait3A_843 = tpu.memref_squeeze %dma_wait3A_842 : memref<1x16x1024xf32, #tpu.memory_space<vmem>> -> memref<16x1024xf32, #tpu.memory_space<vmem>>
    tpu.wait_dma2 semaphore(%dma_wait3A_837 : memref<!tpu.dma_semaphore, #tpu.memory_space<semaphore_mem>>) src(%dma_wait3A_843 : memref<16x1024xf32, #tpu.memory_space<vmem>>) dst(%dma_wait3A_839 : memref<16x1024xf32, #tpu.memory_space<hbm>>)
    %add3A_844 = arith.constant 496 : i32
    %add3A_845 = arith.addi %mul3A_2, %add3A_844 : i32
    %dma_wait3A_846 = arith.constant 1 : i32
    %dma_wait3A_847 = arith.constant 1 : i32
    %dma_wait3A_848 = arith.constant 0 : i32
    %dma_wait3A_849 = arith.constant 0 : i32
    %dma_wait3A_850 = tpu.memref_slice %arg6[%dma_wait3A_846, %dma_wait3A_848, %dma_wait3A_849] : memref<6x16x1024xf32, #tpu.memory_space<vmem>> -> memref<1x16x1024xf32, #tpu.memory_space<vmem>>
    %dma_wait3A_851 = tpu.memref_squeeze %dma_wait3A_850 : memref<1x16x1024xf32, #tpu.memory_space<vmem>> -> memref<16x1024xf32, #tpu.memory_space<vmem>>
    %dma_wait3A_852 = arith.constant 0 : i32
    %dma_wait3A_853 = tpu.memref_slice %arg5[%add3A_845, %dma_wait3A_852] : memref<16384x1024xf32, #tpu.memory_space<hbm>> -> memref<16x1024xf32, #tpu.memory_space<hbm>>
    %dma_wait3A_854 = tpu.memref_slice %arg11[%dma_wait3A_847] : memref<6x!tpu.dma_semaphore, #tpu.memory_space<semaphore_mem>> -> memref<1x!tpu.dma_semaphore, #tpu.memory_space<semaphore_mem>>
    %dma_wait3A_855 = tpu.memref_squeeze %dma_wait3A_854 : memref<1x!tpu.dma_semaphore, #tpu.memory_space<semaphore_mem>> -> memref<!tpu.dma_semaphore, #tpu.memory_space<semaphore_mem>>
    %dma_wait3A_856 = arith.constant 0 : i32
    %dma_wait3A_857 = tpu.memref_slice %arg5[%add3A_845, %dma_wait3A_856] : memref<16384x1024xf32, #tpu.memory_space<hbm>> -> memref<16x1024xf32, #tpu.memory_space<hbm>>
    %dma_wait3A_858 = arith.constant 0 : i32
    %dma_wait3A_859 = arith.constant 0 : i32
    %dma_wait3A_860 = tpu.memref_slice %arg6[%dma_wait3A_846, %dma_wait3A_858, %dma_wait3A_859] : memref<6x16x1024xf32, #tpu.memory_space<vmem>> -> memref<1x16x1024xf32, #tpu.memory_space<vmem>>
    %dma_wait3A_861 = tpu.memref_squeeze %dma_wait3A_860 : memref<1x16x1024xf32, #tpu.memory_space<vmem>> -> memref<16x1024xf32, #tpu.memory_space<vmem>>
    tpu.wait_dma2 semaphore(%dma_wait3A_855 : memref<!tpu.dma_semaphore, #tpu.memory_space<semaphore_mem>>) src(%dma_wait3A_861 : memref<16x1024xf32, #tpu.memory_space<vmem>>) dst(%dma_wait3A_857 : memref<16x1024xf32, #tpu.memory_space<hbm>>)
    return
  }
}

</mosaic_0001>

<sc_bundles>
// kernel: kernel.3.cloned.1.call-start
scs
__scs_entry_jumppad:
0x0: {  	(pc) =	sbr.rel $0x88, $3  }
0x1: {  	(tag) =	ssettag $0x0;
	lr =	simm.s32 $0x1  }
0x2: {  	[smem:$0x3F9E] =	sst lr;
	_ =	strace $0xD0000000  }
0x3: {  	_ = 	snop  }
0x4: {  	_ = 	snop  }
0x5: {  	_ = 	snop  }
0x6: {  	_ = 	snop  }
0x7: {  	_ = 	snop  }
__scs_overlays_trampoline_lowered:
0x8: {  	[smem:$0x3FAD] =	sst s0  }
0x9: {  	[smem:$0x3FAE] =	sst s1  }
0xa: {  	[smem:$0x3FAF] =	sst s2  }
0xb: {  	[smem:$0x3FB0] =	sst s3  }
0xc: {  	[smem:$0x3FB1] =	sst s4  }
0xd: {  	[smem:$0x3FB2] =	sst s5  }
0xe: {  	[smem:$0x3FB3] =	sst s6  }
0xf: {  	[smem:$0x3FB4] =	sst s7  }
0x10: {  	[smem:$0x3FB5] =	sst s8  }
0x11: {  	[smem:$0x3FB6] =	sst s9;
	s0 =	simm.s32 @!p0 $0x0  }
0x12: {  	s1 =	sld [smem:$0x3F9C];
	s0 =	simm.s32 @p0 $0x1  }
0x13: {  	[smem:$0x3FB7] =	sst s0;
	s0 =	simm.s32 @!p1 $0x0  }
0x14: {  	s2 =	sld [smem:$0x3F9B];
	s0 =	simm.s32 @p1 $0x1  }
0x15: {  	[smem:$0x3FB8] =	sst s0;
	s0 =	simm.s32 @!p2 $0x0  }
0x16: {  	s3 =	sld [smem:$0x3FDB];
	s0 =	simm.s32 @p2 $0x1  }
0x17: {  	s4 =	simm.s32 $0x1BF5;
	[smem:$0x3FBA] =	sst s0  }
0x18: {  	s0 =	sld [smem:$0x3F9D];
	_ =	swait.ge [sflag:s4], $0x0  }
0x19: {  	s7 =	sld [smem:$0x3F9E]  }
0x1a: {  	s8 =	sadd.s32 $0xFFFFE003, lr  }
0x1b: {  	s9 =	sadd.s32 $0xFFFFFEF7, lr;
	s5 =	simm.s32 $0xFFFFFFFF;
	p2 =	slt.u32 s8, $0xFFFFF086  }
0x1c: {  	p1 =	slt.u32 s9, $0xF7A;
	s5 =	simm.s32 @!p2 $0x0  }
0x1d: {  	s5 =	simm.s32 @p1 $0x1;
	p0 =	seq.s32 s7, s2  }
0x1e: {  	s7 =	smul.u32 @!p0 $0xF7A, s2;
	p2 =	seq.s32 @!p0 s5, $0x0  }
0x1f: {  	s9 =	smul.u32 $0xF7A, s1;
	s8 =	simm.s32 @!p0 $0x1BF5;
	p2 =	por !p2, p0  }
0x20: {  	[sflag:s8] =	ssyncset.s32 @!p0 $0xFFFFF086;
	s6 =	sadd.s32 @!p0 s3, s7;
	s7 =	simm.s32 @!p0 $0x108  }
0x21: {  	s3 =	sadd.s32 s3, s9;
	s6 =	sadd.s32 @!p0 $0x88, s6;
	s7 =	simm.s32 @p2 $0x1082  }
0x22: {  	[simem:s7], [sflag:s8] =	dma.local @!p0 [hbm:s6], $0xF7A  }
0x23: {  	s9 =	sor.u32 $0xD0000000, s2;
	s6 =	simm.s32 $0x108;
	_ =	swait.ge @!p0 [sflag:s8], $0x0  }
0x24: {  	s3 =	sadd.s32 $0x88, s3;
	s6 =	simm.s32 @!p1 $0x1082;
	[sflag:s4] =	ssyncset.s32 $0xFFFFF086  }
0x25: {  	[simem:s6], [sflag:s4] =	dma.local [hbm:s3], $0xF7A  }
0x26: {  	[smem:$0x3F9E] =	sst s1;
	(tag) =	ssettag s2;
	_ =	strace s9  }
0x27: {  	s1 =	sld [smem:$0x3FAE]  }
0x28: {  	s2 =	sld [smem:$0x3FAF]  }
0x29: {  	s4 =	sld [smem:$0x3FB1]  }
0x2a: {  	p0 =	seq.s32 s5, $0x0;
	s5 =	sld [smem:$0x3FB2]  }
0x2b: {  	s6 =	sld [smem:$0x3FB3]  }
0x2c: {  	s7 =	sld [smem:$0x3FB4]  }
0x2d: {  	s3 =	simm.s32 $0x108;
	s8 =	sld [smem:$0x3FB5]  }
0x2e: {  	s3 =	simm.s32 @!p0 $0x1082;
	s9 =	sld [smem:$0x3FB6]  }
0x2f: {  	lr =	sadd.s32 s0, s3;
	s0 =	sld [smem:$0x3FAD]  }
0x30: {  	s3 =	sld [smem:$0x3FB0]  }
0x31: {  	[smem:$0x3FB9] =	sst s10  }
0x32: {  	s10 =	sld [smem:$0x3FB7];
	_ =	sdelay $0x3  }
0x33: {  	p0 =	seq.s32 s10, $0x1;
	s10 =	sld [smem:$0x3FB9];
	_ =	sdelay $0x3  }
0x34: {  	[smem:$0x3FB9] =	sst s10  }
0x35: {  	s10 =	sld [smem:$0x3FB8];
	_ =	sdelay $0x3  }
0x36: {  	p1 =	seq.s32 s10, $0x1;
	s10 =	sld [smem:$0x3FB9];
	_ =	sdelay $0x3  }
0x37: {  	[smem:$0x3FB9] =	sst s10  }
0x38: {  	s10 =	sld [smem:$0x3FBA]  }
0x39: {  	_ = 	snop;
	(pc) =	sbr.ind lr, $3  }
0x3a: {  	_ = 	snop  }
0x3b: {  	_ = 	snop  }
0x3c: {  	p2 =	seq.s32 s10, $0x1;
	s10 =	sld [smem:$0x3FB9]  }
0x3d: {  	_ =	shalt  }
0x3e: {  	_ =	shalt  }
0x3f: {  	_ =	shalt  }
0x40: {  	_ =	shalt  }
0x41: {  	_ =	shalt  }
0x42: {  	_ =	shalt  }
0x43: {  	_ =	shalt  }
0x44: {  	_ =	shalt  }
0x45: {  	_ =	shalt  }
0x46: {  	_ =	shalt  }
0x47: {  	_ =	shalt  }
0x48: {  	_ =	shalt  }
0x49: {  	_ =	shalt  }
0x4a: {  	_ =	shalt  }
0x4b: {  	_ =	shalt  }
0x4c: {  	_ =	shalt  }
0x4d: {  	_ =	shalt  }
0x4e: {  	_ =	shalt  }
0x4f: {  	_ =	shalt  }
0x50: {  	_ =	shalt  }
0x51: {  	_ =	shalt  }
0x52: {  	_ =	shalt  }
0x53: {  	_ =	shalt  }
0x54: {  	_ =	shalt  }
0x55: {  	_ =	shalt  }
0x56: {  	_ =	shalt  }
0x57: {  	_ =	shalt  }
0x58: {  	_ =	shalt  }
0x59: {  	_ =	shalt  }
0x5a: {  	_ =	shalt  }
0x5b: {  	_ =	shalt  }
0x5c: {  	_ =	shalt  }
0x5d: {  	_ =	shalt  }
0x5e: {  	_ =	shalt  }
0x5f: {  	_ =	shalt  }
0x60: {  	_ =	shalt  }
0x61: {  	_ =	shalt  }
0x62: {  	_ =	shalt  }
0x63: {  	_ =	shalt  }
0x64: {  	_ =	shalt  }
0x65: {  	_ =	shalt  }
0x66: {  	_ =	shalt  }
0x67: {  	_ =	shalt  }
0x68: {  	_ =	shalt  }
0x69: {  	_ =	shalt  }
0x6a: {  	_ =	shalt  }
0x6b: {  	_ =	shalt  }
0x6c: {  	_ =	shalt  }
0x6d: {  	_ =	shalt  }
0x6e: {  	_ =	shalt  }
0x6f: {  	_ =	shalt  }
0x70: {  	_ =	shalt  }
0x71: {  	_ =	shalt  }
0x72: {  	_ =	shalt  }
0x73: {  	_ =	shalt  }
0x74: {  	_ =	shalt  }
0x75: {  	_ =	shalt  }
0x76: {  	_ =	shalt  }
0x77: {  	_ =	shalt  }
0x78: {  	_ =	shalt  }
0x79: {  	_ =	shalt  }
0x7a: {  	_ =	shalt  }
0x7b: {  	_ =	shalt  }
0x7c: {  	_ =	shalt  }
0x7d: {  	_ =	shalt  }
0x7e: {  	_ =	shalt  }
0x7f: {  	_ =	shalt  }
0x80: {  	_ =	shalt  }
0x81: {  	_ =	shalt  }
0x82: {  	_ =	shalt  }
0x83: {  	_ =	shalt  }
0x84: {  	_ =	shalt  }
0x85: {  	_ =	shalt  }
0x86: {  	_ =	shalt  }
0x87: {  	_ =	shalt  }
.Lfunc_end0:
.L_simem_size_0:
called_computation_lowered:
.L_overlay_start_0:
0x88: {  	s2 =	sld [smem:$0x3FD9]  }
0x89: {  	s3 =	sld [smem:$0x3FFE];
	_ =	sdelay $0x1  }
0x8a: {  	s1 =	srdreg.scid  }
0x8b: {  	s0 =	sand.u32 $0x1, s1  }
0x8c: {  	s17 =	sshll.u32 s0, $0xA;
	s2 =	sadd.s32 s3, s2  }
0x8d: {  	s2 =	sadd.s32 s2, s17  }
0x8e: {  	[smem:$0x3FC5] =	sst s2  }
0x8f: {  	_ = 	snop  }
0x90: {  	s2 =	sld [smem:$0x3FC9]  }
0x91: {  	s18 =	sld [smem:$0x3FD0];
	(tm) =	ssettm $0x1  }
0x92: {  	s4 =	sld [smem:$0x3FFB];
	_ =	sdelay $0x3  }
0x93: {  	_ =	strace s4  }
0x94: {  	s4 =	sld [smem:$0x3FFC];
	_ =	sdelay $0x3  }
0x95: {  	_ =	strace s4  }
0x96: {  	s4 =	sld [smem:$0x3FFD];
	_ =	sdelay $0x3  }
0x97: {  	_ =	strace s4  }
0x98: {  	_ =	strace $0x8FFFFFFF  }
0x99: {  	s19 =	sld [smem:$0x3FDB];
	_ =	sdelay $0x1  }
0x9a: {  	s5 =	simm.s32 $_scs_section_size  }
0x9b: {  	s6 =	simm.s32 $_size__tile_overlayer_lowered;
	s7 =	simm.s32 $_tile_overlayer_lowered  }
0x9c: {  	s22 =	simm.s32 $0x1BFF;
	s21 =	sshll.u32 s7, $0x1;
	s4 =	sadd.s32 s5, s19  }
0x9d: {  	s8 =	simm.s32 $0x0;
	s20 =	sshll.u32 s6, $0x1;
	s6 =	sadd.s32 s21, s4  }
0x9e: {  	[timem:s8], [sflag:s22] =	dma.local [hbm:s6], s20  }
0x9f: {  	_ =	swait.ge [sflag:s22], s20  }
0xa0: {  	s5 =	ssub.s32 $0x0, s20;
	[sflag:s22] =	ssyncset.done $0x0  }
0xa1: {  	[sflag:s22] =	ssyncadd.s32 s5;
	_ =	sdelay $0x1  }
0xa2: {  	s23 =	simm.s32 $0x1B8B  }
0xa3: {  	_ =	swait.ge [sflag:s23], $0x1  }
0xa4: {  	[sflag:s23] =	ssyncset.done $0x0  }
0xa5: {  	s25 =	simm.s32 $0x1B8E;
	s24 =	sld [smem:$0x3FFE];
	[sflag:s23] =	ssyncadd.s32 $0xFFFFFFFF  }
0xa6: {  	s26 =	simm.s32 $execute0_lowered;
	[smem:$0x3FD2] =	sst s25  }
0xa7: {  	s6 =	sshll.u32 s26, $0x1;
	_ =	strace $0x80000046;
	[dreg:$0x1] =	wrdreg $0xFFFFFFFF  }
0xa8: {  	s28 =	simm.s32 $_size_execute0_lowered;
	s4 =	sadd.s32 s4, s6;
	[dreg:$0x0] =	wrdreg $0x0  }
0xa9: {  	s6 =	sshll.u32 s28, $0x1;
	[dreg:$0x2] =	wrdreg s4  }
0xaa: {  	[dreg:$0x3] =	wrdreg s6  }
0xab: {  	[dreg:$0x4] =	wrdreg $0xC0  }
0xac: {  	_ =	task [dreg:s8], $0x5FFFF  }
0xad: {  	[dreg:$0x1] =	wrdreg $0xFFFFFFFF  }
0xae: {  	[dreg:$0x0] =	wrdreg $0x60  }
0xaf: {  	[dreg:$0x2] =	wrdreg s2  }
0xb0: {  	[dreg:$0x3] =	wrdreg s24  }
0xb1: {  	[dreg:$0x4] =	wrdreg s18  }
0xb2: {  	[dreg:$0x5] =	wrdreg $0x9  }
0xb3: {  	_ =	task.clear_ibuf [dreg:s8], $0x6FFFF;
	_ =	strace $0x90000046  }
0xb4: {  	s29 =	simm.s32 $0x9;
	_ =	strace $0x80000048  }
0xb5: {  	_ =	swait.ge [sflag:s29], $0x1  }
0xb6: {  	[sflag:s29] =	ssyncadd.s32 $0xFFFFFFFF  }
0xb7: {  	_ =	strace $0x90000048  }
0xb8: {  	_ =	sfence  }
0xb9: {  	s30 =	sld [smem:$0x0];
	_ =	sdelay $0x2  }
0xba: {  	s31 =	sshll.u32 s1, $0xD;
	s1 =	sshrl.u32 s1, $0x2  }
0xbb: {  	s3 =	sand.u32 $0x4000, s31;
	s1 =	sadd.s32 s1, s30  }
0xbc: {  	s0 =	sor.u32 s3, s0;
	s1 =	sshll.u32 s1, $0x11  }
0xbd: {  	s0 =	sor.u32 s1, s0  }
0xbe: {  	s0 =	sadd.s32 $0x8F2B, s0  }
0xbf: {  	[sflag:s0] =	ssyncadd.remote.s32 $0x1  }
0xc0: {  	_ =	sfence.sel $0xFFFF  }
0xc1: {  	[dreg:$0x0] =	wrdreg $0xFFFFFFFF;
	(pc) =	sbr.abs _section_cstart, $3  }
0xc2: {  	[dreg:$0x1] =	wrdreg $0xFFFFFFFF  }
0xc3: {  	_ =	task.clear_ibuf [dreg:s8], $0x2FFFF;
	_ =	strace $0x9FFFFFFF  }
0xc4: {  	(tm) =	ssettm $0x7FFFFFFF  }
0xc5: {  	_ =	shalt  }
tec
execute0_lowered:
.L_overlay_start_1:
0x0: {  	(tag) =	ssettag $0x1  }
0x1: {  	s1 =	rddreg [dreg:$0x0]  }
0x2: {  	s0 =	rddreg [dreg:$0x1]  }
0x3: {  	s2 =	rddreg [dreg:$0x2]  }
0x4: {  	s23 =	simm.s32 $0x0;
	s3 =	srdreg.scid;
	s5 =	stileid.u32  }
0x5: {  	[smem:$0x7FF] =	sst s23;
	s3 =	sand.u32 $0x1, s3;
	s6 =	sshll.u32 s5, $0xA  }
0x6: {  	s5 =	sadd.s32 $0x600, s0;
	s0 =	sadd.s32 $0x400, s0;
	s4 =	ssub.s32 $0x2, s3  }
0x7: {  	_ =	strace $0x80000047;
	s3 =	sshll.u32 s3, $0x9;
	s7 =	sshrl.u32 s4, $0x1  }
0x8: {  	[dreg:$0x4] =	wrdreg s0;
	s3 =	sor.u32 s3, s6;
	s0 =	ssub.s32 s4, s7  }
0x9: {  	s14 =	sshrl.u32 s3, $0x3;
	s6 =	sshll.u32 s3, $0x7;
	s15 =	sshll.u32 s3, $0x4  }
0xa: {  	s8 =	sor.u32 $0x2, s14;
	s9 =	sadd.s32 s1, s6;
	s7 =	sadd.s32 s5, s15  }
0xb: {  	s18 =	sor.u32 $0x4, s14;
	s20 =	sor.u32 $0x6, s14;
	s10 =	sor.u32 $0x8, s14  }
0xc: {  	s24 =	sor.u32 $0xA, s14;
	s4 =	sor.u32 $0xE, s14;
	[dreg:$0x5] =	wrdreg s9  }
0xd: {  	s15 =	sor.u32 $0x40, s3;
	s0 =	smax.u32 s0, $0x1;
	[dreg:$0x6] =	wrdreg s7  }
0xe: {  	s16 =	sshll.u32 s8, $0xA;
	s19 =	sshll.u32 s18, $0xA;
	[dreg:$0x19] =	wrdreg s15  }
0xf: {  	s9 =	sshll.u32 s18, $0x7;
	s18 =	sor.u32 $0x90, s3;
	[smem:$0x7F9] =	sst s0  }
0x10: {  	s8 =	sshll.u32 s8, $0x7;
	s17 =	sadd.s32 s1, s16;
	[dreg:$0x1c] =	wrdreg s18  }
0x11: {  	s12 =	sshll.u32 s10, $0xA;
	s8 =	sadd.s32 s5, s8;
	[dreg:$0x7] =	wrdreg s17  }
0x12: {  	s22 =	sshll.u32 s10, $0x7;
	s9 =	sadd.s32 s5, s9;
	[dreg:$0x8] =	wrdreg s8  }
0x13: {  	s10 =	sshll.u32 s4, $0xA;
	s21 =	sadd.s32 s1, s12;
	[dreg:$0x9] =	wrdreg s9  }
0x14: {  	s4 =	sshll.u32 s4, $0x7;
	s7 =	sadd.s32 s2, s16;
	[dreg:$0xb] =	wrdreg s21  }
0x15: {  	s11 =	sshll.u32 s20, $0xA;
	s4 =	sadd.s32 s5, s4;
	[dreg:$0x10] =	wrdreg s7  }
0x16: {  	s26 =	sor.u32 $0xC, s14;
	s13 =	sadd.s32 s1, s11;
	[dreg:$0x16] =	wrdreg s4  }
0x17: {  	s25 =	sshll.u32 s24, $0xA;
	s14 =	sadd.s32 s2, s11;
	[dreg:$0x17] =	wrdreg s13  }
0x18: {  	s12 =	sadd.s32 s2, s6;
	s16 =	sor.u32 $0x80, s3;
	[dreg:$0x18] =	wrdreg s14  }
0x19: {  	s6 =	sshll.u32 s24, $0x7;
	s24 =	sor.u32 $0xC0, s3;
	[dreg:$0x1a] =	wrdreg s16  }
0x1a: {  	[smem:$0x7F7] =	sst s24  }
0x1b: {  	s6 =	sadd.s32 s5, s6;
	[dreg:$0xd] =	wrdreg s12  }
0x1c: {  	s7 =	sadd.s32 s1, s19;
	[dreg:$0xf] =	wrdreg s6  }
0x1d: {  	s17 =	sor.u32 $0x50, s3;
	[dreg:$0x13] =	wrdreg s7  }
0x1e: {  	s9 =	sshll.u32 s20, $0x7;
	s20 =	sor.u32 $0xA0, s3;
	[dreg:$0x1b] =	wrdreg s17  }
0x1f: {  	s28 =	sshll.u32 s26, $0xA;
	s21 =	sor.u32 $0x70, s3;
	[dreg:$0x1e] =	wrdreg s20  }
0x20: {  	s29 =	sshll.u32 s26, $0x7;
	s26 =	sadd.s32 $0xE800, s12;
	[dreg:$0x1f] =	wrdreg s21  }
0x21: {  	s9 =	sadd.s32 s5, s9;
	[smem:$0x7FB] =	sst s26  }
0x22: {  	s6 =	sadd.s32 s1, s28;
	[dreg:$0xa] =	wrdreg s9  }
0x23: {  	s28 =	sadd.s32 $0xF000, s12;
	[dreg:$0x11] =	wrdreg s6  }
0x24: {  	s9 =	sadd.s32 s5, s22;
	[smem:$0x7FC] =	sst s28  }
0x25: {  	s6 =	sadd.s32 s5, s29;
	[dreg:$0xc] =	wrdreg s9  }
0x26: {  	s30 =	simm.s32 $0x4000;
	s22 =	sor.u32 $0xB0, s3;
	[dreg:$0x12] =	wrdreg s6  }
0x27: {  	s31 =	simm.s32 $0x8000;
	s29 =	sadd.s32 $0xF800, s12;
	[smem:$0x7F6] =	sst s22  }
0x28: {  	s18 =	simm.s32 $0xE;
	s9 =	sadd.s32 s1, s25;
	[smem:$0x7FD] =	sst s29  }
0x29: {  	s16 =	simm.s32 $0x1B000;
	s6 =	sadd.s32 s1, s10;
	[dreg:$0xe] =	wrdreg s9  }
0x2a: {  	s13 =	simm.s32 $0x8;
	s25 =	sadd.s32 $0xE000, s12;
	[dreg:$0x15] =	wrdreg s6  }
0x2b: {  	s24 =	simm.s32 $0xD;
	s9 =	sadd.s32 s2, s19;
	[smem:$0x7FA] =	sst s25  }
0x2c: {  	s26 =	simm.s32 $0x7;
	s19 =	sor.u32 $0x60, s3;
	[dreg:$0x14] =	wrdreg s9  }
0x2d: {  	s12 =	simm.s32 $0x2;
	s3 =	sor.u32 $0xD0, s3;
	[dreg:$0x1d] =	wrdreg s19  }
0x2e: {  	s25 =	simm.s32 $0x4000;
	[smem:$0x7F8] =	sst s3;
	s3 =	simm.s32 $0x0  }
.LBB2_1:
0x2f: {  	[smem:$0x7F5] =	sst s3  }
0x30: {  	s0 =	rddreg [dreg:$0x4];
	s28 =	simm.s32 $0x13  }
0x31: {  	[tilespmem:s16], [sflag:$0x13] =	stream.linear.gather [hbm4b:s0+s23], $0xC00, $0x38;
	[tilespmem:$0x1BC00] =	vst v63  }
0x32: {  	_ =	swait.ge [sflag:s28], $0xC00  }
0x33: {  	[sflag:s28] =	ssyncset.done $0x0  }
0x34: {  	s29 =	rddreg [dreg:$0x5];
	[sflag:s28] =	ssyncadd.s32 $0xFFFFF400  }
0x35: {  	[tilespmem:s23], [sflag:$0x1] =	stream.linear.gather [hbm4b:s29+s23], $0x4000, $0x38;
	[tilespmem:$0x1BC00] =	vst v63  }
0x36: {  	s4 =	simm.s32 $0x18000;
	s3 =	rddreg [dreg:$0x6]  }
0x37: {  	[tilespmem:s4], [sflag:$0x7] =	stream.linear.gather [hbm4b:s3+s23], $0x800, $0x38;
	[tilespmem:$0x1BC00] =	vst v63  }
0x38: {  	s6 =	rddreg [dreg:$0x7]  }
0x39: {  	[tilespmem:s30], [sflag:$0x2] =	stream.linear.gather [hbm4b:s6+s23], $0x4000, $0x38;
	[tilespmem:$0x1BC00] =	vst v63  }
0x3a: {  	s8 =	simm.s32 $0x18800;
	s7 =	rddreg [dreg:$0x8]  }
0x3b: {  	[tilespmem:s8], [sflag:$0x8] =	stream.linear.gather [hbm4b:s7+s23], $0x800, $0x38;
	[tilespmem:$0x1BC00] =	vst v63  }
0x3c: {  	s9 =	rddreg [dreg:$0x13]  }
0x3d: {  	[tilespmem:s31], [sflag:$0x3] =	stream.linear.gather [hbm4b:s9+s23], $0x4000, $0x38;
	[tilespmem:$0x1BC00] =	vst v63  }
0x3e: {  	s11 =	simm.s32 $0x19000;
	s10 =	rddreg [dreg:$0x9]  }
0x3f: {  	[tilespmem:s11], [sflag:$0x9] =	stream.linear.gather [hbm4b:s10+s23], $0x800, $0x38;
	[tilespmem:$0x1BC00] =	vst v63  }
0x40: {  	s15 =	simm.s32 $0xC000;
	s14 =	rddreg [dreg:$0x17]  }
0x41: {  	[tilespmem:s15], [sflag:$0x4] =	stream.linear.gather [hbm4b:s14+s23], $0x4000, $0x38;
	[tilespmem:$0x1BC00] =	vst v63  }
0x42: {  	s19 =	simm.s32 $0x19800;
	s20 =	simm.s32 $0x1;
	s17 =	rddreg [dreg:$0xa]  }
0x43: {  	[tilespmem:s19], [sflag:$0xA] =	stream.linear.gather [hbm4b:s17+s23], $0x800, $0x38;
	[tilespmem:$0x1BC00] =	vst v63  }
0x44: {  	_ =	swait.ge [sflag:s20], $0x4000  }
0x45: {  	[sflag:s20] =	ssyncset.done $0x0  }
0x46: {  	[sflag:s20] =	ssyncadd.s32 $0xFFFFC000  }
0x47: {  	s22 =	simm.s32 $0x10000;
	_ =	swait.ge [sflag:s26], $0x800  }
0x48: {  	s29 =	simm.s32 $0x1A000;
	s6 =	simm.s32 $0x0;
	[sflag:s26] =	ssyncset.done $0x0  }
0x49: {  	s7 =	simm.s32 $0x0;
	s21 =	rddreg [dreg:$0xb];
	[sflag:s26] =	ssyncadd.s32 $0xFFFFF800  }
0x4a: {  	[tilespmem:s22], [sflag:$0x5] =	stream.linear.gather [hbm4b:s21+s23], $0x4000, $0x38;
	[tilespmem:$0x1BC00] =	vst v63  }
0x4b: {  	s8 =	simm.s32 $0x0;
	s9 =	simm.s32 $0x0;
	s28 =	rddreg [dreg:$0xc]  }
0x4c: {  	[tilespmem:s29], [sflag:$0xB] =	stream.linear.gather [hbm4b:s28+s23], $0x800, $0x38;
	[tilespmem:$0x1BC00] =	vst v63  }
.LBB2_2:
0x4d: {  	s4 =	sshll.u32 s9, $0x7  }
0x4e: {  	s10 =	sand.u32 $0x3FFFFF80, s4  }
0x4f: {  	v0 =	vld [tilespmem:s10+$0x18000];
	_ =	sdelay $0x2  }
0x50: {  	s4 =	sor.u32 $0x80, s4  }
0x51: {  	s3 =	simm.s32 $0x70;
	s4 =	sand.u32 $0x3FFFFF80, s4  }
0x52: {  	s21 =	simm.s32 $0x60;
	v1 =	vld [tilespmem:s4+$0x18000];
	v2 =	vadd.s32 s3, v0  }
0x53: {  	s11 =	simm.s32 $0x0;
	v3 =	vadd.s32 s21, v0  }
0x54: {  	s22 =	simm.s32 $0x10;
	v5 =	vadd.s32 s11, v0  }
0x55: {  	s19 =	simm.s32 $0x30;
	v7 =	vadd.s32 s22, v0  }
0x56: {  	v11 =	vadd.s32 s19, v0  }
0x57: {  	v4 =	vadd.s32 s21, v1;
	v2 =	vld.idx.msk [tilespmem:v2+s16+$0x0], $0xffff  }
0x58: {  	v6 =	vadd.s32 s11, v1;
	v3 =	vld.idx.msk [tilespmem:v3+s16+$0x0], $0xffff  }
0x59: {  	v8 =	vadd.s32 s22, v1;
	v9 =	vld.idx.msk [tilespmem:v5+s16+$0x0], $0xffff  }
0x5a: {  	v12 =	vadd.s32 s19, v1;
	v7 =	vld.idx.msk [tilespmem:v7+s16+$0x0], $0xffff  }
0x5b: {  	s28 =	simm.s32 $0x20;
	v11 =	vld.idx.msk [tilespmem:v11+s16+$0x0], $0xffff  }
0x5c: {  	s23 =	sand.u32 $0x3, s8;
	v5 =	vadd.s32 s28, v0;
	v4 =	vld.idx.msk [tilespmem:v4+s16+$0x0], $0xffff  }
0x5d: {  	s15 =	sand.u32 $0x7, s6;
	s14 =	sshll.u32 s23, $0xA;
	v10 =	vld.idx.msk [tilespmem:v6+s16+$0x0], $0xffff  }
0x5e: {  	s15 =	sshll.u32 s15, $0x9;
	s10 =	sand.u32 $0x3FFFE000, s7;
	s14 =	sshrl.u32 s14, $0x2;
	v8 =	vld.idx.msk [tilespmem:v8+s16+$0x0], $0xffff  }
0x5f: {  	s17 =	sshrl.u32 s15, $0x2;
	s15 =	sadd.s32 s14, s10;
	v12 =	vld.idx.msk [tilespmem:v12+s16+$0x0], $0xffff  }
0x60: {  	[tilespmem:s15+$0x60] =	vst.add.f32.msk $0xffff, v3  }
0x61: {  	v6 =	vadd.s32 s28, v1;
	v13 =	vld.idx.msk [tilespmem:v5+s16+$0x0], $0xffff  }
0x62: {  	[tilespmem:s15+$0x0] =	vst.add.f32.msk $0xffff, v9  }
0x63: {  	[tilespmem:s15+$0x10] =	vst.add.f32.msk $0xffff, v7  }
0x64: {  	s20 =	simm.s32 $0x40;
	s11 =	sadd.s32 s17, s10;
	[tilespmem:s15+$0x30] =	vst.add.f32.msk $0xffff, v11  }
0x65: {  	s29 =	simm.s32 $0x50;
	v3 =	vadd.s32 s20, v0;
	[tilespmem:s11+$0xE0] =	vst.add.f32.msk $0xffff, v4  }
0x66: {  	v5 =	vadd.s32 s29, v0;
	v14 =	vld.idx.msk [tilespmem:v6+s16+$0x0], $0xffff  }
0x67: {  	v16 =	vadd.s32 s3, v1;
	[tilespmem:s11+$0x80] =	vst.add.f32.msk $0xffff, v10  }
0x68: {  	v4 =	vadd.s32 s20, v1;
	[tilespmem:s11+$0x90] =	vst.add.f32.msk $0xffff, v8  }
0x69: {  	[tilespmem:s11+$0xB0] =	vst.add.f32.msk $0xffff, v12  }
0x6a: {  	v15 =	vadd.s32 s29, v1;
	v17 =	vld.idx.msk [tilespmem:v3+s16+$0x0], $0xffff  }
0x6b: {  	v5 =	vld.idx.msk [tilespmem:v5+s16+$0x0], $0xffff  }
0x6c: {  	v3 =	vld.idx.msk [tilespmem:v16+s16+$0x0], $0xffff  }
0x6d: {  	v6 =	vld.idx.msk [tilespmem:v4+s16+$0x0], $0xffff  }
0x6e: {  	[tilespmem:s15+$0x20] =	vst.add.f32.msk $0xffff, v13  }
0x6f: {  	v4 =	vld.idx.msk [tilespmem:v15+s16+$0x0], $0xffff  }
0x70: {  	[tilespmem:s11+$0xA0] =	vst.add.f32.msk $0xffff, v14  }
0x71: {  	s4 =	simm.s32 $0xF0;
	s19 =	simm.s32 $0x0;
	[tilespmem:s15+$0x40] =	vst.add.f32.msk $0xffff, v17  }
.LBB2_3:
0x72: {  	s20 =	sadd.s32 $0xFFFFFFA0, s4;
	s21 =	sadd.s32 $0xFFFFFFB0, s4;
	s22 =	sadd.s32 $0xFFFFFFF0, s4;
	v7 =	vadd.s32 s4, v0;
	v8 =	vadd.s32 s4, v1;
	[tilespmem:s11+$0xC0] =	vst.add.f32.msk $0xffff, v6  }
0x73: {  	s23 =	sadd.s32 $0xFFFFFFD0, s4;
	s19 =	sadd.s32 $0x8, s19;
	v6 =	vadd.s32 s20, v0;
	v9 =	vadd.s32 s20, v1;
	s20 =	sadd.s32 $0xFFFFFFC0, s4;
	v10 =	vadd.s32 s22, v0;
	[tilespmem:s15+$0x50] =	vst.add.f32.msk $0xffff, v5  }
0x74: {  	s28 =	sadd.s32 $0xFFFFFF90, s4;
	v5 =	vadd.s32 s21, v0;
	v11 =	vadd.s32 s21, v1;
	s21 =	sadd.s32 $0xFFFFFFE0, s4;
	v12 =	vadd.s32 s22, v1;
	p0 =	slt.u32 s19, $0x38;
	[tilespmem:s11+$0xD0] =	vst.add.f32.msk $0xffff, v4  }
0x75: {  	v13 =	vadd.s32 s28, v1;
	v4 =	vadd.s32 s28, v0;
	v14 =	vadd.s32 s20, v0;
	[tilespmem:s15+$0x70] =	vst.add.f32.msk $0xffff, v2  }
0x76: {  	v16 =	vadd.s32 s23, v0;
	v17 =	vadd.s32 s23, v1;
	v15 =	vadd.s32 s20, v1;
	[tilespmem:s11+$0xF0] =	vst.add.f32.msk $0xffff, v3  }
0x77: {  	v18 =	vadd.s32 s21, v1;
	v3 =	vadd.s32 s21, v0;
	v2 =	vld.idx.msk [tilespmem:v7+s16+$0x0], $0xffff  }
0x78: {  	v7 =	vld.idx.msk [tilespmem:v10+s16+$0x0], $0xffff  }
0x79: {  	v10 =	vld.idx.msk [tilespmem:v12+s16+$0x0], $0xffff  }
0x7a: {  	v12 =	vld.idx.msk [tilespmem:v4+s16+$0x0], $0xffff  }
0x7b: {  	v13 =	vld.idx.msk [tilespmem:v13+s16+$0x0], $0xffff  }
0x7c: {  	s10 =	sadd.s32 $0x400, s10;
	v19 =	vld.idx.msk [tilespmem:v6+s16+$0x0], $0xffff  }
0x7d: {  	s15 =	sadd.s32 s14, s10;
	v9 =	vld.idx.msk [tilespmem:v9+s16+$0x0], $0xffff  }
0x7e: {  	s11 =	sadd.s32 s17, s10;
	[tilespmem:s15+$0x60] =	vst.add.f32.msk $0xffff, v7  }
0x7f: {  	[tilespmem:s11+$0xE0] =	vst.add.f32.msk $0xffff, v10  }
0x80: {  	v7 =	vld.idx.msk [tilespmem:v5+s16+$0x0], $0xffff  }
0x81: {  	v10 =	vld.idx.msk [tilespmem:v11+s16+$0x0], $0xffff  }
0x82: {  	v11 =	vld.idx.msk [tilespmem:v14+s16+$0x0], $0xffff  }
0x83: {  	v14 =	vld.idx.msk [tilespmem:v15+s16+$0x0], $0xffff  }
0x84: {  	v15 =	vld.idx.msk [tilespmem:v16+s16+$0x0], $0xffff  }
0x85: {  	v6 =	vld.idx.msk [tilespmem:v17+s16+$0x0], $0xffff  }
0x86: {  	v5 =	vld.idx.msk [tilespmem:v3+s16+$0x0], $0xffff  }
0x87: {  	v4 =	vld.idx.msk [tilespmem:v18+s16+$0x0], $0xffff  }
0x88: {  	v3 =	vld.idx.msk [tilespmem:v8+s16+$0x0], $0xffff  }
0x89: {  	[tilespmem:s15+$0x0] =	vst.add.f32.msk $0xffff, v12  }
0x8a: {  	[tilespmem:s11+$0x80] =	vst.add.f32.msk $0xffff, v13  }
0x8b: {  	[tilespmem:s15+$0x10] =	vst.add.f32.msk $0xffff, v19  }
0x8c: {  	[tilespmem:s11+$0x90] =	vst.add.f32.msk $0xffff, v9  }
.Ltmp0:
0x8d: {  	[tilespmem:s15+$0x20] =	vst.add.f32.msk $0xffff, v7;
	(pc) =	sbr.rel @p0 .LBB2_3-.Ltmp0, $4  }
0x8e: {  	[tilespmem:s11+$0xA0] =	vst.add.f32.msk $0xffff, v10  }
0x8f: {  	[tilespmem:s15+$0x30] =	vst.add.f32.msk $0xffff, v11  }
0x90: {  	[tilespmem:s11+$0xB0] =	vst.add.f32.msk $0xffff, v14  }
0x91: {  	s4 =	sadd.s32 $0x80, s4;
	[tilespmem:s15+$0x40] =	vst.add.f32.msk $0xffff, v15  }
0x92: {  	p0 =	slt.u32 s9, $0xE  }
.Ltmp1:
0x93: {  	[tilespmem:s11+$0xC0] =	vst.add.f32.msk $0xffff, v6;
	(pc) =	sbr.rel @p0 .LBB2_2-.Ltmp1, $4  }
0x94: {  	[tilespmem:s15+$0x50] =	vst.add.f32.msk $0xffff, v5  }
0x95: {  	[tilespmem:s15+$0x70] =	vst.add.f32.msk $0xffff, v2  }
0x96: {  	s4 =	sadd.s32 $0x2, s9;
	s8 =	sadd.s32 $0x1, s8;
	[tilespmem:s11+$0xD0] =	vst.add.f32.msk $0xffff, v4  }
0x97: {  	s7 =	sadd.s32 $0x800, s7;
	s6 =	sadd.s32 $0x2, s6;
	[tilespmem:s11+$0xF0] =	vst.add.f32.msk $0xffff, v3;
	s9 =	smov.u32 s4  }
0x98: {  	s6 =	simm.s32 $0x0;
	s0 =	rddreg [dreg:$0xd]  }
0x99: {  	[hbm4b:s0+s6] =	stream.linear.scatter [tilespmem:s6], [sflag:$0xD], $0x4000, $0x38;
	[tilespmem:$0x1BC00] =	vst v63  }
0x9a: {  	_ =	swait.ge [sflag:s12], $0x4000  }
0x9b: {  	[sflag:s12] =	ssyncset.done $0x0  }
0x9c: {  	[sflag:s12] =	ssyncadd.s32 $0xFFFFC000  }
0x9d: {  	_ =	swait.ge [sflag:s13], $0x800  }
0x9e: {  	s3 =	simm.s32 $0x14000;
	s29 =	simm.s32 $0x1A800;
	[sflag:s13] =	ssyncset.done $0x0  }
0x9f: {  	s7 =	simm.s32 $0x0;
	s23 =	rddreg [dreg:$0xe];
	[sflag:s13] =	ssyncadd.s32 $0xFFFFF800  }
0xa0: {  	[tilespmem:s3], [sflag:$0x6] =	stream.linear.gather [hbm4b:s23+s6], $0x4000, $0x38;
	[tilespmem:$0x1BC00] =	vst v63  }
0xa1: {  	s8 =	simm.s32 $0x0;
	s9 =	simm.s32 $0x0;
	s28 =	rddreg [dreg:$0xf]  }
0xa2: {  	[tilespmem:s29], [sflag:$0xC] =	stream.linear.gather [hbm4b:s28+s6], $0x800, $0x38;
	[tilespmem:$0x1BC00] =	vst v63  }
.LBB2_6:
0xa3: {  	s4 =	sshll.u32 s6, $0x7  }
0xa4: {  	s10 =	sand.u32 $0x3FFFFF80, s4  }
0xa5: {  	v0 =	vld [tilespmem:s10+$0x18800];
	_ =	sdelay $0x2  }
0xa6: {  	s4 =	sor.u32 $0x80, s4  }
0xa7: {  	s3 =	simm.s32 $0x70;
	s4 =	sand.u32 $0x3FFFFF80, s4  }
0xa8: {  	s21 =	simm.s32 $0x60;
	v1 =	vld [tilespmem:s4+$0x18800];
	v2 =	vadd.s32 s3, v0  }
0xa9: {  	s11 =	simm.s32 $0x0;
	v3 =	vadd.s32 s21, v0  }
0xaa: {  	s22 =	simm.s32 $0x10;
	v5 =	vadd.s32 s11, v0  }
0xab: {  	s19 =	simm.s32 $0x30;
	v7 =	vadd.s32 s22, v0  }
0xac: {  	v11 =	vadd.s32 s19, v0  }
0xad: {  	v4 =	vadd.s32 s21, v1;
	v2 =	vld.idx.msk [tilespmem:v2+s16+$0x0], $0xffff  }
0xae: {  	v6 =	vadd.s32 s11, v1;
	v3 =	vld.idx.msk [tilespmem:v3+s16+$0x0], $0xffff  }
0xaf: {  	v8 =	vadd.s32 s22, v1;
	v9 =	vld.idx.msk [tilespmem:v5+s16+$0x0], $0xffff  }
0xb0: {  	v12 =	vadd.s32 s19, v1;
	v7 =	vld.idx.msk [tilespmem:v7+s16+$0x0], $0xffff  }
0xb1: {  	s28 =	simm.s32 $0x20;
	v11 =	vld.idx.msk [tilespmem:v11+s16+$0x0], $0xffff  }
0xb2: {  	s23 =	sand.u32 $0x3, s9;
	v5 =	vadd.s32 s28, v0;
	v4 =	vld.idx.msk [tilespmem:v4+s16+$0x0], $0xffff  }
0xb3: {  	s15 =	sand.u32 $0x7, s7;
	s14 =	sshll.u32 s23, $0xA;
	v10 =	vld.idx.msk [tilespmem:v6+s16+$0x0], $0xffff  }
0xb4: {  	s15 =	sshll.u32 s15, $0x9;
	s10 =	sand.u32 $0x3FFFE000, s8;
	s14 =	sshrl.u32 s14, $0x2;
	v8 =	vld.idx.msk [tilespmem:v8+s16+$0x0], $0xffff  }
0xb5: {  	s17 =	sshrl.u32 s15, $0x2;
	s15 =	sadd.s32 s14, s10;
	v12 =	vld.idx.msk [tilespmem:v12+s16+$0x0], $0xffff  }
0xb6: {  	[tilespmem:s15+$0x4060] =	vst.add.f32.msk $0xffff, v3  }
0xb7: {  	v6 =	vadd.s32 s28, v1;
	v13 =	vld.idx.msk [tilespmem:v5+s16+$0x0], $0xffff  }
0xb8: {  	[tilespmem:s15+$0x4000] =	vst.add.f32.msk $0xffff, v9  }
0xb9: {  	[tilespmem:s15+$0x4010] =	vst.add.f32.msk $0xffff, v7  }
0xba: {  	s20 =	simm.s32 $0x40;
	s11 =	sadd.s32 s17, s10;
	[tilespmem:s15+$0x4030] =	vst.add.f32.msk $0xffff, v11  }
0xbb: {  	s29 =	simm.s32 $0x50;
	v3 =	vadd.s32 s20, v0;
	[tilespmem:s11+$0x40E0] =	vst.add.f32.msk $0xffff, v4  }
0xbc: {  	v5 =	vadd.s32 s29, v0;
	v14 =	vld.idx.msk [tilespmem:v6+s16+$0x0], $0xffff  }
0xbd: {  	v16 =	vadd.s32 s3, v1;
	[tilespmem:s11+$0x4080] =	vst.add.f32.msk $0xffff, v10  }
0xbe: {  	v4 =	vadd.s32 s20, v1;
	[tilespmem:s11+$0x4090] =	vst.add.f32.msk $0xffff, v8  }
0xbf: {  	[tilespmem:s11+$0x40B0] =	vst.add.f32.msk $0xffff, v12  }
0xc0: {  	v15 =	vadd.s32 s29, v1;
	v17 =	vld.idx.msk [tilespmem:v3+s16+$0x0], $0xffff  }
0xc1: {  	v5 =	vld.idx.msk [tilespmem:v5+s16+$0x0], $0xffff  }
0xc2: {  	v3 =	vld.idx.msk [tilespmem:v16+s16+$0x0], $0xffff  }
0xc3: {  	v6 =	vld.idx.msk [tilespmem:v4+s16+$0x0], $0xffff  }
0xc4: {  	[tilespmem:s15+$0x4020] =	vst.add.f32.msk $0xffff, v13  }
0xc5: {  	v4 =	vld.idx.msk [tilespmem:v15+s16+$0x0], $0xffff  }
0xc6: {  	[tilespmem:s11+$0x40A0] =	vst.add.f32.msk $0xffff, v14  }
0xc7: {  	s4 =	simm.s32 $0xF0;
	s19 =	simm.s32 $0x0;
	[tilespmem:s15+$0x4040] =	vst.add.f32.msk $0xffff, v17  }
.LBB2_7:
0xc8: {  	s20 =	sadd.s32 $0xFFFFFFA0, s4;
	s21 =	sadd.s32 $0xFFFFFFB0, s4;
	s22 =	sadd.s32 $0xFFFFFFF0, s4;
	v7 =	vadd.s32 s4, v0;
	v8 =	vadd.s32 s4, v1;
	[tilespmem:s11+$0x40C0] =	vst.add.f32.msk $0xffff, v6  }
0xc9: {  	s23 =	sadd.s32 $0xFFFFFFD0, s4;
	s19 =	sadd.s32 $0x8, s19;
	v6 =	vadd.s32 s20, v0;
	v9 =	vadd.s32 s20, v1;
	s20 =	sadd.s32 $0xFFFFFFC0, s4;
	v10 =	vadd.s32 s22, v0;
	[tilespmem:s15+$0x4050] =	vst.add.f32.msk $0xffff, v5  }
0xca: {  	s28 =	sadd.s32 $0xFFFFFF90, s4;
	v5 =	vadd.s32 s21, v0;
	v11 =	vadd.s32 s21, v1;
	s21 =	sadd.s32 $0xFFFFFFE0, s4;
	v12 =	vadd.s32 s22, v1;
	p0 =	slt.u32 s19, $0x38;
	[tilespmem:s11+$0x40D0] =	vst.add.f32.msk $0xffff, v4  }
0xcb: {  	v13 =	vadd.s32 s28, v1;
	v4 =	vadd.s32 s28, v0;
	v14 =	vadd.s32 s20, v0;
	[tilespmem:s15+$0x4070] =	vst.add.f32.msk $0xffff, v2  }
0xcc: {  	v16 =	vadd.s32 s23, v0;
	v17 =	vadd.s32 s23, v1;
	v15 =	vadd.s32 s20, v1;
	[tilespmem:s11+$0x40F0] =	vst.add.f32.msk $0xffff, v3  }
0xcd: {  	v18 =	vadd.s32 s21, v1;
	v3 =	vadd.s32 s21, v0;
	v2 =	vld.idx.msk [tilespmem:v7+s16+$0x0], $0xffff  }
0xce: {  	v7 =	vld.idx.msk [tilespmem:v10+s16+$0x0], $0xffff  }
0xcf: {  	v10 =	vld.idx.msk [tilespmem:v12+s16+$0x0], $0xffff  }
0xd0: {  	v12 =	vld.idx.msk [tilespmem:v4+s16+$0x0], $0xffff  }
0xd1: {  	v13 =	vld.idx.msk [tilespmem:v13+s16+$0x0], $0xffff  }
0xd2: {  	s10 =	sadd.s32 $0x400, s10;
	v19 =	vld.idx.msk [tilespmem:v6+s16+$0x0], $0xffff  }
0xd3: {  	s15 =	sadd.s32 s14, s10;
	v9 =	vld.idx.msk [tilespmem:v9+s16+$0x0], $0xffff  }
0xd4: {  	s11 =	sadd.s32 s17, s10;
	[tilespmem:s15+$0x4060] =	vst.add.f32.msk $0xffff, v7  }
0xd5: {  	[tilespmem:s11+$0x40E0] =	vst.add.f32.msk $0xffff, v10  }
0xd6: {  	v7 =	vld.idx.msk [tilespmem:v5+s16+$0x0], $0xffff  }
0xd7: {  	v10 =	vld.idx.msk [tilespmem:v11+s16+$0x0], $0xffff  }
0xd8: {  	v11 =	vld.idx.msk [tilespmem:v14+s16+$0x0], $0xffff  }
0xd9: {  	v14 =	vld.idx.msk [tilespmem:v15+s16+$0x0], $0xffff  }
0xda: {  	v15 =	vld.idx.msk [tilespmem:v16+s16+$0x0], $0xffff  }
0xdb: {  	v6 =	vld.idx.msk [tilespmem:v17+s16+$0x0], $0xffff  }
0xdc: {  	v5 =	vld.idx.msk [tilespmem:v3+s16+$0x0], $0xffff  }
0xdd: {  	v4 =	vld.idx.msk [tilespmem:v18+s16+$0x0], $0xffff  }
0xde: {  	v3 =	vld.idx.msk [tilespmem:v8+s16+$0x0], $0xffff  }
0xdf: {  	[tilespmem:s15+$0x4000] =	vst.add.f32.msk $0xffff, v12  }
0xe0: {  	[tilespmem:s11+$0x4080] =	vst.add.f32.msk $0xffff, v13  }
0xe1: {  	[tilespmem:s15+$0x4010] =	vst.add.f32.msk $0xffff, v19  }
0xe2: {  	[tilespmem:s11+$0x4090] =	vst.add.f32.msk $0xffff, v9  }
.Ltmp2:
0xe3: {  	[tilespmem:s15+$0x4020] =	vst.add.f32.msk $0xffff, v7;
	(pc) =	sbr.rel @p0 .LBB2_7-.Ltmp2, $4  }
0xe4: {  	[tilespmem:s11+$0x40A0] =	vst.add.f32.msk $0xffff, v10  }
0xe5: {  	[tilespmem:s15+$0x4030] =	vst.add.f32.msk $0xffff, v11  }
0xe6: {  	[tilespmem:s11+$0x40B0] =	vst.add.f32.msk $0xffff, v14  }
0xe7: {  	s4 =	sadd.s32 $0x80, s4;
	[tilespmem:s15+$0x4040] =	vst.add.f32.msk $0xffff, v15  }
0xe8: {  	p0 =	slt.u32 s6, $0xE  }
.Ltmp3:
0xe9: {  	[tilespmem:s11+$0x40C0] =	vst.add.f32.msk $0xffff, v6;
	(pc) =	sbr.rel @p0 .LBB2_6-.Ltmp3, $4  }
0xea: {  	[tilespmem:s15+$0x4050] =	vst.add.f32.msk $0xffff, v5  }
0xeb: {  	[tilespmem:s15+$0x4070] =	vst.add.f32.msk $0xffff, v2  }
0xec: {  	s4 =	sadd.s32 $0x2, s6;
	s9 =	sadd.s32 $0x1, s9;
	[tilespmem:s11+$0x40D0] =	vst.add.f32.msk $0xffff, v4  }
0xed: {  	s8 =	sadd.s32 $0x800, s8;
	s7 =	sadd.s32 $0x2, s7;
	[tilespmem:s11+$0x40F0] =	vst.add.f32.msk $0xffff, v3;
	s6 =	smov.u32 s4  }
0xee: {  	s6 =	simm.s32 $0x0;
	s0 =	rddreg [dreg:$0x10];
	s22 =	simm.s32 $0x3  }
0xef: {  	[hbm4b:s0+s6] =	stream.linear.scatter [tilespmem:s30], [sflag:$0xE], $0x4000, $0x38;
	[tilespmem:$0x1BC00] =	vst v63  }
0xf0: {  	_ =	swait.ge [sflag:s22], $0x4000  }
0xf1: {  	[sflag:s22] =	ssyncset.done $0x0  }
0xf2: {  	s23 =	simm.s32 $0x9;
	[sflag:s22] =	ssyncadd.s32 $0xFFFFC000  }
0xf3: {  	_ =	swait.ge [sflag:s23], $0x800  }
0xf4: {  	[sflag:s23] =	ssyncset.done $0x0  }
0xf5: {  	[sflag:s23] =	ssyncadd.s32 $0xFFFFF800  }
0xf6: {  	_ =	swait.ge [sflag:s24], $0x4000  }
0xf7: {  	s3 =	simm.s32 $0x18000;
	[sflag:s24] =	ssyncset.done $0x0  }
0xf8: {  	s7 =	simm.s32 $0x0;
	s28 =	rddreg [dreg:$0x11];
	[sflag:s24] =	ssyncadd.s32 $0xFFFFC000  }
0xf9: {  	[tilespmem:s6], [sflag:$0x1] =	stream.linear.gather [hbm4b:s28+s6], $0x4000, $0x38;
	[tilespmem:$0x1BC00] =	vst v63  }
0xfa: {  	s8 =	simm.s32 $0x0;
	s9 =	simm.s32 $0x0;
	s29 =	rddreg [dreg:$0x12]  }
0xfb: {  	[tilespmem:s3], [sflag:$0x7] =	stream.linear.gather [hbm4b:s29+s6], $0x800, $0x38;
	[tilespmem:$0x1BC00] =	vst v63  }
.LBB2_10:
0xfc: {  	s4 =	sshll.u32 s6, $0x7  }
0xfd: {  	s10 =	sand.u32 $0x3FFFFF80, s4  }
0xfe: {  	v0 =	vld [tilespmem:s10+$0x19000];
	_ =	sdelay $0x2  }
0xff: {  	s4 =	sor.u32 $0x80, s4  }
0x100: {  	s3 =	simm.s32 $0x70;
	s4 =	sand.u32 $0x3FFFFF80, s4  }
0x101: {  	s21 =	simm.s32 $0x60;
	v1 =	vld [tilespmem:s4+$0x19000];
	v2 =	vadd.s32 s3, v0  }
0x102: {  	s11 =	simm.s32 $0x0;
	v3 =	vadd.s32 s21, v0  }
0x103: {  	s22 =	simm.s32 $0x10;
	v5 =	vadd.s32 s11, v0  }
0x104: {  	s19 =	simm.s32 $0x30;
	v7 =	vadd.s32 s22, v0  }
0x105: {  	v11 =	vadd.s32 s19, v0  }
0x106: {  	v4 =	vadd.s32 s21, v1;
	v2 =	vld.idx.msk [tilespmem:v2+s16+$0x0], $0xffff  }
0x107: {  	v6 =	vadd.s32 s11, v1;
	v3 =	vld.idx.msk [tilespmem:v3+s16+$0x0], $0xffff  }
0x108: {  	v8 =	vadd.s32 s22, v1;
	v9 =	vld.idx.msk [tilespmem:v5+s16+$0x0], $0xffff  }
0x109: {  	v12 =	vadd.s32 s19, v1;
	v7 =	vld.idx.msk [tilespmem:v7+s16+$0x0], $0xffff  }
0x10a: {  	s28 =	simm.s32 $0x20;
	v11 =	vld.idx.msk [tilespmem:v11+s16+$0x0], $0xffff  }
0x10b: {  	s23 =	sand.u32 $0x3, s9;
	v5 =	vadd.s32 s28, v0;
	v4 =	vld.idx.msk [tilespmem:v4+s16+$0x0], $0xffff  }
0x10c: {  	s15 =	sand.u32 $0x7, s7;
	s14 =	sshll.u32 s23, $0xA;
	v10 =	vld.idx.msk [tilespmem:v6+s16+$0x0], $0xffff  }
0x10d: {  	s15 =	sshll.u32 s15, $0x9;
	s10 =	sand.u32 $0x3FFFE000, s8;
	s14 =	sshrl.u32 s14, $0x2;
	v8 =	vld.idx.msk [tilespmem:v8+s16+$0x0], $0xffff  }
0x10e: {  	s17 =	sshrl.u32 s15, $0x2;
	s15 =	sadd.s32 s14, s10;
	v12 =	vld.idx.msk [tilespmem:v12+s16+$0x0], $0xffff  }
0x10f: {  	[tilespmem:s15+$0x8060] =	vst.add.f32.msk $0xffff, v3  }
0x110: {  	v6 =	vadd.s32 s28, v1;
	v13 =	vld.idx.msk [tilespmem:v5+s16+$0x0], $0xffff  }
0x111: {  	[tilespmem:s15+$0x8000] =	vst.add.f32.msk $0xffff, v9  }
0x112: {  	[tilespmem:s15+$0x8010] =	vst.add.f32.msk $0xffff, v7  }
0x113: {  	s20 =	simm.s32 $0x40;
	s11 =	sadd.s32 s17, s10;
	[tilespmem:s15+$0x8030] =	vst.add.f32.msk $0xffff, v11  }
0x114: {  	s29 =	simm.s32 $0x50;
	v3 =	vadd.s32 s20, v0;
	[tilespmem:s11+$0x80E0] =	vst.add.f32.msk $0xffff, v4  }
0x115: {  	v5 =	vadd.s32 s29, v0;
	v14 =	vld.idx.msk [tilespmem:v6+s16+$0x0], $0xffff  }
0x116: {  	v16 =	vadd.s32 s3, v1;
	[tilespmem:s11+$0x8080] =	vst.add.f32.msk $0xffff, v10  }
0x117: {  	v4 =	vadd.s32 s20, v1;
	[tilespmem:s11+$0x8090] =	vst.add.f32.msk $0xffff, v8  }
0x118: {  	[tilespmem:s11+$0x80B0] =	vst.add.f32.msk $0xffff, v12  }
0x119: {  	v15 =	vadd.s32 s29, v1;
	v17 =	vld.idx.msk [tilespmem:v3+s16+$0x0], $0xffff  }
0x11a: {  	v5 =	vld.idx.msk [tilespmem:v5+s16+$0x0], $0xffff  }
0x11b: {  	v3 =	vld.idx.msk [tilespmem:v16+s16+$0x0], $0xffff  }
0x11c: {  	v6 =	vld.idx.msk [tilespmem:v4+s16+$0x0], $0xffff  }
0x11d: {  	[tilespmem:s15+$0x8020] =	vst.add.f32.msk $0xffff, v13  }
0x11e: {  	v4 =	vld.idx.msk [tilespmem:v15+s16+$0x0], $0xffff  }
0x11f: {  	[tilespmem:s11+$0x80A0] =	vst.add.f32.msk $0xffff, v14  }
0x120: {  	s4 =	simm.s32 $0xF0;
	s19 =	simm.s32 $0x0;
	[tilespmem:s15+$0x8040] =	vst.add.f32.msk $0xffff, v17  }
.LBB2_11:
0x121: {  	s20 =	sadd.s32 $0xFFFFFFA0, s4;
	s21 =	sadd.s32 $0xFFFFFFB0, s4;
	s22 =	sadd.s32 $0xFFFFFFF0, s4;
	v7 =	vadd.s32 s4, v0;
	v8 =	vadd.s32 s4, v1;
	[tilespmem:s11+$0x80C0] =	vst.add.f32.msk $0xffff, v6  }
0x122: {  	s23 =	sadd.s32 $0xFFFFFFD0, s4;
	s19 =	sadd.s32 $0x8, s19;
	v6 =	vadd.s32 s20, v0;
	v9 =	vadd.s32 s20, v1;
	s20 =	sadd.s32 $0xFFFFFFC0, s4;
	v10 =	vadd.s32 s22, v0;
	[tilespmem:s15+$0x8050] =	vst.add.f32.msk $0xffff, v5  }
0x123: {  	s28 =	sadd.s32 $0xFFFFFF90, s4;
	v5 =	vadd.s32 s21, v0;
	v11 =	vadd.s32 s21, v1;
	s21 =	sadd.s32 $0xFFFFFFE0, s4;
	v12 =	vadd.s32 s22, v1;
	p0 =	slt.u32 s19, $0x38;
	[tilespmem:s11+$0x80D0] =	vst.add.f32.msk $0xffff, v4  }
0x124: {  	v13 =	vadd.s32 s28, v1;
	v4 =	vadd.s32 s28, v0;
	v14 =	vadd.s32 s20, v0;
	[tilespmem:s15+$0x8070] =	vst.add.f32.msk $0xffff, v2  }
0x125: {  	v16 =	vadd.s32 s23, v0;
	v17 =	vadd.s32 s23, v1;
	v15 =	vadd.s32 s20, v1;
	[tilespmem:s11+$0x80F0] =	vst.add.f32.msk $0xffff, v3  }
0x126: {  	v18 =	vadd.s32 s21, v1;
	v3 =	vadd.s32 s21, v0;
	v2 =	vld.idx.msk [tilespmem:v7+s16+$0x0], $0xffff  }
0x127: {  	v7 =	vld.idx.msk [tilespmem:v10+s16+$0x0], $0xffff  }
0x128: {  	v10 =	vld.idx.msk [tilespmem:v12+s16+$0x0], $0xffff  }
0x129: {  	v12 =	vld.idx.msk [tilespmem:v4+s16+$0x0], $0xffff  }
0x12a: {  	v13 =	vld.idx.msk [tilespmem:v13+s16+$0x0], $0xffff  }
0x12b: {  	s10 =	sadd.s32 $0x400, s10;
	v19 =	vld.idx.msk [tilespmem:v6+s16+$0x0], $0xffff  }
0x12c: {  	s15 =	sadd.s32 s14, s10;
	v9 =	vld.idx.msk [tilespmem:v9+s16+$0x0], $0xffff  }
0x12d: {  	s11 =	sadd.s32 s17, s10;
	[tilespmem:s15+$0x8060] =	vst.add.f32.msk $0xffff, v7  }
0x12e: {  	[tilespmem:s11+$0x80E0] =	vst.add.f32.msk $0xffff, v10  }
0x12f: {  	v7 =	vld.idx.msk [tilespmem:v5+s16+$0x0], $0xffff  }
0x130: {  	v10 =	vld.idx.msk [tilespmem:v11+s16+$0x0], $0xffff  }
0x131: {  	v11 =	vld.idx.msk [tilespmem:v14+s16+$0x0], $0xffff  }
0x132: {  	v14 =	vld.idx.msk [tilespmem:v15+s16+$0x0], $0xffff  }
0x133: {  	v15 =	vld.idx.msk [tilespmem:v16+s16+$0x0], $0xffff  }
0x134: {  	v6 =	vld.idx.msk [tilespmem:v17+s16+$0x0], $0xffff  }
0x135: {  	v5 =	vld.idx.msk [tilespmem:v3+s16+$0x0], $0xffff  }
0x136: {  	v4 =	vld.idx.msk [tilespmem:v18+s16+$0x0], $0xffff  }
0x137: {  	v3 =	vld.idx.msk [tilespmem:v8+s16+$0x0], $0xffff  }
0x138: {  	[tilespmem:s15+$0x8000] =	vst.add.f32.msk $0xffff, v12  }
0x139: {  	[tilespmem:s11+$0x8080] =	vst.add.f32.msk $0xffff, v13  }
0x13a: {  	[tilespmem:s15+$0x8010] =	vst.add.f32.msk $0xffff, v19  }
0x13b: {  	[tilespmem:s11+$0x8090] =	vst.add.f32.msk $0xffff, v9  }
.Ltmp4:
0x13c: {  	[tilespmem:s15+$0x8020] =	vst.add.f32.msk $0xffff, v7;
	(pc) =	sbr.rel @p0 .LBB2_11-.Ltmp4, $4  }
0x13d: {  	[tilespmem:s11+$0x80A0] =	vst.add.f32.msk $0xffff, v10  }
0x13e: {  	[tilespmem:s15+$0x8030] =	vst.add.f32.msk $0xffff, v11  }
0x13f: {  	[tilespmem:s11+$0x80B0] =	vst.add.f32.msk $0xffff, v14  }
0x140: {  	s4 =	sadd.s32 $0x80, s4;
	[tilespmem:s15+$0x8040] =	vst.add.f32.msk $0xffff, v15  }
0x141: {  	p0 =	slt.u32 s6, $0xE  }
.Ltmp5:
0x142: {  	[tilespmem:s11+$0x80C0] =	vst.add.f32.msk $0xffff, v6;
	(pc) =	sbr.rel @p0 .LBB2_10-.Ltmp5, $4  }
0x143: {  	[tilespmem:s15+$0x8050] =	vst.add.f32.msk $0xffff, v5  }
0x144: {  	[tilespmem:s15+$0x8070] =	vst.add.f32.msk $0xffff, v2  }
0x145: {  	s4 =	sadd.s32 $0x2, s6;
	s9 =	sadd.s32 $0x1, s9;
	[tilespmem:s11+$0x80D0] =	vst.add.f32.msk $0xffff, v4  }
0x146: {  	s8 =	sadd.s32 $0x800, s8;
	s7 =	sadd.s32 $0x2, s7;
	[tilespmem:s11+$0x80F0] =	vst.add.f32.msk $0xffff, v3;
	s6 =	smov.u32 s4  }
0x147: {  	s6 =	simm.s32 $0x0;
	s0 =	rddreg [dreg:$0x14];
	s23 =	simm.s32 $0x4  }
0x148: {  	[hbm4b:s0+s6] =	stream.linear.scatter [tilespmem:s31], [sflag:$0xF], $0x4000, $0x38;
	[tilespmem:$0x1BC00] =	vst v63  }
0x149: {  	_ =	swait.ge [sflag:s23], $0x4000  }
0x14a: {  	[sflag:s23] =	ssyncset.done $0x0  }
0x14b: {  	s28 =	simm.s32 $0xA;
	[sflag:s23] =	ssyncadd.s32 $0xFFFFC000  }
0x14c: {  	_ =	swait.ge [sflag:s28], $0x800  }
0x14d: {  	[sflag:s28] =	ssyncset.done $0x0  }
0x14e: {  	[sflag:s28] =	ssyncadd.s32 $0xFFFFF800  }
0x14f: {  	_ =	swait.ge [sflag:s18], $0x4000  }
0x150: {  	s3 =	simm.s32 $0x18800;
	[sflag:s18] =	ssyncset.done $0x0  }
0x151: {  	s7 =	simm.s32 $0x0;
	s29 =	rddreg [dreg:$0x15];
	[sflag:s18] =	ssyncadd.s32 $0xFFFFC000  }
0x152: {  	[tilespmem:s30], [sflag:$0x2] =	stream.linear.gather [hbm4b:s29+s6], $0x4000, $0x38;
	[tilespmem:$0x1BC00] =	vst v63  }
0x153: {  	s8 =	simm.s32 $0x0;
	s9 =	simm.s32 $0x0;
	s30 =	rddreg [dreg:$0x16]  }
0x154: {  	[tilespmem:s3], [sflag:$0x8] =	stream.linear.gather [hbm4b:s30+s6], $0x800, $0x38;
	[tilespmem:$0x1BC00] =	vst v63  }
.LBB2_14:
0x155: {  	s4 =	sshll.u32 s6, $0x7  }
0x156: {  	s10 =	sand.u32 $0x3FFFFF80, s4  }
0x157: {  	v0 =	vld [tilespmem:s10+$0x19800];
	_ =	sdelay $0x2  }
0x158: {  	s4 =	sor.u32 $0x80, s4  }
0x159: {  	s21 =	simm.s32 $0x70;
	s4 =	sand.u32 $0x3FFFFF80, s4  }
0x15a: {  	s22 =	simm.s32 $0x60;
	v1 =	vld [tilespmem:s4+$0x19800];
	v2 =	vadd.s32 s21, v0  }
0x15b: {  	s11 =	simm.s32 $0x0;
	v3 =	vadd.s32 s22, v0  }
0x15c: {  	s23 =	simm.s32 $0x10;
	v5 =	vadd.s32 s11, v0  }
0x15d: {  	s19 =	simm.s32 $0x30;
	v7 =	vadd.s32 s23, v0  }
0x15e: {  	v11 =	vadd.s32 s19, v0  }
0x15f: {  	v4 =	vadd.s32 s22, v1;
	v2 =	vld.idx.msk [tilespmem:v2+s16+$0x0], $0xffff  }
0x160: {  	v6 =	vadd.s32 s11, v1;
	v3 =	vld.idx.msk [tilespmem:v3+s16+$0x0], $0xffff  }
0x161: {  	v8 =	vadd.s32 s23, v1;
	v9 =	vld.idx.msk [tilespmem:v5+s16+$0x0], $0xffff  }
0x162: {  	v12 =	vadd.s32 s19, v1;
	v7 =	vld.idx.msk [tilespmem:v7+s16+$0x0], $0xffff  }
0x163: {  	s29 =	simm.s32 $0x20;
	v11 =	vld.idx.msk [tilespmem:v11+s16+$0x0], $0xffff  }
0x164: {  	s28 =	sand.u32 $0x3, s9;
	v5 =	vadd.s32 s29, v0;
	v4 =	vld.idx.msk [tilespmem:v4+s16+$0x0], $0xffff  }
0x165: {  	s15 =	sand.u32 $0x7, s7;
	s14 =	sshll.u32 s28, $0xA;
	v10 =	vld.idx.msk [tilespmem:v6+s16+$0x0], $0xffff  }
0x166: {  	s15 =	sshll.u32 s15, $0x9;
	s10 =	sand.u32 $0x3FFFE000, s8;
	s14 =	sshrl.u32 s14, $0x2;
	v8 =	vld.idx.msk [tilespmem:v8+s16+$0x0], $0xffff  }
0x167: {  	s17 =	sshrl.u32 s15, $0x2;
	s15 =	sadd.s32 s14, s10;
	v12 =	vld.idx.msk [tilespmem:v12+s16+$0x0], $0xffff  }
0x168: {  	[tilespmem:s15+$0xC060] =	vst.add.f32.msk $0xffff, v3  }
0x169: {  	v6 =	vadd.s32 s29, v1;
	v13 =	vld.idx.msk [tilespmem:v5+s16+$0x0], $0xffff  }
0x16a: {  	[tilespmem:s15+$0xC000] =	vst.add.f32.msk $0xffff, v9  }
0x16b: {  	[tilespmem:s15+$0xC010] =	vst.add.f32.msk $0xffff, v7  }
0x16c: {  	s20 =	simm.s32 $0x40;
	s11 =	sadd.s32 s17, s10;
	[tilespmem:s15+$0xC030] =	vst.add.f32.msk $0xffff, v11  }
0x16d: {  	s30 =	simm.s32 $0x50;
	v3 =	vadd.s32 s20, v0;
	[tilespmem:s11+$0xC0E0] =	vst.add.f32.msk $0xffff, v4  }
0x16e: {  	v5 =	vadd.s32 s30, v0;
	v14 =	vld.idx.msk [tilespmem:v6+s16+$0x0], $0xffff  }
0x16f: {  	v16 =	vadd.s32 s21, v1;
	[tilespmem:s11+$0xC080] =	vst.add.f32.msk $0xffff, v10  }
0x170: {  	v4 =	vadd.s32 s20, v1;
	[tilespmem:s11+$0xC090] =	vst.add.f32.msk $0xffff, v8  }
0x171: {  	[tilespmem:s11+$0xC0B0] =	vst.add.f32.msk $0xffff, v12  }
0x172: {  	v15 =	vadd.s32 s30, v1;
	v17 =	vld.idx.msk [tilespmem:v3+s16+$0x0], $0xffff  }
0x173: {  	v5 =	vld.idx.msk [tilespmem:v5+s16+$0x0], $0xffff  }
0x174: {  	v3 =	vld.idx.msk [tilespmem:v16+s16+$0x0], $0xffff  }
0x175: {  	v6 =	vld.idx.msk [tilespmem:v4+s16+$0x0], $0xffff  }
0x176: {  	[tilespmem:s15+$0xC020] =	vst.add.f32.msk $0xffff, v13  }
0x177: {  	v4 =	vld.idx.msk [tilespmem:v15+s16+$0x0], $0xffff  }
0x178: {  	[tilespmem:s11+$0xC0A0] =	vst.add.f32.msk $0xffff, v14  }
0x179: {  	s4 =	simm.s32 $0xF0;
	s19 =	simm.s32 $0x0;
	[tilespmem:s15+$0xC040] =	vst.add.f32.msk $0xffff, v17  }
.LBB2_15:
0x17a: {  	s20 =	sadd.s32 $0xFFFFFFA0, s4;
	s21 =	sadd.s32 $0xFFFFFFB0, s4;
	s22 =	sadd.s32 $0xFFFFFFF0, s4;
	v7 =	vadd.s32 s4, v0;
	v8 =	vadd.s32 s4, v1;
	[tilespmem:s11+$0xC0C0] =	vst.add.f32.msk $0xffff, v6  }
0x17b: {  	s23 =	sadd.s32 $0xFFFFFFD0, s4;
	s19 =	sadd.s32 $0x8, s19;
	v6 =	vadd.s32 s20, v0;
	v9 =	vadd.s32 s20, v1;
	s20 =	sadd.s32 $0xFFFFFFC0, s4;
	v10 =	vadd.s32 s22, v0;
	[tilespmem:s15+$0xC050] =	vst.add.f32.msk $0xffff, v5  }
0x17c: {  	s28 =	sadd.s32 $0xFFFFFF90, s4;
	v5 =	vadd.s32 s21, v0;
	v11 =	vadd.s32 s21, v1;
	s21 =	sadd.s32 $0xFFFFFFE0, s4;
	v12 =	vadd.s32 s22, v1;
	p0 =	slt.u32 s19, $0x38;
	[tilespmem:s11+$0xC0D0] =	vst.add.f32.msk $0xffff, v4  }
0x17d: {  	v13 =	vadd.s32 s28, v1;
	v4 =	vadd.s32 s28, v0;
	v14 =	vadd.s32 s20, v0;
	[tilespmem:s15+$0xC070] =	vst.add.f32.msk $0xffff, v2  }
0x17e: {  	v16 =	vadd.s32 s23, v0;
	v17 =	vadd.s32 s23, v1;
	v15 =	vadd.s32 s20, v1;
	[tilespmem:s11+$0xC0F0] =	vst.add.f32.msk $0xffff, v3  }
0x17f: {  	v18 =	vadd.s32 s21, v1;
	v3 =	vadd.s32 s21, v0;
	v2 =	vld.idx.msk [tilespmem:v7+s16+$0x0], $0xffff  }
0x180: {  	v7 =	vld.idx.msk [tilespmem:v10+s16+$0x0], $0xffff  }
0x181: {  	v10 =	vld.idx.msk [tilespmem:v12+s16+$0x0], $0xffff  }
0x182: {  	v12 =	vld.idx.msk [tilespmem:v4+s16+$0x0], $0xffff  }
0x183: {  	v13 =	vld.idx.msk [tilespmem:v13+s16+$0x0], $0xffff  }
0x184: {  	s10 =	sadd.s32 $0x400, s10;
	v19 =	vld.idx.msk [tilespmem:v6+s16+$0x0], $0xffff  }
0x185: {  	s15 =	sadd.s32 s14, s10;
	v9 =	vld.idx.msk [tilespmem:v9+s16+$0x0], $0xffff  }
0x186: {  	s11 =	sadd.s32 s17, s10;
	[tilespmem:s15+$0xC060] =	vst.add.f32.msk $0xffff, v7  }
0x187: {  	[tilespmem:s11+$0xC0E0] =	vst.add.f32.msk $0xffff, v10  }
0x188: {  	v7 =	vld.idx.msk [tilespmem:v5+s16+$0x0], $0xffff  }
0x189: {  	v10 =	vld.idx.msk [tilespmem:v11+s16+$0x0], $0xffff  }
0x18a: {  	v11 =	vld.idx.msk [tilespmem:v14+s16+$0x0], $0xffff  }
0x18b: {  	v14 =	vld.idx.msk [tilespmem:v15+s16+$0x0], $0xffff  }
0x18c: {  	v15 =	vld.idx.msk [tilespmem:v16+s16+$0x0], $0xffff  }
0x18d: {  	v6 =	vld.idx.msk [tilespmem:v17+s16+$0x0], $0xffff  }
0x18e: {  	v5 =	vld.idx.msk [tilespmem:v3+s16+$0x0], $0xffff  }
0x18f: {  	v4 =	vld.idx.msk [tilespmem:v18+s16+$0x0], $0xffff  }
0x190: {  	v3 =	vld.idx.msk [tilespmem:v8+s16+$0x0], $0xffff  }
0x191: {  	[tilespmem:s15+$0xC000] =	vst.add.f32.msk $0xffff, v12  }
0x192: {  	[tilespmem:s11+$0xC080] =	vst.add.f32.msk $0xffff, v13  }
0x193: {  	[tilespmem:s15+$0xC010] =	vst.add.f32.msk $0xffff, v19  }
0x194: {  	[tilespmem:s11+$0xC090] =	vst.add.f32.msk $0xffff, v9  }
.Ltmp6:
0x195: {  	[tilespmem:s15+$0xC020] =	vst.add.f32.msk $0xffff, v7;
	(pc) =	sbr.rel @p0 .LBB2_15-.Ltmp6, $4  }
0x196: {  	[tilespmem:s11+$0xC0A0] =	vst.add.f32.msk $0xffff, v10  }
0x197: {  	[tilespmem:s15+$0xC030] =	vst.add.f32.msk $0xffff, v11  }
0x198: {  	[tilespmem:s11+$0xC0B0] =	vst.add.f32.msk $0xffff, v14  }
0x199: {  	s4 =	sadd.s32 $0x80, s4;
	[tilespmem:s15+$0xC040] =	vst.add.f32.msk $0xffff, v15  }
0x19a: {  	p0 =	slt.u32 s6, $0xE  }
.Ltmp7:
0x19b: {  	[tilespmem:s11+$0xC0C0] =	vst.add.f32.msk $0xffff, v6;
	(pc) =	sbr.rel @p0 .LBB2_14-.Ltmp7, $4  }
0x19c: {  	[tilespmem:s15+$0xC050] =	vst.add.f32.msk $0xffff, v5  }
0x19d: {  	[tilespmem:s15+$0xC070] =	vst.add.f32.msk $0xffff, v2  }
0x19e: {  	s4 =	sadd.s32 $0x2, s6;
	s9 =	sadd.s32 $0x1, s9;
	[tilespmem:s11+$0xC0D0] =	vst.add.f32.msk $0xffff, v4  }
0x19f: {  	s8 =	sadd.s32 $0x800, s8;
	s7 =	sadd.s32 $0x2, s7;
	[tilespmem:s11+$0xC0F0] =	vst.add.f32.msk $0xffff, v3;
	s6 =	smov.u32 s4  }
0x1a0: {  	s6 =	simm.s32 $0x0  }
0x1a1: {  	s0 =	rddreg [dreg:$0x18];
	s3 =	simm.s32 $0xC000;
	s7 =	simm.s32 $0x0  }
0x1a2: {  	[hbm4b:s0+s6] =	stream.linear.scatter [tilespmem:s3], [sflag:$0x10], $0x4000, $0x38;
	[tilespmem:$0x1BC00] =	vst v63  }
.LBB2_18:
0x1a3: {  	s0 =	simm.s32 $0x5  }
0x1a4: {  	_ =	swait.ge [sflag:s0], $0x4000  }
0x1a5: {  	[sflag:s0] =	ssyncset.done $0x0  }
0x1a6: {  	s29 =	simm.s32 $0xB;
	[sflag:s0] =	ssyncadd.s32 $0xFFFFC000  }
0x1a7: {  	_ =	swait.ge [sflag:s29], $0x800  }
0x1a8: {  	[sflag:s29] =	ssyncset.done $0x0  }
0x1a9: {  	s3 =	simm.s32 $0xF;
	[sflag:s29] =	ssyncadd.s32 $0xFFFFF800  }
0x1aa: {  	s8 =	smul.u32 $0x60, s7;
	_ =	swait.ge [sflag:s3], $0x4000  }
0x1ab: {  	s30 =	rddreg [dreg:$0x1a]  }
0x1ac: {  	s21 =	simm.s32 $0x0;
	s23 =	simm.s32 $0x0;
	s4 =	sadd.s32 s8, s30  }
0x1ad: {  	s14 =	simm.s32 $0x0;
	[sflag:s3] =	ssyncset.done $0x0;
	s9 =	sshll.u32 s4, $0x7  }
0x1ae: {  	[sflag:s3] =	ssyncadd.s32 $0xFFFFC000;
	s4 =	sshll.u32 s4, $0x4;
	s10 =	sadd.s32 s1, s9  }
0x1af: {  	[tilespmem:s31], [sflag:$0x3] =	stream.linear.gather [hbm4b:s10+s6], $0x4000, $0x38;
	[tilespmem:$0x1BC00] =	vst v63  }
0x1b0: {  	s4 =	sadd.s32 s5, s4;
	s31 =	simm.s32 $0x19000;
	s10 =	simm.s32 $0x0  }
0x1b1: {  	[tilespmem:s31], [sflag:$0x9] =	stream.linear.gather [hbm4b:s4+s6], $0x800, $0x38;
	[tilespmem:$0x1BC00] =	vst v63  }
.LBB2_19:
0x1b2: {  	s4 =	sshll.u32 s14, $0x7  }
0x1b3: {  	s11 =	sand.u32 $0x3FFFFF80, s4  }
0x1b4: {  	v0 =	vld [tilespmem:s11+$0x1A000];
	_ =	sdelay $0x2  }
0x1b5: {  	s4 =	sor.u32 $0x80, s4  }
0x1b6: {  	s3 =	simm.s32 $0x70;
	s4 =	sand.u32 $0x3FFFFF80, s4  }
0x1b7: {  	s20 =	simm.s32 $0x60;
	v1 =	vld [tilespmem:s4+$0x1A000];
	v2 =	vadd.s32 s3, v0  }
0x1b8: {  	s15 =	simm.s32 $0x0;
	v3 =	vadd.s32 s20, v0  }
0x1b9: {  	s22 =	simm.s32 $0x10;
	v5 =	vadd.s32 s15, v0  }
0x1ba: {  	s30 =	simm.s32 $0x30;
	v7 =	vadd.s32 s22, v0  }
0x1bb: {  	v11 =	vadd.s32 s30, v0  }
0x1bc: {  	v4 =	vadd.s32 s20, v1;
	v2 =	vld.idx.msk [tilespmem:v2+s16+$0x0], $0xffff  }
0x1bd: {  	v6 =	vadd.s32 s15, v1;
	v3 =	vld.idx.msk [tilespmem:v3+s16+$0x0], $0xffff  }
0x1be: {  	v8 =	vadd.s32 s22, v1;
	v9 =	vld.idx.msk [tilespmem:v5+s16+$0x0], $0xffff  }
0x1bf: {  	v12 =	vadd.s32 s30, v1;
	v7 =	vld.idx.msk [tilespmem:v7+s16+$0x0], $0xffff  }
0x1c0: {  	s29 =	simm.s32 $0x20;
	v11 =	vld.idx.msk [tilespmem:v11+s16+$0x0], $0xffff  }
0x1c1: {  	s28 =	sand.u32 $0x3, s10;
	v5 =	vadd.s32 s29, v0;
	v4 =	vld.idx.msk [tilespmem:v4+s16+$0x0], $0xffff  }
0x1c2: {  	s17 =	sand.u32 $0x7, s21;
	s11 =	sshll.u32 s28, $0xA;
	v10 =	vld.idx.msk [tilespmem:v6+s16+$0x0], $0xffff  }
0x1c3: {  	s19 =	sand.u32 $0x3FFFE000, s23;
	s20 =	sshll.u32 s17, $0x9;
	s17 =	sshrl.u32 s11, $0x2;
	v8 =	vld.idx.msk [tilespmem:v8+s16+$0x0], $0xffff  }
0x1c4: {  	s15 =	sadd.s32 s17, s19;
	v12 =	vld.idx.msk [tilespmem:v12+s16+$0x0], $0xffff  }
0x1c5: {  	[tilespmem:s15+$0x10060] =	vst.add.f32.msk $0xffff, v3  }
0x1c6: {  	v6 =	vadd.s32 s29, v1;
	v13 =	vld.idx.msk [tilespmem:v5+s16+$0x0], $0xffff  }
0x1c7: {  	[tilespmem:s15+$0x10000] =	vst.add.f32.msk $0xffff, v9  }
0x1c8: {  	s22 =	sshrl.u32 s20, $0x2;
	[tilespmem:s15+$0x10010] =	vst.add.f32.msk $0xffff, v7  }
0x1c9: {  	s31 =	simm.s32 $0x40;
	s11 =	sadd.s32 s22, s19;
	[tilespmem:s15+$0x10030] =	vst.add.f32.msk $0xffff, v11  }
0x1ca: {  	s28 =	simm.s32 $0x50;
	v3 =	vadd.s32 s31, v0;
	[tilespmem:s11+$0x100E0] =	vst.add.f32.msk $0xffff, v4  }
0x1cb: {  	v5 =	vadd.s32 s28, v0;
	v14 =	vld.idx.msk [tilespmem:v6+s16+$0x0], $0xffff  }
0x1cc: {  	v16 =	vadd.s32 s3, v1;
	[tilespmem:s11+$0x10080] =	vst.add.f32.msk $0xffff, v10  }
0x1cd: {  	v4 =	vadd.s32 s31, v1;
	[tilespmem:s11+$0x10090] =	vst.add.f32.msk $0xffff, v8  }
0x1ce: {  	[tilespmem:s11+$0x100B0] =	vst.add.f32.msk $0xffff, v12  }
0x1cf: {  	v15 =	vadd.s32 s28, v1;
	v17 =	vld.idx.msk [tilespmem:v3+s16+$0x0], $0xffff  }
0x1d0: {  	v5 =	vld.idx.msk [tilespmem:v5+s16+$0x0], $0xffff  }
0x1d1: {  	v3 =	vld.idx.msk [tilespmem:v16+s16+$0x0], $0xffff  }
0x1d2: {  	v6 =	vld.idx.msk [tilespmem:v4+s16+$0x0], $0xffff  }
0x1d3: {  	[tilespmem:s15+$0x10020] =	vst.add.f32.msk $0xffff, v13  }
0x1d4: {  	v4 =	vld.idx.msk [tilespmem:v15+s16+$0x0], $0xffff  }
0x1d5: {  	[tilespmem:s11+$0x100A0] =	vst.add.f32.msk $0xffff, v14  }
0x1d6: {  	s4 =	simm.s32 $0xF0;
	s20 =	simm.s32 $0x0;
	[tilespmem:s15+$0x10040] =	vst.add.f32.msk $0xffff, v17  }
.LBB2_20:
0x1d7: {  	s28 =	sadd.s32 $0xFFFFFFA0, s4;
	s29 =	sadd.s32 $0xFFFFFFB0, s4;
	s30 =	sadd.s32 $0xFFFFFFF0, s4;
	v7 =	vadd.s32 s4, v0;
	v8 =	vadd.s32 s4, v1;
	[tilespmem:s11+$0x100C0] =	vst.add.f32.msk $0xffff, v6  }
0x1d8: {  	s31 =	sadd.s32 $0xFFFFFFD0, s4;
	s20 =	sadd.s32 $0x8, s20;
	v6 =	vadd.s32 s28, v0;
	v9 =	vadd.s32 s28, v1;
	s28 =	sadd.s32 $0xFFFFFFC0, s4;
	v10 =	vadd.s32 s30, v0;
	[tilespmem:s15+$0x10050] =	vst.add.f32.msk $0xffff, v5  }
0x1d9: {  	s0 =	sadd.s32 $0xFFFFFF90, s4;
	v5 =	vadd.s32 s29, v0;
	v11 =	vadd.s32 s29, v1;
	s29 =	sadd.s32 $0xFFFFFFE0, s4;
	v12 =	vadd.s32 s30, v1;
	p0 =	slt.u32 s20, $0x38;
	[tilespmem:s11+$0x100D0] =	vst.add.f32.msk $0xffff, v4  }
0x1da: {  	v13 =	vadd.s32 s0, v1;
	v4 =	vadd.s32 s0, v0;
	v14 =	vadd.s32 s28, v0;
	[tilespmem:s15+$0x10070] =	vst.add.f32.msk $0xffff, v2  }
0x1db: {  	v16 =	vadd.s32 s31, v0;
	v17 =	vadd.s32 s31, v1;
	v15 =	vadd.s32 s28, v1;
	[tilespmem:s11+$0x100F0] =	vst.add.f32.msk $0xffff, v3  }
0x1dc: {  	v18 =	vadd.s32 s29, v1;
	v3 =	vadd.s32 s29, v0;
	v2 =	vld.idx.msk [tilespmem:v7+s16+$0x0], $0xffff  }
0x1dd: {  	v7 =	vld.idx.msk [tilespmem:v10+s16+$0x0], $0xffff  }
0x1de: {  	v10 =	vld.idx.msk [tilespmem:v12+s16+$0x0], $0xffff  }
0x1df: {  	v12 =	vld.idx.msk [tilespmem:v4+s16+$0x0], $0xffff  }
0x1e0: {  	v13 =	vld.idx.msk [tilespmem:v13+s16+$0x0], $0xffff  }
0x1e1: {  	s19 =	sadd.s32 $0x400, s19;
	v19 =	vld.idx.msk [tilespmem:v6+s16+$0x0], $0xffff  }
0x1e2: {  	s15 =	sadd.s32 s17, s19;
	v9 =	vld.idx.msk [tilespmem:v9+s16+$0x0], $0xffff  }
0x1e3: {  	s11 =	sadd.s32 s22, s19;
	[tilespmem:s15+$0x10060] =	vst.add.f32.msk $0xffff, v7  }
0x1e4: {  	[tilespmem:s11+$0x100E0] =	vst.add.f32.msk $0xffff, v10  }
0x1e5: {  	v7 =	vld.idx.msk [tilespmem:v5+s16+$0x0], $0xffff  }
0x1e6: {  	v10 =	vld.idx.msk [tilespmem:v11+s16+$0x0], $0xffff  }
0x1e7: {  	v11 =	vld.idx.msk [tilespmem:v14+s16+$0x0], $0xffff  }
0x1e8: {  	v14 =	vld.idx.msk [tilespmem:v15+s16+$0x0], $0xffff  }
0x1e9: {  	v15 =	vld.idx.msk [tilespmem:v16+s16+$0x0], $0xffff  }
0x1ea: {  	v6 =	vld.idx.msk [tilespmem:v17+s16+$0x0], $0xffff  }
0x1eb: {  	v5 =	vld.idx.msk [tilespmem:v3+s16+$0x0], $0xffff  }
0x1ec: {  	v4 =	vld.idx.msk [tilespmem:v18+s16+$0x0], $0xffff  }
0x1ed: {  	v3 =	vld.idx.msk [tilespmem:v8+s16+$0x0], $0xffff  }
0x1ee: {  	[tilespmem:s15+$0x10000] =	vst.add.f32.msk $0xffff, v12  }
0x1ef: {  	[tilespmem:s11+$0x10080] =	vst.add.f32.msk $0xffff, v13  }
0x1f0: {  	[tilespmem:s15+$0x10010] =	vst.add.f32.msk $0xffff, v19  }
0x1f1: {  	[tilespmem:s11+$0x10090] =	vst.add.f32.msk $0xffff, v9  }
.Ltmp8:
0x1f2: {  	[tilespmem:s15+$0x10020] =	vst.add.f32.msk $0xffff, v7;
	(pc) =	sbr.rel @p0 .LBB2_20-.Ltmp8, $4  }
0x1f3: {  	[tilespmem:s11+$0x100A0] =	vst.add.f32.msk $0xffff, v10  }
0x1f4: {  	[tilespmem:s15+$0x10030] =	vst.add.f32.msk $0xffff, v11  }
0x1f5: {  	[tilespmem:s11+$0x100B0] =	vst.add.f32.msk $0xffff, v14  }
0x1f6: {  	s4 =	sadd.s32 $0x80, s4;
	[tilespmem:s15+$0x10040] =	vst.add.f32.msk $0xffff, v15  }
0x1f7: {  	p0 =	slt.u32 s14, $0xE  }
.Ltmp9:
0x1f8: {  	[tilespmem:s11+$0x100C0] =	vst.add.f32.msk $0xffff, v6;
	(pc) =	sbr.rel @p0 .LBB2_19-.Ltmp9, $4  }
0x1f9: {  	[tilespmem:s15+$0x10050] =	vst.add.f32.msk $0xffff, v5  }
0x1fa: {  	[tilespmem:s15+$0x10070] =	vst.add.f32.msk $0xffff, v2  }
0x1fb: {  	s0 =	sadd.s32 $0x2, s14;
	s10 =	sadd.s32 $0x1, s10;
	[tilespmem:s11+$0x100D0] =	vst.add.f32.msk $0xffff, v4  }
0x1fc: {  	s23 =	sadd.s32 $0x800, s23;
	s21 =	sadd.s32 $0x2, s21;
	[tilespmem:s11+$0x100F0] =	vst.add.f32.msk $0xffff, v3;
	s14 =	smov.u32 s0  }
0x1fd: {  	s0 =	rddreg [dreg:$0x19]  }
0x1fe: {  	s0 =	sadd.s32 s8, s0  }
0x1ff: {  	s23 =	simm.s32 $0x0;
	s0 =	sshll.u32 s0, $0x7  }
0x200: {  	s3 =	simm.s32 $0x10000;
	s21 =	simm.s32 $0x6;
	s0 =	sadd.s32 s2, s0  }
0x201: {  	[hbm4b:s0+s23] =	stream.linear.scatter [tilespmem:s3], [sflag:$0x11], $0x4000, $0x38;
	[tilespmem:$0x1BC00] =	vst v63  }
0x202: {  	_ =	swait.ge [sflag:s21], $0x4000  }
0x203: {  	[sflag:s21] =	ssyncset.done $0x0  }
0x204: {  	s22 =	simm.s32 $0xC;
	[sflag:s21] =	ssyncadd.s32 $0xFFFFC000  }
0x205: {  	_ =	swait.ge [sflag:s22], $0x800  }
0x206: {  	[sflag:s22] =	ssyncset.done $0x0  }
0x207: {  	s28 =	simm.s32 $0x10;
	[sflag:s22] =	ssyncadd.s32 $0xFFFFF800  }
0x208: {  	_ =	swait.ge [sflag:s28], $0x4000  }
0x209: {  	s29 =	rddreg [dreg:$0x1c]  }
0x20a: {  	s30 =	simm.s32 $0xC000;
	s31 =	simm.s32 $0x19800;
	s0 =	sadd.s32 s8, s29  }
0x20b: {  	s10 =	simm.s32 $0x0;
	[sflag:s28] =	ssyncset.done $0x0;
	s21 =	sshll.u32 s0, $0x7  }
0x20c: {  	[sflag:s28] =	ssyncadd.s32 $0xFFFFC000;
	s0 =	sshll.u32 s0, $0x4;
	s4 =	sadd.s32 s1, s21  }
0x20d: {  	[tilespmem:s30], [sflag:$0x4] =	stream.linear.gather [hbm4b:s4+s23], $0x4000, $0x38;
	[tilespmem:$0x1BC00] =	vst v63  }
0x20e: {  	s14 =	simm.s32 $0x0;
	s19 =	simm.s32 $0x0;
	s0 =	sadd.s32 s5, s0  }
0x20f: {  	[tilespmem:s31], [sflag:$0xA] =	stream.linear.gather [hbm4b:s0+s23], $0x800, $0x38;
	[tilespmem:$0x1BC00] =	vst v63  }
.LBB2_23:
0x210: {  	s0 =	sshll.u32 s23, $0x7  }
0x211: {  	s4 =	sand.u32 $0x3FFFFF80, s0  }
0x212: {  	v0 =	vld [tilespmem:s4+$0x1A800];
	_ =	sdelay $0x2  }
0x213: {  	s0 =	sor.u32 $0x80, s0  }
0x214: {  	s3 =	simm.s32 $0x70;
	s0 =	sand.u32 $0x3FFFFF80, s0  }
0x215: {  	s17 =	simm.s32 $0x60;
	v1 =	vld [tilespmem:s0+$0x1A800];
	v2 =	vadd.s32 s3, v0  }
0x216: {  	s11 =	simm.s32 $0x0;
	v3 =	vadd.s32 s17, v0  }
0x217: {  	s20 =	simm.s32 $0x10;
	v5 =	vadd.s32 s11, v0  }
0x218: {  	s30 =	simm.s32 $0x30;
	v7 =	vadd.s32 s20, v0  }
0x219: {  	v11 =	vadd.s32 s30, v0  }
0x21a: {  	v4 =	vadd.s32 s17, v1;
	v2 =	vld.idx.msk [tilespmem:v2+s16+$0x0], $0xffff  }
0x21b: {  	v6 =	vadd.s32 s11, v1;
	v3 =	vld.idx.msk [tilespmem:v3+s16+$0x0], $0xffff  }
0x21c: {  	v8 =	vadd.s32 s20, v1;
	v9 =	vld.idx.msk [tilespmem:v5+s16+$0x0], $0xffff  }
0x21d: {  	v12 =	vadd.s32 s30, v1;
	v7 =	vld.idx.msk [tilespmem:v7+s16+$0x0], $0xffff  }
0x21e: {  	s29 =	simm.s32 $0x20;
	v11 =	vld.idx.msk [tilespmem:v11+s16+$0x0], $0xffff  }
0x21f: {  	s22 =	sand.u32 $0x3, s19;
	v5 =	vadd.s32 s29, v0;
	v4 =	vld.idx.msk [tilespmem:v4+s16+$0x0], $0xffff  }
0x220: {  	s4 =	sshll.u32 s22, $0xA;
	v10 =	vld.idx.msk [tilespmem:v6+s16+$0x0], $0xffff  }
0x221: {  	s22 =	sshrl.u32 s4, $0x2;
	s17 =	sand.u32 $0x3FFFE000, s14;
	v8 =	vld.idx.msk [tilespmem:v8+s16+$0x0], $0xffff  }
0x222: {  	s20 =	sadd.s32 s22, s17;
	v12 =	vld.idx.msk [tilespmem:v12+s16+$0x0], $0xffff  }
0x223: {  	[tilespmem:s20+$0x14060] =	vst.add.f32.msk $0xffff, v3  }
0x224: {  	s15 =	sand.u32 $0x7, s10;
	v6 =	vadd.s32 s29, v1;
	v13 =	vld.idx.msk [tilespmem:v5+s16+$0x0], $0xffff  }
0x225: {  	s15 =	sshll.u32 s15, $0x9;
	[tilespmem:s20+$0x14000] =	vst.add.f32.msk $0xffff, v9  }
0x226: {  	s11 =	sshrl.u32 s15, $0x2;
	[tilespmem:s20+$0x14010] =	vst.add.f32.msk $0xffff, v7  }
0x227: {  	s28 =	simm.s32 $0x40;
	s15 =	sadd.s32 s11, s17;
	[tilespmem:s20+$0x14030] =	vst.add.f32.msk $0xffff, v11  }
0x228: {  	s31 =	simm.s32 $0x50;
	v3 =	vadd.s32 s28, v0;
	[tilespmem:s15+$0x140E0] =	vst.add.f32.msk $0xffff, v4  }
0x229: {  	v5 =	vadd.s32 s31, v0;
	v14 =	vld.idx.msk [tilespmem:v6+s16+$0x0], $0xffff  }
0x22a: {  	v16 =	vadd.s32 s3, v1;
	[tilespmem:s15+$0x14080] =	vst.add.f32.msk $0xffff, v10  }
0x22b: {  	v4 =	vadd.s32 s28, v1;
	[tilespmem:s15+$0x14090] =	vst.add.f32.msk $0xffff, v8  }
0x22c: {  	[tilespmem:s15+$0x140B0] =	vst.add.f32.msk $0xffff, v12  }
0x22d: {  	v15 =	vadd.s32 s31, v1;
	v17 =	vld.idx.msk [tilespmem:v3+s16+$0x0], $0xffff  }
0x22e: {  	v5 =	vld.idx.msk [tilespmem:v5+s16+$0x0], $0xffff  }
0x22f: {  	v3 =	vld.idx.msk [tilespmem:v16+s16+$0x0], $0xffff  }
0x230: {  	v6 =	vld.idx.msk [tilespmem:v4+s16+$0x0], $0xffff  }
0x231: {  	[tilespmem:s20+$0x14020] =	vst.add.f32.msk $0xffff, v13  }
0x232: {  	v4 =	vld.idx.msk [tilespmem:v15+s16+$0x0], $0xffff  }
0x233: {  	[tilespmem:s15+$0x140A0] =	vst.add.f32.msk $0xffff, v14  }
0x234: {  	s4 =	simm.s32 $0x0;
	s28 =	simm.s32 $0xF0;
	[tilespmem:s20+$0x14040] =	vst.add.f32.msk $0xffff, v17  }
.LBB2_24:
0x235: {  	s0 =	sadd.s32 $0xFFFFFFA0, s28;
	s29 =	sadd.s32 $0xFFFFFFB0, s28;
	s30 =	sadd.s32 $0xFFFFFFF0, s28;
	v7 =	vadd.s32 s28, v0;
	v8 =	vadd.s32 s28, v1;
	[tilespmem:s15+$0x140C0] =	vst.add.f32.msk $0xffff, v6  }
0x236: {  	s31 =	sadd.s32 $0xFFFFFFD0, s28;
	s4 =	sadd.s32 $0x8, s4;
	v6 =	vadd.s32 s0, v0;
	v9 =	vadd.s32 s0, v1;
	s0 =	sadd.s32 $0xFFFFFFC0, s28;
	v10 =	vadd.s32 s30, v0;
	[tilespmem:s20+$0x14050] =	vst.add.f32.msk $0xffff, v5  }
0x237: {  	s3 =	sadd.s32 $0xFFFFFF90, s28;
	v5 =	vadd.s32 s29, v0;
	v11 =	vadd.s32 s29, v1;
	s29 =	sadd.s32 $0xFFFFFFE0, s28;
	v12 =	vadd.s32 s30, v1;
	p0 =	slt.u32 s4, $0x38;
	[tilespmem:s15+$0x140D0] =	vst.add.f32.msk $0xffff, v4  }
0x238: {  	v13 =	vadd.s32 s3, v1;
	v4 =	vadd.s32 s3, v0;
	v14 =	vadd.s32 s0, v0;
	[tilespmem:s20+$0x14070] =	vst.add.f32.msk $0xffff, v2  }
0x239: {  	v16 =	vadd.s32 s31, v0;
	v17 =	vadd.s32 s31, v1;
	v15 =	vadd.s32 s0, v1;
	[tilespmem:s15+$0x140F0] =	vst.add.f32.msk $0xffff, v3  }
0x23a: {  	v18 =	vadd.s32 s29, v1;
	v3 =	vadd.s32 s29, v0;
	v2 =	vld.idx.msk [tilespmem:v7+s16+$0x0], $0xffff  }
0x23b: {  	v7 =	vld.idx.msk [tilespmem:v10+s16+$0x0], $0xffff  }
0x23c: {  	v10 =	vld.idx.msk [tilespmem:v12+s16+$0x0], $0xffff  }
0x23d: {  	v12 =	vld.idx.msk [tilespmem:v4+s16+$0x0], $0xffff  }
0x23e: {  	v13 =	vld.idx.msk [tilespmem:v13+s16+$0x0], $0xffff  }
0x23f: {  	s17 =	sadd.s32 $0x400, s17;
	v19 =	vld.idx.msk [tilespmem:v6+s16+$0x0], $0xffff  }
0x240: {  	s20 =	sadd.s32 s22, s17;
	v9 =	vld.idx.msk [tilespmem:v9+s16+$0x0], $0xffff  }
0x241: {  	s15 =	sadd.s32 s11, s17;
	[tilespmem:s20+$0x14060] =	vst.add.f32.msk $0xffff, v7  }
0x242: {  	[tilespmem:s15+$0x140E0] =	vst.add.f32.msk $0xffff, v10  }
0x243: {  	v7 =	vld.idx.msk [tilespmem:v5+s16+$0x0], $0xffff  }
0x244: {  	v10 =	vld.idx.msk [tilespmem:v11+s16+$0x0], $0xffff  }
0x245: {  	v11 =	vld.idx.msk [tilespmem:v14+s16+$0x0], $0xffff  }
0x246: {  	v14 =	vld.idx.msk [tilespmem:v15+s16+$0x0], $0xffff  }
0x247: {  	v15 =	vld.idx.msk [tilespmem:v16+s16+$0x0], $0xffff  }
0x248: {  	v6 =	vld.idx.msk [tilespmem:v17+s16+$0x0], $0xffff  }
0x249: {  	v5 =	vld.idx.msk [tilespmem:v3+s16+$0x0], $0xffff  }
0x24a: {  	v4 =	vld.idx.msk [tilespmem:v18+s16+$0x0], $0xffff  }
0x24b: {  	v3 =	vld.idx.msk [tilespmem:v8+s16+$0x0], $0xffff  }
0x24c: {  	[tilespmem:s20+$0x14000] =	vst.add.f32.msk $0xffff, v12  }
0x24d: {  	[tilespmem:s15+$0x14080] =	vst.add.f32.msk $0xffff, v13  }
0x24e: {  	[tilespmem:s20+$0x14010] =	vst.add.f32.msk $0xffff, v19  }
0x24f: {  	[tilespmem:s15+$0x14090] =	vst.add.f32.msk $0xffff, v9  }
.Ltmp10:
0x250: {  	[tilespmem:s20+$0x14020] =	vst.add.f32.msk $0xffff, v7;
	(pc) =	sbr.rel @p0 .LBB2_24-.Ltmp10, $4  }
0x251: {  	[tilespmem:s15+$0x140A0] =	vst.add.f32.msk $0xffff, v10  }
0x252: {  	[tilespmem:s20+$0x14030] =	vst.add.f32.msk $0xffff, v11  }
0x253: {  	[tilespmem:s15+$0x140B0] =	vst.add.f32.msk $0xffff, v14  }
0x254: {  	s28 =	sadd.s32 $0x80, s28;
	[tilespmem:s20+$0x14040] =	vst.add.f32.msk $0xffff, v15  }
0x255: {  	p0 =	slt.u32 s23, $0xE  }
.Ltmp11:
0x256: {  	[tilespmem:s15+$0x140C0] =	vst.add.f32.msk $0xffff, v6;
	(pc) =	sbr.rel @p0 .LBB2_23-.Ltmp11, $4  }
0x257: {  	[tilespmem:s20+$0x14050] =	vst.add.f32.msk $0xffff, v5  }
0x258: {  	[tilespmem:s20+$0x14070] =	vst.add.f32.msk $0xffff, v2  }
0x259: {  	s0 =	sadd.s32 $0x2, s23;
	s19 =	sadd.s32 $0x1, s19;
	[tilespmem:s15+$0x140D0] =	vst.add.f32.msk $0xffff, v4  }
0x25a: {  	s14 =	sadd.s32 $0x800, s14;
	s10 =	sadd.s32 $0x2, s10;
	[tilespmem:s15+$0x140F0] =	vst.add.f32.msk $0xffff, v3;
	s23 =	smov.u32 s0  }
0x25b: {  	s0 =	rddreg [dreg:$0x1b]  }
0x25c: {  	s0 =	sadd.s32 s8, s0  }
0x25d: {  	s23 =	simm.s32 $0x0;
	s0 =	sshll.u32 s0, $0x7  }
0x25e: {  	s3 =	simm.s32 $0x14000;
	s22 =	simm.s32 $0x1;
	s0 =	sadd.s32 s2, s0  }
0x25f: {  	[hbm4b:s0+s23] =	stream.linear.scatter [tilespmem:s3], [sflag:$0x12], $0x4000, $0x38;
	[tilespmem:$0x1BC00] =	vst v63  }
0x260: {  	_ =	swait.ge [sflag:s22], $0x4000  }
0x261: {  	[sflag:s22] =	ssyncset.done $0x0  }
0x262: {  	[sflag:s22] =	ssyncadd.s32 $0xFFFFC000  }
0x263: {  	_ =	swait.ge [sflag:s26], $0x800  }
0x264: {  	[sflag:s26] =	ssyncset.done $0x0  }
0x265: {  	s4 =	simm.s32 $0x11;
	[sflag:s26] =	ssyncadd.s32 $0xFFFFF800  }
0x266: {  	_ =	swait.ge [sflag:s4], $0x4000  }
0x267: {  	s28 =	rddreg [dreg:$0x1e]  }
0x268: {  	s30 =	simm.s32 $0x10000;
	s31 =	simm.s32 $0x1A000;
	s0 =	sadd.s32 s8, s28  }
0x269: {  	s10 =	simm.s32 $0x0;
	[sflag:s4] =	ssyncset.done $0x0;
	s29 =	sshll.u32 s0, $0x7  }
0x26a: {  	[sflag:s4] =	ssyncadd.s32 $0xFFFFC000;
	s0 =	sshll.u32 s0, $0x4;
	s3 =	sadd.s32 s1, s29  }
0x26b: {  	[tilespmem:s30], [sflag:$0x5] =	stream.linear.gather [hbm4b:s3+s23], $0x4000, $0x38;
	[tilespmem:$0x1BC00] =	vst v63  }
0x26c: {  	s14 =	simm.s32 $0x0;
	s19 =	simm.s32 $0x0;
	s0 =	sadd.s32 s5, s0  }
0x26d: {  	[tilespmem:s31], [sflag:$0xB] =	stream.linear.gather [hbm4b:s0+s23], $0x800, $0x38;
	[tilespmem:$0x1BC00] =	vst v63  }
.LBB2_27:
0x26e: {  	s0 =	sshll.u32 s23, $0x7  }
0x26f: {  	s3 =	sand.u32 $0x3FFFFF80, s0  }
0x270: {  	v0 =	vld [tilespmem:s3+$0x18000];
	_ =	sdelay $0x1  }
0x271: {  	s0 =	sor.u32 $0x80, s0  }
0x272: {  	s0 =	sand.u32 $0x3FFFFF80, s0  }
0x273: {  	v1 =	vld [tilespmem:s0+$0x18000];
	s0 =	simm.s32 $0x70  }
0x274: {  	s11 =	simm.s32 $0x60;
	v2 =	vadd.s32 s0, v0  }
0x275: {  	s4 =	simm.s32 $0x0;
	v3 =	vadd.s32 s11, v0  }
0x276: {  	s15 =	simm.s32 $0x10;
	v5 =	vadd.s32 s4, v0  }
0x277: {  	s29 =	simm.s32 $0x30;
	v7 =	vadd.s32 s15, v0  }
0x278: {  	v11 =	vadd.s32 s29, v0  }
0x279: {  	v4 =	vadd.s32 s11, v1;
	v2 =	vld.idx.msk [tilespmem:v2+s16+$0x0], $0xffff  }
0x27a: {  	v6 =	vadd.s32 s4, v1;
	v3 =	vld.idx.msk [tilespmem:v3+s16+$0x0], $0xffff  }
0x27b: {  	v8 =	vadd.s32 s15, v1;
	v9 =	vld.idx.msk [tilespmem:v5+s16+$0x0], $0xffff  }
0x27c: {  	v12 =	vadd.s32 s29, v1;
	v7 =	vld.idx.msk [tilespmem:v7+s16+$0x0], $0xffff  }
0x27d: {  	s20 =	simm.s32 $0x20;
	v11 =	vld.idx.msk [tilespmem:v11+s16+$0x0], $0xffff  }
0x27e: {  	s17 =	sand.u32 $0x3, s19;
	v5 =	vadd.s32 s20, v0;
	v4 =	vld.idx.msk [tilespmem:v4+s16+$0x0], $0xffff  }
0x27f: {  	s3 =	sshll.u32 s17, $0xA;
	v10 =	vld.idx.msk [tilespmem:v6+s16+$0x0], $0xffff  }
0x280: {  	s17 =	sand.u32 $0x3FFFE000, s14;
	s22 =	sshrl.u32 s3, $0x2;
	v8 =	vld.idx.msk [tilespmem:v8+s16+$0x0], $0xffff  }
0x281: {  	v6 =	vadd.s32 s20, v1;
	s20 =	sadd.s32 s22, s17;
	v12 =	vld.idx.msk [tilespmem:v12+s16+$0x0], $0xffff  }
0x282: {  	[tilespmem:s20+$0x60] =	vst.add.f32.msk $0xffff, v3  }
0x283: {  	s11 =	sand.u32 $0x7, s10;
	v13 =	vld.idx.msk [tilespmem:v5+s16+$0x0], $0xffff  }
0x284: {  	s11 =	sshll.u32 s11, $0x9;
	[tilespmem:s20+$0x0] =	vst.add.f32.msk $0xffff, v9  }
0x285: {  	s11 =	sshrl.u32 s11, $0x2;
	[tilespmem:s20+$0x10] =	vst.add.f32.msk $0xffff, v7  }
0x286: {  	s30 =	simm.s32 $0x40;
	s15 =	sadd.s32 s11, s17;
	[tilespmem:s20+$0x30] =	vst.add.f32.msk $0xffff, v11  }
0x287: {  	s31 =	simm.s32 $0x50;
	v3 =	vadd.s32 s30, v0;
	[tilespmem:s15+$0xE0] =	vst.add.f32.msk $0xffff, v4  }
0x288: {  	v5 =	vadd.s32 s31, v0;
	v14 =	vld.idx.msk [tilespmem:v6+s16+$0x0], $0xffff  }
0x289: {  	v16 =	vadd.s32 s0, v1;
	[tilespmem:s15+$0x80] =	vst.add.f32.msk $0xffff, v10  }
0x28a: {  	v4 =	vadd.s32 s30, v1;
	[tilespmem:s15+$0x90] =	vst.add.f32.msk $0xffff, v8  }
0x28b: {  	[tilespmem:s15+$0xB0] =	vst.add.f32.msk $0xffff, v12  }
0x28c: {  	v15 =	vadd.s32 s31, v1;
	v17 =	vld.idx.msk [tilespmem:v3+s16+$0x0], $0xffff  }
0x28d: {  	v5 =	vld.idx.msk [tilespmem:v5+s16+$0x0], $0xffff  }
0x28e: {  	v3 =	vld.idx.msk [tilespmem:v16+s16+$0x0], $0xffff  }
0x28f: {  	v6 =	vld.idx.msk [tilespmem:v4+s16+$0x0], $0xffff  }
0x290: {  	[tilespmem:s20+$0x20] =	vst.add.f32.msk $0xffff, v13  }
0x291: {  	v4 =	vld.idx.msk [tilespmem:v15+s16+$0x0], $0xffff  }
0x292: {  	[tilespmem:s15+$0xA0] =	vst.add.f32.msk $0xffff, v14  }
0x293: {  	s28 =	simm.s32 $0xF0;
	s4 =	simm.s32 $0x0;
	[tilespmem:s20+$0x40] =	vst.add.f32.msk $0xffff, v17  }
.LBB2_28:
0x294: {  	s0 =	sadd.s32 $0xFFFFFFA0, s28;
	s3 =	sadd.s32 $0xFFFFFFB0, s28;
	s29 =	sadd.s32 $0xFFFFFFF0, s28;
	v7 =	vadd.s32 s28, v0;
	v8 =	vadd.s32 s28, v1;
	[tilespmem:s15+$0xC0] =	vst.add.f32.msk $0xffff, v6  }
0x295: {  	s30 =	sadd.s32 $0xFFFFFFD0, s28;
	s4 =	sadd.s32 $0x8, s4;
	v6 =	vadd.s32 s0, v0;
	v9 =	vadd.s32 s0, v1;
	s0 =	sadd.s32 $0xFFFFFFC0, s28;
	v10 =	vadd.s32 s29, v0;
	[tilespmem:s20+$0x50] =	vst.add.f32.msk $0xffff, v5  }
0x296: {  	s31 =	sadd.s32 $0xFFFFFF90, s28;
	v5 =	vadd.s32 s3, v0;
	v11 =	vadd.s32 s3, v1;
	s3 =	sadd.s32 $0xFFFFFFE0, s28;
	v12 =	vadd.s32 s29, v1;
	p0 =	slt.u32 s4, $0x38;
	[tilespmem:s15+$0xD0] =	vst.add.f32.msk $0xffff, v4  }
0x297: {  	v13 =	vadd.s32 s31, v1;
	v4 =	vadd.s32 s31, v0;
	v14 =	vadd.s32 s0, v0;
	[tilespmem:s20+$0x70] =	vst.add.f32.msk $0xffff, v2  }
0x298: {  	v16 =	vadd.s32 s30, v0;
	v17 =	vadd.s32 s30, v1;
	v15 =	vadd.s32 s0, v1;
	[tilespmem:s15+$0xF0] =	vst.add.f32.msk $0xffff, v3  }
0x299: {  	v18 =	vadd.s32 s3, v1;
	v3 =	vadd.s32 s3, v0;
	v2 =	vld.idx.msk [tilespmem:v7+s16+$0x0], $0xffff  }
0x29a: {  	v7 =	vld.idx.msk [tilespmem:v10+s16+$0x0], $0xffff  }
0x29b: {  	v10 =	vld.idx.msk [tilespmem:v12+s16+$0x0], $0xffff  }
0x29c: {  	v12 =	vld.idx.msk [tilespmem:v4+s16+$0x0], $0xffff  }
0x29d: {  	v13 =	vld.idx.msk [tilespmem:v13+s16+$0x0], $0xffff  }
0x29e: {  	s17 =	sadd.s32 $0x400, s17;
	v19 =	vld.idx.msk [tilespmem:v6+s16+$0x0], $0xffff  }
0x29f: {  	s20 =	sadd.s32 s22, s17;
	v9 =	vld.idx.msk [tilespmem:v9+s16+$0x0], $0xffff  }
0x2a0: {  	s15 =	sadd.s32 s11, s17;
	[tilespmem:s20+$0x60] =	vst.add.f32.msk $0xffff, v7  }
0x2a1: {  	[tilespmem:s15+$0xE0] =	vst.add.f32.msk $0xffff, v10  }
0x2a2: {  	v7 =	vld.idx.msk [tilespmem:v5+s16+$0x0], $0xffff  }
0x2a3: {  	v10 =	vld.idx.msk [tilespmem:v11+s16+$0x0], $0xffff  }
0x2a4: {  	v11 =	vld.idx.msk [tilespmem:v14+s16+$0x0], $0xffff  }
0x2a5: {  	v14 =	vld.idx.msk [tilespmem:v15+s16+$0x0], $0xffff  }
0x2a6: {  	v15 =	vld.idx.msk [tilespmem:v16+s16+$0x0], $0xffff  }
0x2a7: {  	v6 =	vld.idx.msk [tilespmem:v17+s16+$0x0], $0xffff  }
0x2a8: {  	v5 =	vld.idx.msk [tilespmem:v3+s16+$0x0], $0xffff  }
0x2a9: {  	v4 =	vld.idx.msk [tilespmem:v18+s16+$0x0], $0xffff  }
0x2aa: {  	v3 =	vld.idx.msk [tilespmem:v8+s16+$0x0], $0xffff  }
0x2ab: {  	[tilespmem:s20+$0x0] =	vst.add.f32.msk $0xffff, v12  }
0x2ac: {  	[tilespmem:s15+$0x80] =	vst.add.f32.msk $0xffff, v13  }
0x2ad: {  	[tilespmem:s20+$0x10] =	vst.add.f32.msk $0xffff, v19  }
0x2ae: {  	[tilespmem:s15+$0x90] =	vst.add.f32.msk $0xffff, v9  }
.Ltmp12:
0x2af: {  	[tilespmem:s20+$0x20] =	vst.add.f32.msk $0xffff, v7;
	(pc) =	sbr.rel @p0 .LBB2_28-.Ltmp12, $4  }
0x2b0: {  	[tilespmem:s15+$0xA0] =	vst.add.f32.msk $0xffff, v10  }
0x2b1: {  	[tilespmem:s20+$0x30] =	vst.add.f32.msk $0xffff, v11  }
0x2b2: {  	[tilespmem:s15+$0xB0] =	vst.add.f32.msk $0xffff, v14  }
0x2b3: {  	s28 =	sadd.s32 $0x80, s28;
	[tilespmem:s20+$0x40] =	vst.add.f32.msk $0xffff, v15  }
0x2b4: {  	p0 =	slt.u32 s23, $0xE  }
.Ltmp13:
0x2b5: {  	[tilespmem:s15+$0xC0] =	vst.add.f32.msk $0xffff, v6;
	(pc) =	sbr.rel @p0 .LBB2_27-.Ltmp13, $4  }
0x2b6: {  	[tilespmem:s20+$0x50] =	vst.add.f32.msk $0xffff, v5  }
0x2b7: {  	[tilespmem:s20+$0x70] =	vst.add.f32.msk $0xffff, v2  }
0x2b8: {  	s0 =	sadd.s32 $0x2, s23;
	s19 =	sadd.s32 $0x1, s19;
	[tilespmem:s15+$0xD0] =	vst.add.f32.msk $0xffff, v4  }
0x2b9: {  	s14 =	sadd.s32 $0x800, s14;
	s10 =	sadd.s32 $0x2, s10;
	[tilespmem:s15+$0xF0] =	vst.add.f32.msk $0xffff, v3;
	s23 =	smov.u32 s0  }
0x2ba: {  	s0 =	rddreg [dreg:$0x1d]  }
0x2bb: {  	s0 =	sadd.s32 s8, s0  }
0x2bc: {  	s0 =	sshll.u32 s0, $0x7  }
0x2bd: {  	s23 =	simm.s32 $0x0;
	s0 =	sadd.s32 s2, s0  }
0x2be: {  	[hbm4b:s0+s23] =	stream.linear.scatter [tilespmem:s23], [sflag:$0xD], $0x4000, $0x38;
	[tilespmem:$0x1BC00] =	vst v63  }
0x2bf: {  	_ =	swait.ge [sflag:s12], $0x4000  }
0x2c0: {  	[sflag:s12] =	ssyncset.done $0x0  }
0x2c1: {  	[sflag:s12] =	ssyncadd.s32 $0xFFFFC000  }
0x2c2: {  	_ =	swait.ge [sflag:s13], $0x800  }
0x2c3: {  	[sflag:s13] =	ssyncset.done $0x0  }
0x2c4: {  	s4 =	simm.s32 $0x12;
	[sflag:s13] =	ssyncadd.s32 $0xFFFFF800  }
0x2c5: {  	_ =	swait.ge [sflag:s4], $0x4000  }
0x2c6: {  	s29 =	sld [smem:$0x7F6];
	_ =	sdelay $0x2  }
0x2c7: {  	s30 =	simm.s32 $0x14000;
	s31 =	simm.s32 $0x1A800;
	s0 =	sadd.s32 s8, s29  }
0x2c8: {  	s10 =	simm.s32 $0x0;
	[sflag:s4] =	ssyncset.done $0x0;
	s3 =	sshll.u32 s0, $0x7  }
0x2c9: {  	[sflag:s4] =	ssyncadd.s32 $0xFFFFC000;
	s0 =	sshll.u32 s0, $0x4;
	s3 =	sadd.s32 s1, s3  }
0x2ca: {  	[tilespmem:s30], [sflag:$0x6] =	stream.linear.gather [hbm4b:s3+s23], $0x4000, $0x38;
	[tilespmem:$0x1BC00] =	vst v63  }
0x2cb: {  	s14 =	simm.s32 $0x0;
	s19 =	simm.s32 $0x0;
	s0 =	sadd.s32 s5, s0  }
0x2cc: {  	[tilespmem:s31], [sflag:$0xC] =	stream.linear.gather [hbm4b:s0+s23], $0x800, $0x38;
	[tilespmem:$0x1BC00] =	vst v63  }
.LBB2_31:
0x2cd: {  	s0 =	sshll.u32 s23, $0x7  }
0x2ce: {  	s3 =	sand.u32 $0x3FFFFF80, s0  }
0x2cf: {  	v0 =	vld [tilespmem:s3+$0x18800];
	_ =	sdelay $0x1  }
0x2d0: {  	s0 =	sor.u32 $0x80, s0  }
0x2d1: {  	s0 =	sand.u32 $0x3FFFFF80, s0  }
0x2d2: {  	v1 =	vld [tilespmem:s0+$0x18800];
	s0 =	simm.s32 $0x70  }
0x2d3: {  	s11 =	simm.s32 $0x60;
	v2 =	vadd.s32 s0, v0  }
0x2d4: {  	s4 =	simm.s32 $0x0;
	v3 =	vadd.s32 s11, v0  }
0x2d5: {  	s15 =	simm.s32 $0x10;
	v5 =	vadd.s32 s4, v0  }
0x2d6: {  	s29 =	simm.s32 $0x30;
	v7 =	vadd.s32 s15, v0  }
0x2d7: {  	v11 =	vadd.s32 s29, v0  }
0x2d8: {  	v4 =	vadd.s32 s11, v1;
	v2 =	vld.idx.msk [tilespmem:v2+s16+$0x0], $0xffff  }
0x2d9: {  	v6 =	vadd.s32 s4, v1;
	v3 =	vld.idx.msk [tilespmem:v3+s16+$0x0], $0xffff  }
0x2da: {  	v8 =	vadd.s32 s15, v1;
	v9 =	vld.idx.msk [tilespmem:v5+s16+$0x0], $0xffff  }
0x2db: {  	v12 =	vadd.s32 s29, v1;
	v7 =	vld.idx.msk [tilespmem:v7+s16+$0x0], $0xffff  }
0x2dc: {  	s20 =	simm.s32 $0x20;
	v11 =	vld.idx.msk [tilespmem:v11+s16+$0x0], $0xffff  }
0x2dd: {  	s17 =	sand.u32 $0x3, s19;
	v5 =	vadd.s32 s20, v0;
	v4 =	vld.idx.msk [tilespmem:v4+s16+$0x0], $0xffff  }
0x2de: {  	s3 =	sshll.u32 s17, $0xA;
	v10 =	vld.idx.msk [tilespmem:v6+s16+$0x0], $0xffff  }
0x2df: {  	s17 =	sand.u32 $0x3FFFE000, s14;
	s22 =	sshrl.u32 s3, $0x2;
	v8 =	vld.idx.msk [tilespmem:v8+s16+$0x0], $0xffff  }
0x2e0: {  	v6 =	vadd.s32 s20, v1;
	s20 =	sadd.s32 s22, s17;
	v12 =	vld.idx.msk [tilespmem:v12+s16+$0x0], $0xffff  }
0x2e1: {  	[tilespmem:s20+$0x4060] =	vst.add.f32.msk $0xffff, v3  }
0x2e2: {  	s11 =	sand.u32 $0x7, s10;
	v13 =	vld.idx.msk [tilespmem:v5+s16+$0x0], $0xffff  }
0x2e3: {  	s11 =	sshll.u32 s11, $0x9;
	[tilespmem:s20+$0x4000] =	vst.add.f32.msk $0xffff, v9  }
0x2e4: {  	s11 =	sshrl.u32 s11, $0x2;
	[tilespmem:s20+$0x4010] =	vst.add.f32.msk $0xffff, v7  }
0x2e5: {  	s30 =	simm.s32 $0x40;
	s15 =	sadd.s32 s11, s17;
	[tilespmem:s20+$0x4030] =	vst.add.f32.msk $0xffff, v11  }
0x2e6: {  	s31 =	simm.s32 $0x50;
	v3 =	vadd.s32 s30, v0;
	[tilespmem:s15+$0x40E0] =	vst.add.f32.msk $0xffff, v4  }
0x2e7: {  	v5 =	vadd.s32 s31, v0;
	v14 =	vld.idx.msk [tilespmem:v6+s16+$0x0], $0xffff  }
0x2e8: {  	v16 =	vadd.s32 s0, v1;
	[tilespmem:s15+$0x4080] =	vst.add.f32.msk $0xffff, v10  }
0x2e9: {  	v4 =	vadd.s32 s30, v1;
	[tilespmem:s15+$0x4090] =	vst.add.f32.msk $0xffff, v8  }
0x2ea: {  	[tilespmem:s15+$0x40B0] =	vst.add.f32.msk $0xffff, v12  }
0x2eb: {  	v15 =	vadd.s32 s31, v1;
	v17 =	vld.idx.msk [tilespmem:v3+s16+$0x0], $0xffff  }
0x2ec: {  	v5 =	vld.idx.msk [tilespmem:v5+s16+$0x0], $0xffff  }
0x2ed: {  	v3 =	vld.idx.msk [tilespmem:v16+s16+$0x0], $0xffff  }
0x2ee: {  	v6 =	vld.idx.msk [tilespmem:v4+s16+$0x0], $0xffff  }
0x2ef: {  	[tilespmem:s20+$0x4020] =	vst.add.f32.msk $0xffff, v13  }
0x2f0: {  	v4 =	vld.idx.msk [tilespmem:v15+s16+$0x0], $0xffff  }
0x2f1: {  	[tilespmem:s15+$0x40A0] =	vst.add.f32.msk $0xffff, v14  }
0x2f2: {  	s28 =	simm.s32 $0xF0;
	s4 =	simm.s32 $0x0;
	[tilespmem:s20+$0x4040] =	vst.add.f32.msk $0xffff, v17  }
.LBB2_32:
0x2f3: {  	s0 =	sadd.s32 $0xFFFFFFA0, s28;
	s3 =	sadd.s32 $0xFFFFFFB0, s28;
	s29 =	sadd.s32 $0xFFFFFFF0, s28;
	v7 =	vadd.s32 s28, v0;
	v8 =	vadd.s32 s28, v1;
	[tilespmem:s15+$0x40C0] =	vst.add.f32.msk $0xffff, v6  }
0x2f4: {  	s30 =	sadd.s32 $0xFFFFFFD0, s28;
	s4 =	sadd.s32 $0x8, s4;
	v6 =	vadd.s32 s0, v0;
	v9 =	vadd.s32 s0, v1;
	s0 =	sadd.s32 $0xFFFFFFC0, s28;
	v10 =	vadd.s32 s29, v0;
	[tilespmem:s20+$0x4050] =	vst.add.f32.msk $0xffff, v5  }
0x2f5: {  	s31 =	sadd.s32 $0xFFFFFF90, s28;
	v5 =	vadd.s32 s3, v0;
	v11 =	vadd.s32 s3, v1;
	s3 =	sadd.s32 $0xFFFFFFE0, s28;
	v12 =	vadd.s32 s29, v1;
	p0 =	slt.u32 s4, $0x38;
	[tilespmem:s15+$0x40D0] =	vst.add.f32.msk $0xffff, v4  }
0x2f6: {  	v13 =	vadd.s32 s31, v1;
	v4 =	vadd.s32 s31, v0;
	v14 =	vadd.s32 s0, v0;
	[tilespmem:s20+$0x4070] =	vst.add.f32.msk $0xffff, v2  }
0x2f7: {  	v16 =	vadd.s32 s30, v0;
	v17 =	vadd.s32 s30, v1;
	v15 =	vadd.s32 s0, v1;
	[tilespmem:s15+$0x40F0] =	vst.add.f32.msk $0xffff, v3  }
0x2f8: {  	v18 =	vadd.s32 s3, v1;
	v3 =	vadd.s32 s3, v0;
	v2 =	vld.idx.msk [tilespmem:v7+s16+$0x0], $0xffff  }
0x2f9: {  	v7 =	vld.idx.msk [tilespmem:v10+s16+$0x0], $0xffff  }
0x2fa: {  	v10 =	vld.idx.msk [tilespmem:v12+s16+$0x0], $0xffff  }
0x2fb: {  	v12 =	vld.idx.msk [tilespmem:v4+s16+$0x0], $0xffff  }
0x2fc: {  	v13 =	vld.idx.msk [tilespmem:v13+s16+$0x0], $0xffff  }
0x2fd: {  	s17 =	sadd.s32 $0x400, s17;
	v19 =	vld.idx.msk [tilespmem:v6+s16+$0x0], $0xffff  }
0x2fe: {  	s20 =	sadd.s32 s22, s17;
	v9 =	vld.idx.msk [tilespmem:v9+s16+$0x0], $0xffff  }
0x2ff: {  	s15 =	sadd.s32 s11, s17;
	[tilespmem:s20+$0x4060] =	vst.add.f32.msk $0xffff, v7  }
0x300: {  	[tilespmem:s15+$0x40E0] =	vst.add.f32.msk $0xffff, v10  }
0x301: {  	v7 =	vld.idx.msk [tilespmem:v5+s16+$0x0], $0xffff  }
0x302: {  	v10 =	vld.idx.msk [tilespmem:v11+s16+$0x0], $0xffff  }
0x303: {  	v11 =	vld.idx.msk [tilespmem:v14+s16+$0x0], $0xffff  }
0x304: {  	v14 =	vld.idx.msk [tilespmem:v15+s16+$0x0], $0xffff  }
0x305: {  	v15 =	vld.idx.msk [tilespmem:v16+s16+$0x0], $0xffff  }
0x306: {  	v6 =	vld.idx.msk [tilespmem:v17+s16+$0x0], $0xffff  }
0x307: {  	v5 =	vld.idx.msk [tilespmem:v3+s16+$0x0], $0xffff  }
0x308: {  	v4 =	vld.idx.msk [tilespmem:v18+s16+$0x0], $0xffff  }
0x309: {  	v3 =	vld.idx.msk [tilespmem:v8+s16+$0x0], $0xffff  }
0x30a: {  	[tilespmem:s20+$0x4000] =	vst.add.f32.msk $0xffff, v12  }
0x30b: {  	[tilespmem:s15+$0x4080] =	vst.add.f32.msk $0xffff, v13  }
0x30c: {  	[tilespmem:s20+$0x4010] =	vst.add.f32.msk $0xffff, v19  }
0x30d: {  	[tilespmem:s15+$0x4090] =	vst.add.f32.msk $0xffff, v9  }
.Ltmp14:
0x30e: {  	[tilespmem:s20+$0x4020] =	vst.add.f32.msk $0xffff, v7;
	(pc) =	sbr.rel @p0 .LBB2_32-.Ltmp14, $4  }
0x30f: {  	[tilespmem:s15+$0x40A0] =	vst.add.f32.msk $0xffff, v10  }
0x310: {  	[tilespmem:s20+$0x4030] =	vst.add.f32.msk $0xffff, v11  }
0x311: {  	[tilespmem:s15+$0x40B0] =	vst.add.f32.msk $0xffff, v14  }
0x312: {  	s28 =	sadd.s32 $0x80, s28;
	[tilespmem:s20+$0x4040] =	vst.add.f32.msk $0xffff, v15  }
0x313: {  	p0 =	slt.u32 s23, $0xE  }
.Ltmp15:
0x314: {  	[tilespmem:s15+$0x40C0] =	vst.add.f32.msk $0xffff, v6;
	(pc) =	sbr.rel @p0 .LBB2_31-.Ltmp15, $4  }
0x315: {  	[tilespmem:s20+$0x4050] =	vst.add.f32.msk $0xffff, v5  }
0x316: {  	[tilespmem:s20+$0x4070] =	vst.add.f32.msk $0xffff, v2  }
0x317: {  	s0 =	sadd.s32 $0x2, s23;
	s19 =	sadd.s32 $0x1, s19;
	[tilespmem:s15+$0x40D0] =	vst.add.f32.msk $0xffff, v4  }
0x318: {  	s14 =	sadd.s32 $0x800, s14;
	s10 =	sadd.s32 $0x2, s10;
	[tilespmem:s15+$0x40F0] =	vst.add.f32.msk $0xffff, v3;
	s23 =	smov.u32 s0  }
0x319: {  	s0 =	rddreg [dreg:$0x1f]  }
0x31a: {  	s0 =	sadd.s32 s8, s0  }
0x31b: {  	s0 =	sshll.u32 s0, $0x7  }
0x31c: {  	s23 =	simm.s32 $0x0;
	s28 =	simm.s32 $0x3;
	s0 =	sadd.s32 s2, s0  }
0x31d: {  	[hbm4b:s0+s23] =	stream.linear.scatter [tilespmem:s25], [sflag:$0xE], $0x4000, $0x38;
	[tilespmem:$0x1BC00] =	vst v63  }
0x31e: {  	_ =	swait.ge [sflag:s28], $0x4000  }
0x31f: {  	[sflag:s28] =	ssyncset.done $0x0  }
0x320: {  	s29 =	simm.s32 $0x9;
	[sflag:s28] =	ssyncadd.s32 $0xFFFFC000  }
0x321: {  	_ =	swait.ge [sflag:s29], $0x800  }
0x322: {  	[sflag:s29] =	ssyncset.done $0x0  }
0x323: {  	[sflag:s29] =	ssyncadd.s32 $0xFFFFF800  }
0x324: {  	_ =	swait.ge [sflag:s24], $0x4000  }
0x325: {  	s30 =	sld [smem:$0x7F7];
	_ =	sdelay $0x2  }
0x326: {  	s31 =	simm.s32 $0x18000;
	s0 =	sadd.s32 s8, s30  }
0x327: {  	s10 =	simm.s32 $0x0;
	[sflag:s24] =	ssyncset.done $0x0;
	s3 =	sshll.u32 s0, $0x7  }
0x328: {  	[sflag:s24] =	ssyncadd.s32 $0xFFFFC000;
	s0 =	sshll.u32 s0, $0x4;
	s3 =	sadd.s32 s1, s3  }
0x329: {  	[tilespmem:s23], [sflag:$0x1] =	stream.linear.gather [hbm4b:s3+s23], $0x4000, $0x38;
	[tilespmem:$0x1BC00] =	vst v63  }
0x32a: {  	s14 =	simm.s32 $0x0;
	s19 =	simm.s32 $0x0;
	s0 =	sadd.s32 s5, s0  }
0x32b: {  	[tilespmem:s31], [sflag:$0x7] =	stream.linear.gather [hbm4b:s0+s23], $0x800, $0x38;
	[tilespmem:$0x1BC00] =	vst v63  }
.LBB2_35:
0x32c: {  	s0 =	sshll.u32 s23, $0x7  }
0x32d: {  	s3 =	sand.u32 $0x3FFFFF80, s0  }
0x32e: {  	v0 =	vld [tilespmem:s3+$0x19000];
	_ =	sdelay $0x1  }
0x32f: {  	s0 =	sor.u32 $0x80, s0  }
0x330: {  	s0 =	sand.u32 $0x3FFFFF80, s0  }
0x331: {  	v1 =	vld [tilespmem:s0+$0x19000];
	s0 =	simm.s32 $0x70  }
0x332: {  	s11 =	simm.s32 $0x60;
	v2 =	vadd.s32 s0, v0  }
0x333: {  	s4 =	simm.s32 $0x0;
	v3 =	vadd.s32 s11, v0  }
0x334: {  	s15 =	simm.s32 $0x10;
	v5 =	vadd.s32 s4, v0  }
0x335: {  	s29 =	simm.s32 $0x30;
	v7 =	vadd.s32 s15, v0  }
0x336: {  	v11 =	vadd.s32 s29, v0  }
0x337: {  	v4 =	vadd.s32 s11, v1;
	v2 =	vld.idx.msk [tilespmem:v2+s16+$0x0], $0xffff  }
0x338: {  	v6 =	vadd.s32 s4, v1;
	v3 =	vld.idx.msk [tilespmem:v3+s16+$0x0], $0xffff  }
0x339: {  	v8 =	vadd.s32 s15, v1;
	v9 =	vld.idx.msk [tilespmem:v5+s16+$0x0], $0xffff  }
0x33a: {  	v12 =	vadd.s32 s29, v1;
	v7 =	vld.idx.msk [tilespmem:v7+s16+$0x0], $0xffff  }
0x33b: {  	s20 =	simm.s32 $0x20;
	v11 =	vld.idx.msk [tilespmem:v11+s16+$0x0], $0xffff  }
0x33c: {  	s17 =	sand.u32 $0x3, s19;
	v5 =	vadd.s32 s20, v0;
	v4 =	vld.idx.msk [tilespmem:v4+s16+$0x0], $0xffff  }
0x33d: {  	s3 =	sshll.u32 s17, $0xA;
	v10 =	vld.idx.msk [tilespmem:v6+s16+$0x0], $0xffff  }
0x33e: {  	s17 =	sand.u32 $0x3FFFE000, s14;
	s22 =	sshrl.u32 s3, $0x2;
	v8 =	vld.idx.msk [tilespmem:v8+s16+$0x0], $0xffff  }
0x33f: {  	v6 =	vadd.s32 s20, v1;
	s20 =	sadd.s32 s22, s17;
	v12 =	vld.idx.msk [tilespmem:v12+s16+$0x0], $0xffff  }
0x340: {  	[tilespmem:s20+$0x8060] =	vst.add.f32.msk $0xffff, v3  }
0x341: {  	s11 =	sand.u32 $0x7, s10;
	v13 =	vld.idx.msk [tilespmem:v5+s16+$0x0], $0xffff  }
0x342: {  	s11 =	sshll.u32 s11, $0x9;
	[tilespmem:s20+$0x8000] =	vst.add.f32.msk $0xffff, v9  }
0x343: {  	s11 =	sshrl.u32 s11, $0x2;
	[tilespmem:s20+$0x8010] =	vst.add.f32.msk $0xffff, v7  }
0x344: {  	s30 =	simm.s32 $0x40;
	s15 =	sadd.s32 s11, s17;
	[tilespmem:s20+$0x8030] =	vst.add.f32.msk $0xffff, v11  }
0x345: {  	s31 =	simm.s32 $0x50;
	v3 =	vadd.s32 s30, v0;
	[tilespmem:s15+$0x80E0] =	vst.add.f32.msk $0xffff, v4  }
0x346: {  	v5 =	vadd.s32 s31, v0;
	v14 =	vld.idx.msk [tilespmem:v6+s16+$0x0], $0xffff  }
0x347: {  	v16 =	vadd.s32 s0, v1;
	[tilespmem:s15+$0x8080] =	vst.add.f32.msk $0xffff, v10  }
0x348: {  	v4 =	vadd.s32 s30, v1;
	[tilespmem:s15+$0x8090] =	vst.add.f32.msk $0xffff, v8  }
0x349: {  	[tilespmem:s15+$0x80B0] =	vst.add.f32.msk $0xffff, v12  }
0x34a: {  	v15 =	vadd.s32 s31, v1;
	v17 =	vld.idx.msk [tilespmem:v3+s16+$0x0], $0xffff  }
0x34b: {  	v5 =	vld.idx.msk [tilespmem:v5+s16+$0x0], $0xffff  }
0x34c: {  	v3 =	vld.idx.msk [tilespmem:v16+s16+$0x0], $0xffff  }
0x34d: {  	v6 =	vld.idx.msk [tilespmem:v4+s16+$0x0], $0xffff  }
0x34e: {  	[tilespmem:s20+$0x8020] =	vst.add.f32.msk $0xffff, v13  }
0x34f: {  	v4 =	vld.idx.msk [tilespmem:v15+s16+$0x0], $0xffff  }
0x350: {  	[tilespmem:s15+$0x80A0] =	vst.add.f32.msk $0xffff, v14  }
0x351: {  	s28 =	simm.s32 $0xF0;
	s4 =	simm.s32 $0x0;
	[tilespmem:s20+$0x8040] =	vst.add.f32.msk $0xffff, v17  }
.LBB2_36:
0x352: {  	s0 =	sadd.s32 $0xFFFFFFA0, s28;
	s3 =	sadd.s32 $0xFFFFFFB0, s28;
	s29 =	sadd.s32 $0xFFFFFFF0, s28;
	v7 =	vadd.s32 s28, v0;
	v8 =	vadd.s32 s28, v1;
	[tilespmem:s15+$0x80C0] =	vst.add.f32.msk $0xffff, v6  }
0x353: {  	s30 =	sadd.s32 $0xFFFFFFD0, s28;
	s4 =	sadd.s32 $0x8, s4;
	v6 =	vadd.s32 s0, v0;
	v9 =	vadd.s32 s0, v1;
	s0 =	sadd.s32 $0xFFFFFFC0, s28;
	v10 =	vadd.s32 s29, v0;
	[tilespmem:s20+$0x8050] =	vst.add.f32.msk $0xffff, v5  }
0x354: {  	s31 =	sadd.s32 $0xFFFFFF90, s28;
	v5 =	vadd.s32 s3, v0;
	v11 =	vadd.s32 s3, v1;
	s3 =	sadd.s32 $0xFFFFFFE0, s28;
	v12 =	vadd.s32 s29, v1;
	p0 =	slt.u32 s4, $0x38;
	[tilespmem:s15+$0x80D0] =	vst.add.f32.msk $0xffff, v4  }
0x355: {  	v13 =	vadd.s32 s31, v1;
	v4 =	vadd.s32 s31, v0;
	v14 =	vadd.s32 s0, v0;
	[tilespmem:s20+$0x8070] =	vst.add.f32.msk $0xffff, v2  }
0x356: {  	v16 =	vadd.s32 s30, v0;
	v17 =	vadd.s32 s30, v1;
	v15 =	vadd.s32 s0, v1;
	[tilespmem:s15+$0x80F0] =	vst.add.f32.msk $0xffff, v3  }
0x357: {  	v18 =	vadd.s32 s3, v1;
	v3 =	vadd.s32 s3, v0;
	v2 =	vld.idx.msk [tilespmem:v7+s16+$0x0], $0xffff  }
0x358: {  	v7 =	vld.idx.msk [tilespmem:v10+s16+$0x0], $0xffff  }
0x359: {  	v10 =	vld.idx.msk [tilespmem:v12+s16+$0x0], $0xffff  }
0x35a: {  	v12 =	vld.idx.msk [tilespmem:v4+s16+$0x0], $0xffff  }
0x35b: {  	v13 =	vld.idx.msk [tilespmem:v13+s16+$0x0], $0xffff  }
0x35c: {  	s17 =	sadd.s32 $0x400, s17;
	v19 =	vld.idx.msk [tilespmem:v6+s16+$0x0], $0xffff  }
0x35d: {  	s20 =	sadd.s32 s22, s17;
	v9 =	vld.idx.msk [tilespmem:v9+s16+$0x0], $0xffff  }
0x35e: {  	s15 =	sadd.s32 s11, s17;
	[tilespmem:s20+$0x8060] =	vst.add.f32.msk $0xffff, v7  }
0x35f: {  	[tilespmem:s15+$0x80E0] =	vst.add.f32.msk $0xffff, v10  }
0x360: {  	v7 =	vld.idx.msk [tilespmem:v5+s16+$0x0], $0xffff  }
0x361: {  	v10 =	vld.idx.msk [tilespmem:v11+s16+$0x0], $0xffff  }
0x362: {  	v11 =	vld.idx.msk [tilespmem:v14+s16+$0x0], $0xffff  }
0x363: {  	v14 =	vld.idx.msk [tilespmem:v15+s16+$0x0], $0xffff  }
0x364: {  	v15 =	vld.idx.msk [tilespmem:v16+s16+$0x0], $0xffff  }
0x365: {  	v6 =	vld.idx.msk [tilespmem:v17+s16+$0x0], $0xffff  }
0x366: {  	v5 =	vld.idx.msk [tilespmem:v3+s16+$0x0], $0xffff  }
0x367: {  	v4 =	vld.idx.msk [tilespmem:v18+s16+$0x0], $0xffff  }
0x368: {  	v3 =	vld.idx.msk [tilespmem:v8+s16+$0x0], $0xffff  }
0x369: {  	[tilespmem:s20+$0x8000] =	vst.add.f32.msk $0xffff, v12  }
0x36a: {  	[tilespmem:s15+$0x8080] =	vst.add.f32.msk $0xffff, v13  }
0x36b: {  	[tilespmem:s20+$0x8010] =	vst.add.f32.msk $0xffff, v19  }
0x36c: {  	[tilespmem:s15+$0x8090] =	vst.add.f32.msk $0xffff, v9  }
.Ltmp16:
0x36d: {  	[tilespmem:s20+$0x8020] =	vst.add.f32.msk $0xffff, v7;
	(pc) =	sbr.rel @p0 .LBB2_36-.Ltmp16, $4  }
0x36e: {  	[tilespmem:s15+$0x80A0] =	vst.add.f32.msk $0xffff, v10  }
0x36f: {  	[tilespmem:s20+$0x8030] =	vst.add.f32.msk $0xffff, v11  }
0x370: {  	[tilespmem:s15+$0x80B0] =	vst.add.f32.msk $0xffff, v14  }
0x371: {  	s28 =	sadd.s32 $0x80, s28;
	[tilespmem:s20+$0x8040] =	vst.add.f32.msk $0xffff, v15  }
0x372: {  	p0 =	slt.u32 s23, $0xE  }
.Ltmp17:
0x373: {  	[tilespmem:s15+$0x80C0] =	vst.add.f32.msk $0xffff, v6;
	(pc) =	sbr.rel @p0 .LBB2_35-.Ltmp17, $4  }
0x374: {  	[tilespmem:s20+$0x8050] =	vst.add.f32.msk $0xffff, v5  }
0x375: {  	[tilespmem:s20+$0x8070] =	vst.add.f32.msk $0xffff, v2  }
0x376: {  	s0 =	sadd.s32 $0x2, s23;
	s19 =	sadd.s32 $0x1, s19;
	[tilespmem:s15+$0x80D0] =	vst.add.f32.msk $0xffff, v4  }
0x377: {  	s14 =	sadd.s32 $0x800, s14;
	s10 =	sadd.s32 $0x2, s10;
	[tilespmem:s15+$0x80F0] =	vst.add.f32.msk $0xffff, v3;
	s23 =	smov.u32 s0  }
0x378: {  	s0 =	sadd.s32 s2, s9  }
0x379: {  	s9 =	simm.s32 $0x0;
	s31 =	simm.s32 $0x8000;
	s22 =	simm.s32 $0x4  }
0x37a: {  	[hbm4b:s0+s9] =	stream.linear.scatter [tilespmem:s31], [sflag:$0xF], $0x4000, $0x38;
	[tilespmem:$0x1BC00] =	vst v63  }
0x37b: {  	_ =	swait.ge [sflag:s22], $0x4000  }
0x37c: {  	[sflag:s22] =	ssyncset.done $0x0  }
0x37d: {  	s23 =	simm.s32 $0xA;
	[sflag:s22] =	ssyncadd.s32 $0xFFFFC000  }
0x37e: {  	_ =	swait.ge [sflag:s23], $0x800  }
0x37f: {  	[sflag:s23] =	ssyncset.done $0x0  }
0x380: {  	[sflag:s23] =	ssyncadd.s32 $0xFFFFF800  }
0x381: {  	_ =	swait.ge [sflag:s18], $0x4000  }
0x382: {  	s28 =	sld [smem:$0x7F8];
	_ =	sdelay $0x2  }
0x383: {  	s30 =	simm.s32 $0x4000;
	s29 =	simm.s32 $0x18800;
	s0 =	sadd.s32 s8, s28  }
0x384: {  	s10 =	simm.s32 $0x0;
	[sflag:s18] =	ssyncset.done $0x0;
	s3 =	sshll.u32 s0, $0x7  }
0x385: {  	[sflag:s18] =	ssyncadd.s32 $0xFFFFC000;
	s0 =	sshll.u32 s0, $0x4;
	s3 =	sadd.s32 s1, s3  }
0x386: {  	[tilespmem:s30], [sflag:$0x2] =	stream.linear.gather [hbm4b:s3+s9], $0x4000, $0x38;
	[tilespmem:$0x1BC00] =	vst v63  }
0x387: {  	s14 =	simm.s32 $0x0;
	s8 =	simm.s32 $0x0;
	s0 =	sadd.s32 s5, s0  }
0x388: {  	[tilespmem:s29], [sflag:$0x8] =	stream.linear.gather [hbm4b:s0+s9], $0x800, $0x38;
	[tilespmem:$0x1BC00] =	vst v63  }
.LBB2_39:
0x389: {  	s0 =	sshll.u32 s9, $0x7  }
0x38a: {  	s3 =	sand.u32 $0x3FFFFF80, s0  }
0x38b: {  	v0 =	vld [tilespmem:s3+$0x19800];
	_ =	sdelay $0x1  }
0x38c: {  	s0 =	sor.u32 $0x80, s0  }
0x38d: {  	s0 =	sand.u32 $0x3FFFFF80, s0  }
0x38e: {  	v1 =	vld [tilespmem:s0+$0x19800];
	s0 =	simm.s32 $0x70  }
0x38f: {  	s17 =	simm.s32 $0x60;
	v2 =	vadd.s32 s0, v0  }
0x390: {  	s4 =	simm.s32 $0x0;
	v3 =	vadd.s32 s17, v0  }
0x391: {  	s19 =	simm.s32 $0x10;
	v5 =	vadd.s32 s4, v0  }
0x392: {  	s23 =	simm.s32 $0x30;
	v7 =	vadd.s32 s19, v0  }
0x393: {  	v11 =	vadd.s32 s23, v0  }
0x394: {  	v4 =	vadd.s32 s17, v1;
	v2 =	vld.idx.msk [tilespmem:v2+s16+$0x0], $0xffff  }
0x395: {  	v6 =	vadd.s32 s4, v1;
	v3 =	vld.idx.msk [tilespmem:v3+s16+$0x0], $0xffff  }
0x396: {  	v8 =	vadd.s32 s19, v1;
	v9 =	vld.idx.msk [tilespmem:v5+s16+$0x0], $0xffff  }
0x397: {  	v12 =	vadd.s32 s23, v1;
	v7 =	vld.idx.msk [tilespmem:v7+s16+$0x0], $0xffff  }
0x398: {  	s22 =	simm.s32 $0x20;
	v11 =	vld.idx.msk [tilespmem:v11+s16+$0x0], $0xffff  }
0x399: {  	s20 =	sand.u32 $0x3, s14;
	v5 =	vadd.s32 s22, v0;
	v4 =	vld.idx.msk [tilespmem:v4+s16+$0x0], $0xffff  }
0x39a: {  	s3 =	sshll.u32 s20, $0xA;
	v10 =	vld.idx.msk [tilespmem:v6+s16+$0x0], $0xffff  }
0x39b: {  	s17 =	sand.u32 $0x3FFFE000, s10;
	s19 =	sshrl.u32 s3, $0x2;
	v8 =	vld.idx.msk [tilespmem:v8+s16+$0x0], $0xffff  }
0x39c: {  	s20 =	sadd.s32 s19, s17;
	v12 =	vld.idx.msk [tilespmem:v12+s16+$0x0], $0xffff  }
0x39d: {  	[tilespmem:s20+$0xC060] =	vst.add.f32.msk $0xffff, v3  }
0x39e: {  	s11 =	sand.u32 $0x7, s8;
	v6 =	vadd.s32 s22, v1;
	v13 =	vld.idx.msk [tilespmem:v5+s16+$0x0], $0xffff  }
0x39f: {  	s11 =	sshll.u32 s11, $0x9;
	[tilespmem:s20+$0xC000] =	vst.add.f32.msk $0xffff, v9  }
0x3a0: {  	s11 =	sshrl.u32 s11, $0x2;
	[tilespmem:s20+$0xC010] =	vst.add.f32.msk $0xffff, v7  }
0x3a1: {  	s28 =	simm.s32 $0x40;
	s15 =	sadd.s32 s11, s17;
	[tilespmem:s20+$0xC030] =	vst.add.f32.msk $0xffff, v11  }
0x3a2: {  	s29 =	simm.s32 $0x50;
	v3 =	vadd.s32 s28, v0;
	[tilespmem:s15+$0xC0E0] =	vst.add.f32.msk $0xffff, v4  }
0x3a3: {  	v5 =	vadd.s32 s29, v0;
	v14 =	vld.idx.msk [tilespmem:v6+s16+$0x0], $0xffff  }
0x3a4: {  	v16 =	vadd.s32 s0, v1;
	[tilespmem:s15+$0xC080] =	vst.add.f32.msk $0xffff, v10  }
0x3a5: {  	v4 =	vadd.s32 s28, v1;
	[tilespmem:s15+$0xC090] =	vst.add.f32.msk $0xffff, v8  }
0x3a6: {  	[tilespmem:s15+$0xC0B0] =	vst.add.f32.msk $0xffff, v12  }
0x3a7: {  	v15 =	vadd.s32 s29, v1;
	v17 =	vld.idx.msk [tilespmem:v3+s16+$0x0], $0xffff  }
0x3a8: {  	v5 =	vld.idx.msk [tilespmem:v5+s16+$0x0], $0xffff  }
0x3a9: {  	v3 =	vld.idx.msk [tilespmem:v16+s16+$0x0], $0xffff  }
0x3aa: {  	v6 =	vld.idx.msk [tilespmem:v4+s16+$0x0], $0xffff  }
0x3ab: {  	[tilespmem:s20+$0xC020] =	vst.add.f32.msk $0xffff, v13  }
0x3ac: {  	v4 =	vld.idx.msk [tilespmem:v15+s16+$0x0], $0xffff  }
0x3ad: {  	[tilespmem:s15+$0xC0A0] =	vst.add.f32.msk $0xffff, v14  }
0x3ae: {  	s4 =	simm.s32 $0x0;
	s22 =	simm.s32 $0xF0;
	[tilespmem:s20+$0xC040] =	vst.add.f32.msk $0xffff, v17  }
.LBB2_40:
0x3af: {  	s0 =	sadd.s32 $0xFFFFFFA0, s22;
	s3 =	sadd.s32 $0xFFFFFFB0, s22;
	s23 =	sadd.s32 $0xFFFFFFF0, s22;
	v7 =	vadd.s32 s22, v0;
	v8 =	vadd.s32 s22, v1;
	[tilespmem:s15+$0xC0C0] =	vst.add.f32.msk $0xffff, v6  }
0x3b0: {  	s28 =	sadd.s32 $0xFFFFFFD0, s22;
	s4 =	sadd.s32 $0x8, s4;
	v6 =	vadd.s32 s0, v0;
	v9 =	vadd.s32 s0, v1;
	s0 =	sadd.s32 $0xFFFFFFC0, s22;
	v10 =	vadd.s32 s23, v0;
	[tilespmem:s20+$0xC050] =	vst.add.f32.msk $0xffff, v5  }
0x3b1: {  	s29 =	sadd.s32 $0xFFFFFF90, s22;
	v5 =	vadd.s32 s3, v0;
	v11 =	vadd.s32 s3, v1;
	s3 =	sadd.s32 $0xFFFFFFE0, s22;
	v12 =	vadd.s32 s23, v1;
	p0 =	slt.u32 s4, $0x38;
	[tilespmem:s15+$0xC0D0] =	vst.add.f32.msk $0xffff, v4  }
0x3b2: {  	v13 =	vadd.s32 s29, v1;
	v4 =	vadd.s32 s29, v0;
	v14 =	vadd.s32 s0, v0;
	[tilespmem:s20+$0xC070] =	vst.add.f32.msk $0xffff, v2  }
0x3b3: {  	v16 =	vadd.s32 s28, v0;
	v17 =	vadd.s32 s28, v1;
	v15 =	vadd.s32 s0, v1;
	[tilespmem:s15+$0xC0F0] =	vst.add.f32.msk $0xffff, v3  }
0x3b4: {  	v18 =	vadd.s32 s3, v1;
	v3 =	vadd.s32 s3, v0;
	v2 =	vld.idx.msk [tilespmem:v7+s16+$0x0], $0xffff  }
0x3b5: {  	v7 =	vld.idx.msk [tilespmem:v10+s16+$0x0], $0xffff  }
0x3b6: {  	v10 =	vld.idx.msk [tilespmem:v12+s16+$0x0], $0xffff  }
0x3b7: {  	v12 =	vld.idx.msk [tilespmem:v4+s16+$0x0], $0xffff  }
0x3b8: {  	v13 =	vld.idx.msk [tilespmem:v13+s16+$0x0], $0xffff  }
0x3b9: {  	s17 =	sadd.s32 $0x400, s17;
	v19 =	vld.idx.msk [tilespmem:v6+s16+$0x0], $0xffff  }
0x3ba: {  	s20 =	sadd.s32 s19, s17;
	v9 =	vld.idx.msk [tilespmem:v9+s16+$0x0], $0xffff  }
0x3bb: {  	s15 =	sadd.s32 s11, s17;
	[tilespmem:s20+$0xC060] =	vst.add.f32.msk $0xffff, v7  }
0x3bc: {  	[tilespmem:s15+$0xC0E0] =	vst.add.f32.msk $0xffff, v10  }
0x3bd: {  	v7 =	vld.idx.msk [tilespmem:v5+s16+$0x0], $0xffff  }
0x3be: {  	v10 =	vld.idx.msk [tilespmem:v11+s16+$0x0], $0xffff  }
0x3bf: {  	v11 =	vld.idx.msk [tilespmem:v14+s16+$0x0], $0xffff  }
0x3c0: {  	v14 =	vld.idx.msk [tilespmem:v15+s16+$0x0], $0xffff  }
0x3c1: {  	v15 =	vld.idx.msk [tilespmem:v16+s16+$0x0], $0xffff  }
0x3c2: {  	v6 =	vld.idx.msk [tilespmem:v17+s16+$0x0], $0xffff  }
0x3c3: {  	v5 =	vld.idx.msk [tilespmem:v3+s16+$0x0], $0xffff  }
0x3c4: {  	v4 =	vld.idx.msk [tilespmem:v18+s16+$0x0], $0xffff  }
0x3c5: {  	v3 =	vld.idx.msk [tilespmem:v8+s16+$0x0], $0xffff  }
0x3c6: {  	[tilespmem:s20+$0xC000] =	vst.add.f32.msk $0xffff, v12  }
0x3c7: {  	[tilespmem:s15+$0xC080] =	vst.add.f32.msk $0xffff, v13  }
0x3c8: {  	[tilespmem:s20+$0xC010] =	vst.add.f32.msk $0xffff, v19  }
0x3c9: {  	[tilespmem:s15+$0xC090] =	vst.add.f32.msk $0xffff, v9  }
.Ltmp18:
0x3ca: {  	[tilespmem:s20+$0xC020] =	vst.add.f32.msk $0xffff, v7;
	(pc) =	sbr.rel @p0 .LBB2_40-.Ltmp18, $4  }
0x3cb: {  	[tilespmem:s15+$0xC0A0] =	vst.add.f32.msk $0xffff, v10  }
0x3cc: {  	[tilespmem:s20+$0xC030] =	vst.add.f32.msk $0xffff, v11  }
0x3cd: {  	[tilespmem:s15+$0xC0B0] =	vst.add.f32.msk $0xffff, v14  }
0x3ce: {  	s22 =	sadd.s32 $0x80, s22;
	[tilespmem:s20+$0xC040] =	vst.add.f32.msk $0xffff, v15  }
0x3cf: {  	p0 =	slt.u32 s9, $0xE  }
.Ltmp19:
0x3d0: {  	[tilespmem:s15+$0xC0C0] =	vst.add.f32.msk $0xffff, v6;
	(pc) =	sbr.rel @p0 .LBB2_39-.Ltmp19, $4  }
0x3d1: {  	[tilespmem:s20+$0xC050] =	vst.add.f32.msk $0xffff, v5  }
0x3d2: {  	[tilespmem:s20+$0xC070] =	vst.add.f32.msk $0xffff, v2  }
0x3d3: {  	s0 =	sadd.s32 $0x2, s9;
	s14 =	sadd.s32 $0x1, s14;
	[tilespmem:s15+$0xC0D0] =	vst.add.f32.msk $0xffff, v4  }
0x3d4: {  	s10 =	sadd.s32 $0x800, s10;
	s8 =	sadd.s32 $0x2, s8;
	[tilespmem:s15+$0xC0F0] =	vst.add.f32.msk $0xffff, v3;
	s9 =	smov.u32 s0  }
0x3d5: {  	s7 =	sadd.s32 $0x1, s7  }
0x3d6: {  	p0 =	sne.s32 s7, $0x4  }
.Ltmp20:
0x3d7: {  	_ = 	snop;
	(pc) =	sbr.rel @p0 .LBB2_18-.Ltmp20, $3  }
0x3d8: {  	_ =	sdelay $0x1  }
0x3d9: {  	s0 =	sadd.s32 s2, s21;
	s23 =	simm.s32 $0x0;
	s3 =	simm.s32 $0xC000  }
0x3da: {  	[hbm4b:s0+s23] =	stream.linear.scatter [tilespmem:s3], [sflag:$0x10], $0x4000, $0x38;
	[tilespmem:$0x1BC00] =	vst v63  }
0x3db: {  	s0 =	simm.s32 $0x5  }
0x3dc: {  	_ =	swait.ge [sflag:s0], $0x4000  }
0x3dd: {  	[sflag:s0] =	ssyncset.done $0x0  }
0x3de: {  	s29 =	simm.s32 $0xB;
	[sflag:s0] =	ssyncadd.s32 $0xFFFFC000  }
0x3df: {  	_ =	swait.ge [sflag:s29], $0x800  }
0x3e0: {  	s9 =	simm.s32 $0x0;
	s6 =	simm.s32 $0x0;
	[sflag:s29] =	ssyncset.done $0x0  }
0x3e1: {  	s7 =	simm.s32 $0x0;
	s8 =	simm.s32 $0x0;
	[sflag:s29] =	ssyncadd.s32 $0xFFFFF800  }
.LBB2_44:
0x3e2: {  	s0 =	sshll.u32 s9, $0x7  }
0x3e3: {  	s3 =	sand.u32 $0x3FFFFF80, s0  }
0x3e4: {  	v0 =	vld [tilespmem:s3+$0x1A000];
	_ =	sdelay $0x1  }
0x3e5: {  	s0 =	sor.u32 $0x80, s0  }
0x3e6: {  	s0 =	sand.u32 $0x3FFFFF80, s0  }
0x3e7: {  	v1 =	vld [tilespmem:s0+$0x1A000];
	s0 =	simm.s32 $0x70  }
0x3e8: {  	s17 =	simm.s32 $0x60;
	v2 =	vadd.s32 s0, v0  }
0x3e9: {  	s4 =	simm.s32 $0x0;
	v3 =	vadd.s32 s17, v0  }
0x3ea: {  	s19 =	simm.s32 $0x10;
	v5 =	vadd.s32 s4, v0  }
0x3eb: {  	s22 =	simm.s32 $0x30;
	v7 =	vadd.s32 s19, v0  }
0x3ec: {  	v11 =	vadd.s32 s22, v0  }
0x3ed: {  	v4 =	vadd.s32 s17, v1;
	v2 =	vld.idx.msk [tilespmem:v2+s16+$0x0], $0xffff  }
0x3ee: {  	v6 =	vadd.s32 s4, v1;
	v3 =	vld.idx.msk [tilespmem:v3+s16+$0x0], $0xffff  }
0x3ef: {  	v8 =	vadd.s32 s19, v1;
	v9 =	vld.idx.msk [tilespmem:v5+s16+$0x0], $0xffff  }
0x3f0: {  	v12 =	vadd.s32 s22, v1;
	v7 =	vld.idx.msk [tilespmem:v7+s16+$0x0], $0xffff  }
0x3f1: {  	s21 =	simm.s32 $0x20;
	v11 =	vld.idx.msk [tilespmem:v11+s16+$0x0], $0xffff  }
0x3f2: {  	s20 =	sand.u32 $0x3, s8;
	v5 =	vadd.s32 s21, v0;
	v4 =	vld.idx.msk [tilespmem:v4+s16+$0x0], $0xffff  }
0x3f3: {  	s3 =	sshll.u32 s20, $0xA;
	v10 =	vld.idx.msk [tilespmem:v6+s16+$0x0], $0xffff  }
0x3f4: {  	s10 =	sand.u32 $0x3FFFE000, s7;
	s14 =	sshrl.u32 s3, $0x2;
	v8 =	vld.idx.msk [tilespmem:v8+s16+$0x0], $0xffff  }
0x3f5: {  	s17 =	sadd.s32 s14, s10;
	v12 =	vld.idx.msk [tilespmem:v12+s16+$0x0], $0xffff  }
0x3f6: {  	[tilespmem:s17+$0x10060] =	vst.add.f32.msk $0xffff, v3  }
0x3f7: {  	s11 =	sand.u32 $0x7, s6;
	v6 =	vadd.s32 s21, v1;
	v13 =	vld.idx.msk [tilespmem:v5+s16+$0x0], $0xffff  }
0x3f8: {  	s11 =	sshll.u32 s11, $0x9;
	[tilespmem:s17+$0x10000] =	vst.add.f32.msk $0xffff, v9  }
0x3f9: {  	s11 =	sshrl.u32 s11, $0x2;
	[tilespmem:s17+$0x10010] =	vst.add.f32.msk $0xffff, v7  }
0x3fa: {  	s28 =	simm.s32 $0x40;
	s15 =	sadd.s32 s11, s10;
	[tilespmem:s17+$0x10030] =	vst.add.f32.msk $0xffff, v11  }
0x3fb: {  	s29 =	simm.s32 $0x50;
	v3 =	vadd.s32 s28, v0;
	[tilespmem:s15+$0x100E0] =	vst.add.f32.msk $0xffff, v4  }
0x3fc: {  	v5 =	vadd.s32 s29, v0;
	v14 =	vld.idx.msk [tilespmem:v6+s16+$0x0], $0xffff  }
0x3fd: {  	v16 =	vadd.s32 s0, v1;
	[tilespmem:s15+$0x10080] =	vst.add.f32.msk $0xffff, v10  }
0x3fe: {  	v4 =	vadd.s32 s28, v1;
	[tilespmem:s15+$0x10090] =	vst.add.f32.msk $0xffff, v8  }
0x3ff: {  	[tilespmem:s15+$0x100B0] =	vst.add.f32.msk $0xffff, v12  }
0x400: {  	v15 =	vadd.s32 s29, v1;
	v17 =	vld.idx.msk [tilespmem:v3+s16+$0x0], $0xffff  }
0x401: {  	v5 =	vld.idx.msk [tilespmem:v5+s16+$0x0], $0xffff  }
0x402: {  	v3 =	vld.idx.msk [tilespmem:v16+s16+$0x0], $0xffff  }
0x403: {  	v6 =	vld.idx.msk [tilespmem:v4+s16+$0x0], $0xffff  }
0x404: {  	[tilespmem:s17+$0x10020] =	vst.add.f32.msk $0xffff, v13  }
0x405: {  	v4 =	vld.idx.msk [tilespmem:v15+s16+$0x0], $0xffff  }
0x406: {  	[tilespmem:s15+$0x100A0] =	vst.add.f32.msk $0xffff, v14  }
0x407: {  	s4 =	simm.s32 $0x0;
	s19 =	simm.s32 $0xF0;
	[tilespmem:s17+$0x10040] =	vst.add.f32.msk $0xffff, v17  }
.LBB2_45:
0x408: {  	s0 =	sadd.s32 $0xFFFFFFA0, s19;
	s3 =	sadd.s32 $0xFFFFFFB0, s19;
	s20 =	sadd.s32 $0xFFFFFFF0, s19;
	v7 =	vadd.s32 s19, v0;
	v8 =	vadd.s32 s19, v1;
	[tilespmem:s15+$0x100C0] =	vst.add.f32.msk $0xffff, v6  }
0x409: {  	s21 =	sadd.s32 $0xFFFFFFD0, s19;
	s4 =	sadd.s32 $0x8, s4;
	v6 =	vadd.s32 s0, v0;
	v9 =	vadd.s32 s0, v1;
	s0 =	sadd.s32 $0xFFFFFFC0, s19;
	v10 =	vadd.s32 s20, v0;
	[tilespmem:s17+$0x10050] =	vst.add.f32.msk $0xffff, v5  }
0x40a: {  	s22 =	sadd.s32 $0xFFFFFF90, s19;
	v5 =	vadd.s32 s3, v0;
	v11 =	vadd.s32 s3, v1;
	s3 =	sadd.s32 $0xFFFFFFE0, s19;
	v12 =	vadd.s32 s20, v1;
	p0 =	slt.u32 s4, $0x38;
	[tilespmem:s15+$0x100D0] =	vst.add.f32.msk $0xffff, v4  }
0x40b: {  	v13 =	vadd.s32 s22, v1;
	v4 =	vadd.s32 s22, v0;
	v14 =	vadd.s32 s0, v0;
	[tilespmem:s17+$0x10070] =	vst.add.f32.msk $0xffff, v2  }
0x40c: {  	v16 =	vadd.s32 s21, v0;
	v17 =	vadd.s32 s21, v1;
	v15 =	vadd.s32 s0, v1;
	[tilespmem:s15+$0x100F0] =	vst.add.f32.msk $0xffff, v3  }
0x40d: {  	v18 =	vadd.s32 s3, v1;
	v3 =	vadd.s32 s3, v0;
	v2 =	vld.idx.msk [tilespmem:v7+s16+$0x0], $0xffff  }
0x40e: {  	v7 =	vld.idx.msk [tilespmem:v10+s16+$0x0], $0xffff  }
0x40f: {  	v10 =	vld.idx.msk [tilespmem:v12+s16+$0x0], $0xffff  }
0x410: {  	v12 =	vld.idx.msk [tilespmem:v4+s16+$0x0], $0xffff  }
0x411: {  	v13 =	vld.idx.msk [tilespmem:v13+s16+$0x0], $0xffff  }
0x412: {  	s10 =	sadd.s32 $0x400, s10;
	v19 =	vld.idx.msk [tilespmem:v6+s16+$0x0], $0xffff  }
0x413: {  	s17 =	sadd.s32 s14, s10;
	v9 =	vld.idx.msk [tilespmem:v9+s16+$0x0], $0xffff  }
0x414: {  	s15 =	sadd.s32 s11, s10;
	[tilespmem:s17+$0x10060] =	vst.add.f32.msk $0xffff, v7  }
0x415: {  	[tilespmem:s15+$0x100E0] =	vst.add.f32.msk $0xffff, v10  }
0x416: {  	v7 =	vld.idx.msk [tilespmem:v5+s16+$0x0], $0xffff  }
0x417: {  	v10 =	vld.idx.msk [tilespmem:v11+s16+$0x0], $0xffff  }
0x418: {  	v11 =	vld.idx.msk [tilespmem:v14+s16+$0x0], $0xffff  }
0x419: {  	v14 =	vld.idx.msk [tilespmem:v15+s16+$0x0], $0xffff  }
0x41a: {  	v15 =	vld.idx.msk [tilespmem:v16+s16+$0x0], $0xffff  }
0x41b: {  	v6 =	vld.idx.msk [tilespmem:v17+s16+$0x0], $0xffff  }
0x41c: {  	v5 =	vld.idx.msk [tilespmem:v3+s16+$0x0], $0xffff  }
0x41d: {  	v4 =	vld.idx.msk [tilespmem:v18+s16+$0x0], $0xffff  }
0x41e: {  	v3 =	vld.idx.msk [tilespmem:v8+s16+$0x0], $0xffff  }
0x41f: {  	[tilespmem:s17+$0x10000] =	vst.add.f32.msk $0xffff, v12  }
0x420: {  	[tilespmem:s15+$0x10080] =	vst.add.f32.msk $0xffff, v13  }
0x421: {  	[tilespmem:s17+$0x10010] =	vst.add.f32.msk $0xffff, v19  }
0x422: {  	[tilespmem:s15+$0x10090] =	vst.add.f32.msk $0xffff, v9  }
.Ltmp21:
0x423: {  	[tilespmem:s17+$0x10020] =	vst.add.f32.msk $0xffff, v7;
	(pc) =	sbr.rel @p0 .LBB2_45-.Ltmp21, $4  }
0x424: {  	[tilespmem:s15+$0x100A0] =	vst.add.f32.msk $0xffff, v10  }
0x425: {  	[tilespmem:s17+$0x10030] =	vst.add.f32.msk $0xffff, v11  }
0x426: {  	[tilespmem:s15+$0x100B0] =	vst.add.f32.msk $0xffff, v14  }
0x427: {  	s19 =	sadd.s32 $0x80, s19;
	[tilespmem:s17+$0x10040] =	vst.add.f32.msk $0xffff, v15  }
0x428: {  	p0 =	slt.u32 s9, $0xE  }
.Ltmp22:
0x429: {  	[tilespmem:s15+$0x100C0] =	vst.add.f32.msk $0xffff, v6;
	(pc) =	sbr.rel @p0 .LBB2_44-.Ltmp22, $4  }
0x42a: {  	[tilespmem:s17+$0x10050] =	vst.add.f32.msk $0xffff, v5  }
0x42b: {  	[tilespmem:s17+$0x10070] =	vst.add.f32.msk $0xffff, v2  }
0x42c: {  	s0 =	sadd.s32 $0x2, s9;
	s8 =	sadd.s32 $0x1, s8;
	[tilespmem:s15+$0x100D0] =	vst.add.f32.msk $0xffff, v4  }
0x42d: {  	s7 =	sadd.s32 $0x800, s7;
	s6 =	sadd.s32 $0x2, s6;
	[tilespmem:s15+$0x100F0] =	vst.add.f32.msk $0xffff, v3;
	s9 =	smov.u32 s0  }
0x42e: {  	s0 =	sld [smem:$0x7FA];
	_ =	sdelay $0x1  }
0x42f: {  	s6 =	simm.s32 $0x0;
	s3 =	simm.s32 $0x10000;
	s28 =	simm.s32 $0x6  }
0x430: {  	[hbm4b:s0+s6] =	stream.linear.scatter [tilespmem:s3], [sflag:$0x11], $0x4000, $0x38;
	[tilespmem:$0x1BC00] =	vst v63  }
0x431: {  	_ =	swait.ge [sflag:s28], $0x4000  }
0x432: {  	[sflag:s28] =	ssyncset.done $0x0  }
0x433: {  	s29 =	simm.s32 $0xC;
	[sflag:s28] =	ssyncadd.s32 $0xFFFFC000  }
0x434: {  	_ =	swait.ge [sflag:s29], $0x800  }
0x435: {  	s7 =	simm.s32 $0x0;
	[sflag:s29] =	ssyncset.done $0x0  }
0x436: {  	s8 =	simm.s32 $0x0;
	s9 =	simm.s32 $0x0;
	[sflag:s29] =	ssyncadd.s32 $0xFFFFF800  }
.LBB2_48:
0x437: {  	s0 =	sshll.u32 s6, $0x7  }
0x438: {  	s3 =	sand.u32 $0x3FFFFF80, s0  }
0x439: {  	v0 =	vld [tilespmem:s3+$0x1A800];
	_ =	sdelay $0x1  }
0x43a: {  	s0 =	sor.u32 $0x80, s0  }
0x43b: {  	s0 =	sand.u32 $0x3FFFFF80, s0  }
0x43c: {  	v1 =	vld [tilespmem:s0+$0x1A800];
	s0 =	simm.s32 $0x70  }
0x43d: {  	s17 =	simm.s32 $0x60;
	v2 =	vadd.s32 s0, v0  }
0x43e: {  	s4 =	simm.s32 $0x0;
	v3 =	vadd.s32 s17, v0  }
0x43f: {  	s19 =	simm.s32 $0x10;
	v5 =	vadd.s32 s4, v0  }
0x440: {  	s22 =	simm.s32 $0x30;
	v7 =	vadd.s32 s19, v0  }
0x441: {  	v11 =	vadd.s32 s22, v0  }
0x442: {  	v4 =	vadd.s32 s17, v1;
	v2 =	vld.idx.msk [tilespmem:v2+s16+$0x0], $0xffff  }
0x443: {  	v6 =	vadd.s32 s4, v1;
	v3 =	vld.idx.msk [tilespmem:v3+s16+$0x0], $0xffff  }
0x444: {  	v8 =	vadd.s32 s19, v1;
	v9 =	vld.idx.msk [tilespmem:v5+s16+$0x0], $0xffff  }
0x445: {  	v12 =	vadd.s32 s22, v1;
	v7 =	vld.idx.msk [tilespmem:v7+s16+$0x0], $0xffff  }
0x446: {  	s21 =	simm.s32 $0x20;
	v11 =	vld.idx.msk [tilespmem:v11+s16+$0x0], $0xffff  }
0x447: {  	s20 =	sand.u32 $0x3, s9;
	v5 =	vadd.s32 s21, v0;
	v4 =	vld.idx.msk [tilespmem:v4+s16+$0x0], $0xffff  }
0x448: {  	s3 =	sshll.u32 s20, $0xA;
	v10 =	vld.idx.msk [tilespmem:v6+s16+$0x0], $0xffff  }
0x449: {  	s10 =	sand.u32 $0x3FFFE000, s8;
	s14 =	sshrl.u32 s3, $0x2;
	v8 =	vld.idx.msk [tilespmem:v8+s16+$0x0], $0xffff  }
0x44a: {  	s17 =	sadd.s32 s14, s10;
	v12 =	vld.idx.msk [tilespmem:v12+s16+$0x0], $0xffff  }
0x44b: {  	[tilespmem:s17+$0x14060] =	vst.add.f32.msk $0xffff, v3  }
0x44c: {  	s11 =	sand.u32 $0x7, s7;
	v6 =	vadd.s32 s21, v1;
	v13 =	vld.idx.msk [tilespmem:v5+s16+$0x0], $0xffff  }
0x44d: {  	s11 =	sshll.u32 s11, $0x9;
	[tilespmem:s17+$0x14000] =	vst.add.f32.msk $0xffff, v9  }
0x44e: {  	s11 =	sshrl.u32 s11, $0x2;
	[tilespmem:s17+$0x14010] =	vst.add.f32.msk $0xffff, v7  }
0x44f: {  	s28 =	simm.s32 $0x40;
	s15 =	sadd.s32 s11, s10;
	[tilespmem:s17+$0x14030] =	vst.add.f32.msk $0xffff, v11  }
0x450: {  	s29 =	simm.s32 $0x50;
	v3 =	vadd.s32 s28, v0;
	[tilespmem:s15+$0x140E0] =	vst.add.f32.msk $0xffff, v4  }
0x451: {  	v5 =	vadd.s32 s29, v0;
	v14 =	vld.idx.msk [tilespmem:v6+s16+$0x0], $0xffff  }
0x452: {  	v16 =	vadd.s32 s0, v1;
	[tilespmem:s15+$0x14080] =	vst.add.f32.msk $0xffff, v10  }
0x453: {  	v4 =	vadd.s32 s28, v1;
	[tilespmem:s15+$0x14090] =	vst.add.f32.msk $0xffff, v8  }
0x454: {  	[tilespmem:s15+$0x140B0] =	vst.add.f32.msk $0xffff, v12  }
0x455: {  	v15 =	vadd.s32 s29, v1;
	v17 =	vld.idx.msk [tilespmem:v3+s16+$0x0], $0xffff  }
0x456: {  	v5 =	vld.idx.msk [tilespmem:v5+s16+$0x0], $0xffff  }
0x457: {  	v3 =	vld.idx.msk [tilespmem:v16+s16+$0x0], $0xffff  }
0x458: {  	v6 =	vld.idx.msk [tilespmem:v4+s16+$0x0], $0xffff  }
0x459: {  	[tilespmem:s17+$0x14020] =	vst.add.f32.msk $0xffff, v13  }
0x45a: {  	v4 =	vld.idx.msk [tilespmem:v15+s16+$0x0], $0xffff  }
0x45b: {  	[tilespmem:s15+$0x140A0] =	vst.add.f32.msk $0xffff, v14  }
0x45c: {  	s4 =	simm.s32 $0x0;
	s19 =	simm.s32 $0xF0;
	[tilespmem:s17+$0x14040] =	vst.add.f32.msk $0xffff, v17  }
.LBB2_49:
0x45d: {  	s0 =	sadd.s32 $0xFFFFFFA0, s19;
	s3 =	sadd.s32 $0xFFFFFFB0, s19;
	s20 =	sadd.s32 $0xFFFFFFF0, s19;
	v7 =	vadd.s32 s19, v0;
	v8 =	vadd.s32 s19, v1;
	[tilespmem:s15+$0x140C0] =	vst.add.f32.msk $0xffff, v6  }
0x45e: {  	s21 =	sadd.s32 $0xFFFFFFD0, s19;
	s4 =	sadd.s32 $0x8, s4;
	v6 =	vadd.s32 s0, v0;
	v9 =	vadd.s32 s0, v1;
	s0 =	sadd.s32 $0xFFFFFFC0, s19;
	v10 =	vadd.s32 s20, v0;
	[tilespmem:s17+$0x14050] =	vst.add.f32.msk $0xffff, v5  }
0x45f: {  	s22 =	sadd.s32 $0xFFFFFF90, s19;
	v5 =	vadd.s32 s3, v0;
	v11 =	vadd.s32 s3, v1;
	s3 =	sadd.s32 $0xFFFFFFE0, s19;
	v12 =	vadd.s32 s20, v1;
	p0 =	slt.u32 s4, $0x38;
	[tilespmem:s15+$0x140D0] =	vst.add.f32.msk $0xffff, v4  }
0x460: {  	v13 =	vadd.s32 s22, v1;
	v4 =	vadd.s32 s22, v0;
	v14 =	vadd.s32 s0, v0;
	[tilespmem:s17+$0x14070] =	vst.add.f32.msk $0xffff, v2  }
0x461: {  	v16 =	vadd.s32 s21, v0;
	v17 =	vadd.s32 s21, v1;
	v15 =	vadd.s32 s0, v1;
	[tilespmem:s15+$0x140F0] =	vst.add.f32.msk $0xffff, v3  }
0x462: {  	v18 =	vadd.s32 s3, v1;
	v3 =	vadd.s32 s3, v0;
	v2 =	vld.idx.msk [tilespmem:v7+s16+$0x0], $0xffff  }
0x463: {  	v7 =	vld.idx.msk [tilespmem:v10+s16+$0x0], $0xffff  }
0x464: {  	v10 =	vld.idx.msk [tilespmem:v12+s16+$0x0], $0xffff  }
0x465: {  	v12 =	vld.idx.msk [tilespmem:v4+s16+$0x0], $0xffff  }
0x466: {  	v13 =	vld.idx.msk [tilespmem:v13+s16+$0x0], $0xffff  }
0x467: {  	s10 =	sadd.s32 $0x400, s10;
	v19 =	vld.idx.msk [tilespmem:v6+s16+$0x0], $0xffff  }
0x468: {  	s17 =	sadd.s32 s14, s10;
	v9 =	vld.idx.msk [tilespmem:v9+s16+$0x0], $0xffff  }
0x469: {  	s15 =	sadd.s32 s11, s10;
	[tilespmem:s17+$0x14060] =	vst.add.f32.msk $0xffff, v7  }
0x46a: {  	[tilespmem:s15+$0x140E0] =	vst.add.f32.msk $0xffff, v10  }
0x46b: {  	v7 =	vld.idx.msk [tilespmem:v5+s16+$0x0], $0xffff  }
0x46c: {  	v10 =	vld.idx.msk [tilespmem:v11+s16+$0x0], $0xffff  }
0x46d: {  	v11 =	vld.idx.msk [tilespmem:v14+s16+$0x0], $0xffff  }
0x46e: {  	v14 =	vld.idx.msk [tilespmem:v15+s16+$0x0], $0xffff  }
0x46f: {  	v15 =	vld.idx.msk [tilespmem:v16+s16+$0x0], $0xffff  }
0x470: {  	v6 =	vld.idx.msk [tilespmem:v17+s16+$0x0], $0xffff  }
0x471: {  	v5 =	vld.idx.msk [tilespmem:v3+s16+$0x0], $0xffff  }
0x472: {  	v4 =	vld.idx.msk [tilespmem:v18+s16+$0x0], $0xffff  }
0x473: {  	v3 =	vld.idx.msk [tilespmem:v8+s16+$0x0], $0xffff  }
0x474: {  	[tilespmem:s17+$0x14000] =	vst.add.f32.msk $0xffff, v12  }
0x475: {  	[tilespmem:s15+$0x14080] =	vst.add.f32.msk $0xffff, v13  }
0x476: {  	[tilespmem:s17+$0x14010] =	vst.add.f32.msk $0xffff, v19  }
0x477: {  	[tilespmem:s15+$0x14090] =	vst.add.f32.msk $0xffff, v9  }
.Ltmp23:
0x478: {  	[tilespmem:s17+$0x14020] =	vst.add.f32.msk $0xffff, v7;
	(pc) =	sbr.rel @p0 .LBB2_49-.Ltmp23, $4  }
0x479: {  	[tilespmem:s15+$0x140A0] =	vst.add.f32.msk $0xffff, v10  }
0x47a: {  	[tilespmem:s17+$0x14030] =	vst.add.f32.msk $0xffff, v11  }
0x47b: {  	[tilespmem:s15+$0x140B0] =	vst.add.f32.msk $0xffff, v14  }
0x47c: {  	s19 =	sadd.s32 $0x80, s19;
	[tilespmem:s17+$0x14040] =	vst.add.f32.msk $0xffff, v15  }
0x47d: {  	p0 =	slt.u32 s6, $0xE  }
.Ltmp24:
0x47e: {  	[tilespmem:s15+$0x140C0] =	vst.add.f32.msk $0xffff, v6;
	(pc) =	sbr.rel @p0 .LBB2_48-.Ltmp24, $4  }
0x47f: {  	[tilespmem:s17+$0x14050] =	vst.add.f32.msk $0xffff, v5  }
0x480: {  	[tilespmem:s17+$0x14070] =	vst.add.f32.msk $0xffff, v2  }
0x481: {  	s0 =	sadd.s32 $0x2, s6;
	s9 =	sadd.s32 $0x1, s9;
	[tilespmem:s15+$0x140D0] =	vst.add.f32.msk $0xffff, v4  }
0x482: {  	s8 =	sadd.s32 $0x800, s8;
	s7 =	sadd.s32 $0x2, s7;
	[tilespmem:s15+$0x140F0] =	vst.add.f32.msk $0xffff, v3;
	s6 =	smov.u32 s0  }
0x483: {  	s0 =	sld [smem:$0x7FB];
	_ =	sdelay $0x1  }
0x484: {  	s6 =	simm.s32 $0x0;
	s3 =	simm.s32 $0x14000;
	s29 =	simm.s32 $0x1  }
0x485: {  	[hbm4b:s0+s6] =	stream.linear.scatter [tilespmem:s3], [sflag:$0x12], $0x4000, $0x38;
	[tilespmem:$0x1BC00] =	vst v63  }
0x486: {  	_ =	swait.ge [sflag:s29], $0x4000  }
0x487: {  	[sflag:s29] =	ssyncset.done $0x0  }
0x488: {  	[sflag:s29] =	ssyncadd.s32 $0xFFFFC000  }
0x489: {  	_ =	swait.ge [sflag:s26], $0x800  }
0x48a: {  	s7 =	simm.s32 $0x0;
	[sflag:s26] =	ssyncset.done $0x0  }
0x48b: {  	s8 =	simm.s32 $0x0;
	s9 =	simm.s32 $0x0;
	[sflag:s26] =	ssyncadd.s32 $0xFFFFF800  }
.LBB2_52:
0x48c: {  	s0 =	sshll.u32 s6, $0x7  }
0x48d: {  	s3 =	sand.u32 $0x3FFFFF80, s0  }
0x48e: {  	v0 =	vld [tilespmem:s3+$0x18000];
	_ =	sdelay $0x1  }
0x48f: {  	s0 =	sor.u32 $0x80, s0  }
0x490: {  	s0 =	sand.u32 $0x3FFFFF80, s0  }
0x491: {  	v1 =	vld [tilespmem:s0+$0x18000];
	s0 =	simm.s32 $0x70  }
0x492: {  	s17 =	simm.s32 $0x60;
	v2 =	vadd.s32 s0, v0  }
0x493: {  	s4 =	simm.s32 $0x0;
	v3 =	vadd.s32 s17, v0  }
0x494: {  	s19 =	simm.s32 $0x10;
	v5 =	vadd.s32 s4, v0  }
0x495: {  	s22 =	simm.s32 $0x30;
	v7 =	vadd.s32 s19, v0  }
0x496: {  	v11 =	vadd.s32 s22, v0  }
0x497: {  	v4 =	vadd.s32 s17, v1;
	v2 =	vld.idx.msk [tilespmem:v2+s16+$0x0], $0xffff  }
0x498: {  	v6 =	vadd.s32 s4, v1;
	v3 =	vld.idx.msk [tilespmem:v3+s16+$0x0], $0xffff  }
0x499: {  	v8 =	vadd.s32 s19, v1;
	v9 =	vld.idx.msk [tilespmem:v5+s16+$0x0], $0xffff  }
0x49a: {  	v12 =	vadd.s32 s22, v1;
	v7 =	vld.idx.msk [tilespmem:v7+s16+$0x0], $0xffff  }
0x49b: {  	s21 =	simm.s32 $0x20;
	v11 =	vld.idx.msk [tilespmem:v11+s16+$0x0], $0xffff  }
0x49c: {  	s20 =	sand.u32 $0x3, s9;
	v5 =	vadd.s32 s21, v0;
	v4 =	vld.idx.msk [tilespmem:v4+s16+$0x0], $0xffff  }
0x49d: {  	s3 =	sshll.u32 s20, $0xA;
	v10 =	vld.idx.msk [tilespmem:v6+s16+$0x0], $0xffff  }
0x49e: {  	s10 =	sand.u32 $0x3FFFE000, s8;
	s14 =	sshrl.u32 s3, $0x2;
	v8 =	vld.idx.msk [tilespmem:v8+s16+$0x0], $0xffff  }
0x49f: {  	s17 =	sadd.s32 s14, s10;
	v12 =	vld.idx.msk [tilespmem:v12+s16+$0x0], $0xffff  }
0x4a0: {  	[tilespmem:s17+$0x60] =	vst.add.f32.msk $0xffff, v3  }
0x4a1: {  	s11 =	sand.u32 $0x7, s7;
	v6 =	vadd.s32 s21, v1;
	v13 =	vld.idx.msk [tilespmem:v5+s16+$0x0], $0xffff  }
0x4a2: {  	s11 =	sshll.u32 s11, $0x9;
	[tilespmem:s17+$0x0] =	vst.add.f32.msk $0xffff, v9  }
0x4a3: {  	s11 =	sshrl.u32 s11, $0x2;
	[tilespmem:s17+$0x10] =	vst.add.f32.msk $0xffff, v7  }
0x4a4: {  	s28 =	simm.s32 $0x40;
	s15 =	sadd.s32 s11, s10;
	[tilespmem:s17+$0x30] =	vst.add.f32.msk $0xffff, v11  }
0x4a5: {  	s29 =	simm.s32 $0x50;
	v3 =	vadd.s32 s28, v0;
	[tilespmem:s15+$0xE0] =	vst.add.f32.msk $0xffff, v4  }
0x4a6: {  	v5 =	vadd.s32 s29, v0;
	v14 =	vld.idx.msk [tilespmem:v6+s16+$0x0], $0xffff  }
0x4a7: {  	v16 =	vadd.s32 s0, v1;
	[tilespmem:s15+$0x80] =	vst.add.f32.msk $0xffff, v10  }
0x4a8: {  	v4 =	vadd.s32 s28, v1;
	[tilespmem:s15+$0x90] =	vst.add.f32.msk $0xffff, v8  }
0x4a9: {  	[tilespmem:s15+$0xB0] =	vst.add.f32.msk $0xffff, v12  }
0x4aa: {  	v15 =	vadd.s32 s29, v1;
	v17 =	vld.idx.msk [tilespmem:v3+s16+$0x0], $0xffff  }
0x4ab: {  	v5 =	vld.idx.msk [tilespmem:v5+s16+$0x0], $0xffff  }
0x4ac: {  	v3 =	vld.idx.msk [tilespmem:v16+s16+$0x0], $0xffff  }
0x4ad: {  	v6 =	vld.idx.msk [tilespmem:v4+s16+$0x0], $0xffff  }
0x4ae: {  	[tilespmem:s17+$0x20] =	vst.add.f32.msk $0xffff, v13  }
0x4af: {  	v4 =	vld.idx.msk [tilespmem:v15+s16+$0x0], $0xffff  }
0x4b0: {  	[tilespmem:s15+$0xA0] =	vst.add.f32.msk $0xffff, v14  }
0x4b1: {  	s4 =	simm.s32 $0x0;
	s19 =	simm.s32 $0xF0;
	[tilespmem:s17+$0x40] =	vst.add.f32.msk $0xffff, v17  }
.LBB2_53:
0x4b2: {  	s0 =	sadd.s32 $0xFFFFFFA0, s19;
	s3 =	sadd.s32 $0xFFFFFFB0, s19;
	s20 =	sadd.s32 $0xFFFFFFF0, s19;
	v7 =	vadd.s32 s19, v0;
	v8 =	vadd.s32 s19, v1;
	[tilespmem:s15+$0xC0] =	vst.add.f32.msk $0xffff, v6  }
0x4b3: {  	s21 =	sadd.s32 $0xFFFFFFD0, s19;
	s4 =	sadd.s32 $0x8, s4;
	v6 =	vadd.s32 s0, v0;
	v9 =	vadd.s32 s0, v1;
	s0 =	sadd.s32 $0xFFFFFFC0, s19;
	v10 =	vadd.s32 s20, v0;
	[tilespmem:s17+$0x50] =	vst.add.f32.msk $0xffff, v5  }
0x4b4: {  	s22 =	sadd.s32 $0xFFFFFF90, s19;
	v5 =	vadd.s32 s3, v0;
	v11 =	vadd.s32 s3, v1;
	s3 =	sadd.s32 $0xFFFFFFE0, s19;
	v12 =	vadd.s32 s20, v1;
	p0 =	slt.u32 s4, $0x38;
	[tilespmem:s15+$0xD0] =	vst.add.f32.msk $0xffff, v4  }
0x4b5: {  	v13 =	vadd.s32 s22, v1;
	v4 =	vadd.s32 s22, v0;
	v14 =	vadd.s32 s0, v0;
	[tilespmem:s17+$0x70] =	vst.add.f32.msk $0xffff, v2  }
0x4b6: {  	v16 =	vadd.s32 s21, v0;
	v17 =	vadd.s32 s21, v1;
	v15 =	vadd.s32 s0, v1;
	[tilespmem:s15+$0xF0] =	vst.add.f32.msk $0xffff, v3  }
0x4b7: {  	v18 =	vadd.s32 s3, v1;
	v3 =	vadd.s32 s3, v0;
	v2 =	vld.idx.msk [tilespmem:v7+s16+$0x0], $0xffff  }
0x4b8: {  	v7 =	vld.idx.msk [tilespmem:v10+s16+$0x0], $0xffff  }
0x4b9: {  	v10 =	vld.idx.msk [tilespmem:v12+s16+$0x0], $0xffff  }
0x4ba: {  	v12 =	vld.idx.msk [tilespmem:v4+s16+$0x0], $0xffff  }
0x4bb: {  	v13 =	vld.idx.msk [tilespmem:v13+s16+$0x0], $0xffff  }
0x4bc: {  	s10 =	sadd.s32 $0x400, s10;
	v19 =	vld.idx.msk [tilespmem:v6+s16+$0x0], $0xffff  }
0x4bd: {  	s17 =	sadd.s32 s14, s10;
	v9 =	vld.idx.msk [tilespmem:v9+s16+$0x0], $0xffff  }
0x4be: {  	s15 =	sadd.s32 s11, s10;
	[tilespmem:s17+$0x60] =	vst.add.f32.msk $0xffff, v7  }
0x4bf: {  	[tilespmem:s15+$0xE0] =	vst.add.f32.msk $0xffff, v10  }
0x4c0: {  	v7 =	vld.idx.msk [tilespmem:v5+s16+$0x0], $0xffff  }
0x4c1: {  	v10 =	vld.idx.msk [tilespmem:v11+s16+$0x0], $0xffff  }
0x4c2: {  	v11 =	vld.idx.msk [tilespmem:v14+s16+$0x0], $0xffff  }
0x4c3: {  	v14 =	vld.idx.msk [tilespmem:v15+s16+$0x0], $0xffff  }
0x4c4: {  	v15 =	vld.idx.msk [tilespmem:v16+s16+$0x0], $0xffff  }
0x4c5: {  	v6 =	vld.idx.msk [tilespmem:v17+s16+$0x0], $0xffff  }
0x4c6: {  	v5 =	vld.idx.msk [tilespmem:v3+s16+$0x0], $0xffff  }
0x4c7: {  	v4 =	vld.idx.msk [tilespmem:v18+s16+$0x0], $0xffff  }
0x4c8: {  	v3 =	vld.idx.msk [tilespmem:v8+s16+$0x0], $0xffff  }
0x4c9: {  	[tilespmem:s17+$0x0] =	vst.add.f32.msk $0xffff, v12  }
0x4ca: {  	[tilespmem:s15+$0x80] =	vst.add.f32.msk $0xffff, v13  }
0x4cb: {  	[tilespmem:s17+$0x10] =	vst.add.f32.msk $0xffff, v19  }
0x4cc: {  	[tilespmem:s15+$0x90] =	vst.add.f32.msk $0xffff, v9  }
.Ltmp25:
0x4cd: {  	[tilespmem:s17+$0x20] =	vst.add.f32.msk $0xffff, v7;
	(pc) =	sbr.rel @p0 .LBB2_53-.Ltmp25, $4  }
0x4ce: {  	[tilespmem:s15+$0xA0] =	vst.add.f32.msk $0xffff, v10  }
0x4cf: {  	[tilespmem:s17+$0x30] =	vst.add.f32.msk $0xffff, v11  }
0x4d0: {  	[tilespmem:s15+$0xB0] =	vst.add.f32.msk $0xffff, v14  }
0x4d1: {  	s19 =	sadd.s32 $0x80, s19;
	[tilespmem:s17+$0x40] =	vst.add.f32.msk $0xffff, v15  }
0x4d2: {  	p0 =	slt.u32 s6, $0xE  }
.Ltmp26:
0x4d3: {  	[tilespmem:s15+$0xC0] =	vst.add.f32.msk $0xffff, v6;
	(pc) =	sbr.rel @p0 .LBB2_52-.Ltmp26, $4  }
0x4d4: {  	[tilespmem:s17+$0x50] =	vst.add.f32.msk $0xffff, v5  }
0x4d5: {  	[tilespmem:s17+$0x70] =	vst.add.f32.msk $0xffff, v2  }
0x4d6: {  	s0 =	sadd.s32 $0x2, s6;
	s9 =	sadd.s32 $0x1, s9;
	[tilespmem:s15+$0xD0] =	vst.add.f32.msk $0xffff, v4  }
0x4d7: {  	s8 =	sadd.s32 $0x800, s8;
	s7 =	sadd.s32 $0x2, s7;
	[tilespmem:s15+$0xF0] =	vst.add.f32.msk $0xffff, v3;
	s6 =	smov.u32 s0  }
0x4d8: {  	s0 =	sld [smem:$0x7FC];
	_ =	sdelay $0x1  }
0x4d9: {  	s6 =	simm.s32 $0x0  }
0x4da: {  	[hbm4b:s0+s6] =	stream.linear.scatter [tilespmem:s6], [sflag:$0xD], $0x4000, $0x38;
	[tilespmem:$0x1BC00] =	vst v63  }
0x4db: {  	_ =	swait.ge [sflag:s12], $0x4000  }
0x4dc: {  	[sflag:s12] =	ssyncset.done $0x0  }
0x4dd: {  	[sflag:s12] =	ssyncadd.s32 $0xFFFFC000  }
0x4de: {  	_ =	swait.ge [sflag:s13], $0x800  }
0x4df: {  	s7 =	simm.s32 $0x0;
	[sflag:s13] =	ssyncset.done $0x0  }
0x4e0: {  	s8 =	simm.s32 $0x0;
	s9 =	simm.s32 $0x0;
	[sflag:s13] =	ssyncadd.s32 $0xFFFFF800  }
.LBB2_56:
0x4e1: {  	s0 =	sshll.u32 s6, $0x7  }
0x4e2: {  	s3 =	sand.u32 $0x3FFFFF80, s0  }
0x4e3: {  	v0 =	vld [tilespmem:s3+$0x18800];
	_ =	sdelay $0x1  }
0x4e4: {  	s0 =	sor.u32 $0x80, s0  }
0x4e5: {  	s0 =	sand.u32 $0x3FFFFF80, s0  }
0x4e6: {  	v1 =	vld [tilespmem:s0+$0x18800];
	s0 =	simm.s32 $0x70  }
0x4e7: {  	s17 =	simm.s32 $0x60;
	v2 =	vadd.s32 s0, v0  }
0x4e8: {  	s4 =	simm.s32 $0x0;
	v3 =	vadd.s32 s17, v0  }
0x4e9: {  	s19 =	simm.s32 $0x10;
	v5 =	vadd.s32 s4, v0  }
0x4ea: {  	s22 =	simm.s32 $0x30;
	v7 =	vadd.s32 s19, v0  }
0x4eb: {  	v11 =	vadd.s32 s22, v0  }
0x4ec: {  	v4 =	vadd.s32 s17, v1;
	v2 =	vld.idx.msk [tilespmem:v2+s16+$0x0], $0xffff  }
0x4ed: {  	v6 =	vadd.s32 s4, v1;
	v3 =	vld.idx.msk [tilespmem:v3+s16+$0x0], $0xffff  }
0x4ee: {  	v8 =	vadd.s32 s19, v1;
	v9 =	vld.idx.msk [tilespmem:v5+s16+$0x0], $0xffff  }
0x4ef: {  	v12 =	vadd.s32 s22, v1;
	v7 =	vld.idx.msk [tilespmem:v7+s16+$0x0], $0xffff  }
0x4f0: {  	s21 =	simm.s32 $0x20;
	v11 =	vld.idx.msk [tilespmem:v11+s16+$0x0], $0xffff  }
0x4f1: {  	s20 =	sand.u32 $0x3, s9;
	v5 =	vadd.s32 s21, v0;
	v4 =	vld.idx.msk [tilespmem:v4+s16+$0x0], $0xffff  }
0x4f2: {  	s3 =	sshll.u32 s20, $0xA;
	v10 =	vld.idx.msk [tilespmem:v6+s16+$0x0], $0xffff  }
0x4f3: {  	s10 =	sand.u32 $0x3FFFE000, s8;
	s14 =	sshrl.u32 s3, $0x2;
	v8 =	vld.idx.msk [tilespmem:v8+s16+$0x0], $0xffff  }
0x4f4: {  	s17 =	sadd.s32 s14, s10;
	v12 =	vld.idx.msk [tilespmem:v12+s16+$0x0], $0xffff  }
0x4f5: {  	[tilespmem:s17+$0x4060] =	vst.add.f32.msk $0xffff, v3  }
0x4f6: {  	s11 =	sand.u32 $0x7, s7;
	v6 =	vadd.s32 s21, v1;
	v13 =	vld.idx.msk [tilespmem:v5+s16+$0x0], $0xffff  }
0x4f7: {  	s11 =	sshll.u32 s11, $0x9;
	[tilespmem:s17+$0x4000] =	vst.add.f32.msk $0xffff, v9  }
0x4f8: {  	s11 =	sshrl.u32 s11, $0x2;
	[tilespmem:s17+$0x4010] =	vst.add.f32.msk $0xffff, v7  }
0x4f9: {  	s28 =	simm.s32 $0x40;
	s15 =	sadd.s32 s11, s10;
	[tilespmem:s17+$0x4030] =	vst.add.f32.msk $0xffff, v11  }
0x4fa: {  	s29 =	simm.s32 $0x50;
	v3 =	vadd.s32 s28, v0;
	[tilespmem:s15+$0x40E0] =	vst.add.f32.msk $0xffff, v4  }
0x4fb: {  	v5 =	vadd.s32 s29, v0;
	v14 =	vld.idx.msk [tilespmem:v6+s16+$0x0], $0xffff  }
0x4fc: {  	v16 =	vadd.s32 s0, v1;
	[tilespmem:s15+$0x4080] =	vst.add.f32.msk $0xffff, v10  }
0x4fd: {  	v4 =	vadd.s32 s28, v1;
	[tilespmem:s15+$0x4090] =	vst.add.f32.msk $0xffff, v8  }
0x4fe: {  	[tilespmem:s15+$0x40B0] =	vst.add.f32.msk $0xffff, v12  }
0x4ff: {  	v15 =	vadd.s32 s29, v1;
	v17 =	vld.idx.msk [tilespmem:v3+s16+$0x0], $0xffff  }
0x500: {  	v5 =	vld.idx.msk [tilespmem:v5+s16+$0x0], $0xffff  }
0x501: {  	v3 =	vld.idx.msk [tilespmem:v16+s16+$0x0], $0xffff  }
0x502: {  	v6 =	vld.idx.msk [tilespmem:v4+s16+$0x0], $0xffff  }
0x503: {  	[tilespmem:s17+$0x4020] =	vst.add.f32.msk $0xffff, v13  }
0x504: {  	v4 =	vld.idx.msk [tilespmem:v15+s16+$0x0], $0xffff  }
0x505: {  	[tilespmem:s15+$0x40A0] =	vst.add.f32.msk $0xffff, v14  }
0x506: {  	s4 =	simm.s32 $0x0;
	s19 =	simm.s32 $0xF0;
	[tilespmem:s17+$0x4040] =	vst.add.f32.msk $0xffff, v17  }
.LBB2_57:
0x507: {  	s0 =	sadd.s32 $0xFFFFFFA0, s19;
	s3 =	sadd.s32 $0xFFFFFFB0, s19;
	s20 =	sadd.s32 $0xFFFFFFF0, s19;
	v7 =	vadd.s32 s19, v0;
	v8 =	vadd.s32 s19, v1;
	[tilespmem:s15+$0x40C0] =	vst.add.f32.msk $0xffff, v6  }
0x508: {  	s21 =	sadd.s32 $0xFFFFFFD0, s19;
	s4 =	sadd.s32 $0x8, s4;
	v6 =	vadd.s32 s0, v0;
	v9 =	vadd.s32 s0, v1;
	s0 =	sadd.s32 $0xFFFFFFC0, s19;
	v10 =	vadd.s32 s20, v0;
	[tilespmem:s17+$0x4050] =	vst.add.f32.msk $0xffff, v5  }
0x509: {  	s22 =	sadd.s32 $0xFFFFFF90, s19;
	v5 =	vadd.s32 s3, v0;
	v11 =	vadd.s32 s3, v1;
	s3 =	sadd.s32 $0xFFFFFFE0, s19;
	v12 =	vadd.s32 s20, v1;
	p0 =	slt.u32 s4, $0x38;
	[tilespmem:s15+$0x40D0] =	vst.add.f32.msk $0xffff, v4  }
0x50a: {  	v13 =	vadd.s32 s22, v1;
	v4 =	vadd.s32 s22, v0;
	v14 =	vadd.s32 s0, v0;
	[tilespmem:s17+$0x4070] =	vst.add.f32.msk $0xffff, v2  }
0x50b: {  	v16 =	vadd.s32 s21, v0;
	v17 =	vadd.s32 s21, v1;
	v15 =	vadd.s32 s0, v1;
	[tilespmem:s15+$0x40F0] =	vst.add.f32.msk $0xffff, v3  }
0x50c: {  	v18 =	vadd.s32 s3, v1;
	v3 =	vadd.s32 s3, v0;
	v2 =	vld.idx.msk [tilespmem:v7+s16+$0x0], $0xffff  }
0x50d: {  	v7 =	vld.idx.msk [tilespmem:v10+s16+$0x0], $0xffff  }
0x50e: {  	v10 =	vld.idx.msk [tilespmem:v12+s16+$0x0], $0xffff  }
0x50f: {  	v12 =	vld.idx.msk [tilespmem:v4+s16+$0x0], $0xffff  }
0x510: {  	v13 =	vld.idx.msk [tilespmem:v13+s16+$0x0], $0xffff  }
0x511: {  	s10 =	sadd.s32 $0x400, s10;
	v19 =	vld.idx.msk [tilespmem:v6+s16+$0x0], $0xffff  }
0x512: {  	s17 =	sadd.s32 s14, s10;
	v9 =	vld.idx.msk [tilespmem:v9+s16+$0x0], $0xffff  }
0x513: {  	s15 =	sadd.s32 s11, s10;
	[tilespmem:s17+$0x4060] =	vst.add.f32.msk $0xffff, v7  }
0x514: {  	[tilespmem:s15+$0x40E0] =	vst.add.f32.msk $0xffff, v10  }
0x515: {  	v7 =	vld.idx.msk [tilespmem:v5+s16+$0x0], $0xffff  }
0x516: {  	v10 =	vld.idx.msk [tilespmem:v11+s16+$0x0], $0xffff  }
0x517: {  	v11 =	vld.idx.msk [tilespmem:v14+s16+$0x0], $0xffff  }
0x518: {  	v14 =	vld.idx.msk [tilespmem:v15+s16+$0x0], $0xffff  }
0x519: {  	v15 =	vld.idx.msk [tilespmem:v16+s16+$0x0], $0xffff  }
0x51a: {  	v6 =	vld.idx.msk [tilespmem:v17+s16+$0x0], $0xffff  }
0x51b: {  	v5 =	vld.idx.msk [tilespmem:v3+s16+$0x0], $0xffff  }
0x51c: {  	v4 =	vld.idx.msk [tilespmem:v18+s16+$0x0], $0xffff  }
0x51d: {  	v3 =	vld.idx.msk [tilespmem:v8+s16+$0x0], $0xffff  }
0x51e: {  	[tilespmem:s17+$0x4000] =	vst.add.f32.msk $0xffff, v12  }
0x51f: {  	[tilespmem:s15+$0x4080] =	vst.add.f32.msk $0xffff, v13  }
0x520: {  	[tilespmem:s17+$0x4010] =	vst.add.f32.msk $0xffff, v19  }
0x521: {  	[tilespmem:s15+$0x4090] =	vst.add.f32.msk $0xffff, v9  }
.Ltmp27:
0x522: {  	[tilespmem:s17+$0x4020] =	vst.add.f32.msk $0xffff, v7;
	(pc) =	sbr.rel @p0 .LBB2_57-.Ltmp27, $4  }
0x523: {  	[tilespmem:s15+$0x40A0] =	vst.add.f32.msk $0xffff, v10  }
0x524: {  	[tilespmem:s17+$0x4030] =	vst.add.f32.msk $0xffff, v11  }
0x525: {  	[tilespmem:s15+$0x40B0] =	vst.add.f32.msk $0xffff, v14  }
0x526: {  	s19 =	sadd.s32 $0x80, s19;
	[tilespmem:s17+$0x4040] =	vst.add.f32.msk $0xffff, v15  }
0x527: {  	p0 =	slt.u32 s6, $0xE  }
.Ltmp28:
0x528: {  	[tilespmem:s15+$0x40C0] =	vst.add.f32.msk $0xffff, v6;
	(pc) =	sbr.rel @p0 .LBB2_56-.Ltmp28, $4  }
0x529: {  	[tilespmem:s17+$0x4050] =	vst.add.f32.msk $0xffff, v5  }
0x52a: {  	[tilespmem:s17+$0x4070] =	vst.add.f32.msk $0xffff, v2  }
0x52b: {  	s0 =	sadd.s32 $0x2, s6;
	s9 =	sadd.s32 $0x1, s9;
	[tilespmem:s15+$0x40D0] =	vst.add.f32.msk $0xffff, v4  }
0x52c: {  	s8 =	sadd.s32 $0x800, s8;
	s7 =	sadd.s32 $0x2, s7;
	[tilespmem:s15+$0x40F0] =	vst.add.f32.msk $0xffff, v3;
	s6 =	smov.u32 s0  }
0x52d: {  	s0 =	sld [smem:$0x7FD];
	_ =	sdelay $0x1  }
0x52e: {  	s20 =	simm.s32 $0xF  }
0x52f: {  	[hbm4b:s0+s23] =	stream.linear.scatter [tilespmem:s30], [sflag:$0xE], $0x4000, $0x38;
	[tilespmem:$0x1BC00] =	vst v63  }
0x530: {  	_ =	swait.ge [sflag:s20], $0x4000  }
0x531: {  	[sflag:s20] =	ssyncset.done $0x0  }
0x532: {  	s21 =	simm.s32 $0x10;
	[sflag:s20] =	ssyncadd.s32 $0xFFFFC000  }
0x533: {  	_ =	swait.ge [sflag:s21], $0x4000  }
0x534: {  	[sflag:s21] =	ssyncset.done $0x0  }
0x535: {  	s22 =	simm.s32 $0x11;
	[sflag:s21] =	ssyncadd.s32 $0xFFFFC000  }
0x536: {  	_ =	swait.ge [sflag:s22], $0x4000  }
0x537: {  	[sflag:s22] =	ssyncset.done $0x0  }
0x538: {  	s28 =	simm.s32 $0x12;
	[sflag:s22] =	ssyncadd.s32 $0xFFFFC000  }
0x539: {  	_ =	swait.ge [sflag:s28], $0x4000  }
0x53a: {  	[sflag:s28] =	ssyncset.done $0x0  }
0x53b: {  	[sflag:s28] =	ssyncadd.s32 $0xFFFFC000  }
0x53c: {  	_ =	swait.ge [sflag:s24], $0x4000  }
0x53d: {  	[sflag:s24] =	ssyncset.done $0x0  }
0x53e: {  	[sflag:s24] =	ssyncadd.s32 $0xFFFFC000  }
0x53f: {  	_ =	swait.ge [sflag:s18], $0x4000  }
0x540: {  	s3 =	sld [smem:$0x7F5]  }
0x541: {  	s29 =	sld [smem:$0x7F9];
	_ =	sdelay $0x1  }
0x542: {  	s3 =	sadd.s32 $0x1, s3  }
0x543: {  	p0 =	sne.s32 s3, s29  }
.Ltmp29:
0x544: {  	_ = 	snop;
	(pc) =	sbr.rel @p0 .LBB2_1-.Ltmp29, $3  }
0x545: {  	_ =	sdelay $0x1  }
0x546: {  	[sflag:s18] =	ssyncset.done $0x0  }
0x547: {  	[sflag:s18] =	ssyncadd.s32 $0xFFFFC000  }
0x548: {  	_ =	sfence.sel $0x180000  }
0x549: {  	[bflag:$0x0] =	sbarrier.arrive $0xFFFF  }
0x54a: {  	_ =	strace $0x90000047  }
0x54b: {  	s0 =	stileid.u32;
	[bflag:$0x2] =	sbarrier.arrive $0xFFFF  }
0x54c: {  	p0 =	sne.s32 s0, $0x0;
	s0 =	rddreg [dreg:$0x3]  }
0x54d: {  	s0 =	sadd.s32 @!p0 $0x100000, s0  }
0x54e: {  	[sflag:s0] =	ssyncadd.tile.s32 @!p0 $0x1;
	_ =	shalt  }
.Lfunc_end2:
_tile_overlayer_lowered:
.L_overlay_start_2:
0x54f: {  	(tag) =	ssettag $0x2  }
0x550: {  	s0 =	rddreg [dreg:$0x0];
	s2 =	stileid.u32  }
0x551: {  	s1 =	rddreg [dreg:$0x1];
	p0 =	sne.s32 s2, $0x0  }
0x552: {  	s3 =	rddreg [dreg:$0x2];
	[bflag:$0x3] =	sbarrier.arrive $0xFFFF;
	s2 =	simm.s32 @!p0 $0x1C13  }
0x553: {  	[timem:s3], [sflag:s2] =	dma.local @!p0 [hbm:s0], s1  }
0x554: {  	s0 =	simm.s32 @!p0 $0x13  }
0x555: {  	_ =	swait.ge @!p0 [sflag:s0], s1  }
0x556: {  	s1 =	ssub.s32 @!p0 $0x0, s1;
	[sflag:s0] =	ssyncset.done @!p0 $0x0  }
0x557: {  	[sflag:s0] =	ssyncadd.s32 @!p0 s1  }
0x558: {  	[bflag:$0x3] =	sbarrier.arrive $0xFFFF  }
0x559: {  	_ =	shalt  }

</sc_bundles>
